<compile_context>
chip_gen: v7x
topology: tpu7x:2x2x1
jax: 0.10.2.dev20260603
libtpu: 0.0.44.dev20260713+nightly
codegen_flags: <defaults>
</compile_context>

<pallas_src>
import functools

import jax
import jax.numpy as jnp
from jax import lax
from jax.experimental import pallas as pl
from jax.experimental.pallas import tpu as pltpu
from jax.experimental.pallas import tpu_sc as plsc

B = 4096
L = 200
D = 128

_info = plsc.get_sparse_core_info()
_NC = _info.num_cores
_NS = _info.num_subcores
_NW = _NC * _NS
_BPW = B // _NW

_mesh = plsc.VectorSubcoreMesh(core_axis_name="c", subcore_axis_name="s")


@functools.partial(
    pl.kernel,
    mesh=_mesh,
    out_type=jax.ShapeDtypeStruct((B, D * L), jnp.float32),
    scratch_types=[
        pltpu.VMEM((L,), jnp.int32),
        pltpu.VMEM((L,), jnp.int32),
        pltpu.VMEM((L, D), jnp.float32),
        pltpu.VMEM((L, D), jnp.float32),
        pltpu.VMEM((D * L,), jnp.float32),
        pltpu.VMEM((D * L,), jnp.float32),
        pltpu.SemaphoreType.DMA,
        pltpu.SemaphoreType.DMA,
        pltpu.SemaphoreType.DMA,
        pltpu.SemaphoreType.DMA,
    ],
    compiler_params=pltpu.CompilerParams(needs_layout_passes=False),
)
def _sc_fused(x_hbm, table_hbm, fmap_hbm,
              idx0, idx1, emb0, emb1, out0, out1, gs0, gs1, os0, os1):
    wid = lax.axis_index("s") * _NC + lax.axis_index("c")
    base = wid * _BPW
    slots = ((idx0, emb0, out0, gs0, os0), (idx1, emb1, out1, gs1, os1))
    iota = lax.iota(jnp.int32, 16)
    rot = [(iota + r) % 16 for r in range(16)]
    wdiag = [rot[r] * L + iota for r in range(16)]

    def issue(j, s):
        idx_v, emb_v, _, gsem, _ = slots[s]
        pltpu.sync_copy(x_hbm.at[base + j], idx_v)
        pltpu.async_copy(table_hbm.at[idx_v], emb_v, gsem)

    def transpose(emb_v, out_v):
        def lstep(i, carry):
            l0 = jnp.minimum(i * 16, L - 16)
            rows = iota + l0
            for d0 in range(0, D, 16):
                wbase = d0 * L + l0
                for r in range(16):
                    vals = plsc.load_gather(emb_v, [rows, rot[r] + d0])
                    plsc.store_scatter(out_v, [wdiag[r] + wbase], vals)
            return carry
        lax.fori_loop(0, (L + 15) // 16, lstep, 0)

    issue(0, 0)
    issue(1, 1)

    def pair(i, carry):
        for s in (0, 1):
            j = 2 * i + s
            b = base + j
            idx_v, emb_v, out_v, gsem, osem = slots[s]
            pltpu.make_async_copy(table_hbm.at[idx_v], emb_v, gsem).wait()

            @pl.when(j >= 2)
            def _():
                pltpu.make_async_copy(out_v, fmap_hbm.at[b], osem).wait()

            transpose(emb_v, out_v)
            pltpu.async_copy(out_v, fmap_hbm.at[b], osem)

            @pl.when(j + 2 < _BPW)
            def _():
                issue(j + 2, s)
        return carry

    lax.fori_loop(0, _BPW // 2, pair, 0)

    for s in (0, 1):
        _, _, out_v, _, osem = slots[s]
        pltpu.make_async_copy(out_v, fmap_hbm.at[base], osem).wait()


def _len_body(x_ref, len_ref):
    xr = x_ref[...]
    len_ref[...] = jnp.sum((xr != 0).astype(jnp.int32), axis=2, keepdims=True)


_lengths = pl.pallas_call(
    _len_body,
    grid=(1,),
    in_specs=[pl.BlockSpec((B, 1, L), lambda i: (0, 0, 0))],
    out_specs=pl.BlockSpec((B, 1, 1), lambda i: (0, 0, 0)),
    out_shape=jax.ShapeDtypeStruct((B, 1, 1), jnp.int32),
)


def kernel(x, table):
    x = x.astype(jnp.int32)
    fmap = _sc_fused(x, table)
    lens = _lengths(x.reshape(B, 1, L))
    return fmap.reshape(B, D, L), lens.reshape(B)

# --- scband reference (transcript-rebuilt; emitter-appended) ---
"""Pipeline reference for scband-embedding-23639499997337 (READ-ONLY COPY).

The authoritative reference and input builder live on the scoring server;
editing this copy changes nothing except your own understanding.
"""

import jax, jax.numpy as jnp
import numpy as np

NUM_EMBEDDINGS = 100000
EMBEDDING_DIM = 128
PADDING_IDX = 0
BATCH = 4096
SEQ = 200


def setup_inputs(seed: int = 0) -> dict:
    key = jax.random.key(seed)
    k1, k2 = jax.random.split(key)
    x = jax.random.randint(k1, (BATCH, SEQ), 0, NUM_EMBEDDINGS, dtype=jnp.int64 if jax.config.jax_enable_x64 else jnp.int32)
    table = jax.random.normal(k2, (NUM_EMBEDDINGS, EMBEDDING_DIM), dtype=jnp.float32)
    # padding_idx row is zero-initialized in torch nn.Embedding
    table = table.at[PADDING_IDX].set(0.0)
    return {"x": x, "table": table}


def reference(x, table):
    # nn.Embedding lookup: (B, L) -> (B, L, D)
    emb = jnp.take(table, x, axis=0)
    # permuting=True: (B, L, D) -> (B, D, L)
    fmap = jnp.transpose(emb, (0, 2, 1))
    # tracking=True: count non-padding tokens per row
    fmap_length = jnp.sum(x != PADDING_IDX, axis=1)
    return (fmap, fmap_length)

if __name__ == "__main__":
    import jax
    _d = setup_inputs()
    print(jax.jit(kernel)(*tuple(_d.values())))

</pallas_src>

<mosaic_0001>
#map = affine_map<(d0, d1) -> (0, 0)>
module attributes {stable_mosaic.version = 14 : i64} {
  func.func @_sc_fused(%arg0: i32, %arg1: i32, %arg2: memref<4096x200xi32, #tpu.memory_space<hbm>>, %arg3: memref<100000x128xf32, #tpu.memory_space<hbm>>, %arg4: memref<4096x25600xf32, #tpu.memory_space<hbm>>, %arg5: memref<200xi32, #tpu.memory_space<vmem>>, %arg6: memref<200xi32, #tpu.memory_space<vmem>>, %arg7: memref<200x128xf32, #tpu.memory_space<vmem>>, %arg8: memref<200x128xf32, #tpu.memory_space<vmem>>, %arg9: memref<25600xf32, #tpu.memory_space<vmem>>, %arg10: memref<25600xf32, #tpu.memory_space<vmem>>, %arg11: memref<!tpu.dma_semaphore, #tpu.memory_space<semaphore_mem>>, %arg12: memref<!tpu.dma_semaphore, #tpu.memory_space<semaphore_mem>>, %arg13: memref<!tpu.dma_semaphore, #tpu.memory_space<semaphore_mem>>, %arg14: memref<!tpu.dma_semaphore, #tpu.memory_space<semaphore_mem>>) attributes {dimension_semantics = [#tpu.dimension_semantics<core_parallel>, #tpu.dimension_semantics<subcore_parallel>], iteration_bounds = array<i64: 2, 16>, scalar_prefetch = 0 : i64, scratch_operands = 10 : i64, tpu.core_type = #tpu.core_type<sc_vector_subcore>, window_params = [{transform_indices = #map}, {transform_indices = #map}, {transform_indices = #map}]} {
    %mul3A = arith.constant 2 : i32
    %mul3A_0 = arith.muli %arg1, %mul3A : i32
    %add3A = arith.addi %mul3A_0, %arg0 : i32
    %mul3A_1 = arith.constant 128 : i32
    %mul3A_2 = arith.muli %add3A, %mul3A_1 : i32
    %iota3A = tpu.iota {dimensions = array<i32: 0>} : vector<16xi32>
    %add3A_3 = arith.constant 0 : i32
    %add3A_4 = vector.broadcast %add3A_3 : i32 to vector<16xi32>
    %add3A_5 = arith.addi %iota3A, %add3A_4 : vector<16xi32>
    %jit3A = arith.constant 16 : i32
    %eq3A = arith.constant 0 : i32
    %eq3A_6 = arith.cmpi eq, %jit3A, %eq3A : i32
    %jit3A_7 = arith.constant 1 : i32
    %select_n3A = arith.select %eq3A_6, %jit3A_7, %jit3A : i32
    %rem3A = vector.broadcast %select_n3A : i32 to vector<16xi32>
    %rem3A_8 = arith.remsi %add3A_5, %rem3A : vector<16xi32>
    %ne3A = arith.constant 0 : i32
    %ne3A_9 = vector.broadcast %ne3A : i32 to vector<16xi32>
    %ne3A_10 = arith.cmpi ne, %rem3A_8, %ne3A_9 : vector<16xi32>
    %lt3A = arith.constant 0 : i32
    %lt3A_11 = vector.broadcast %lt3A : i32 to vector<16xi32>
    %lt3A_12 = arith.cmpi slt, %rem3A_8, %lt3A_11 : vector<16xi32>
    %lt3A_13 = arith.constant 0 : i32
    %lt3A_14 = arith.cmpi slt, %select_n3A, %lt3A_13 : i32
    %ne3A_15 = vector.broadcast %lt3A_14 : i1 to vector<16xi1>
    %ne3A_16 = vector.broadcast %ne3A_15 : vector<16xi1> to vector<16xi1>
    %ne3A_17 = arith.xori %lt3A_12, %ne3A_16 : vector<16xi1>
    %and3A = arith.andi %ne3A_17, %ne3A_10 : vector<16xi1>
    %add3A_18 = vector.broadcast %select_n3A : i32 to vector<16xi32>
    %add3A_19 = arith.addi %rem3A_8, %add3A_18 : vector<16xi32>
    %select_n3A_20 = arith.select %and3A, %add3A_19, %rem3A_8 : vector<16xi1>, vector<16xi32>
    %add3A_21 = arith.constant 1 : i32
    %add3A_22 = vector.broadcast %add3A_21 : i32 to vector<16xi32>
    %add3A_23 = arith.addi %iota3A, %add3A_22 : vector<16xi32>
    %jit3A_24 = arith.constant 16 : i32
    %eq3A_25 = arith.constant 0 : i32
    %eq3A_26 = arith.cmpi eq, %jit3A_24, %eq3A_25 : i32
    %jit3A_27 = arith.constant 1 : i32
    %select_n3A_28 = arith.select %eq3A_26, %jit3A_27, %jit3A_24 : i32
    %rem3A_29 = vector.broadcast %select_n3A_28 : i32 to vector<16xi32>
    %rem3A_30 = arith.remsi %add3A_23, %rem3A_29 : vector<16xi32>
    %ne3A_31 = arith.constant 0 : i32
    %ne3A_32 = vector.broadcast %ne3A_31 : i32 to vector<16xi32>
    %ne3A_33 = arith.cmpi ne, %rem3A_30, %ne3A_32 : vector<16xi32>
    %lt3A_34 = arith.constant 0 : i32
    %lt3A_35 = vector.broadcast %lt3A_34 : i32 to vector<16xi32>
    %lt3A_36 = arith.cmpi slt, %rem3A_30, %lt3A_35 : vector<16xi32>
    %lt3A_37 = arith.constant 0 : i32
    %lt3A_38 = arith.cmpi slt, %select_n3A_28, %lt3A_37 : i32
    %ne3A_39 = vector.broadcast %lt3A_38 : i1 to vector<16xi1>
    %ne3A_40 = vector.broadcast %ne3A_39 : vector<16xi1> to vector<16xi1>
    %ne3A_41 = arith.xori %lt3A_36, %ne3A_40 : vector<16xi1>
    %and3A_42 = arith.andi %ne3A_41, %ne3A_33 : vector<16xi1>
    %add3A_43 = vector.broadcast %select_n3A_28 : i32 to vector<16xi32>
    %add3A_44 = arith.addi %rem3A_30, %add3A_43 : vector<16xi32>
    %select_n3A_45 = arith.select %and3A_42, %add3A_44, %rem3A_30 : vector<16xi1>, vector<16xi32>
    %add3A_46 = arith.constant 2 : i32
    %add3A_47 = vector.broadcast %add3A_46 : i32 to vector<16xi32>
    %add3A_48 = arith.addi %iota3A, %add3A_47 : vector<16xi32>
    %jit3A_49 = arith.constant 16 : i32
    %eq3A_50 = arith.constant 0 : i32
    %eq3A_51 = arith.cmpi eq, %jit3A_49, %eq3A_50 : i32
    %jit3A_52 = arith.constant 1 : i32
    %select_n3A_53 = arith.select %eq3A_51, %jit3A_52, %jit3A_49 : i32
    %rem3A_54 = vector.broadcast %select_n3A_53 : i32 to vector<16xi32>
    %rem3A_55 = arith.remsi %add3A_48, %rem3A_54 : vector<16xi32>
    %ne3A_56 = arith.constant 0 : i32
    %ne3A_57 = vector.broadcast %ne3A_56 : i32 to vector<16xi32>
    %ne3A_58 = arith.cmpi ne, %rem3A_55, %ne3A_57 : vector<16xi32>
    %lt3A_59 = arith.constant 0 : i32
    %lt3A_60 = vector.broadcast %lt3A_59 : i32 to vector<16xi32>
    %lt3A_61 = arith.cmpi slt, %rem3A_55, %lt3A_60 : vector<16xi32>
    %lt3A_62 = arith.constant 0 : i32
    %lt3A_63 = arith.cmpi slt, %select_n3A_53, %lt3A_62 : i32
    %ne3A_64 = vector.broadcast %lt3A_63 : i1 to vector<16xi1>
    %ne3A_65 = vector.broadcast %ne3A_64 : vector<16xi1> to vector<16xi1>
    %ne3A_66 = arith.xori %lt3A_61, %ne3A_65 : vector<16xi1>
    %and3A_67 = arith.andi %ne3A_66, %ne3A_58 : vector<16xi1>
    %add3A_68 = vector.broadcast %select_n3A_53 : i32 to vector<16xi32>
    %add3A_69 = arith.addi %rem3A_55, %add3A_68 : vector<16xi32>
    %select_n3A_70 = arith.select %and3A_67, %add3A_69, %rem3A_55 : vector<16xi1>, vector<16xi32>
    %add3A_71 = arith.constant 3 : i32
    %add3A_72 = vector.broadcast %add3A_71 : i32 to vector<16xi32>
    %add3A_73 = arith.addi %iota3A, %add3A_72 : vector<16xi32>
    %jit3A_74 = arith.constant 16 : i32
    %eq3A_75 = arith.constant 0 : i32
    %eq3A_76 = arith.cmpi eq, %jit3A_74, %eq3A_75 : i32
    %jit3A_77 = arith.constant 1 : i32
    %select_n3A_78 = arith.select %eq3A_76, %jit3A_77, %jit3A_74 : i32
    %rem3A_79 = vector.broadcast %select_n3A_78 : i32 to vector<16xi32>
    %rem3A_80 = arith.remsi %add3A_73, %rem3A_79 : vector<16xi32>
    %ne3A_81 = arith.constant 0 : i32
    %ne3A_82 = vector.broadcast %ne3A_81 : i32 to vector<16xi32>
    %ne3A_83 = arith.cmpi ne, %rem3A_80, %ne3A_82 : vector<16xi32>
    %lt3A_84 = arith.constant 0 : i32
    %lt3A_85 = vector.broadcast %lt3A_84 : i32 to vector<16xi32>
    %lt3A_86 = arith.cmpi slt, %rem3A_80, %lt3A_85 : vector<16xi32>
    %lt3A_87 = arith.constant 0 : i32
    %lt3A_88 = arith.cmpi slt, %select_n3A_78, %lt3A_87 : i32
    %ne3A_89 = vector.broadcast %lt3A_88 : i1 to vector<16xi1>
    %ne3A_90 = vector.broadcast %ne3A_89 : vector<16xi1> to vector<16xi1>
    %ne3A_91 = arith.xori %lt3A_86, %ne3A_90 : vector<16xi1>
    %and3A_92 = arith.andi %ne3A_91, %ne3A_83 : vector<16xi1>
    %add3A_93 = vector.broadcast %select_n3A_78 : i32 to vector<16xi32>
    %add3A_94 = arith.addi %rem3A_80, %add3A_93 : vector<16xi32>
    %select_n3A_95 = arith.select %and3A_92, %add3A_94, %rem3A_80 : vector<16xi1>, vector<16xi32>
    %add3A_96 = arith.constant 4 : i32
    %add3A_97 = vector.broadcast %add3A_96 : i32 to vector<16xi32>
    %add3A_98 = arith.addi %iota3A, %add3A_97 : vector<16xi32>
    %jit3A_99 = arith.constant 16 : i32
    %eq3A_100 = arith.constant 0 : i32
    %eq3A_101 = arith.cmpi eq, %jit3A_99, %eq3A_100 : i32
    %jit3A_102 = arith.constant 1 : i32
    %select_n3A_103 = arith.select %eq3A_101, %jit3A_102, %jit3A_99 : i32
    %rem3A_104 = vector.broadcast %select_n3A_103 : i32 to vector<16xi32>
    %rem3A_105 = arith.remsi %add3A_98, %rem3A_104 : vector<16xi32>
    %ne3A_106 = arith.constant 0 : i32
    %ne3A_107 = vector.broadcast %ne3A_106 : i32 to vector<16xi32>
    %ne3A_108 = arith.cmpi ne, %rem3A_105, %ne3A_107 : vector<16xi32>
    %lt3A_109 = arith.constant 0 : i32
    %lt3A_110 = vector.broadcast %lt3A_109 : i32 to vector<16xi32>
    %lt3A_111 = arith.cmpi slt, %rem3A_105, %lt3A_110 : vector<16xi32>
    %lt3A_112 = arith.constant 0 : i32
    %lt3A_113 = arith.cmpi slt, %select_n3A_103, %lt3A_112 : i32
    %ne3A_114 = vector.broadcast %lt3A_113 : i1 to vector<16xi1>
    %ne3A_115 = vector.broadcast %ne3A_114 : vector<16xi1> to vector<16xi1>
    %ne3A_116 = arith.xori %lt3A_111, %ne3A_115 : vector<16xi1>
    %and3A_117 = arith.andi %ne3A_116, %ne3A_108 : vector<16xi1>
    %add3A_118 = vector.broadcast %select_n3A_103 : i32 to vector<16xi32>
    %add3A_119 = arith.addi %rem3A_105, %add3A_118 : vector<16xi32>
    %select_n3A_120 = arith.select %and3A_117, %add3A_119, %rem3A_105 : vector<16xi1>, vector<16xi32>
    %add3A_121 = arith.constant 5 : i32
    %add3A_122 = vector.broadcast %add3A_121 : i32 to vector<16xi32>
    %add3A_123 = arith.addi %iota3A, %add3A_122 : vector<16xi32>
    %jit3A_124 = arith.constant 16 : i32
    %eq3A_125 = arith.constant 0 : i32
    %eq3A_126 = arith.cmpi eq, %jit3A_124, %eq3A_125 : i32
    %jit3A_127 = arith.constant 1 : i32
    %select_n3A_128 = arith.select %eq3A_126, %jit3A_127, %jit3A_124 : i32
    %rem3A_129 = vector.broadcast %select_n3A_128 : i32 to vector<16xi32>
    %rem3A_130 = arith.remsi %add3A_123, %rem3A_129 : vector<16xi32>
    %ne3A_131 = arith.constant 0 : i32
    %ne3A_132 = vector.broadcast %ne3A_131 : i32 to vector<16xi32>
    %ne3A_133 = arith.cmpi ne, %rem3A_130, %ne3A_132 : vector<16xi32>
    %lt3A_134 = arith.constant 0 : i32
    %lt3A_135 = vector.broadcast %lt3A_134 : i32 to vector<16xi32>
    %lt3A_136 = arith.cmpi slt, %rem3A_130, %lt3A_135 : vector<16xi32>
    %lt3A_137 = arith.constant 0 : i32
    %lt3A_138 = arith.cmpi slt, %select_n3A_128, %lt3A_137 : i32
    %ne3A_139 = vector.broadcast %lt3A_138 : i1 to vector<16xi1>
    %ne3A_140 = vector.broadcast %ne3A_139 : vector<16xi1> to vector<16xi1>
    %ne3A_141 = arith.xori %lt3A_136, %ne3A_140 : vector<16xi1>
    %and3A_142 = arith.andi %ne3A_141, %ne3A_133 : vector<16xi1>
    %add3A_143 = vector.broadcast %select_n3A_128 : i32 to vector<16xi32>
    %add3A_144 = arith.addi %rem3A_130, %add3A_143 : vector<16xi32>
    %select_n3A_145 = arith.select %and3A_142, %add3A_144, %rem3A_130 : vector<16xi1>, vector<16xi32>
    %add3A_146 = arith.constant 6 : i32
    %add3A_147 = vector.broadcast %add3A_146 : i32 to vector<16xi32>
    %add3A_148 = arith.addi %iota3A, %add3A_147 : vector<16xi32>
    %jit3A_149 = arith.constant 16 : i32
    %eq3A_150 = arith.constant 0 : i32
    %eq3A_151 = arith.cmpi eq, %jit3A_149, %eq3A_150 : i32
    %jit3A_152 = arith.constant 1 : i32
    %select_n3A_153 = arith.select %eq3A_151, %jit3A_152, %jit3A_149 : i32
    %rem3A_154 = vector.broadcast %select_n3A_153 : i32 to vector<16xi32>
    %rem3A_155 = arith.remsi %add3A_148, %rem3A_154 : vector<16xi32>
    %ne3A_156 = arith.constant 0 : i32
    %ne3A_157 = vector.broadcast %ne3A_156 : i32 to vector<16xi32>
    %ne3A_158 = arith.cmpi ne, %rem3A_155, %ne3A_157 : vector<16xi32>
    %lt3A_159 = arith.constant 0 : i32
    %lt3A_160 = vector.broadcast %lt3A_159 : i32 to vector<16xi32>
    %lt3A_161 = arith.cmpi slt, %rem3A_155, %lt3A_160 : vector<16xi32>
    %lt3A_162 = arith.constant 0 : i32
    %lt3A_163 = arith.cmpi slt, %select_n3A_153, %lt3A_162 : i32
    %ne3A_164 = vector.broadcast %lt3A_163 : i1 to vector<16xi1>
    %ne3A_165 = vector.broadcast %ne3A_164 : vector<16xi1> to vector<16xi1>
    %ne3A_166 = arith.xori %lt3A_161, %ne3A_165 : vector<16xi1>
    %and3A_167 = arith.andi %ne3A_166, %ne3A_158 : vector<16xi1>
    %add3A_168 = vector.broadcast %select_n3A_153 : i32 to vector<16xi32>
    %add3A_169 = arith.addi %rem3A_155, %add3A_168 : vector<16xi32>
    %select_n3A_170 = arith.select %and3A_167, %add3A_169, %rem3A_155 : vector<16xi1>, vector<16xi32>
    %add3A_171 = arith.constant 7 : i32
    %add3A_172 = vector.broadcast %add3A_171 : i32 to vector<16xi32>
    %add3A_173 = arith.addi %iota3A, %add3A_172 : vector<16xi32>
    %jit3A_174 = arith.constant 16 : i32
    %eq3A_175 = arith.constant 0 : i32
    %eq3A_176 = arith.cmpi eq, %jit3A_174, %eq3A_175 : i32
    %jit3A_177 = arith.constant 1 : i32
    %select_n3A_178 = arith.select %eq3A_176, %jit3A_177, %jit3A_174 : i32
    %rem3A_179 = vector.broadcast %select_n3A_178 : i32 to vector<16xi32>
    %rem3A_180 = arith.remsi %add3A_173, %rem3A_179 : vector<16xi32>
    %ne3A_181 = arith.constant 0 : i32
    %ne3A_182 = vector.broadcast %ne3A_181 : i32 to vector<16xi32>
    %ne3A_183 = arith.cmpi ne, %rem3A_180, %ne3A_182 : vector<16xi32>
    %lt3A_184 = arith.constant 0 : i32
    %lt3A_185 = vector.broadcast %lt3A_184 : i32 to vector<16xi32>
    %lt3A_186 = arith.cmpi slt, %rem3A_180, %lt3A_185 : vector<16xi32>
    %lt3A_187 = arith.constant 0 : i32
    %lt3A_188 = arith.cmpi slt, %select_n3A_178, %lt3A_187 : i32
    %ne3A_189 = vector.broadcast %lt3A_188 : i1 to vector<16xi1>
    %ne3A_190 = vector.broadcast %ne3A_189 : vector<16xi1> to vector<16xi1>
    %ne3A_191 = arith.xori %lt3A_186, %ne3A_190 : vector<16xi1>
    %and3A_192 = arith.andi %ne3A_191, %ne3A_183 : vector<16xi1>
    %add3A_193 = vector.broadcast %select_n3A_178 : i32 to vector<16xi32>
    %add3A_194 = arith.addi %rem3A_180, %add3A_193 : vector<16xi32>
    %select_n3A_195 = arith.select %and3A_192, %add3A_194, %rem3A_180 : vector<16xi1>, vector<16xi32>
    %add3A_196 = arith.constant 8 : i32
    %add3A_197 = vector.broadcast %add3A_196 : i32 to vector<16xi32>
    %add3A_198 = arith.addi %iota3A, %add3A_197 : vector<16xi32>
    %jit3A_199 = arith.constant 16 : i32
    %eq3A_200 = arith.constant 0 : i32
    %eq3A_201 = arith.cmpi eq, %jit3A_199, %eq3A_200 : i32
    %jit3A_202 = arith.constant 1 : i32
    %select_n3A_203 = arith.select %eq3A_201, %jit3A_202, %jit3A_199 : i32
    %rem3A_204 = vector.broadcast %select_n3A_203 : i32 to vector<16xi32>
    %rem3A_205 = arith.remsi %add3A_198, %rem3A_204 : vector<16xi32>
    %ne3A_206 = arith.constant 0 : i32
    %ne3A_207 = vector.broadcast %ne3A_206 : i32 to vector<16xi32>
    %ne3A_208 = arith.cmpi ne, %rem3A_205, %ne3A_207 : vector<16xi32>
    %lt3A_209 = arith.constant 0 : i32
    %lt3A_210 = vector.broadcast %lt3A_209 : i32 to vector<16xi32>
    %lt3A_211 = arith.cmpi slt, %rem3A_205, %lt3A_210 : vector<16xi32>
    %lt3A_212 = arith.constant 0 : i32
    %lt3A_213 = arith.cmpi slt, %select_n3A_203, %lt3A_212 : i32
    %ne3A_214 = vector.broadcast %lt3A_213 : i1 to vector<16xi1>
    %ne3A_215 = vector.broadcast %ne3A_214 : vector<16xi1> to vector<16xi1>
    %ne3A_216 = arith.xori %lt3A_211, %ne3A_215 : vector<16xi1>
    %and3A_217 = arith.andi %ne3A_216, %ne3A_208 : vector<16xi1>
    %add3A_218 = vector.broadcast %select_n3A_203 : i32 to vector<16xi32>
    %add3A_219 = arith.addi %rem3A_205, %add3A_218 : vector<16xi32>
    %select_n3A_220 = arith.select %and3A_217, %add3A_219, %rem3A_205 : vector<16xi1>, vector<16xi32>
    %add3A_221 = arith.constant 9 : i32
    %add3A_222 = vector.broadcast %add3A_221 : i32 to vector<16xi32>
    %add3A_223 = arith.addi %iota3A, %add3A_222 : vector<16xi32>
    %jit3A_224 = arith.constant 16 : i32
    %eq3A_225 = arith.constant 0 : i32
    %eq3A_226 = arith.cmpi eq, %jit3A_224, %eq3A_225 : i32
    %jit3A_227 = arith.constant 1 : i32
    %select_n3A_228 = arith.select %eq3A_226, %jit3A_227, %jit3A_224 : i32
    %rem3A_229 = vector.broadcast %select_n3A_228 : i32 to vector<16xi32>
    %rem3A_230 = arith.remsi %add3A_223, %rem3A_229 : vector<16xi32>
    %ne3A_231 = arith.constant 0 : i32
    %ne3A_232 = vector.broadcast %ne3A_231 : i32 to vector<16xi32>
    %ne3A_233 = arith.cmpi ne, %rem3A_230, %ne3A_232 : vector<16xi32>
    %lt3A_234 = arith.constant 0 : i32
    %lt3A_235 = vector.broadcast %lt3A_234 : i32 to vector<16xi32>
    %lt3A_236 = arith.cmpi slt, %rem3A_230, %lt3A_235 : vector<16xi32>
    %lt3A_237 = arith.constant 0 : i32
    %lt3A_238 = arith.cmpi slt, %select_n3A_228, %lt3A_237 : i32
    %ne3A_239 = vector.broadcast %lt3A_238 : i1 to vector<16xi1>
    %ne3A_240 = vector.broadcast %ne3A_239 : vector<16xi1> to vector<16xi1>
    %ne3A_241 = arith.xori %lt3A_236, %ne3A_240 : vector<16xi1>
    %and3A_242 = arith.andi %ne3A_241, %ne3A_233 : vector<16xi1>
    %add3A_243 = vector.broadcast %select_n3A_228 : i32 to vector<16xi32>
    %add3A_244 = arith.addi %rem3A_230, %add3A_243 : vector<16xi32>
    %select_n3A_245 = arith.select %and3A_242, %add3A_244, %rem3A_230 : vector<16xi1>, vector<16xi32>
    %add3A_246 = arith.constant 10 : i32
    %add3A_247 = vector.broadcast %add3A_246 : i32 to vector<16xi32>
    %add3A_248 = arith.addi %iota3A, %add3A_247 : vector<16xi32>
    %jit3A_249 = arith.constant 16 : i32
    %eq3A_250 = arith.constant 0 : i32
    %eq3A_251 = arith.cmpi eq, %jit3A_249, %eq3A_250 : i32
    %jit3A_252 = arith.constant 1 : i32
    %select_n3A_253 = arith.select %eq3A_251, %jit3A_252, %jit3A_249 : i32
    %rem3A_254 = vector.broadcast %select_n3A_253 : i32 to vector<16xi32>
    %rem3A_255 = arith.remsi %add3A_248, %rem3A_254 : vector<16xi32>
    %ne3A_256 = arith.constant 0 : i32
    %ne3A_257 = vector.broadcast %ne3A_256 : i32 to vector<16xi32>
    %ne3A_258 = arith.cmpi ne, %rem3A_255, %ne3A_257 : vector<16xi32>
    %lt3A_259 = arith.constant 0 : i32
    %lt3A_260 = vector.broadcast %lt3A_259 : i32 to vector<16xi32>
    %lt3A_261 = arith.cmpi slt, %rem3A_255, %lt3A_260 : vector<16xi32>
    %lt3A_262 = arith.constant 0 : i32
    %lt3A_263 = arith.cmpi slt, %select_n3A_253, %lt3A_262 : i32
    %ne3A_264 = vector.broadcast %lt3A_263 : i1 to vector<16xi1>
    %ne3A_265 = vector.broadcast %ne3A_264 : vector<16xi1> to vector<16xi1>
    %ne3A_266 = arith.xori %lt3A_261, %ne3A_265 : vector<16xi1>
    %and3A_267 = arith.andi %ne3A_266, %ne3A_258 : vector<16xi1>
    %add3A_268 = vector.broadcast %select_n3A_253 : i32 to vector<16xi32>
    %add3A_269 = arith.addi %rem3A_255, %add3A_268 : vector<16xi32>
    %select_n3A_270 = arith.select %and3A_267, %add3A_269, %rem3A_255 : vector<16xi1>, vector<16xi32>
    %add3A_271 = arith.constant 11 : i32
    %add3A_272 = vector.broadcast %add3A_271 : i32 to vector<16xi32>
    %add3A_273 = arith.addi %iota3A, %add3A_272 : vector<16xi32>
    %jit3A_274 = arith.constant 16 : i32
    %eq3A_275 = arith.constant 0 : i32
    %eq3A_276 = arith.cmpi eq, %jit3A_274, %eq3A_275 : i32
    %jit3A_277 = arith.constant 1 : i32
    %select_n3A_278 = arith.select %eq3A_276, %jit3A_277, %jit3A_274 : i32
    %rem3A_279 = vector.broadcast %select_n3A_278 : i32 to vector<16xi32>
    %rem3A_280 = arith.remsi %add3A_273, %rem3A_279 : vector<16xi32>
    %ne3A_281 = arith.constant 0 : i32
    %ne3A_282 = vector.broadcast %ne3A_281 : i32 to vector<16xi32>
    %ne3A_283 = arith.cmpi ne, %rem3A_280, %ne3A_282 : vector<16xi32>
    %lt3A_284 = arith.constant 0 : i32
    %lt3A_285 = vector.broadcast %lt3A_284 : i32 to vector<16xi32>
    %lt3A_286 = arith.cmpi slt, %rem3A_280, %lt3A_285 : vector<16xi32>
    %lt3A_287 = arith.constant 0 : i32
    %lt3A_288 = arith.cmpi slt, %select_n3A_278, %lt3A_287 : i32
    %ne3A_289 = vector.broadcast %lt3A_288 : i1 to vector<16xi1>
    %ne3A_290 = vector.broadcast %ne3A_289 : vector<16xi1> to vector<16xi1>
    %ne3A_291 = arith.xori %lt3A_286, %ne3A_290 : vector<16xi1>
    %and3A_292 = arith.andi %ne3A_291, %ne3A_283 : vector<16xi1>
    %add3A_293 = vector.broadcast %select_n3A_278 : i32 to vector<16xi32>
    %add3A_294 = arith.addi %rem3A_280, %add3A_293 : vector<16xi32>
    %select_n3A_295 = arith.select %and3A_292, %add3A_294, %rem3A_280 : vector<16xi1>, vector<16xi32>
    %add3A_296 = arith.constant 12 : i32
    %add3A_297 = vector.broadcast %add3A_296 : i32 to vector<16xi32>
    %add3A_298 = arith.addi %iota3A, %add3A_297 : vector<16xi32>
    %jit3A_299 = arith.constant 16 : i32
    %eq3A_300 = arith.constant 0 : i32
    %eq3A_301 = arith.cmpi eq, %jit3A_299, %eq3A_300 : i32
    %jit3A_302 = arith.constant 1 : i32
    %select_n3A_303 = arith.select %eq3A_301, %jit3A_302, %jit3A_299 : i32
    %rem3A_304 = vector.broadcast %select_n3A_303 : i32 to vector<16xi32>
    %rem3A_305 = arith.remsi %add3A_298, %rem3A_304 : vector<16xi32>
    %ne3A_306 = arith.constant 0 : i32
    %ne3A_307 = vector.broadcast %ne3A_306 : i32 to vector<16xi32>
    %ne3A_308 = arith.cmpi ne, %rem3A_305, %ne3A_307 : vector<16xi32>
    %lt3A_309 = arith.constant 0 : i32
    %lt3A_310 = vector.broadcast %lt3A_309 : i32 to vector<16xi32>
    %lt3A_311 = arith.cmpi slt, %rem3A_305, %lt3A_310 : vector<16xi32>
    %lt3A_312 = arith.constant 0 : i32
    %lt3A_313 = arith.cmpi slt, %select_n3A_303, %lt3A_312 : i32
    %ne3A_314 = vector.broadcast %lt3A_313 : i1 to vector<16xi1>
    %ne3A_315 = vector.broadcast %ne3A_314 : vector<16xi1> to vector<16xi1>
    %ne3A_316 = arith.xori %lt3A_311, %ne3A_315 : vector<16xi1>
    %and3A_317 = arith.andi %ne3A_316, %ne3A_308 : vector<16xi1>
    %add3A_318 = vector.broadcast %select_n3A_303 : i32 to vector<16xi32>
    %add3A_319 = arith.addi %rem3A_305, %add3A_318 : vector<16xi32>
    %select_n3A_320 = arith.select %and3A_317, %add3A_319, %rem3A_305 : vector<16xi1>, vector<16xi32>
    %add3A_321 = arith.constant 13 : i32
    %add3A_322 = vector.broadcast %add3A_321 : i32 to vector<16xi32>
    %add3A_323 = arith.addi %iota3A, %add3A_322 : vector<16xi32>
    %jit3A_324 = arith.constant 16 : i32
    %eq3A_325 = arith.constant 0 : i32
    %eq3A_326 = arith.cmpi eq, %jit3A_324, %eq3A_325 : i32
    %jit3A_327 = arith.constant 1 : i32
    %select_n3A_328 = arith.select %eq3A_326, %jit3A_327, %jit3A_324 : i32
    %rem3A_329 = vector.broadcast %select_n3A_328 : i32 to vector<16xi32>
    %rem3A_330 = arith.remsi %add3A_323, %rem3A_329 : vector<16xi32>
    %ne3A_331 = arith.constant 0 : i32
    %ne3A_332 = vector.broadcast %ne3A_331 : i32 to vector<16xi32>
    %ne3A_333 = arith.cmpi ne, %rem3A_330, %ne3A_332 : vector<16xi32>
    %lt3A_334 = arith.constant 0 : i32
    %lt3A_335 = vector.broadcast %lt3A_334 : i32 to vector<16xi32>
    %lt3A_336 = arith.cmpi slt, %rem3A_330, %lt3A_335 : vector<16xi32>
    %lt3A_337 = arith.constant 0 : i32
    %lt3A_338 = arith.cmpi slt, %select_n3A_328, %lt3A_337 : i32
    %ne3A_339 = vector.broadcast %lt3A_338 : i1 to vector<16xi1>
    %ne3A_340 = vector.broadcast %ne3A_339 : vector<16xi1> to vector<16xi1>
    %ne3A_341 = arith.xori %lt3A_336, %ne3A_340 : vector<16xi1>
    %and3A_342 = arith.andi %ne3A_341, %ne3A_333 : vector<16xi1>
    %add3A_343 = vector.broadcast %select_n3A_328 : i32 to vector<16xi32>
    %add3A_344 = arith.addi %rem3A_330, %add3A_343 : vector<16xi32>
    %select_n3A_345 = arith.select %and3A_342, %add3A_344, %rem3A_330 : vector<16xi1>, vector<16xi32>
    %add3A_346 = arith.constant 14 : i32
    %add3A_347 = vector.broadcast %add3A_346 : i32 to vector<16xi32>
    %add3A_348 = arith.addi %iota3A, %add3A_347 : vector<16xi32>
    %jit3A_349 = arith.constant 16 : i32
    %eq3A_350 = arith.constant 0 : i32
    %eq3A_351 = arith.cmpi eq, %jit3A_349, %eq3A_350 : i32
    %jit3A_352 = arith.constant 1 : i32
    %select_n3A_353 = arith.select %eq3A_351, %jit3A_352, %jit3A_349 : i32
    %rem3A_354 = vector.broadcast %select_n3A_353 : i32 to vector<16xi32>
    %rem3A_355 = arith.remsi %add3A_348, %rem3A_354 : vector<16xi32>
    %ne3A_356 = arith.constant 0 : i32
    %ne3A_357 = vector.broadcast %ne3A_356 : i32 to vector<16xi32>
    %ne3A_358 = arith.cmpi ne, %rem3A_355, %ne3A_357 : vector<16xi32>
    %lt3A_359 = arith.constant 0 : i32
    %lt3A_360 = vector.broadcast %lt3A_359 : i32 to vector<16xi32>
    %lt3A_361 = arith.cmpi slt, %rem3A_355, %lt3A_360 : vector<16xi32>
    %lt3A_362 = arith.constant 0 : i32
    %lt3A_363 = arith.cmpi slt, %select_n3A_353, %lt3A_362 : i32
    %ne3A_364 = vector.broadcast %lt3A_363 : i1 to vector<16xi1>
    %ne3A_365 = vector.broadcast %ne3A_364 : vector<16xi1> to vector<16xi1>
    %ne3A_366 = arith.xori %lt3A_361, %ne3A_365 : vector<16xi1>
    %and3A_367 = arith.andi %ne3A_366, %ne3A_358 : vector<16xi1>
    %add3A_368 = vector.broadcast %select_n3A_353 : i32 to vector<16xi32>
    %add3A_369 = arith.addi %rem3A_355, %add3A_368 : vector<16xi32>
    %select_n3A_370 = arith.select %and3A_367, %add3A_369, %rem3A_355 : vector<16xi1>, vector<16xi32>
    %add3A_371 = arith.constant 15 : i32
    %add3A_372 = vector.broadcast %add3A_371 : i32 to vector<16xi32>
    %add3A_373 = arith.addi %iota3A, %add3A_372 : vector<16xi32>
    %jit3A_374 = arith.constant 16 : i32
    %eq3A_375 = arith.constant 0 : i32
    %eq3A_376 = arith.cmpi eq, %jit3A_374, %eq3A_375 : i32
    %jit3A_377 = arith.constant 1 : i32
    %select_n3A_378 = arith.select %eq3A_376, %jit3A_377, %jit3A_374 : i32
    %rem3A_379 = vector.broadcast %select_n3A_378 : i32 to vector<16xi32>
    %rem3A_380 = arith.remsi %add3A_373, %rem3A_379 : vector<16xi32>
    %ne3A_381 = arith.constant 0 : i32
    %ne3A_382 = vector.broadcast %ne3A_381 : i32 to vector<16xi32>
    %ne3A_383 = arith.cmpi ne, %rem3A_380, %ne3A_382 : vector<16xi32>
    %lt3A_384 = arith.constant 0 : i32
    %lt3A_385 = vector.broadcast %lt3A_384 : i32 to vector<16xi32>
    %lt3A_386 = arith.cmpi slt, %rem3A_380, %lt3A_385 : vector<16xi32>
    %lt3A_387 = arith.constant 0 : i32
    %lt3A_388 = arith.cmpi slt, %select_n3A_378, %lt3A_387 : i32
    %ne3A_389 = vector.broadcast %lt3A_388 : i1 to vector<16xi1>
    %ne3A_390 = vector.broadcast %ne3A_389 : vector<16xi1> to vector<16xi1>
    %ne3A_391 = arith.xori %lt3A_386, %ne3A_390 : vector<16xi1>
    %and3A_392 = arith.andi %ne3A_391, %ne3A_383 : vector<16xi1>
    %add3A_393 = vector.broadcast %select_n3A_378 : i32 to vector<16xi32>
    %add3A_394 = arith.addi %rem3A_380, %add3A_393 : vector<16xi32>
    %select_n3A_395 = arith.select %and3A_392, %add3A_394, %rem3A_380 : vector<16xi1>, vector<16xi32>
    %mul3A_396 = arith.constant 200 : i32
    %mul3A_397 = vector.broadcast %mul3A_396 : i32 to vector<16xi32>
    %mul3A_398 = arith.muli %select_n3A_20, %mul3A_397 : vector<16xi32>
    %add3A_399 = arith.addi %mul3A_398, %iota3A : vector<16xi32>
    %mul3A_400 = arith.constant 200 : i32
    %mul3A_401 = vector.broadcast %mul3A_400 : i32 to vector<16xi32>
    %mul3A_402 = arith.muli %select_n3A_45, %mul3A_401 : vector<16xi32>
    %add3A_403 = arith.addi %mul3A_402, %iota3A : vector<16xi32>
    %mul3A_404 = arith.constant 200 : i32
    %mul3A_405 = vector.broadcast %mul3A_404 : i32 to vector<16xi32>
    %mul3A_406 = arith.muli %select_n3A_70, %mul3A_405 : vector<16xi32>
    %add3A_407 = arith.addi %mul3A_406, %iota3A : vector<16xi32>
    %mul3A_408 = arith.constant 200 : i32
    %mul3A_409 = vector.broadcast %mul3A_408 : i32 to vector<16xi32>
    %mul3A_410 = arith.muli %select_n3A_95, %mul3A_409 : vector<16xi32>
    %add3A_411 = arith.addi %mul3A_410, %iota3A : vector<16xi32>
    %mul3A_412 = arith.constant 200 : i32
    %mul3A_413 = vector.broadcast %mul3A_412 : i32 to vector<16xi32>
    %mul3A_414 = arith.muli %select_n3A_120, %mul3A_413 : vector<16xi32>
    %add3A_415 = arith.addi %mul3A_414, %iota3A : vector<16xi32>
    %mul3A_416 = arith.constant 200 : i32
    %mul3A_417 = vector.broadcast %mul3A_416 : i32 to vector<16xi32>
    %mul3A_418 = arith.muli %select_n3A_145, %mul3A_417 : vector<16xi32>
    %add3A_419 = arith.addi %mul3A_418, %iota3A : vector<16xi32>
    %mul3A_420 = arith.constant 200 : i32
    %mul3A_421 = vector.broadcast %mul3A_420 : i32 to vector<16xi32>
    %mul3A_422 = arith.muli %select_n3A_170, %mul3A_421 : vector<16xi32>
    %add3A_423 = arith.addi %mul3A_422, %iota3A : vector<16xi32>
    %mul3A_424 = arith.constant 200 : i32
    %mul3A_425 = vector.broadcast %mul3A_424 : i32 to vector<16xi32>
    %mul3A_426 = arith.muli %select_n3A_195, %mul3A_425 : vector<16xi32>
    %add3A_427 = arith.addi %mul3A_426, %iota3A : vector<16xi32>
    %mul3A_428 = arith.constant 200 : i32
    %mul3A_429 = vector.broadcast %mul3A_428 : i32 to vector<16xi32>
    %mul3A_430 = arith.muli %select_n3A_220, %mul3A_429 : vector<16xi32>
    %add3A_431 = arith.addi %mul3A_430, %iota3A : vector<16xi32>
    %mul3A_432 = arith.constant 200 : i32
    %mul3A_433 = vector.broadcast %mul3A_432 : i32 to vector<16xi32>
    %mul3A_434 = arith.muli %select_n3A_245, %mul3A_433 : vector<16xi32>
    %add3A_435 = arith.addi %mul3A_434, %iota3A : vector<16xi32>
    %mul3A_436 = arith.constant 200 : i32
    %mul3A_437 = vector.broadcast %mul3A_436 : i32 to vector<16xi32>
    %mul3A_438 = arith.muli %select_n3A_270, %mul3A_437 : vector<16xi32>
    %add3A_439 = arith.addi %mul3A_438, %iota3A : vector<16xi32>
    %mul3A_440 = arith.constant 200 : i32
    %mul3A_441 = vector.broadcast %mul3A_440 : i32 to vector<16xi32>
    %mul3A_442 = arith.muli %select_n3A_295, %mul3A_441 : vector<16xi32>
    %add3A_443 = arith.addi %mul3A_442, %iota3A : vector<16xi32>
    %mul3A_444 = arith.constant 200 : i32
    %mul3A_445 = vector.broadcast %mul3A_444 : i32 to vector<16xi32>
    %mul3A_446 = arith.muli %select_n3A_320, %mul3A_445 : vector<16xi32>
    %add3A_447 = arith.addi %mul3A_446, %iota3A : vector<16xi32>
    %mul3A_448 = arith.constant 200 : i32
    %mul3A_449 = vector.broadcast %mul3A_448 : i32 to vector<16xi32>
    %mul3A_450 = arith.muli %select_n3A_345, %mul3A_449 : vector<16xi32>
    %add3A_451 = arith.addi %mul3A_450, %iota3A : vector<16xi32>
    %mul3A_452 = arith.constant 200 : i32
    %mul3A_453 = vector.broadcast %mul3A_452 : i32 to vector<16xi32>
    %mul3A_454 = arith.muli %select_n3A_370, %mul3A_453 : vector<16xi32>
    %add3A_455 = arith.addi %mul3A_454, %iota3A : vector<16xi32>
    %mul3A_456 = arith.constant 200 : i32
    %mul3A_457 = vector.broadcast %mul3A_456 : i32 to vector<16xi32>
    %mul3A_458 = arith.muli %select_n3A_395, %mul3A_457 : vector<16xi32>
    %add3A_459 = arith.addi %mul3A_458, %iota3A : vector<16xi32>
    %add3A_460 = arith.constant 0 : i32
    %add3A_461 = arith.addi %mul3A_2, %add3A_460 : i32
    "tpu.region"() ({
      %run_scoped3A = tpu.sem_alloc : memref<!tpu.dma_semaphore, #tpu.memory_space<semaphore_mem>>
      %dma_start3A_485 = arith.constant 0 : i32
      %dma_start3A_486 = tpu.memref_slice %arg2[%add3A_461, %dma_start3A_485] : memref<4096x200xi32, #tpu.memory_space<hbm>> -> memref<1x200xi32, #tpu.memory_space<hbm>>
      %dma_start3A_487 = tpu.memref_squeeze %dma_start3A_486 : memref<1x200xi32, #tpu.memory_space<hbm>> -> memref<200xi32, #tpu.memory_space<hbm>>
      %dma_start3A_488 = arith.constant 0 : i32
      %dma_start3A_489 = tpu.memref_slice %arg2[%add3A_461, %dma_start3A_488] : memref<4096x200xi32, #tpu.memory_space<hbm>> -> memref<1x200xi32, #tpu.memory_space<hbm>>
      %dma_start3A_490 = tpu.memref_squeeze %dma_start3A_489 : memref<1x200xi32, #tpu.memory_space<hbm>> -> memref<200xi32, #tpu.memory_space<hbm>>
      tpu.enqueue_dma source(%dma_start3A_490 : memref<200xi32, #tpu.memory_space<hbm>>) target(%arg5 : memref<200xi32, #tpu.memory_space<vmem>>) target_semaphore(%run_scoped3A : memref<!tpu.dma_semaphore, #tpu.memory_space<semaphore_mem>>)
      %dma_wait3A_491 = arith.constant 0 : i32
      %dma_wait3A_492 = tpu.memref_slice %arg2[%add3A_461, %dma_wait3A_491] : memref<4096x200xi32, #tpu.memory_space<hbm>> -> memref<1x200xi32, #tpu.memory_space<hbm>>
      %dma_wait3A_493 = tpu.memref_squeeze %dma_wait3A_492 : memref<1x200xi32, #tpu.memory_space<hbm>> -> memref<200xi32, #tpu.memory_space<hbm>>
      %dma_wait3A_494 = arith.constant 0 : i32
      %dma_wait3A_495 = tpu.memref_slice %arg2[%add3A_461, %dma_wait3A_494] : memref<4096x200xi32, #tpu.memory_space<hbm>> -> memref<1x200xi32, #tpu.memory_space<hbm>>
      %dma_wait3A_496 = tpu.memref_squeeze %dma_wait3A_495 : memref<1x200xi32, #tpu.memory_space<hbm>> -> memref<200xi32, #tpu.memory_space<hbm>>
      tpu.wait_dma2 semaphore(%run_scoped3A : memref<!tpu.dma_semaphore, #tpu.memory_space<semaphore_mem>>) src(%dma_wait3A_496 : memref<200xi32, #tpu.memory_space<hbm>>) dst(%arg5 : memref<200xi32, #tpu.memory_space<vmem>>)
      tpu.yield
    }) : () -> ()
    %dma_start3A = arith.constant 0 : i32
    %dma_start3A_462 = arith.constant 0 : i32
    %dma_start3A_463 = tpu.memref_slice %arg3[%dma_start3A, %dma_start3A_462] : memref<100000x128xf32, #tpu.memory_space<hbm>> -> memref<100000x128xf32, #tpu.memory_space<hbm>>
    tpu.enqueue_indirect_dma source(%dma_start3A_463 : memref<100000x128xf32, #tpu.memory_space<hbm>>) target(%arg7 : memref<200x128xf32, #tpu.memory_space<vmem>>) offsets(%arg5 : memref<200xi32, #tpu.memory_space<vmem>>) semaphore(%arg11 : memref<!tpu.dma_semaphore, #tpu.memory_space<semaphore_mem>>)
    %add3A_464 = arith.constant 1 : i32
    %add3A_465 = arith.addi %mul3A_2, %add3A_464 : i32
    "tpu.region"() ({
      %run_scoped3A = tpu.sem_alloc : memref<!tpu.dma_semaphore, #tpu.memory_space<semaphore_mem>>
      %dma_start3A_485 = arith.constant 0 : i32
      %dma_start3A_486 = tpu.memref_slice %arg2[%add3A_465, %dma_start3A_485] : memref<4096x200xi32, #tpu.memory_space<hbm>> -> memref<1x200xi32, #tpu.memory_space<hbm>>
      %dma_start3A_487 = tpu.memref_squeeze %dma_start3A_486 : memref<1x200xi32, #tpu.memory_space<hbm>> -> memref<200xi32, #tpu.memory_space<hbm>>
      %dma_start3A_488 = arith.constant 0 : i32
      %dma_start3A_489 = tpu.memref_slice %arg2[%add3A_465, %dma_start3A_488] : memref<4096x200xi32, #tpu.memory_space<hbm>> -> memref<1x200xi32, #tpu.memory_space<hbm>>
      %dma_start3A_490 = tpu.memref_squeeze %dma_start3A_489 : memref<1x200xi32, #tpu.memory_space<hbm>> -> memref<200xi32, #tpu.memory_space<hbm>>
      tpu.enqueue_dma source(%dma_start3A_490 : memref<200xi32, #tpu.memory_space<hbm>>) target(%arg6 : memref<200xi32, #tpu.memory_space<vmem>>) target_semaphore(%run_scoped3A : memref<!tpu.dma_semaphore, #tpu.memory_space<semaphore_mem>>)
      %dma_wait3A_491 = arith.constant 0 : i32
      %dma_wait3A_492 = tpu.memref_slice %arg2[%add3A_465, %dma_wait3A_491] : memref<4096x200xi32, #tpu.memory_space<hbm>> -> memref<1x200xi32, #tpu.memory_space<hbm>>
      %dma_wait3A_493 = tpu.memref_squeeze %dma_wait3A_492 : memref<1x200xi32, #tpu.memory_space<hbm>> -> memref<200xi32, #tpu.memory_space<hbm>>
      %dma_wait3A_494 = arith.constant 0 : i32
      %dma_wait3A_495 = tpu.memref_slice %arg2[%add3A_465, %dma_wait3A_494] : memref<4096x200xi32, #tpu.memory_space<hbm>> -> memref<1x200xi32, #tpu.memory_space<hbm>>
      %dma_wait3A_496 = tpu.memref_squeeze %dma_wait3A_495 : memref<1x200xi32, #tpu.memory_space<hbm>> -> memref<200xi32, #tpu.memory_space<hbm>>
      tpu.wait_dma2 semaphore(%run_scoped3A : memref<!tpu.dma_semaphore, #tpu.memory_space<semaphore_mem>>) src(%dma_wait3A_496 : memref<200xi32, #tpu.memory_space<hbm>>) dst(%arg6 : memref<200xi32, #tpu.memory_space<vmem>>)
      tpu.yield
    }) : () -> ()
    %dma_start3A_466 = arith.constant 0 : i32
    %dma_start3A_467 = arith.constant 0 : i32
    %dma_start3A_468 = tpu.memref_slice %arg3[%dma_start3A_466, %dma_start3A_467] : memref<100000x128xf32, #tpu.memory_space<hbm>> -> memref<100000x128xf32, #tpu.memory_space<hbm>>
    tpu.enqueue_indirect_dma source(%dma_start3A_468 : memref<100000x128xf32, #tpu.memory_space<hbm>>) target(%arg8 : memref<200x128xf32, #tpu.memory_space<vmem>>) offsets(%arg6 : memref<200xi32, #tpu.memory_space<vmem>>) semaphore(%arg12 : memref<!tpu.dma_semaphore, #tpu.memory_space<semaphore_mem>>)
    %scan3A = arith.constant 0 : i32
    %scan3A_469 = arith.constant 0 : i32
    %scan3A_470 = arith.constant 64 : i32
    %scan3A_471 = arith.addi %scan3A_469, %scan3A_470 : i32
    %scan3A_472 = arith.constant 1 : i32
    scf.for %scan3A_485 = %scan3A_469 to %scan3A_471 step %scan3A_472  : i32 {
      %mul3A_486 = arith.constant 2 : i32
      %mul3A_487 = arith.muli %mul3A_486, %scan3A_485 : i32
      %add3A_488 = arith.constant 0 : i32
      %add3A_489 = arith.addi %mul3A_487, %add3A_488 : i32
      %add3A_490 = arith.addi %mul3A_2, %add3A_489 : i32
      %dma_wait3A_491 = arith.constant 0 : i32
      %dma_wait3A_492 = arith.constant 0 : i32
      %dma_wait3A_493 = tpu.memref_slice %arg3[%dma_wait3A_491, %dma_wait3A_492] : memref<100000x128xf32, #tpu.memory_space<hbm>> -> memref<100000x128xf32, #tpu.memory_space<hbm>>
      tpu.wait_indirect_dma semaphore(%arg11 : memref<!tpu.dma_semaphore, #tpu.memory_space<semaphore_mem>>) src(%dma_wait3A_493 : memref<100000x128xf32, #tpu.memory_space<hbm>>) dst(%arg7 : memref<200x128xf32, #tpu.memory_space<vmem>>)
      %ge3A = arith.constant 2 : i32
      %ge3A_494 = arith.cmpi sge, %add3A_489, %ge3A : i32
      %convert_element_type3A = arith.extui %ge3A_494 : i1 to i32
      %cond3A = arith.constant 0 : i32
      %cond3A_495 = arith.cmpi ne, %convert_element_type3A, %cond3A : i32
      scf.if %cond3A_495 {
        %dma_wait3A_547 = arith.constant 0 : i32
        %dma_wait3A_548 = tpu.memref_slice %arg4[%add3A_490, %dma_wait3A_547] : memref<4096x25600xf32, #tpu.memory_space<hbm>> -> memref<1x25600xf32, #tpu.memory_space<hbm>>
        %dma_wait3A_549 = tpu.memref_squeeze %dma_wait3A_548 : memref<1x25600xf32, #tpu.memory_space<hbm>> -> memref<25600xf32, #tpu.memory_space<hbm>>
        %dma_wait3A_550 = arith.constant 0 : i32
        %dma_wait3A_551 = tpu.memref_slice %arg4[%add3A_490, %dma_wait3A_550] : memref<4096x25600xf32, #tpu.memory_space<hbm>> -> memref<1x25600xf32, #tpu.memory_space<hbm>>
        %dma_wait3A_552 = tpu.memref_squeeze %dma_wait3A_551 : memref<1x25600xf32, #tpu.memory_space<hbm>> -> memref<25600xf32, #tpu.memory_space<hbm>>
        tpu.wait_dma2 semaphore(%arg13 : memref<!tpu.dma_semaphore, #tpu.memory_space<semaphore_mem>>) src(%arg9 : memref<25600xf32, #tpu.memory_space<vmem>>) dst(%dma_wait3A_552 : memref<25600xf32, #tpu.memory_space<hbm>>)
      } else {
      }
      %scan3A_496 = arith.constant 0 : i32
      %scan3A_497 = arith.constant 0 : i32
      %scan3A_498 = arith.constant 13 : i32
      %scan3A_499 = arith.addi %scan3A_497, %scan3A_498 : i32
      %scan3A_500 = arith.constant 1 : i32
      scf.for %scan3A_547 = %scan3A_497 to %scan3A_499 step %scan3A_500  : i32 {
        %mul3A_548 = arith.constant 16 : i32
        %mul3A_549 = arith.muli %scan3A_547, %mul3A_548 : i32
        %min3A = arith.constant 184 : i32
        %min3A_550 = arith.minsi %mul3A_549, %min3A : i32
        %add3A_551 = vector.broadcast %min3A_550 : i32 to vector<16xi32>
        %add3A_552 = arith.addi %iota3A, %add3A_551 : vector<16xi32>
        %add3A_553 = arith.constant 0 : i32
        %add3A_554 = arith.addi %add3A_553, %min3A_550 : i32
        %add3A_555 = arith.constant 0 : i32
        %add3A_556 = vector.broadcast %add3A_555 : i32 to vector<16xi32>
        %add3A_557 = arith.addi %select_n3A_20, %add3A_556 : vector<16xi32>
        %gather3A = tpu.vector_load_idx %arg7[%add3A_552, %add3A_557] : memref<200x128xf32, #tpu.memory_space<vmem>>[vector<16xi32>, vector<16xi32>], vector<16xf32>,
        %add3A_558 = vector.broadcast %add3A_554 : i32 to vector<16xi32>
        %add3A_559 = arith.addi %add3A_399, %add3A_558 : vector<16xi32>
        tpu.vector_store_idx %arg9[%add3A_559], %gather3A : memref<25600xf32, #tpu.memory_space<vmem>>[vector<16xi32>], vector<16xf32>,
        %add3A_560 = arith.constant 0 : i32
        %add3A_561 = vector.broadcast %add3A_560 : i32 to vector<16xi32>
        %add3A_562 = arith.addi %select_n3A_45, %add3A_561 : vector<16xi32>
        %gather3A_563 = tpu.vector_load_idx %arg7[%add3A_552, %add3A_562] : memref<200x128xf32, #tpu.memory_space<vmem>>[vector<16xi32>, vector<16xi32>], vector<16xf32>,
        %add3A_564 = vector.broadcast %add3A_554 : i32 to vector<16xi32>
        %add3A_565 = arith.addi %add3A_403, %add3A_564 : vector<16xi32>
        tpu.vector_store_idx %arg9[%add3A_565], %gather3A_563 : memref<25600xf32, #tpu.memory_space<vmem>>[vector<16xi32>], vector<16xf32>,
        %add3A_566 = arith.constant 0 : i32
        %add3A_567 = vector.broadcast %add3A_566 : i32 to vector<16xi32>
        %add3A_568 = arith.addi %select_n3A_70, %add3A_567 : vector<16xi32>
        %gather3A_569 = tpu.vector_load_idx %arg7[%add3A_552, %add3A_568] : memref<200x128xf32, #tpu.memory_space<vmem>>[vector<16xi32>, vector<16xi32>], vector<16xf32>,
        %add3A_570 = vector.broadcast %add3A_554 : i32 to vector<16xi32>
        %add3A_571 = arith.addi %add3A_407, %add3A_570 : vector<16xi32>
        tpu.vector_store_idx %arg9[%add3A_571], %gather3A_569 : memref<25600xf32, #tpu.memory_space<vmem>>[vector<16xi32>], vector<16xf32>,
        %add3A_572 = arith.constant 0 : i32
        %add3A_573 = vector.broadcast %add3A_572 : i32 to vector<16xi32>
        %add3A_574 = arith.addi %select_n3A_95, %add3A_573 : vector<16xi32>
        %gather3A_575 = tpu.vector_load_idx %arg7[%add3A_552, %add3A_574] : memref<200x128xf32, #tpu.memory_space<vmem>>[vector<16xi32>, vector<16xi32>], vector<16xf32>,
        %add3A_576 = vector.broadcast %add3A_554 : i32 to vector<16xi32>
        %add3A_577 = arith.addi %add3A_411, %add3A_576 : vector<16xi32>
        tpu.vector_store_idx %arg9[%add3A_577], %gather3A_575 : memref<25600xf32, #tpu.memory_space<vmem>>[vector<16xi32>], vector<16xf32>,
        %add3A_578 = arith.constant 0 : i32
        %add3A_579 = vector.broadcast %add3A_578 : i32 to vector<16xi32>
        %add3A_580 = arith.addi %select_n3A_120, %add3A_579 : vector<16xi32>
        %gather3A_581 = tpu.vector_load_idx %arg7[%add3A_552, %add3A_580] : memref<200x128xf32, #tpu.memory_space<vmem>>[vector<16xi32>, vector<16xi32>], vector<16xf32>,
        %add3A_582 = vector.broadcast %add3A_554 : i32 to vector<16xi32>
        %add3A_583 = arith.addi %add3A_415, %add3A_582 : vector<16xi32>
        tpu.vector_store_idx %arg9[%add3A_583], %gather3A_581 : memref<25600xf32, #tpu.memory_space<vmem>>[vector<16xi32>], vector<16xf32>,
        %add3A_584 = arith.constant 0 : i32
        %add3A_585 = vector.broadcast %add3A_584 : i32 to vector<16xi32>
        %add3A_586 = arith.addi %select_n3A_145, %add3A_585 : vector<16xi32>
        %gather3A_587 = tpu.vector_load_idx %arg7[%add3A_552, %add3A_586] : memref<200x128xf32, #tpu.memory_space<vmem>>[vector<16xi32>, vector<16xi32>], vector<16xf32>,
        %add3A_588 = vector.broadcast %add3A_554 : i32 to vector<16xi32>
        %add3A_589 = arith.addi %add3A_419, %add3A_588 : vector<16xi32>
        tpu.vector_store_idx %arg9[%add3A_589], %gather3A_587 : memref<25600xf32, #tpu.memory_space<vmem>>[vector<16xi32>], vector<16xf32>,
        %add3A_590 = arith.constant 0 : i32
        %add3A_591 = vector.broadcast %add3A_590 : i32 to vector<16xi32>
        %add3A_592 = arith.addi %select_n3A_170, %add3A_591 : vector<16xi32>
        %gather3A_593 = tpu.vector_load_idx %arg7[%add3A_552, %add3A_592] : memref<200x128xf32, #tpu.memory_space<vmem>>[vector<16xi32>, vector<16xi32>], vector<16xf32>,
        %add3A_594 = vector.broadcast %add3A_554 : i32 to vector<16xi32>
        %add3A_595 = arith.addi %add3A_423, %add3A_594 : vector<16xi32>
        tpu.vector_store_idx %arg9[%add3A_595], %gather3A_593 : memref<25600xf32, #tpu.memory_space<vmem>>[vector<16xi32>], vector<16xf32>,
        %add3A_596 = arith.constant 0 : i32
        %add3A_597 = vector.broadcast %add3A_596 : i32 to vector<16xi32>
        %add3A_598 = arith.addi %select_n3A_195, %add3A_597 : vector<16xi32>
        %gather3A_599 = tpu.vector_load_idx %arg7[%add3A_552, %add3A_598] : memref<200x128xf32, #tpu.memory_space<vmem>>[vector<16xi32>, vector<16xi32>], vector<16xf32>,
        %add3A_600 = vector.broadcast %add3A_554 : i32 to vector<16xi32>
        %add3A_601 = arith.addi %add3A_427, %add3A_600 : vector<16xi32>
        tpu.vector_store_idx %arg9[%add3A_601], %gather3A_599 : memref<25600xf32, #tpu.memory_space<vmem>>[vector<16xi32>], vector<16xf32>,
        %add3A_602 = arith.constant 0 : i32
        %add3A_603 = vector.broadcast %add3A_602 : i32 to vector<16xi32>
        %add3A_604 = arith.addi %select_n3A_220, %add3A_603 : vector<16xi32>
        %gather3A_605 = tpu.vector_load_idx %arg7[%add3A_552, %add3A_604] : memref<200x128xf32, #tpu.memory_space<vmem>>[vector<16xi32>, vector<16xi32>], vector<16xf32>,
        %add3A_606 = vector.broadcast %add3A_554 : i32 to vector<16xi32>
        %add3A_607 = arith.addi %add3A_431, %add3A_606 : vector<16xi32>
        tpu.vector_store_idx %arg9[%add3A_607], %gather3A_605 : memref<25600xf32, #tpu.memory_space<vmem>>[vector<16xi32>], vector<16xf32>,
        %add3A_608 = arith.constant 0 : i32
        %add3A_609 = vector.broadcast %add3A_608 : i32 to vector<16xi32>
        %add3A_610 = arith.addi %select_n3A_245, %add3A_609 : vector<16xi32>
        %gather3A_611 = tpu.vector_load_idx %arg7[%add3A_552, %add3A_610] : memref<200x128xf32, #tpu.memory_space<vmem>>[vector<16xi32>, vector<16xi32>], vector<16xf32>,
        %add3A_612 = vector.broadcast %add3A_554 : i32 to vector<16xi32>
        %add3A_613 = arith.addi %add3A_435, %add3A_612 : vector<16xi32>
        tpu.vector_store_idx %arg9[%add3A_613], %gather3A_611 : memref<25600xf32, #tpu.memory_space<vmem>>[vector<16xi32>], vector<16xf32>,
        %add3A_614 = arith.constant 0 : i32
        %add3A_615 = vector.broadcast %add3A_614 : i32 to vector<16xi32>
        %add3A_616 = arith.addi %select_n3A_270, %add3A_615 : vector<16xi32>
        %gather3A_617 = tpu.vector_load_idx %arg7[%add3A_552, %add3A_616] : memref<200x128xf32, #tpu.memory_space<vmem>>[vector<16xi32>, vector<16xi32>], vector<16xf32>,
        %add3A_618 = vector.broadcast %add3A_554 : i32 to vector<16xi32>
        %add3A_619 = arith.addi %add3A_439, %add3A_618 : vector<16xi32>
        tpu.vector_store_idx %arg9[%add3A_619], %gather3A_617 : memref<25600xf32, #tpu.memory_space<vmem>>[vector<16xi32>], vector<16xf32>,
        %add3A_620 = arith.constant 0 : i32
        %add3A_621 = vector.broadcast %add3A_620 : i32 to vector<16xi32>
        %add3A_622 = arith.addi %select_n3A_295, %add3A_621 : vector<16xi32>
        %gather3A_623 = tpu.vector_load_idx %arg7[%add3A_552, %add3A_622] : memref<200x128xf32, #tpu.memory_space<vmem>>[vector<16xi32>, vector<16xi32>], vector<16xf32>,
        %add3A_624 = vector.broadcast %add3A_554 : i32 to vector<16xi32>
        %add3A_625 = arith.addi %add3A_443, %add3A_624 : vector<16xi32>
        tpu.vector_store_idx %arg9[%add3A_625], %gather3A_623 : memref<25600xf32, #tpu.memory_space<vmem>>[vector<16xi32>], vector<16xf32>,
        %add3A_626 = arith.constant 0 : i32
        %add3A_627 = vector.broadcast %add3A_626 : i32 to vector<16xi32>
        %add3A_628 = arith.addi %select_n3A_320, %add3A_627 : vector<16xi32>
        %gather3A_629 = tpu.vector_load_idx %arg7[%add3A_552, %add3A_628] : memref<200x128xf32, #tpu.memory_space<vmem>>[vector<16xi32>, vector<16xi32>], vector<16xf32>,
        %add3A_630 = vector.broadcast %add3A_554 : i32 to vector<16xi32>
        %add3A_631 = arith.addi %add3A_447, %add3A_630 : vector<16xi32>
        tpu.vector_store_idx %arg9[%add3A_631], %gather3A_629 : memref<25600xf32, #tpu.memory_space<vmem>>[vector<16xi32>], vector<16xf32>,
        %add3A_632 = arith.constant 0 : i32
        %add3A_633 = vector.broadcast %add3A_632 : i32 to vector<16xi32>
        %add3A_634 = arith.addi %select_n3A_345, %add3A_633 : vector<16xi32>
        %gather3A_635 = tpu.vector_load_idx %arg7[%add3A_552, %add3A_634] : memref<200x128xf32, #tpu.memory_space<vmem>>[vector<16xi32>, vector<16xi32>], vector<16xf32>,
        %add3A_636 = vector.broadcast %add3A_554 : i32 to vector<16xi32>
        %add3A_637 = arith.addi %add3A_451, %add3A_636 : vector<16xi32>
        tpu.vector_store_idx %arg9[%add3A_637], %gather3A_635 : memref<25600xf32, #tpu.memory_space<vmem>>[vector<16xi32>], vector<16xf32>,
        %add3A_638 = arith.constant 0 : i32
        %add3A_639 = vector.broadcast %add3A_638 : i32 to vector<16xi32>
        %add3A_640 = arith.addi %select_n3A_370, %add3A_639 : vector<16xi32>
        %gather3A_641 = tpu.vector_load_idx %arg7[%add3A_552, %add3A_640] : memref<200x128xf32, #tpu.memory_space<vmem>>[vector<16xi32>, vector<16xi32>], vector<16xf32>,
        %add3A_642 = vector.broadcast %add3A_554 : i32 to vector<16xi32>
        %add3A_643 = arith.addi %add3A_455, %add3A_642 : vector<16xi32>
        tpu.vector_store_idx %arg9[%add3A_643], %gather3A_641 : memref<25600xf32, #tpu.memory_space<vmem>>[vector<16xi32>], vector<16xf32>,
        %add3A_644 = arith.constant 0 : i32
        %add3A_645 = vector.broadcast %add3A_644 : i32 to vector<16xi32>
        %add3A_646 = arith.addi %select_n3A_395, %add3A_645 : vector<16xi32>
        %gather3A_647 = tpu.vector_load_idx %arg7[%add3A_552, %add3A_646] : memref<200x128xf32, #tpu.memory_space<vmem>>[vector<16xi32>, vector<16xi32>], vector<16xf32>,
        %add3A_648 = vector.broadcast %add3A_554 : i32 to vector<16xi32>
        %add3A_649 = arith.addi %add3A_459, %add3A_648 : vector<16xi32>
        tpu.vector_store_idx %arg9[%add3A_649], %gather3A_647 : memref<25600xf32, #tpu.memory_space<vmem>>[vector<16xi32>], vector<16xf32>,
        %add3A_650 = arith.constant 3200 : i32
        %add3A_651 = arith.addi %add3A_650, %min3A_550 : i32
        %add3A_652 = arith.constant 16 : i32
        %add3A_653 = vector.broadcast %add3A_652 : i32 to vector<16xi32>
        %add3A_654 = arith.addi %select_n3A_20, %add3A_653 : vector<16xi32>
        %gather3A_655 = tpu.vector_load_idx %arg7[%add3A_552, %add3A_654] : memref<200x128xf32, #tpu.memory_space<vmem>>[vector<16xi32>, vector<16xi32>], vector<16xf32>,
        %add3A_656 = vector.broadcast %add3A_651 : i32 to vector<16xi32>
        %add3A_657 = arith.addi %add3A_399, %add3A_656 : vector<16xi32>
        tpu.vector_store_idx %arg9[%add3A_657], %gather3A_655 : memref<25600xf32, #tpu.memory_space<vmem>>[vector<16xi32>], vector<16xf32>,
        %add3A_658 = arith.constant 16 : i32
        %add3A_659 = vector.broadcast %add3A_658 : i32 to vector<16xi32>
        %add3A_660 = arith.addi %select_n3A_45, %add3A_659 : vector<16xi32>
        %gather3A_661 = tpu.vector_load_idx %arg7[%add3A_552, %add3A_660] : memref<200x128xf32, #tpu.memory_space<vmem>>[vector<16xi32>, vector<16xi32>], vector<16xf32>,
        %add3A_662 = vector.broadcast %add3A_651 : i32 to vector<16xi32>
        %add3A_663 = arith.addi %add3A_403, %add3A_662 : vector<16xi32>
        tpu.vector_store_idx %arg9[%add3A_663], %gather3A_661 : memref<25600xf32, #tpu.memory_space<vmem>>[vector<16xi32>], vector<16xf32>,
        %add3A_664 = arith.constant 16 : i32
        %add3A_665 = vector.broadcast %add3A_664 : i32 to vector<16xi32>
        %add3A_666 = arith.addi %select_n3A_70, %add3A_665 : vector<16xi32>
        %gather3A_667 = tpu.vector_load_idx %arg7[%add3A_552, %add3A_666] : memref<200x128xf32, #tpu.memory_space<vmem>>[vector<16xi32>, vector<16xi32>], vector<16xf32>,
        %add3A_668 = vector.broadcast %add3A_651 : i32 to vector<16xi32>
        %add3A_669 = arith.addi %add3A_407, %add3A_668 : vector<16xi32>
        tpu.vector_store_idx %arg9[%add3A_669], %gather3A_667 : memref<25600xf32, #tpu.memory_space<vmem>>[vector<16xi32>], vector<16xf32>,
        %add3A_670 = arith.constant 16 : i32
        %add3A_671 = vector.broadcast %add3A_670 : i32 to vector<16xi32>
        %add3A_672 = arith.addi %select_n3A_95, %add3A_671 : vector<16xi32>
        %gather3A_673 = tpu.vector_load_idx %arg7[%add3A_552, %add3A_672] : memref<200x128xf32, #tpu.memory_space<vmem>>[vector<16xi32>, vector<16xi32>], vector<16xf32>,
        %add3A_674 = vector.broadcast %add3A_651 : i32 to vector<16xi32>
        %add3A_675 = arith.addi %add3A_411, %add3A_674 : vector<16xi32>
        tpu.vector_store_idx %arg9[%add3A_675], %gather3A_673 : memref<25600xf32, #tpu.memory_space<vmem>>[vector<16xi32>], vector<16xf32>,
        %add3A_676 = arith.constant 16 : i32
        %add3A_677 = vector.broadcast %add3A_676 : i32 to vector<16xi32>
        %add3A_678 = arith.addi %select_n3A_120, %add3A_677 : vector<16xi32>
        %gather3A_679 = tpu.vector_load_idx %arg7[%add3A_552, %add3A_678] : memref<200x128xf32, #tpu.memory_space<vmem>>[vector<16xi32>, vector<16xi32>], vector<16xf32>,
        %add3A_680 = vector.broadcast %add3A_651 : i32 to vector<16xi32>
        %add3A_681 = arith.addi %add3A_415, %add3A_680 : vector<16xi32>
        tpu.vector_store_idx %arg9[%add3A_681], %gather3A_679 : memref<25600xf32, #tpu.memory_space<vmem>>[vector<16xi32>], vector<16xf32>,
        %add3A_682 = arith.constant 16 : i32
        %add3A_683 = vector.broadcast %add3A_682 : i32 to vector<16xi32>
        %add3A_684 = arith.addi %select_n3A_145, %add3A_683 : vector<16xi32>
        %gather3A_685 = tpu.vector_load_idx %arg7[%add3A_552, %add3A_684] : memref<200x128xf32, #tpu.memory_space<vmem>>[vector<16xi32>, vector<16xi32>], vector<16xf32>,
        %add3A_686 = vector.broadcast %add3A_651 : i32 to vector<16xi32>
        %add3A_687 = arith.addi %add3A_419, %add3A_686 : vector<16xi32>
        tpu.vector_store_idx %arg9[%add3A_687], %gather3A_685 : memref<25600xf32, #tpu.memory_space<vmem>>[vector<16xi32>], vector<16xf32>,
        %add3A_688 = arith.constant 16 : i32
        %add3A_689 = vector.broadcast %add3A_688 : i32 to vector<16xi32>
        %add3A_690 = arith.addi %select_n3A_170, %add3A_689 : vector<16xi32>
        %gather3A_691 = tpu.vector_load_idx %arg7[%add3A_552, %add3A_690] : memref<200x128xf32, #tpu.memory_space<vmem>>[vector<16xi32>, vector<16xi32>], vector<16xf32>,
        %add3A_692 = vector.broadcast %add3A_651 : i32 to vector<16xi32>
        %add3A_693 = arith.addi %add3A_423, %add3A_692 : vector<16xi32>
        tpu.vector_store_idx %arg9[%add3A_693], %gather3A_691 : memref<25600xf32, #tpu.memory_space<vmem>>[vector<16xi32>], vector<16xf32>,
        %add3A_694 = arith.constant 16 : i32
        %add3A_695 = vector.broadcast %add3A_694 : i32 to vector<16xi32>
        %add3A_696 = arith.addi %select_n3A_195, %add3A_695 : vector<16xi32>
        %gather3A_697 = tpu.vector_load_idx %arg7[%add3A_552, %add3A_696] : memref<200x128xf32, #tpu.memory_space<vmem>>[vector<16xi32>, vector<16xi32>], vector<16xf32>,
        %add3A_698 = vector.broadcast %add3A_651 : i32 to vector<16xi32>
        %add3A_699 = arith.addi %add3A_427, %add3A_698 : vector<16xi32>
        tpu.vector_store_idx %arg9[%add3A_699], %gather3A_697 : memref<25600xf32, #tpu.memory_space<vmem>>[vector<16xi32>], vector<16xf32>,
        %add3A_700 = arith.constant 16 : i32
        %add3A_701 = vector.broadcast %add3A_700 : i32 to vector<16xi32>
        %add3A_702 = arith.addi %select_n3A_220, %add3A_701 : vector<16xi32>
        %gather3A_703 = tpu.vector_load_idx %arg7[%add3A_552, %add3A_702] : memref<200x128xf32, #tpu.memory_space<vmem>>[vector<16xi32>, vector<16xi32>], vector<16xf32>,
        %add3A_704 = vector.broadcast %add3A_651 : i32 to vector<16xi32>
        %add3A_705 = arith.addi %add3A_431, %add3A_704 : vector<16xi32>
        tpu.vector_store_idx %arg9[%add3A_705], %gather3A_703 : memref<25600xf32, #tpu.memory_space<vmem>>[vector<16xi32>], vector<16xf32>,
        %add3A_706 = arith.constant 16 : i32
        %add3A_707 = vector.broadcast %add3A_706 : i32 to vector<16xi32>
        %add3A_708 = arith.addi %select_n3A_245, %add3A_707 : vector<16xi32>
        %gather3A_709 = tpu.vector_load_idx %arg7[%add3A_552, %add3A_708] : memref<200x128xf32, #tpu.memory_space<vmem>>[vector<16xi32>, vector<16xi32>], vector<16xf32>,
        %add3A_710 = vector.broadcast %add3A_651 : i32 to vector<16xi32>
        %add3A_711 = arith.addi %add3A_435, %add3A_710 : vector<16xi32>
        tpu.vector_store_idx %arg9[%add3A_711], %gather3A_709 : memref<25600xf32, #tpu.memory_space<vmem>>[vector<16xi32>], vector<16xf32>,
        %add3A_712 = arith.constant 16 : i32
        %add3A_713 = vector.broadcast %add3A_712 : i32 to vector<16xi32>
        %add3A_714 = arith.addi %select_n3A_270, %add3A_713 : vector<16xi32>
        %gather3A_715 = tpu.vector_load_idx %arg7[%add3A_552, %add3A_714] : memref<200x128xf32, #tpu.memory_space<vmem>>[vector<16xi32>, vector<16xi32>], vector<16xf32>,
        %add3A_716 = vector.broadcast %add3A_651 : i32 to vector<16xi32>
        %add3A_717 = arith.addi %add3A_439, %add3A_716 : vector<16xi32>
        tpu.vector_store_idx %arg9[%add3A_717], %gather3A_715 : memref<25600xf32, #tpu.memory_space<vmem>>[vector<16xi32>], vector<16xf32>,
        %add3A_718 = arith.constant 16 : i32
        %add3A_719 = vector.broadcast %add3A_718 : i32 to vector<16xi32>
        %add3A_720 = arith.addi %select_n3A_295, %add3A_719 : vector<16xi32>
        %gather3A_721 = tpu.vector_load_idx %arg7[%add3A_552, %add3A_720] : memref<200x128xf32, #tpu.memory_space<vmem>>[vector<16xi32>, vector<16xi32>], vector<16xf32>,
        %add3A_722 = vector.broadcast %add3A_651 : i32 to vector<16xi32>
        %add3A_723 = arith.addi %add3A_443, %add3A_722 : vector<16xi32>
        tpu.vector_store_idx %arg9[%add3A_723], %gather3A_721 : memref<25600xf32, #tpu.memory_space<vmem>>[vector<16xi32>], vector<16xf32>,
        %add3A_724 = arith.constant 16 : i32
        %add3A_725 = vector.broadcast %add3A_724 : i32 to vector<16xi32>
        %add3A_726 = arith.addi %select_n3A_320, %add3A_725 : vector<16xi32>
        %gather3A_727 = tpu.vector_load_idx %arg7[%add3A_552, %add3A_726] : memref<200x128xf32, #tpu.memory_space<vmem>>[vector<16xi32>, vector<16xi32>], vector<16xf32>,
        %add3A_728 = vector.broadcast %add3A_651 : i32 to vector<16xi32>
        %add3A_729 = arith.addi %add3A_447, %add3A_728 : vector<16xi32>
        tpu.vector_store_idx %arg9[%add3A_729], %gather3A_727 : memref<25600xf32, #tpu.memory_space<vmem>>[vector<16xi32>], vector<16xf32>,
        %add3A_730 = arith.constant 16 : i32
        %add3A_731 = vector.broadcast %add3A_730 : i32 to vector<16xi32>
        %add3A_732 = arith.addi %select_n3A_345, %add3A_731 : vector<16xi32>
        %gather3A_733 = tpu.vector_load_idx %arg7[%add3A_552, %add3A_732] : memref<200x128xf32, #tpu.memory_space<vmem>>[vector<16xi32>, vector<16xi32>], vector<16xf32>,
        %add3A_734 = vector.broadcast %add3A_651 : i32 to vector<16xi32>
        %add3A_735 = arith.addi %add3A_451, %add3A_734 : vector<16xi32>
        tpu.vector_store_idx %arg9[%add3A_735], %gather3A_733 : memref<25600xf32, #tpu.memory_space<vmem>>[vector<16xi32>], vector<16xf32>,
        %add3A_736 = arith.constant 16 : i32
        %add3A_737 = vector.broadcast %add3A_736 : i32 to vector<16xi32>
        %add3A_738 = arith.addi %select_n3A_370, %add3A_737 : vector<16xi32>
        %gather3A_739 = tpu.vector_load_idx %arg7[%add3A_552, %add3A_738] : memref<200x128xf32, #tpu.memory_space<vmem>>[vector<16xi32>, vector<16xi32>], vector<16xf32>,
        %add3A_740 = vector.broadcast %add3A_651 : i32 to vector<16xi32>
        %add3A_741 = arith.addi %add3A_455, %add3A_740 : vector<16xi32>
        tpu.vector_store_idx %arg9[%add3A_741], %gather3A_739 : memref<25600xf32, #tpu.memory_space<vmem>>[vector<16xi32>], vector<16xf32>,
        %add3A_742 = arith.constant 16 : i32
        %add3A_743 = vector.broadcast %add3A_742 : i32 to vector<16xi32>
        %add3A_744 = arith.addi %select_n3A_395, %add3A_743 : vector<16xi32>
        %gather3A_745 = tpu.vector_load_idx %arg7[%add3A_552, %add3A_744] : memref<200x128xf32, #tpu.memory_space<vmem>>[vector<16xi32>, vector<16xi32>], vector<16xf32>,
        %add3A_746 = vector.broadcast %add3A_651 : i32 to vector<16xi32>
        %add3A_747 = arith.addi %add3A_459, %add3A_746 : vector<16xi32>
        tpu.vector_store_idx %arg9[%add3A_747], %gather3A_745 : memref<25600xf32, #tpu.memory_space<vmem>>[vector<16xi32>], vector<16xf32>,
        %add3A_748 = arith.constant 6400 : i32
        %add3A_749 = arith.addi %add3A_748, %min3A_550 : i32
        %add3A_750 = arith.constant 32 : i32
        %add3A_751 = vector.broadcast %add3A_750 : i32 to vector<16xi32>
        %add3A_752 = arith.addi %select_n3A_20, %add3A_751 : vector<16xi32>
        %gather3A_753 = tpu.vector_load_idx %arg7[%add3A_552, %add3A_752] : memref<200x128xf32, #tpu.memory_space<vmem>>[vector<16xi32>, vector<16xi32>], vector<16xf32>,
        %add3A_754 = vector.broadcast %add3A_749 : i32 to vector<16xi32>
        %add3A_755 = arith.addi %add3A_399, %add3A_754 : vector<16xi32>
        tpu.vector_store_idx %arg9[%add3A_755], %gather3A_753 : memref<25600xf32, #tpu.memory_space<vmem>>[vector<16xi32>], vector<16xf32>,
        %add3A_756 = arith.constant 32 : i32
        %add3A_757 = vector.broadcast %add3A_756 : i32 to vector<16xi32>
        %add3A_758 = arith.addi %select_n3A_45, %add3A_757 : vector<16xi32>
        %gather3A_759 = tpu.vector_load_idx %arg7[%add3A_552, %add3A_758] : memref<200x128xf32, #tpu.memory_space<vmem>>[vector<16xi32>, vector<16xi32>], vector<16xf32>,
        %add3A_760 = vector.broadcast %add3A_749 : i32 to vector<16xi32>
        %add3A_761 = arith.addi %add3A_403, %add3A_760 : vector<16xi32>
        tpu.vector_store_idx %arg9[%add3A_761], %gather3A_759 : memref<25600xf32, #tpu.memory_space<vmem>>[vector<16xi32>], vector<16xf32>,
        %add3A_762 = arith.constant 32 : i32
        %add3A_763 = vector.broadcast %add3A_762 : i32 to vector<16xi32>
        %add3A_764 = arith.addi %select_n3A_70, %add3A_763 : vector<16xi32>
        %gather3A_765 = tpu.vector_load_idx %arg7[%add3A_552, %add3A_764] : memref<200x128xf32, #tpu.memory_space<vmem>>[vector<16xi32>, vector<16xi32>], vector<16xf32>,
        %add3A_766 = vector.broadcast %add3A_749 : i32 to vector<16xi32>
        %add3A_767 = arith.addi %add3A_407, %add3A_766 : vector<16xi32>
        tpu.vector_store_idx %arg9[%add3A_767], %gather3A_765 : memref<25600xf32, #tpu.memory_space<vmem>>[vector<16xi32>], vector<16xf32>,
        %add3A_768 = arith.constant 32 : i32
        %add3A_769 = vector.broadcast %add3A_768 : i32 to vector<16xi32>
        %add3A_770 = arith.addi %select_n3A_95, %add3A_769 : vector<16xi32>
        %gather3A_771 = tpu.vector_load_idx %arg7[%add3A_552, %add3A_770] : memref<200x128xf32, #tpu.memory_space<vmem>>[vector<16xi32>, vector<16xi32>], vector<16xf32>,
        %add3A_772 = vector.broadcast %add3A_749 : i32 to vector<16xi32>
        %add3A_773 = arith.addi %add3A_411, %add3A_772 : vector<16xi32>
        tpu.vector_store_idx %arg9[%add3A_773], %gather3A_771 : memref<25600xf32, #tpu.memory_space<vmem>>[vector<16xi32>], vector<16xf32>,
        %add3A_774 = arith.constant 32 : i32
        %add3A_775 = vector.broadcast %add3A_774 : i32 to vector<16xi32>
        %add3A_776 = arith.addi %select_n3A_120, %add3A_775 : vector<16xi32>
        %gather3A_777 = tpu.vector_load_idx %arg7[%add3A_552, %add3A_776] : memref<200x128xf32, #tpu.memory_space<vmem>>[vector<16xi32>, vector<16xi32>], vector<16xf32>,
        %add3A_778 = vector.broadcast %add3A_749 : i32 to vector<16xi32>
        %add3A_779 = arith.addi %add3A_415, %add3A_778 : vector<16xi32>
        tpu.vector_store_idx %arg9[%add3A_779], %gather3A_777 : memref<25600xf32, #tpu.memory_space<vmem>>[vector<16xi32>], vector<16xf32>,
        %add3A_780 = arith.constant 32 : i32
        %add3A_781 = vector.broadcast %add3A_780 : i32 to vector<16xi32>
        %add3A_782 = arith.addi %select_n3A_145, %add3A_781 : vector<16xi32>
        %gather3A_783 = tpu.vector_load_idx %arg7[%add3A_552, %add3A_782] : memref<200x128xf32, #tpu.memory_space<vmem>>[vector<16xi32>, vector<16xi32>], vector<16xf32>,
        %add3A_784 = vector.broadcast %add3A_749 : i32 to vector<16xi32>
        %add3A_785 = arith.addi %add3A_419, %add3A_784 : vector<16xi32>
        tpu.vector_store_idx %arg9[%add3A_785], %gather3A_783 : memref<25600xf32, #tpu.memory_space<vmem>>[vector<16xi32>], vector<16xf32>,
        %add3A_786 = arith.constant 32 : i32
        %add3A_787 = vector.broadcast %add3A_786 : i32 to vector<16xi32>
        %add3A_788 = arith.addi %select_n3A_170, %add3A_787 : vector<16xi32>
        %gather3A_789 = tpu.vector_load_idx %arg7[%add3A_552, %add3A_788] : memref<200x128xf32, #tpu.memory_space<vmem>>[vector<16xi32>, vector<16xi32>], vector<16xf32>,
        %add3A_790 = vector.broadcast %add3A_749 : i32 to vector<16xi32>
        %add3A_791 = arith.addi %add3A_423, %add3A_790 : vector<16xi32>
        tpu.vector_store_idx %arg9[%add3A_791], %gather3A_789 : memref<25600xf32, #tpu.memory_space<vmem>>[vector<16xi32>], vector<16xf32>,
        %add3A_792 = arith.constant 32 : i32
        %add3A_793 = vector.broadcast %add3A_792 : i32 to vector<16xi32>
        %add3A_794 = arith.addi %select_n3A_195, %add3A_793 : vector<16xi32>
        %gather3A_795 = tpu.vector_load_idx %arg7[%add3A_552, %add3A_794] : memref<200x128xf32, #tpu.memory_space<vmem>>[vector<16xi32>, vector<16xi32>], vector<16xf32>,
        %add3A_796 = vector.broadcast %add3A_749 : i32 to vector<16xi32>
        %add3A_797 = arith.addi %add3A_427, %add3A_796 : vector<16xi32>
        tpu.vector_store_idx %arg9[%add3A_797], %gather3A_795 : memref<25600xf32, #tpu.memory_space<vmem>>[vector<16xi32>], vector<16xf32>,
        %add3A_798 = arith.constant 32 : i32
        %add3A_799 = vector.broadcast %add3A_798 : i32 to vector<16xi32>
        %add3A_800 = arith.addi %select_n3A_220, %add3A_799 : vector<16xi32>
        %gather3A_801 = tpu.vector_load_idx %arg7[%add3A_552, %add3A_800] : memref<200x128xf32, #tpu.memory_space<vmem>>[vector<16xi32>, vector<16xi32>], vector<16xf32>,
        %add3A_802 = vector.broadcast %add3A_749 : i32 to vector<16xi32>
        %add3A_803 = arith.addi %add3A_431, %add3A_802 : vector<16xi32>
        tpu.vector_store_idx %arg9[%add3A_803], %gather3A_801 : memref<25600xf32, #tpu.memory_space<vmem>>[vector<16xi32>], vector<16xf32>,
        %add3A_804 = arith.constant 32 : i32
        %add3A_805 = vector.broadcast %add3A_804 : i32 to vector<16xi32>
        %add3A_806 = arith.addi %select_n3A_245, %add3A_805 : vector<16xi32>
        %gather3A_807 = tpu.vector_load_idx %arg7[%add3A_552, %add3A_806] : memref<200x128xf32, #tpu.memory_space<vmem>>[vector<16xi32>, vector<16xi32>], vector<16xf32>,
        %add3A_808 = vector.broadcast %add3A_749 : i32 to vector<16xi32>
        %add3A_809 = arith.addi %add3A_435, %add3A_808 : vector<16xi32>
        tpu.vector_store_idx %arg9[%add3A_809], %gather3A_807 : memref<25600xf32, #tpu.memory_space<vmem>>[vector<16xi32>], vector<16xf32>,
        %add3A_810 = arith.constant 32 : i32
        %add3A_811 = vector.broadcast %add3A_810 : i32 to vector<16xi32>
        %add3A_812 = arith.addi %select_n3A_270, %add3A_811 : vector<16xi32>
        %gather3A_813 = tpu.vector_load_idx %arg7[%add3A_552, %add3A_812] : memref<200x128xf32, #tpu.memory_space<vmem>>[vector<16xi32>, vector<16xi32>], vector<16xf32>,
        %add3A_814 = vector.broadcast %add3A_749 : i32 to vector<16xi32>
        %add3A_815 = arith.addi %add3A_439, %add3A_814 : vector<16xi32>
        tpu.vector_store_idx %arg9[%add3A_815], %gather3A_813 : memref<25600xf32, #tpu.memory_space<vmem>>[vector<16xi32>], vector<16xf32>,
        %add3A_816 = arith.constant 32 : i32
        %add3A_817 = vector.broadcast %add3A_816 : i32 to vector<16xi32>
        %add3A_818 = arith.addi %select_n3A_295, %add3A_817 : vector<16xi32>
        %gather3A_819 = tpu.vector_load_idx %arg7[%add3A_552, %add3A_818] : memref<200x128xf32, #tpu.memory_space<vmem>>[vector<16xi32>, vector<16xi32>], vector<16xf32>,
        %add3A_820 = vector.broadcast %add3A_749 : i32 to vector<16xi32>
        %add3A_821 = arith.addi %add3A_443, %add3A_820 : vector<16xi32>
        tpu.vector_store_idx %arg9[%add3A_821], %gather3A_819 : memref<25600xf32, #tpu.memory_space<vmem>>[vector<16xi32>], vector<16xf32>,
        %add3A_822 = arith.constant 32 : i32
        %add3A_823 = vector.broadcast %add3A_822 : i32 to vector<16xi32>
        %add3A_824 = arith.addi %select_n3A_320, %add3A_823 : vector<16xi32>
        %gather3A_825 = tpu.vector_load_idx %arg7[%add3A_552, %add3A_824] : memref<200x128xf32, #tpu.memory_space<vmem>>[vector<16xi32>, vector<16xi32>], vector<16xf32>,
        %add3A_826 = vector.broadcast %add3A_749 : i32 to vector<16xi32>
        %add3A_827 = arith.addi %add3A_447, %add3A_826 : vector<16xi32>
        tpu.vector_store_idx %arg9[%add3A_827], %gather3A_825 : memref<25600xf32, #tpu.memory_space<vmem>>[vector<16xi32>], vector<16xf32>,
        %add3A_828 = arith.constant 32 : i32
        %add3A_829 = vector.broadcast %add3A_828 : i32 to vector<16xi32>
        %add3A_830 = arith.addi %select_n3A_345, %add3A_829 : vector<16xi32>
        %gather3A_831 = tpu.vector_load_idx %arg7[%add3A_552, %add3A_830] : memref<200x128xf32, #tpu.memory_space<vmem>>[vector<16xi32>, vector<16xi32>], vector<16xf32>,
        %add3A_832 = vector.broadcast %add3A_749 : i32 to vector<16xi32>
        %add3A_833 = arith.addi %add3A_451, %add3A_832 : vector<16xi32>
        tpu.vector_store_idx %arg9[%add3A_833], %gather3A_831 : memref<25600xf32, #tpu.memory_space<vmem>>[vector<16xi32>], vector<16xf32>,
        %add3A_834 = arith.constant 32 : i32
        %add3A_835 = vector.broadcast %add3A_834 : i32 to vector<16xi32>
        %add3A_836 = arith.addi %select_n3A_370, %add3A_835 : vector<16xi32>
        %gather3A_837 = tpu.vector_load_idx %arg7[%add3A_552, %add3A_836] : memref<200x128xf32, #tpu.memory_space<vmem>>[vector<16xi32>, vector<16xi32>], vector<16xf32>,
        %add3A_838 = vector.broadcast %add3A_749 : i32 to vector<16xi32>
        %add3A_839 = arith.addi %add3A_455, %add3A_838 : vector<16xi32>
        tpu.vector_store_idx %arg9[%add3A_839], %gather3A_837 : memref<25600xf32, #tpu.memory_space<vmem>>[vector<16xi32>], vector<16xf32>,
        %add3A_840 = arith.constant 32 : i32
        %add3A_841 = vector.broadcast %add3A_840 : i32 to vector<16xi32>
        %add3A_842 = arith.addi %select_n3A_395, %add3A_841 : vector<16xi32>
        %gather3A_843 = tpu.vector_load_idx %arg7[%add3A_552, %add3A_842] : memref<200x128xf32, #tpu.memory_space<vmem>>[vector<16xi32>, vector<16xi32>], vector<16xf32>,
        %add3A_844 = vector.broadcast %add3A_749 : i32 to vector<16xi32>
        %add3A_845 = arith.addi %add3A_459, %add3A_844 : vector<16xi32>
        tpu.vector_store_idx %arg9[%add3A_845], %gather3A_843 : memref<25600xf32, #tpu.memory_space<vmem>>[vector<16xi32>], vector<16xf32>,
        %add3A_846 = arith.constant 9600 : i32
        %add3A_847 = arith.addi %add3A_846, %min3A_550 : i32
        %add3A_848 = arith.constant 48 : i32
        %add3A_849 = vector.broadcast %add3A_848 : i32 to vector<16xi32>
        %add3A_850 = arith.addi %select_n3A_20, %add3A_849 : vector<16xi32>
        %gather3A_851 = tpu.vector_load_idx %arg7[%add3A_552, %add3A_850] : memref<200x128xf32, #tpu.memory_space<vmem>>[vector<16xi32>, vector<16xi32>], vector<16xf32>,
        %add3A_852 = vector.broadcast %add3A_847 : i32 to vector<16xi32>
        %add3A_853 = arith.addi %add3A_399, %add3A_852 : vector<16xi32>
        tpu.vector_store_idx %arg9[%add3A_853], %gather3A_851 : memref<25600xf32, #tpu.memory_space<vmem>>[vector<16xi32>], vector<16xf32>,
        %add3A_854 = arith.constant 48 : i32
        %add3A_855 = vector.broadcast %add3A_854 : i32 to vector<16xi32>
        %add3A_856 = arith.addi %select_n3A_45, %add3A_855 : vector<16xi32>
        %gather3A_857 = tpu.vector_load_idx %arg7[%add3A_552, %add3A_856] : memref<200x128xf32, #tpu.memory_space<vmem>>[vector<16xi32>, vector<16xi32>], vector<16xf32>,
        %add3A_858 = vector.broadcast %add3A_847 : i32 to vector<16xi32>
        %add3A_859 = arith.addi %add3A_403, %add3A_858 : vector<16xi32>
        tpu.vector_store_idx %arg9[%add3A_859], %gather3A_857 : memref<25600xf32, #tpu.memory_space<vmem>>[vector<16xi32>], vector<16xf32>,
        %add3A_860 = arith.constant 48 : i32
        %add3A_861 = vector.broadcast %add3A_860 : i32 to vector<16xi32>
        %add3A_862 = arith.addi %select_n3A_70, %add3A_861 : vector<16xi32>
        %gather3A_863 = tpu.vector_load_idx %arg7[%add3A_552, %add3A_862] : memref<200x128xf32, #tpu.memory_space<vmem>>[vector<16xi32>, vector<16xi32>], vector<16xf32>,
        %add3A_864 = vector.broadcast %add3A_847 : i32 to vector<16xi32>
        %add3A_865 = arith.addi %add3A_407, %add3A_864 : vector<16xi32>
        tpu.vector_store_idx %arg9[%add3A_865], %gather3A_863 : memref<25600xf32, #tpu.memory_space<vmem>>[vector<16xi32>], vector<16xf32>,
        %add3A_866 = arith.constant 48 : i32
        %add3A_867 = vector.broadcast %add3A_866 : i32 to vector<16xi32>
        %add3A_868 = arith.addi %select_n3A_95, %add3A_867 : vector<16xi32>
        %gather3A_869 = tpu.vector_load_idx %arg7[%add3A_552, %add3A_868] : memref<200x128xf32, #tpu.memory_space<vmem>>[vector<16xi32>, vector<16xi32>], vector<16xf32>,
        %add3A_870 = vector.broadcast %add3A_847 : i32 to vector<16xi32>
        %add3A_871 = arith.addi %add3A_411, %add3A_870 : vector<16xi32>
        tpu.vector_store_idx %arg9[%add3A_871], %gather3A_869 : memref<25600xf32, #tpu.memory_space<vmem>>[vector<16xi32>], vector<16xf32>,
        %add3A_872 = arith.constant 48 : i32
        %add3A_873 = vector.broadcast %add3A_872 : i32 to vector<16xi32>
        %add3A_874 = arith.addi %select_n3A_120, %add3A_873 : vector<16xi32>
        %gather3A_875 = tpu.vector_load_idx %arg7[%add3A_552, %add3A_874] : memref<200x128xf32, #tpu.memory_space<vmem>>[vector<16xi32>, vector<16xi32>], vector<16xf32>,
        %add3A_876 = vector.broadcast %add3A_847 : i32 to vector<16xi32>
        %add3A_877 = arith.addi %add3A_415, %add3A_876 : vector<16xi32>
        tpu.vector_store_idx %arg9[%add3A_877], %gather3A_875 : memref<25600xf32, #tpu.memory_space<vmem>>[vector<16xi32>], vector<16xf32>,
        %add3A_878 = arith.constant 48 : i32
        %add3A_879 = vector.broadcast %add3A_878 : i32 to vector<16xi32>
        %add3A_880 = arith.addi %select_n3A_145, %add3A_879 : vector<16xi32>
        %gather3A_881 = tpu.vector_load_idx %arg7[%add3A_552, %add3A_880] : memref<200x128xf32, #tpu.memory_space<vmem>>[vector<16xi32>, vector<16xi32>], vector<16xf32>,
        %add3A_882 = vector.broadcast %add3A_847 : i32 to vector<16xi32>
        %add3A_883 = arith.addi %add3A_419, %add3A_882 : vector<16xi32>
        tpu.vector_store_idx %arg9[%add3A_883], %gather3A_881 : memref<25600xf32, #tpu.memory_space<vmem>>[vector<16xi32>], vector<16xf32>,
        %add3A_884 = arith.constant 48 : i32
        %add3A_885 = vector.broadcast %add3A_884 : i32 to vector<16xi32>
        %add3A_886 = arith.addi %select_n3A_170, %add3A_885 : vector<16xi32>
        %gather3A_887 = tpu.vector_load_idx %arg7[%add3A_552, %add3A_886] : memref<200x128xf32, #tpu.memory_space<vmem>>[vector<16xi32>, vector<16xi32>], vector<16xf32>,
        %add3A_888 = vector.broadcast %add3A_847 : i32 to vector<16xi32>
        %add3A_889 = arith.addi %add3A_423, %add3A_888 : vector<16xi32>
        tpu.vector_store_idx %arg9[%add3A_889], %gather3A_887 : memref<25600xf32, #tpu.memory_space<vmem>>[vector<16xi32>], vector<16xf32>,
        %add3A_890 = arith.constant 48 : i32
        %add3A_891 = vector.broadcast %add3A_890 : i32 to vector<16xi32>
        %add3A_892 = arith.addi %select_n3A_195, %add3A_891 : vector<16xi32>
        %gather3A_893 = tpu.vector_load_idx %arg7[%add3A_552, %add3A_892] : memref<200x128xf32, #tpu.memory_space<vmem>>[vector<16xi32>, vector<16xi32>], vector<16xf32>,
        %add3A_894 = vector.broadcast %add3A_847 : i32 to vector<16xi32>
        %add3A_895 = arith.addi %add3A_427, %add3A_894 : vector<16xi32>
        tpu.vector_store_idx %arg9[%add3A_895], %gather3A_893 : memref<25600xf32, #tpu.memory_space<vmem>>[vector<16xi32>], vector<16xf32>,
        %add3A_896 = arith.constant 48 : i32
        %add3A_897 = vector.broadcast %add3A_896 : i32 to vector<16xi32>
        %add3A_898 = arith.addi %select_n3A_220, %add3A_897 : vector<16xi32>
        %gather3A_899 = tpu.vector_load_idx %arg7[%add3A_552, %add3A_898] : memref<200x128xf32, #tpu.memory_space<vmem>>[vector<16xi32>, vector<16xi32>], vector<16xf32>,
        %add3A_900 = vector.broadcast %add3A_847 : i32 to vector<16xi32>
        %add3A_901 = arith.addi %add3A_431, %add3A_900 : vector<16xi32>
        tpu.vector_store_idx %arg9[%add3A_901], %gather3A_899 : memref<25600xf32, #tpu.memory_space<vmem>>[vector<16xi32>], vector<16xf32>,
        %add3A_902 = arith.constant 48 : i32
        %add3A_903 = vector.broadcast %add3A_902 : i32 to vector<16xi32>
        %add3A_904 = arith.addi %select_n3A_245, %add3A_903 : vector<16xi32>
        %gather3A_905 = tpu.vector_load_idx %arg7[%add3A_552, %add3A_904] : memref<200x128xf32, #tpu.memory_space<vmem>>[vector<16xi32>, vector<16xi32>], vector<16xf32>,
        %add3A_906 = vector.broadcast %add3A_847 : i32 to vector<16xi32>
        %add3A_907 = arith.addi %add3A_435, %add3A_906 : vector<16xi32>
        tpu.vector_store_idx %arg9[%add3A_907], %gather3A_905 : memref<25600xf32, #tpu.memory_space<vmem>>[vector<16xi32>], vector<16xf32>,
        %add3A_908 = arith.constant 48 : i32
        %add3A_909 = vector.broadcast %add3A_908 : i32 to vector<16xi32>
        %add3A_910 = arith.addi %select_n3A_270, %add3A_909 : vector<16xi32>
        %gather3A_911 = tpu.vector_load_idx %arg7[%add3A_552, %add3A_910] : memref<200x128xf32, #tpu.memory_space<vmem>>[vector<16xi32>, vector<16xi32>], vector<16xf32>,
        %add3A_912 = vector.broadcast %add3A_847 : i32 to vector<16xi32>
        %add3A_913 = arith.addi %add3A_439, %add3A_912 : vector<16xi32>
        tpu.vector_store_idx %arg9[%add3A_913], %gather3A_911 : memref<25600xf32, #tpu.memory_space<vmem>>[vector<16xi32>], vector<16xf32>,
        %add3A_914 = arith.constant 48 : i32
        %add3A_915 = vector.broadcast %add3A_914 : i32 to vector<16xi32>
        %add3A_916 = arith.addi %select_n3A_295, %add3A_915 : vector<16xi32>
        %gather3A_917 = tpu.vector_load_idx %arg7[%add3A_552, %add3A_916] : memref<200x128xf32, #tpu.memory_space<vmem>>[vector<16xi32>, vector<16xi32>], vector<16xf32>,
        %add3A_918 = vector.broadcast %add3A_847 : i32 to vector<16xi32>
        %add3A_919 = arith.addi %add3A_443, %add3A_918 : vector<16xi32>
        tpu.vector_store_idx %arg9[%add3A_919], %gather3A_917 : memref<25600xf32, #tpu.memory_space<vmem>>[vector<16xi32>], vector<16xf32>,
        %add3A_920 = arith.constant 48 : i32
        %add3A_921 = vector.broadcast %add3A_920 : i32 to vector<16xi32>
        %add3A_922 = arith.addi %select_n3A_320, %add3A_921 : vector<16xi32>
        %gather3A_923 = tpu.vector_load_idx %arg7[%add3A_552, %add3A_922] : memref<200x128xf32, #tpu.memory_space<vmem>>[vector<16xi32>, vector<16xi32>], vector<16xf32>,
        %add3A_924 = vector.broadcast %add3A_847 : i32 to vector<16xi32>
        %add3A_925 = arith.addi %add3A_447, %add3A_924 : vector<16xi32>
        tpu.vector_store_idx %arg9[%add3A_925], %gather3A_923 : memref<25600xf32, #tpu.memory_space<vmem>>[vector<16xi32>], vector<16xf32>,
        %add3A_926 = arith.constant 48 : i32
        %add3A_927 = vector.broadcast %add3A_926 : i32 to vector<16xi32>
        %add3A_928 = arith.addi %select_n3A_345, %add3A_927 : vector<16xi32>
        %gather3A_929 = tpu.vector_load_idx %arg7[%add3A_552, %add3A_928] : memref<200x128xf32, #tpu.memory_space<vmem>>[vector<16xi32>, vector<16xi32>], vector<16xf32>,
        %add3A_930 = vector.broadcast %add3A_847 : i32 to vector<16xi32>
        %add3A_931 = arith.addi %add3A_451, %add3A_930 : vector<16xi32>
        tpu.vector_store_idx %arg9[%add3A_931], %gather3A_929 : memref<25600xf32, #tpu.memory_space<vmem>>[vector<16xi32>], vector<16xf32>,
        %add3A_932 = arith.constant 48 : i32
        %add3A_933 = vector.broadcast %add3A_932 : i32 to vector<16xi32>
        %add3A_934 = arith.addi %select_n3A_370, %add3A_933 : vector<16xi32>
        %gather3A_935 = tpu.vector_load_idx %arg7[%add3A_552, %add3A_934] : memref<200x128xf32, #tpu.memory_space<vmem>>[vector<16xi32>, vector<16xi32>], vector<16xf32>,
        %add3A_936 = vector.broadcast %add3A_847 : i32 to vector<16xi32>
        %add3A_937 = arith.addi %add3A_455, %add3A_936 : vector<16xi32>
        tpu.vector_store_idx %arg9[%add3A_937], %gather3A_935 : memref<25600xf32, #tpu.memory_space<vmem>>[vector<16xi32>], vector<16xf32>,
        %add3A_938 = arith.constant 48 : i32
        %add3A_939 = vector.broadcast %add3A_938 : i32 to vector<16xi32>
        %add3A_940 = arith.addi %select_n3A_395, %add3A_939 : vector<16xi32>
        %gather3A_941 = tpu.vector_load_idx %arg7[%add3A_552, %add3A_940] : memref<200x128xf32, #tpu.memory_space<vmem>>[vector<16xi32>, vector<16xi32>], vector<16xf32>,
        %add3A_942 = vector.broadcast %add3A_847 : i32 to vector<16xi32>
        %add3A_943 = arith.addi %add3A_459, %add3A_942 : vector<16xi32>
        tpu.vector_store_idx %arg9[%add3A_943], %gather3A_941 : memref<25600xf32, #tpu.memory_space<vmem>>[vector<16xi32>], vector<16xf32>,
        %add3A_944 = arith.constant 12800 : i32
        %add3A_945 = arith.addi %add3A_944, %min3A_550 : i32
        %add3A_946 = arith.constant 64 : i32
        %add3A_947 = vector.broadcast %add3A_946 : i32 to vector<16xi32>
        %add3A_948 = arith.addi %select_n3A_20, %add3A_947 : vector<16xi32>
        %gather3A_949 = tpu.vector_load_idx %arg7[%add3A_552, %add3A_948] : memref<200x128xf32, #tpu.memory_space<vmem>>[vector<16xi32>, vector<16xi32>], vector<16xf32>,
        %add3A_950 = vector.broadcast %add3A_945 : i32 to vector<16xi32>
        %add3A_951 = arith.addi %add3A_399, %add3A_950 : vector<16xi32>
        tpu.vector_store_idx %arg9[%add3A_951], %gather3A_949 : memref<25600xf32, #tpu.memory_space<vmem>>[vector<16xi32>], vector<16xf32>,
        %add3A_952 = arith.constant 64 : i32
        %add3A_953 = vector.broadcast %add3A_952 : i32 to vector<16xi32>
        %add3A_954 = arith.addi %select_n3A_45, %add3A_953 : vector<16xi32>
        %gather3A_955 = tpu.vector_load_idx %arg7[%add3A_552, %add3A_954] : memref<200x128xf32, #tpu.memory_space<vmem>>[vector<16xi32>, vector<16xi32>], vector<16xf32>,
        %add3A_956 = vector.broadcast %add3A_945 : i32 to vector<16xi32>
        %add3A_957 = arith.addi %add3A_403, %add3A_956 : vector<16xi32>
        tpu.vector_store_idx %arg9[%add3A_957], %gather3A_955 : memref<25600xf32, #tpu.memory_space<vmem>>[vector<16xi32>], vector<16xf32>,
        %add3A_958 = arith.constant 64 : i32
        %add3A_959 = vector.broadcast %add3A_958 : i32 to vector<16xi32>
        %add3A_960 = arith.addi %select_n3A_70, %add3A_959 : vector<16xi32>
        %gather3A_961 = tpu.vector_load_idx %arg7[%add3A_552, %add3A_960] : memref<200x128xf32, #tpu.memory_space<vmem>>[vector<16xi32>, vector<16xi32>], vector<16xf32>,
        %add3A_962 = vector.broadcast %add3A_945 : i32 to vector<16xi32>
        %add3A_963 = arith.addi %add3A_407, %add3A_962 : vector<16xi32>
        tpu.vector_store_idx %arg9[%add3A_963], %gather3A_961 : memref<25600xf32, #tpu.memory_space<vmem>>[vector<16xi32>], vector<16xf32>,
        %add3A_964 = arith.constant 64 : i32
        %add3A_965 = vector.broadcast %add3A_964 : i32 to vector<16xi32>
        %add3A_966 = arith.addi %select_n3A_95, %add3A_965 : vector<16xi32>
        %gather3A_967 = tpu.vector_load_idx %arg7[%add3A_552, %add3A_966] : memref<200x128xf32, #tpu.memory_space<vmem>>[vector<16xi32>, vector<16xi32>], vector<16xf32>,
        %add3A_968 = vector.broadcast %add3A_945 : i32 to vector<16xi32>
        %add3A_969 = arith.addi %add3A_411, %add3A_968 : vector<16xi32>
        tpu.vector_store_idx %arg9[%add3A_969], %gather3A_967 : memref<25600xf32, #tpu.memory_space<vmem>>[vector<16xi32>], vector<16xf32>,
        %add3A_970 = arith.constant 64 : i32
        %add3A_971 = vector.broadcast %add3A_970 : i32 to vector<16xi32>
        %add3A_972 = arith.addi %select_n3A_120, %add3A_971 : vector<16xi32>
        %gather3A_973 = tpu.vector_load_idx %arg7[%add3A_552, %add3A_972] : memref<200x128xf32, #tpu.memory_space<vmem>>[vector<16xi32>, vector<16xi32>], vector<16xf32>,
        %add3A_974 = vector.broadcast %add3A_945 : i32 to vector<16xi32>
        %add3A_975 = arith.addi %add3A_415, %add3A_974 : vector<16xi32>
        tpu.vector_store_idx %arg9[%add3A_975], %gather3A_973 : memref<25600xf32, #tpu.memory_space<vmem>>[vector<16xi32>], vector<16xf32>,
        %add3A_976 = arith.constant 64 : i32
        %add3A_977 = vector.broadcast %add3A_976 : i32 to vector<16xi32>
        %add3A_978 = arith.addi %select_n3A_145, %add3A_977 : vector<16xi32>
        %gather3A_979 = tpu.vector_load_idx %arg7[%add3A_552, %add3A_978] : memref<200x128xf32, #tpu.memory_space<vmem>>[vector<16xi32>, vector<16xi32>], vector<16xf32>,
        %add3A_980 = vector.broadcast %add3A_945 : i32 to vector<16xi32>
        %add3A_981 = arith.addi %add3A_419, %add3A_980 : vector<16xi32>
        tpu.vector_store_idx %arg9[%add3A_981], %gather3A_979 : memref<25600xf32, #tpu.memory_space<vmem>>[vector<16xi32>], vector<16xf32>,
        %add3A_982 = arith.constant 64 : i32
        %add3A_983 = vector.broadcast %add3A_982 : i32 to vector<16xi32>
        %add3A_984 = arith.addi %select_n3A_170, %add3A_983 : vector<16xi32>
        %gather3A_985 = tpu.vector_load_idx %arg7[%add3A_552, %add3A_984] : memref<200x128xf32, #tpu.memory_space<vmem>>[vector<16xi32>, vector<16xi32>], vector<16xf32>,
        %add3A_986 = vector.broadcast %add3A_945 : i32 to vector<16xi32>
        %add3A_987 = arith.addi %add3A_423, %add3A_986 : vector<16xi32>
        tpu.vector_store_idx %arg9[%add3A_987], %gather3A_985 : memref<25600xf32, #tpu.memory_space<vmem>>[vector<16xi32>], vector<16xf32>,
        %add3A_988 = arith.constant 64 : i32
        %add3A_989 = vector.broadcast %add3A_988 : i32 to vector<16xi32>
        %add3A_990 = arith.addi %select_n3A_195, %add3A_989 : vector<16xi32>
        %gather3A_991 = tpu.vector_load_idx %arg7[%add3A_552, %add3A_990] : memref<200x128xf32, #tpu.memory_space<vmem>>[vector<16xi32>, vector<16xi32>], vector<16xf32>,
        %add3A_992 = vector.broadcast %add3A_945 : i32 to vector<16xi32>
        %add3A_993 = arith.addi %add3A_427, %add3A_992 : vector<16xi32>
        tpu.vector_store_idx %arg9[%add3A_993], %gather3A_991 : memref<25600xf32, #tpu.memory_space<vmem>>[vector<16xi32>], vector<16xf32>,
        %add3A_994 = arith.constant 64 : i32
        %add3A_995 = vector.broadcast %add3A_994 : i32 to vector<16xi32>
        %add3A_996 = arith.addi %select_n3A_220, %add3A_995 : vector<16xi32>
        %gather3A_997 = tpu.vector_load_idx %arg7[%add3A_552, %add3A_996] : memref<200x128xf32, #tpu.memory_space<vmem>>[vector<16xi32>, vector<16xi32>], vector<16xf32>,
        %add3A_998 = vector.broadcast %add3A_945 : i32 to vector<16xi32>
        %add3A_999 = arith.addi %add3A_431, %add3A_998 : vector<16xi32>
        tpu.vector_store_idx %arg9[%add3A_999], %gather3A_997 : memref<25600xf32, #tpu.memory_space<vmem>>[vector<16xi32>], vector<16xf32>,
        %add3A_1000 = arith.constant 64 : i32
        %add3A_1001 = vector.broadcast %add3A_1000 : i32 to vector<16xi32>
        %add3A_1002 = arith.addi %select_n3A_245, %add3A_1001 : vector<16xi32>
        %gather3A_1003 = tpu.vector_load_idx %arg7[%add3A_552, %add3A_1002] : memref<200x128xf32, #tpu.memory_space<vmem>>[vector<16xi32>, vector<16xi32>], vector<16xf32>,
        %add3A_1004 = vector.broadcast %add3A_945 : i32 to vector<16xi32>
        %add3A_1005 = arith.addi %add3A_435, %add3A_1004 : vector<16xi32>
        tpu.vector_store_idx %arg9[%add3A_1005], %gather3A_1003 : memref<25600xf32, #tpu.memory_space<vmem>>[vector<16xi32>], vector<16xf32>,
        %add3A_1006 = arith.constant 64 : i32
        %add3A_1007 = vector.broadcast %add3A_1006 : i32 to vector<16xi32>
        %add3A_1008 = arith.addi %select_n3A_270, %add3A_1007 : vector<16xi32>
        %gather3A_1009 = tpu.vector_load_idx %arg7[%add3A_552, %add3A_1008] : memref<200x128xf32, #tpu.memory_space<vmem>>[vector<16xi32>, vector<16xi32>], vector<16xf32>,
        %add3A_1010 = vector.broadcast %add3A_945 : i32 to vector<16xi32>
        %add3A_1011 = arith.addi %add3A_439, %add3A_1010 : vector<16xi32>
        tpu.vector_store_idx %arg9[%add3A_1011], %gather3A_1009 : memref<25600xf32, #tpu.memory_space<vmem>>[vector<16xi32>], vector<16xf32>,
        %add3A_1012 = arith.constant 64 : i32
        %add3A_1013 = vector.broadcast %add3A_1012 : i32 to vector<16xi32>
        %add3A_1014 = arith.addi %select_n3A_295, %add3A_1013 : vector<16xi32>
        %gather3A_1015 = tpu.vector_load_idx %arg7[%add3A_552, %add3A_1014] : memref<200x128xf32, #tpu.memory_space<vmem>>[vector<16xi32>, vector<16xi32>], vector<16xf32>,
        %add3A_1016 = vector.broadcast %add3A_945 : i32 to vector<16xi32>
        %add3A_1017 = arith.addi %add3A_443, %add3A_1016 : vector<16xi32>
        tpu.vector_store_idx %arg9[%add3A_1017], %gather3A_1015 : memref<25600xf32, #tpu.memory_space<vmem>>[vector<16xi32>], vector<16xf32>,
        %add3A_1018 = arith.constant 64 : i32
        %add3A_1019 = vector.broadcast %add3A_1018 : i32 to vector<16xi32>
        %add3A_1020 = arith.addi %select_n3A_320, %add3A_1019 : vector<16xi32>
        %gather3A_1021 = tpu.vector_load_idx %arg7[%add3A_552, %add3A_1020] : memref<200x128xf32, #tpu.memory_space<vmem>>[vector<16xi32>, vector<16xi32>], vector<16xf32>,
        %add3A_1022 = vector.broadcast %add3A_945 : i32 to vector<16xi32>
        %add3A_1023 = arith.addi %add3A_447, %add3A_1022 : vector<16xi32>
        tpu.vector_store_idx %arg9[%add3A_1023], %gather3A_1021 : memref<25600xf32, #tpu.memory_space<vmem>>[vector<16xi32>], vector<16xf32>,
        %add3A_1024 = arith.constant 64 : i32
        %add3A_1025 = vector.broadcast %add3A_1024 : i32 to vector<16xi32>
        %add3A_1026 = arith.addi %select_n3A_345, %add3A_1025 : vector<16xi32>
        %gather3A_1027 = tpu.vector_load_idx %arg7[%add3A_552, %add3A_1026] : memref<200x128xf32, #tpu.memory_space<vmem>>[vector<16xi32>, vector<16xi32>], vector<16xf32>,
        %add3A_1028 = vector.broadcast %add3A_945 : i32 to vector<16xi32>
        %add3A_1029 = arith.addi %add3A_451, %add3A_1028 : vector<16xi32>
        tpu.vector_store_idx %arg9[%add3A_1029], %gather3A_1027 : memref<25600xf32, #tpu.memory_space<vmem>>[vector<16xi32>], vector<16xf32>,
        %add3A_1030 = arith.constant 64 : i32
        %add3A_1031 = vector.broadcast %add3A_1030 : i32 to vector<16xi32>
        %add3A_1032 = arith.addi %select_n3A_370, %add3A_1031 : vector<16xi32>
        %gather3A_1033 = tpu.vector_load_idx %arg7[%add3A_552, %add3A_1032] : memref<200x128xf32, #tpu.memory_space<vmem>>[vector<16xi32>, vector<16xi32>], vector<16xf32>,
        %add3A_1034 = vector.broadcast %add3A_945 : i32 to vector<16xi32>
        %add3A_1035 = arith.addi %add3A_455, %add3A_1034 : vector<16xi32>
        tpu.vector_store_idx %arg9[%add3A_1035], %gather3A_1033 : memref<25600xf32, #tpu.memory_space<vmem>>[vector<16xi32>], vector<16xf32>,
        %add3A_1036 = arith.constant 64 : i32
        %add3A_1037 = vector.broadcast %add3A_1036 : i32 to vector<16xi32>
        %add3A_1038 = arith.addi %select_n3A_395, %add3A_1037 : vector<16xi32>
        %gather3A_1039 = tpu.vector_load_idx %arg7[%add3A_552, %add3A_1038] : memref<200x128xf32, #tpu.memory_space<vmem>>[vector<16xi32>, vector<16xi32>], vector<16xf32>,
        %add3A_1040 = vector.broadcast %add3A_945 : i32 to vector<16xi32>
        %add3A_1041 = arith.addi %add3A_459, %add3A_1040 : vector<16xi32>
        tpu.vector_store_idx %arg9[%add3A_1041], %gather3A_1039 : memref<25600xf32, #tpu.memory_space<vmem>>[vector<16xi32>], vector<16xf32>,
        %add3A_1042 = arith.constant 16000 : i32
        %add3A_1043 = arith.addi %add3A_1042, %min3A_550 : i32
        %add3A_1044 = arith.constant 80 : i32
        %add3A_1045 = vector.broadcast %add3A_1044 : i32 to vector<16xi32>
        %add3A_1046 = arith.addi %select_n3A_20, %add3A_1045 : vector<16xi32>
        %gather3A_1047 = tpu.vector_load_idx %arg7[%add3A_552, %add3A_1046] : memref<200x128xf32, #tpu.memory_space<vmem>>[vector<16xi32>, vector<16xi32>], vector<16xf32>,
        %add3A_1048 = vector.broadcast %add3A_1043 : i32 to vector<16xi32>
        %add3A_1049 = arith.addi %add3A_399, %add3A_1048 : vector<16xi32>
        tpu.vector_store_idx %arg9[%add3A_1049], %gather3A_1047 : memref<25600xf32, #tpu.memory_space<vmem>>[vector<16xi32>], vector<16xf32>,
        %add3A_1050 = arith.constant 80 : i32
        %add3A_1051 = vector.broadcast %add3A_1050 : i32 to vector<16xi32>
        %add3A_1052 = arith.addi %select_n3A_45, %add3A_1051 : vector<16xi32>
        %gather3A_1053 = tpu.vector_load_idx %arg7[%add3A_552, %add3A_1052] : memref<200x128xf32, #tpu.memory_space<vmem>>[vector<16xi32>, vector<16xi32>], vector<16xf32>,
        %add3A_1054 = vector.broadcast %add3A_1043 : i32 to vector<16xi32>
        %add3A_1055 = arith.addi %add3A_403, %add3A_1054 : vector<16xi32>
        tpu.vector_store_idx %arg9[%add3A_1055], %gather3A_1053 : memref<25600xf32, #tpu.memory_space<vmem>>[vector<16xi32>], vector<16xf32>,
        %add3A_1056 = arith.constant 80 : i32
        %add3A_1057 = vector.broadcast %add3A_1056 : i32 to vector<16xi32>
        %add3A_1058 = arith.addi %select_n3A_70, %add3A_1057 : vector<16xi32>
        %gather3A_1059 = tpu.vector_load_idx %arg7[%add3A_552, %add3A_1058] : memref<200x128xf32, #tpu.memory_space<vmem>>[vector<16xi32>, vector<16xi32>], vector<16xf32>,
        %add3A_1060 = vector.broadcast %add3A_1043 : i32 to vector<16xi32>
        %add3A_1061 = arith.addi %add3A_407, %add3A_1060 : vector<16xi32>
        tpu.vector_store_idx %arg9[%add3A_1061], %gather3A_1059 : memref<25600xf32, #tpu.memory_space<vmem>>[vector<16xi32>], vector<16xf32>,
        %add3A_1062 = arith.constant 80 : i32
        %add3A_1063 = vector.broadcast %add3A_1062 : i32 to vector<16xi32>
        %add3A_1064 = arith.addi %select_n3A_95, %add3A_1063 : vector<16xi32>
        %gather3A_1065 = tpu.vector_load_idx %arg7[%add3A_552, %add3A_1064] : memref<200x128xf32, #tpu.memory_space<vmem>>[vector<16xi32>, vector<16xi32>], vector<16xf32>,
        %add3A_1066 = vector.broadcast %add3A_1043 : i32 to vector<16xi32>
        %add3A_1067 = arith.addi %add3A_411, %add3A_1066 : vector<16xi32>
        tpu.vector_store_idx %arg9[%add3A_1067], %gather3A_1065 : memref<25600xf32, #tpu.memory_space<vmem>>[vector<16xi32>], vector<16xf32>,
        %add3A_1068 = arith.constant 80 : i32
        %add3A_1069 = vector.broadcast %add3A_1068 : i32 to vector<16xi32>
        %add3A_1070 = arith.addi %select_n3A_120, %add3A_1069 : vector<16xi32>
        %gather3A_1071 = tpu.vector_load_idx %arg7[%add3A_552, %add3A_1070] : memref<200x128xf32, #tpu.memory_space<vmem>>[vector<16xi32>, vector<16xi32>], vector<16xf32>,
        %add3A_1072 = vector.broadcast %add3A_1043 : i32 to vector<16xi32>
        %add3A_1073 = arith.addi %add3A_415, %add3A_1072 : vector<16xi32>
        tpu.vector_store_idx %arg9[%add3A_1073], %gather3A_1071 : memref<25600xf32, #tpu.memory_space<vmem>>[vector<16xi32>], vector<16xf32>,
        %add3A_1074 = arith.constant 80 : i32
        %add3A_1075 = vector.broadcast %add3A_1074 : i32 to vector<16xi32>
        %add3A_1076 = arith.addi %select_n3A_145, %add3A_1075 : vector<16xi32>
        %gather3A_1077 = tpu.vector_load_idx %arg7[%add3A_552, %add3A_1076] : memref<200x128xf32, #tpu.memory_space<vmem>>[vector<16xi32>, vector<16xi32>], vector<16xf32>,
        %add3A_1078 = vector.broadcast %add3A_1043 : i32 to vector<16xi32>
        %add3A_1079 = arith.addi %add3A_419, %add3A_1078 : vector<16xi32>
        tpu.vector_store_idx %arg9[%add3A_1079], %gather3A_1077 : memref<25600xf32, #tpu.memory_space<vmem>>[vector<16xi32>], vector<16xf32>,
        %add3A_1080 = arith.constant 80 : i32
        %add3A_1081 = vector.broadcast %add3A_1080 : i32 to vector<16xi32>
        %add3A_1082 = arith.addi %select_n3A_170, %add3A_1081 : vector<16xi32>
        %gather3A_1083 = tpu.vector_load_idx %arg7[%add3A_552, %add3A_1082] : memref<200x128xf32, #tpu.memory_space<vmem>>[vector<16xi32>, vector<16xi32>], vector<16xf32>,
        %add3A_1084 = vector.broadcast %add3A_1043 : i32 to vector<16xi32>
        %add3A_1085 = arith.addi %add3A_423, %add3A_1084 : vector<16xi32>
        tpu.vector_store_idx %arg9[%add3A_1085], %gather3A_1083 : memref<25600xf32, #tpu.memory_space<vmem>>[vector<16xi32>], vector<16xf32>,
        %add3A_1086 = arith.constant 80 : i32
        %add3A_1087 = vector.broadcast %add3A_1086 : i32 to vector<16xi32>
        %add3A_1088 = arith.addi %select_n3A_195, %add3A_1087 : vector<16xi32>
        %gather3A_1089 = tpu.vector_load_idx %arg7[%add3A_552, %add3A_1088] : memref<200x128xf32, #tpu.memory_space<vmem>>[vector<16xi32>, vector<16xi32>], vector<16xf32>,
        %add3A_1090 = vector.broadcast %add3A_1043 : i32 to vector<16xi32>
        %add3A_1091 = arith.addi %add3A_427, %add3A_1090 : vector<16xi32>
        tpu.vector_store_idx %arg9[%add3A_1091], %gather3A_1089 : memref<25600xf32, #tpu.memory_space<vmem>>[vector<16xi32>], vector<16xf32>,
        %add3A_1092 = arith.constant 80 : i32
        %add3A_1093 = vector.broadcast %add3A_1092 : i32 to vector<16xi32>
        %add3A_1094 = arith.addi %select_n3A_220, %add3A_1093 : vector<16xi32>
        %gather3A_1095 = tpu.vector_load_idx %arg7[%add3A_552, %add3A_1094] : memref<200x128xf32, #tpu.memory_space<vmem>>[vector<16xi32>, vector<16xi32>], vector<16xf32>,
        %add3A_1096 = vector.broadcast %add3A_1043 : i32 to vector<16xi32>
        %add3A_1097 = arith.addi %add3A_431, %add3A_1096 : vector<16xi32>
        tpu.vector_store_idx %arg9[%add3A_1097], %gather3A_1095 : memref<25600xf32, #tpu.memory_space<vmem>>[vector<16xi32>], vector<16xf32>,
        %add3A_1098 = arith.constant 80 : i32
        %add3A_1099 = vector.broadcast %add3A_1098 : i32 to vector<16xi32>
        %add3A_1100 = arith.addi %select_n3A_245, %add3A_1099 : vector<16xi32>
        %gather3A_1101 = tpu.vector_load_idx %arg7[%add3A_552, %add3A_1100] : memref<200x128xf32, #tpu.memory_space<vmem>>[vector<16xi32>, vector<16xi32>], vector<16xf32>,
        %add3A_1102 = vector.broadcast %add3A_1043 : i32 to vector<16xi32>
        %add3A_1103 = arith.addi %add3A_435, %add3A_1102 : vector<16xi32>
        tpu.vector_store_idx %arg9[%add3A_1103], %gather3A_1101 : memref<25600xf32, #tpu.memory_space<vmem>>[vector<16xi32>], vector<16xf32>,
        %add3A_1104 = arith.constant 80 : i32
        %add3A_1105 = vector.broadcast %add3A_1104 : i32 to vector<16xi32>
        %add3A_1106 = arith.addi %select_n3A_270, %add3A_1105 : vector<16xi32>
        %gather3A_1107 = tpu.vector_load_idx %arg7[%add3A_552, %add3A_1106] : memref<200x128xf32, #tpu.memory_space<vmem>>[vector<16xi32>, vector<16xi32>], vector<16xf32>,
        %add3A_1108 = vector.broadcast %add3A_1043 : i32 to vector<16xi32>
        %add3A_1109 = arith.addi %add3A_439, %add3A_1108 : vector<16xi32>
        tpu.vector_store_idx %arg9[%add3A_1109], %gather3A_1107 : memref<25600xf32, #tpu.memory_space<vmem>>[vector<16xi32>], vector<16xf32>,
        %add3A_1110 = arith.constant 80 : i32
        %add3A_1111 = vector.broadcast %add3A_1110 : i32 to vector<16xi32>
        %add3A_1112 = arith.addi %select_n3A_295, %add3A_1111 : vector<16xi32>
        %gather3A_1113 = tpu.vector_load_idx %arg7[%add3A_552, %add3A_1112] : memref<200x128xf32, #tpu.memory_space<vmem>>[vector<16xi32>, vector<16xi32>], vector<16xf32>,
        %add3A_1114 = vector.broadcast %add3A_1043 : i32 to vector<16xi32>
        %add3A_1115 = arith.addi %add3A_443, %add3A_1114 : vector<16xi32>
        tpu.vector_store_idx %arg9[%add3A_1115], %gather3A_1113 : memref<25600xf32, #tpu.memory_space<vmem>>[vector<16xi32>], vector<16xf32>,
        %add3A_1116 = arith.constant 80 : i32
        %add3A_1117 = vector.broadcast %add3A_1116 : i32 to vector<16xi32>
        %add3A_1118 = arith.addi %select_n3A_320, %add3A_1117 : vector<16xi32>
        %gather3A_1119 = tpu.vector_load_idx %arg7[%add3A_552, %add3A_1118] : memref<200x128xf32, #tpu.memory_space<vmem>>[vector<16xi32>, vector<16xi32>], vector<16xf32>,
        %add3A_1120 = vector.broadcast %add3A_1043 : i32 to vector<16xi32>
        %add3A_1121 = arith.addi %add3A_447, %add3A_1120 : vector<16xi32>
        tpu.vector_store_idx %arg9[%add3A_1121], %gather3A_1119 : memref<25600xf32, #tpu.memory_space<vmem>>[vector<16xi32>], vector<16xf32>,
        %add3A_1122 = arith.constant 80 : i32
        %add3A_1123 = vector.broadcast %add3A_1122 : i32 to vector<16xi32>
        %add3A_1124 = arith.addi %select_n3A_345, %add3A_1123 : vector<16xi32>
        %gather3A_1125 = tpu.vector_load_idx %arg7[%add3A_552, %add3A_1124] : memref<200x128xf32, #tpu.memory_space<vmem>>[vector<16xi32>, vector<16xi32>], vector<16xf32>,
        %add3A_1126 = vector.broadcast %add3A_1043 : i32 to vector<16xi32>
        %add3A_1127 = arith.addi %add3A_451, %add3A_1126 : vector<16xi32>
        tpu.vector_store_idx %arg9[%add3A_1127], %gather3A_1125 : memref<25600xf32, #tpu.memory_space<vmem>>[vector<16xi32>], vector<16xf32>,
        %add3A_1128 = arith.constant 80 : i32
        %add3A_1129 = vector.broadcast %add3A_1128 : i32 to vector<16xi32>
        %add3A_1130 = arith.addi %select_n3A_370, %add3A_1129 : vector<16xi32>
        %gather3A_1131 = tpu.vector_load_idx %arg7[%add3A_552, %add3A_1130] : memref<200x128xf32, #tpu.memory_space<vmem>>[vector<16xi32>, vector<16xi32>], vector<16xf32>,
        %add3A_1132 = vector.broadcast %add3A_1043 : i32 to vector<16xi32>
        %add3A_1133 = arith.addi %add3A_455, %add3A_1132 : vector<16xi32>
        tpu.vector_store_idx %arg9[%add3A_1133], %gather3A_1131 : memref<25600xf32, #tpu.memory_space<vmem>>[vector<16xi32>], vector<16xf32>,
        %add3A_1134 = arith.constant 80 : i32
        %add3A_1135 = vector.broadcast %add3A_1134 : i32 to vector<16xi32>
        %add3A_1136 = arith.addi %select_n3A_395, %add3A_1135 : vector<16xi32>
        %gather3A_1137 = tpu.vector_load_idx %arg7[%add3A_552, %add3A_1136] : memref<200x128xf32, #tpu.memory_space<vmem>>[vector<16xi32>, vector<16xi32>], vector<16xf32>,
        %add3A_1138 = vector.broadcast %add3A_1043 : i32 to vector<16xi32>
        %add3A_1139 = arith.addi %add3A_459, %add3A_1138 : vector<16xi32>
        tpu.vector_store_idx %arg9[%add3A_1139], %gather3A_1137 : memref<25600xf32, #tpu.memory_space<vmem>>[vector<16xi32>], vector<16xf32>,
        %add3A_1140 = arith.constant 19200 : i32
        %add3A_1141 = arith.addi %add3A_1140, %min3A_550 : i32
        %add3A_1142 = arith.constant 96 : i32
        %add3A_1143 = vector.broadcast %add3A_1142 : i32 to vector<16xi32>
        %add3A_1144 = arith.addi %select_n3A_20, %add3A_1143 : vector<16xi32>
        %gather3A_1145 = tpu.vector_load_idx %arg7[%add3A_552, %add3A_1144] : memref<200x128xf32, #tpu.memory_space<vmem>>[vector<16xi32>, vector<16xi32>], vector<16xf32>,
        %add3A_1146 = vector.broadcast %add3A_1141 : i32 to vector<16xi32>
        %add3A_1147 = arith.addi %add3A_399, %add3A_1146 : vector<16xi32>
        tpu.vector_store_idx %arg9[%add3A_1147], %gather3A_1145 : memref<25600xf32, #tpu.memory_space<vmem>>[vector<16xi32>], vector<16xf32>,
        %add3A_1148 = arith.constant 96 : i32
        %add3A_1149 = vector.broadcast %add3A_1148 : i32 to vector<16xi32>
        %add3A_1150 = arith.addi %select_n3A_45, %add3A_1149 : vector<16xi32>
        %gather3A_1151 = tpu.vector_load_idx %arg7[%add3A_552, %add3A_1150] : memref<200x128xf32, #tpu.memory_space<vmem>>[vector<16xi32>, vector<16xi32>], vector<16xf32>,
        %add3A_1152 = vector.broadcast %add3A_1141 : i32 to vector<16xi32>
        %add3A_1153 = arith.addi %add3A_403, %add3A_1152 : vector<16xi32>
        tpu.vector_store_idx %arg9[%add3A_1153], %gather3A_1151 : memref<25600xf32, #tpu.memory_space<vmem>>[vector<16xi32>], vector<16xf32>,
        %add3A_1154 = arith.constant 96 : i32
        %add3A_1155 = vector.broadcast %add3A_1154 : i32 to vector<16xi32>
        %add3A_1156 = arith.addi %select_n3A_70, %add3A_1155 : vector<16xi32>
        %gather3A_1157 = tpu.vector_load_idx %arg7[%add3A_552, %add3A_1156] : memref<200x128xf32, #tpu.memory_space<vmem>>[vector<16xi32>, vector<16xi32>], vector<16xf32>,
        %add3A_1158 = vector.broadcast %add3A_1141 : i32 to vector<16xi32>
        %add3A_1159 = arith.addi %add3A_407, %add3A_1158 : vector<16xi32>
        tpu.vector_store_idx %arg9[%add3A_1159], %gather3A_1157 : memref<25600xf32, #tpu.memory_space<vmem>>[vector<16xi32>], vector<16xf32>,
        %add3A_1160 = arith.constant 96 : i32
        %add3A_1161 = vector.broadcast %add3A_1160 : i32 to vector<16xi32>
        %add3A_1162 = arith.addi %select_n3A_95, %add3A_1161 : vector<16xi32>
        %gather3A_1163 = tpu.vector_load_idx %arg7[%add3A_552, %add3A_1162] : memref<200x128xf32, #tpu.memory_space<vmem>>[vector<16xi32>, vector<16xi32>], vector<16xf32>,
        %add3A_1164 = vector.broadcast %add3A_1141 : i32 to vector<16xi32>
        %add3A_1165 = arith.addi %add3A_411, %add3A_1164 : vector<16xi32>
        tpu.vector_store_idx %arg9[%add3A_1165], %gather3A_1163 : memref<25600xf32, #tpu.memory_space<vmem>>[vector<16xi32>], vector<16xf32>,
        %add3A_1166 = arith.constant 96 : i32
        %add3A_1167 = vector.broadcast %add3A_1166 : i32 to vector<16xi32>
        %add3A_1168 = arith.addi %select_n3A_120, %add3A_1167 : vector<16xi32>
        %gather3A_1169 = tpu.vector_load_idx %arg7[%add3A_552, %add3A_1168] : memref<200x128xf32, #tpu.memory_space<vmem>>[vector<16xi32>, vector<16xi32>], vector<16xf32>,
        %add3A_1170 = vector.broadcast %add3A_1141 : i32 to vector<16xi32>
        %add3A_1171 = arith.addi %add3A_415, %add3A_1170 : vector<16xi32>
        tpu.vector_store_idx %arg9[%add3A_1171], %gather3A_1169 : memref<25600xf32, #tpu.memory_space<vmem>>[vector<16xi32>], vector<16xf32>,
        %add3A_1172 = arith.constant 96 : i32
        %add3A_1173 = vector.broadcast %add3A_1172 : i32 to vector<16xi32>
        %add3A_1174 = arith.addi %select_n3A_145, %add3A_1173 : vector<16xi32>
        %gather3A_1175 = tpu.vector_load_idx %arg7[%add3A_552, %add3A_1174] : memref<200x128xf32, #tpu.memory_space<vmem>>[vector<16xi32>, vector<16xi32>], vector<16xf32>,
        %add3A_1176 = vector.broadcast %add3A_1141 : i32 to vector<16xi32>
        %add3A_1177 = arith.addi %add3A_419, %add3A_1176 : vector<16xi32>
        tpu.vector_store_idx %arg9[%add3A_1177], %gather3A_1175 : memref<25600xf32, #tpu.memory_space<vmem>>[vector<16xi32>], vector<16xf32>,
        %add3A_1178 = arith.constant 96 : i32
        %add3A_1179 = vector.broadcast %add3A_1178 : i32 to vector<16xi32>
        %add3A_1180 = arith.addi %select_n3A_170, %add3A_1179 : vector<16xi32>
        %gather3A_1181 = tpu.vector_load_idx %arg7[%add3A_552, %add3A_1180] : memref<200x128xf32, #tpu.memory_space<vmem>>[vector<16xi32>, vector<16xi32>], vector<16xf32>,
        %add3A_1182 = vector.broadcast %add3A_1141 : i32 to vector<16xi32>
        %add3A_1183 = arith.addi %add3A_423, %add3A_1182 : vector<16xi32>
        tpu.vector_store_idx %arg9[%add3A_1183], %gather3A_1181 : memref<25600xf32, #tpu.memory_space<vmem>>[vector<16xi32>], vector<16xf32>,
        %add3A_1184 = arith.constant 96 : i32
        %add3A_1185 = vector.broadcast %add3A_1184 : i32 to vector<16xi32>
        %add3A_1186 = arith.addi %select_n3A_195, %add3A_1185 : vector<16xi32>
        %gather3A_1187 = tpu.vector_load_idx %arg7[%add3A_552, %add3A_1186] : memref<200x128xf32, #tpu.memory_space<vmem>>[vector<16xi32>, vector<16xi32>], vector<16xf32>,
        %add3A_1188 = vector.broadcast %add3A_1141 : i32 to vector<16xi32>
        %add3A_1189 = arith.addi %add3A_427, %add3A_1188 : vector<16xi32>
        tpu.vector_store_idx %arg9[%add3A_1189], %gather3A_1187 : memref<25600xf32, #tpu.memory_space<vmem>>[vector<16xi32>], vector<16xf32>,
        %add3A_1190 = arith.constant 96 : i32
        %add3A_1191 = vector.broadcast %add3A_1190 : i32 to vector<16xi32>
        %add3A_1192 = arith.addi %select_n3A_220, %add3A_1191 : vector<16xi32>
        %gather3A_1193 = tpu.vector_load_idx %arg7[%add3A_552, %add3A_1192] : memref<200x128xf32, #tpu.memory_space<vmem>>[vector<16xi32>, vector<16xi32>], vector<16xf32>,
        %add3A_1194 = vector.broadcast %add3A_1141 : i32 to vector<16xi32>
        %add3A_1195 = arith.addi %add3A_431, %add3A_1194 : vector<16xi32>
        tpu.vector_store_idx %arg9[%add3A_1195], %gather3A_1193 : memref<25600xf32, #tpu.memory_space<vmem>>[vector<16xi32>], vector<16xf32>,
        %add3A_1196 = arith.constant 96 : i32
        %add3A_1197 = vector.broadcast %add3A_1196 : i32 to vector<16xi32>
        %add3A_1198 = arith.addi %select_n3A_245, %add3A_1197 : vector<16xi32>
        %gather3A_1199 = tpu.vector_load_idx %arg7[%add3A_552, %add3A_1198] : memref<200x128xf32, #tpu.memory_space<vmem>>[vector<16xi32>, vector<16xi32>], vector<16xf32>,
        %add3A_1200 = vector.broadcast %add3A_1141 : i32 to vector<16xi32>
        %add3A_1201 = arith.addi %add3A_435, %add3A_1200 : vector<16xi32>
        tpu.vector_store_idx %arg9[%add3A_1201], %gather3A_1199 : memref<25600xf32, #tpu.memory_space<vmem>>[vector<16xi32>], vector<16xf32>,
        %add3A_1202 = arith.constant 96 : i32
        %add3A_1203 = vector.broadcast %add3A_1202 : i32 to vector<16xi32>
        %add3A_1204 = arith.addi %select_n3A_270, %add3A_1203 : vector<16xi32>
        %gather3A_1205 = tpu.vector_load_idx %arg7[%add3A_552, %add3A_1204] : memref<200x128xf32, #tpu.memory_space<vmem>>[vector<16xi32>, vector<16xi32>], vector<16xf32>,
        %add3A_1206 = vector.broadcast %add3A_1141 : i32 to vector<16xi32>
        %add3A_1207 = arith.addi %add3A_439, %add3A_1206 : vector<16xi32>
        tpu.vector_store_idx %arg9[%add3A_1207], %gather3A_1205 : memref<25600xf32, #tpu.memory_space<vmem>>[vector<16xi32>], vector<16xf32>,
        %add3A_1208 = arith.constant 96 : i32
        %add3A_1209 = vector.broadcast %add3A_1208 : i32 to vector<16xi32>
        %add3A_1210 = arith.addi %select_n3A_295, %add3A_1209 : vector<16xi32>
        %gather3A_1211 = tpu.vector_load_idx %arg7[%add3A_552, %add3A_1210] : memref<200x128xf32, #tpu.memory_space<vmem>>[vector<16xi32>, vector<16xi32>], vector<16xf32>,
        %add3A_1212 = vector.broadcast %add3A_1141 : i32 to vector<16xi32>
        %add3A_1213 = arith.addi %add3A_443, %add3A_1212 : vector<16xi32>
        tpu.vector_store_idx %arg9[%add3A_1213], %gather3A_1211 : memref<25600xf32, #tpu.memory_space<vmem>>[vector<16xi32>], vector<16xf32>,
        %add3A_1214 = arith.constant 96 : i32
        %add3A_1215 = vector.broadcast %add3A_1214 : i32 to vector<16xi32>
        %add3A_1216 = arith.addi %select_n3A_320, %add3A_1215 : vector<16xi32>
        %gather3A_1217 = tpu.vector_load_idx %arg7[%add3A_552, %add3A_1216] : memref<200x128xf32, #tpu.memory_space<vmem>>[vector<16xi32>, vector<16xi32>], vector<16xf32>,
        %add3A_1218 = vector.broadcast %add3A_1141 : i32 to vector<16xi32>
        %add3A_1219 = arith.addi %add3A_447, %add3A_1218 : vector<16xi32>
        tpu.vector_store_idx %arg9[%add3A_1219], %gather3A_1217 : memref<25600xf32, #tpu.memory_space<vmem>>[vector<16xi32>], vector<16xf32>,
        %add3A_1220 = arith.constant 96 : i32
        %add3A_1221 = vector.broadcast %add3A_1220 : i32 to vector<16xi32>
        %add3A_1222 = arith.addi %select_n3A_345, %add3A_1221 : vector<16xi32>
        %gather3A_1223 = tpu.vector_load_idx %arg7[%add3A_552, %add3A_1222] : memref<200x128xf32, #tpu.memory_space<vmem>>[vector<16xi32>, vector<16xi32>], vector<16xf32>,
        %add3A_1224 = vector.broadcast %add3A_1141 : i32 to vector<16xi32>
        %add3A_1225 = arith.addi %add3A_451, %add3A_1224 : vector<16xi32>
        tpu.vector_store_idx %arg9[%add3A_1225], %gather3A_1223 : memref<25600xf32, #tpu.memory_space<vmem>>[vector<16xi32>], vector<16xf32>,
        %add3A_1226 = arith.constant 96 : i32
        %add3A_1227 = vector.broadcast %add3A_1226 : i32 to vector<16xi32>
        %add3A_1228 = arith.addi %select_n3A_370, %add3A_1227 : vector<16xi32>
        %gather3A_1229 = tpu.vector_load_idx %arg7[%add3A_552, %add3A_1228] : memref<200x128xf32, #tpu.memory_space<vmem>>[vector<16xi32>, vector<16xi32>], vector<16xf32>,
        %add3A_1230 = vector.broadcast %add3A_1141 : i32 to vector<16xi32>
        %add3A_1231 = arith.addi %add3A_455, %add3A_1230 : vector<16xi32>
        tpu.vector_store_idx %arg9[%add3A_1231], %gather3A_1229 : memref<25600xf32, #tpu.memory_space<vmem>>[vector<16xi32>], vector<16xf32>,
        %add3A_1232 = arith.constant 96 : i32
        %add3A_1233 = vector.broadcast %add3A_1232 : i32 to vector<16xi32>
        %add3A_1234 = arith.addi %select_n3A_395, %add3A_1233 : vector<16xi32>
        %gather3A_1235 = tpu.vector_load_idx %arg7[%add3A_552, %add3A_1234] : memref<200x128xf32, #tpu.memory_space<vmem>>[vector<16xi32>, vector<16xi32>], vector<16xf32>,
        %add3A_1236 = vector.broadcast %add3A_1141 : i32 to vector<16xi32>
        %add3A_1237 = arith.addi %add3A_459, %add3A_1236 : vector<16xi32>
        tpu.vector_store_idx %arg9[%add3A_1237], %gather3A_1235 : memref<25600xf32, #tpu.memory_space<vmem>>[vector<16xi32>], vector<16xf32>,
        %add3A_1238 = arith.constant 22400 : i32
        %add3A_1239 = arith.addi %add3A_1238, %min3A_550 : i32
        %add3A_1240 = arith.constant 112 : i32
        %add3A_1241 = vector.broadcast %add3A_1240 : i32 to vector<16xi32>
        %add3A_1242 = arith.addi %select_n3A_20, %add3A_1241 : vector<16xi32>
        %gather3A_1243 = tpu.vector_load_idx %arg7[%add3A_552, %add3A_1242] : memref<200x128xf32, #tpu.memory_space<vmem>>[vector<16xi32>, vector<16xi32>], vector<16xf32>,
        %add3A_1244 = vector.broadcast %add3A_1239 : i32 to vector<16xi32>
        %add3A_1245 = arith.addi %add3A_399, %add3A_1244 : vector<16xi32>
        tpu.vector_store_idx %arg9[%add3A_1245], %gather3A_1243 : memref<25600xf32, #tpu.memory_space<vmem>>[vector<16xi32>], vector<16xf32>,
        %add3A_1246 = arith.constant 112 : i32
        %add3A_1247 = vector.broadcast %add3A_1246 : i32 to vector<16xi32>
        %add3A_1248 = arith.addi %select_n3A_45, %add3A_1247 : vector<16xi32>
        %gather3A_1249 = tpu.vector_load_idx %arg7[%add3A_552, %add3A_1248] : memref<200x128xf32, #tpu.memory_space<vmem>>[vector<16xi32>, vector<16xi32>], vector<16xf32>,
        %add3A_1250 = vector.broadcast %add3A_1239 : i32 to vector<16xi32>
        %add3A_1251 = arith.addi %add3A_403, %add3A_1250 : vector<16xi32>
        tpu.vector_store_idx %arg9[%add3A_1251], %gather3A_1249 : memref<25600xf32, #tpu.memory_space<vmem>>[vector<16xi32>], vector<16xf32>,
        %add3A_1252 = arith.constant 112 : i32
        %add3A_1253 = vector.broadcast %add3A_1252 : i32 to vector<16xi32>
        %add3A_1254 = arith.addi %select_n3A_70, %add3A_1253 : vector<16xi32>
        %gather3A_1255 = tpu.vector_load_idx %arg7[%add3A_552, %add3A_1254] : memref<200x128xf32, #tpu.memory_space<vmem>>[vector<16xi32>, vector<16xi32>], vector<16xf32>,
        %add3A_1256 = vector.broadcast %add3A_1239 : i32 to vector<16xi32>
        %add3A_1257 = arith.addi %add3A_407, %add3A_1256 : vector<16xi32>
        tpu.vector_store_idx %arg9[%add3A_1257], %gather3A_1255 : memref<25600xf32, #tpu.memory_space<vmem>>[vector<16xi32>], vector<16xf32>,
        %add3A_1258 = arith.constant 112 : i32
        %add3A_1259 = vector.broadcast %add3A_1258 : i32 to vector<16xi32>
        %add3A_1260 = arith.addi %select_n3A_95, %add3A_1259 : vector<16xi32>
        %gather3A_1261 = tpu.vector_load_idx %arg7[%add3A_552, %add3A_1260] : memref<200x128xf32, #tpu.memory_space<vmem>>[vector<16xi32>, vector<16xi32>], vector<16xf32>,
        %add3A_1262 = vector.broadcast %add3A_1239 : i32 to vector<16xi32>
        %add3A_1263 = arith.addi %add3A_411, %add3A_1262 : vector<16xi32>
        tpu.vector_store_idx %arg9[%add3A_1263], %gather3A_1261 : memref<25600xf32, #tpu.memory_space<vmem>>[vector<16xi32>], vector<16xf32>,
        %add3A_1264 = arith.constant 112 : i32
        %add3A_1265 = vector.broadcast %add3A_1264 : i32 to vector<16xi32>
        %add3A_1266 = arith.addi %select_n3A_120, %add3A_1265 : vector<16xi32>
        %gather3A_1267 = tpu.vector_load_idx %arg7[%add3A_552, %add3A_1266] : memref<200x128xf32, #tpu.memory_space<vmem>>[vector<16xi32>, vector<16xi32>], vector<16xf32>,
        %add3A_1268 = vector.broadcast %add3A_1239 : i32 to vector<16xi32>
        %add3A_1269 = arith.addi %add3A_415, %add3A_1268 : vector<16xi32>
        tpu.vector_store_idx %arg9[%add3A_1269], %gather3A_1267 : memref<25600xf32, #tpu.memory_space<vmem>>[vector<16xi32>], vector<16xf32>,
        %add3A_1270 = arith.constant 112 : i32
        %add3A_1271 = vector.broadcast %add3A_1270 : i32 to vector<16xi32>
        %add3A_1272 = arith.addi %select_n3A_145, %add3A_1271 : vector<16xi32>
        %gather3A_1273 = tpu.vector_load_idx %arg7[%add3A_552, %add3A_1272] : memref<200x128xf32, #tpu.memory_space<vmem>>[vector<16xi32>, vector<16xi32>], vector<16xf32>,
        %add3A_1274 = vector.broadcast %add3A_1239 : i32 to vector<16xi32>
        %add3A_1275 = arith.addi %add3A_419, %add3A_1274 : vector<16xi32>
        tpu.vector_store_idx %arg9[%add3A_1275], %gather3A_1273 : memref<25600xf32, #tpu.memory_space<vmem>>[vector<16xi32>], vector<16xf32>,
        %add3A_1276 = arith.constant 112 : i32
        %add3A_1277 = vector.broadcast %add3A_1276 : i32 to vector<16xi32>
        %add3A_1278 = arith.addi %select_n3A_170, %add3A_1277 : vector<16xi32>
        %gather3A_1279 = tpu.vector_load_idx %arg7[%add3A_552, %add3A_1278] : memref<200x128xf32, #tpu.memory_space<vmem>>[vector<16xi32>, vector<16xi32>], vector<16xf32>,
        %add3A_1280 = vector.broadcast %add3A_1239 : i32 to vector<16xi32>
        %add3A_1281 = arith.addi %add3A_423, %add3A_1280 : vector<16xi32>
        tpu.vector_store_idx %arg9[%add3A_1281], %gather3A_1279 : memref<25600xf32, #tpu.memory_space<vmem>>[vector<16xi32>], vector<16xf32>,
        %add3A_1282 = arith.constant 112 : i32
        %add3A_1283 = vector.broadcast %add3A_1282 : i32 to vector<16xi32>
        %add3A_1284 = arith.addi %select_n3A_195, %add3A_1283 : vector<16xi32>
        %gather3A_1285 = tpu.vector_load_idx %arg7[%add3A_552, %add3A_1284] : memref<200x128xf32, #tpu.memory_space<vmem>>[vector<16xi32>, vector<16xi32>], vector<16xf32>,
        %add3A_1286 = vector.broadcast %add3A_1239 : i32 to vector<16xi32>
        %add3A_1287 = arith.addi %add3A_427, %add3A_1286 : vector<16xi32>
        tpu.vector_store_idx %arg9[%add3A_1287], %gather3A_1285 : memref<25600xf32, #tpu.memory_space<vmem>>[vector<16xi32>], vector<16xf32>,
        %add3A_1288 = arith.constant 112 : i32
        %add3A_1289 = vector.broadcast %add3A_1288 : i32 to vector<16xi32>
        %add3A_1290 = arith.addi %select_n3A_220, %add3A_1289 : vector<16xi32>
        %gather3A_1291 = tpu.vector_load_idx %arg7[%add3A_552, %add3A_1290] : memref<200x128xf32, #tpu.memory_space<vmem>>[vector<16xi32>, vector<16xi32>], vector<16xf32>,
        %add3A_1292 = vector.broadcast %add3A_1239 : i32 to vector<16xi32>
        %add3A_1293 = arith.addi %add3A_431, %add3A_1292 : vector<16xi32>
        tpu.vector_store_idx %arg9[%add3A_1293], %gather3A_1291 : memref<25600xf32, #tpu.memory_space<vmem>>[vector<16xi32>], vector<16xf32>,
        %add3A_1294 = arith.constant 112 : i32
        %add3A_1295 = vector.broadcast %add3A_1294 : i32 to vector<16xi32>
        %add3A_1296 = arith.addi %select_n3A_245, %add3A_1295 : vector<16xi32>
        %gather3A_1297 = tpu.vector_load_idx %arg7[%add3A_552, %add3A_1296] : memref<200x128xf32, #tpu.memory_space<vmem>>[vector<16xi32>, vector<16xi32>], vector<16xf32>,
        %add3A_1298 = vector.broadcast %add3A_1239 : i32 to vector<16xi32>
        %add3A_1299 = arith.addi %add3A_435, %add3A_1298 : vector<16xi32>
        tpu.vector_store_idx %arg9[%add3A_1299], %gather3A_1297 : memref<25600xf32, #tpu.memory_space<vmem>>[vector<16xi32>], vector<16xf32>,
        %add3A_1300 = arith.constant 112 : i32
        %add3A_1301 = vector.broadcast %add3A_1300 : i32 to vector<16xi32>
        %add3A_1302 = arith.addi %select_n3A_270, %add3A_1301 : vector<16xi32>
        %gather3A_1303 = tpu.vector_load_idx %arg7[%add3A_552, %add3A_1302] : memref<200x128xf32, #tpu.memory_space<vmem>>[vector<16xi32>, vector<16xi32>], vector<16xf32>,
        %add3A_1304 = vector.broadcast %add3A_1239 : i32 to vector<16xi32>
        %add3A_1305 = arith.addi %add3A_439, %add3A_1304 : vector<16xi32>
        tpu.vector_store_idx %arg9[%add3A_1305], %gather3A_1303 : memref<25600xf32, #tpu.memory_space<vmem>>[vector<16xi32>], vector<16xf32>,
        %add3A_1306 = arith.constant 112 : i32
        %add3A_1307 = vector.broadcast %add3A_1306 : i32 to vector<16xi32>
        %add3A_1308 = arith.addi %select_n3A_295, %add3A_1307 : vector<16xi32>
        %gather3A_1309 = tpu.vector_load_idx %arg7[%add3A_552, %add3A_1308] : memref<200x128xf32, #tpu.memory_space<vmem>>[vector<16xi32>, vector<16xi32>], vector<16xf32>,
        %add3A_1310 = vector.broadcast %add3A_1239 : i32 to vector<16xi32>
        %add3A_1311 = arith.addi %add3A_443, %add3A_1310 : vector<16xi32>
        tpu.vector_store_idx %arg9[%add3A_1311], %gather3A_1309 : memref<25600xf32, #tpu.memory_space<vmem>>[vector<16xi32>], vector<16xf32>,
        %add3A_1312 = arith.constant 112 : i32
        %add3A_1313 = vector.broadcast %add3A_1312 : i32 to vector<16xi32>
        %add3A_1314 = arith.addi %select_n3A_320, %add3A_1313 : vector<16xi32>
        %gather3A_1315 = tpu.vector_load_idx %arg7[%add3A_552, %add3A_1314] : memref<200x128xf32, #tpu.memory_space<vmem>>[vector<16xi32>, vector<16xi32>], vector<16xf32>,
        %add3A_1316 = vector.broadcast %add3A_1239 : i32 to vector<16xi32>
        %add3A_1317 = arith.addi %add3A_447, %add3A_1316 : vector<16xi32>
        tpu.vector_store_idx %arg9[%add3A_1317], %gather3A_1315 : memref<25600xf32, #tpu.memory_space<vmem>>[vector<16xi32>], vector<16xf32>,
        %add3A_1318 = arith.constant 112 : i32
        %add3A_1319 = vector.broadcast %add3A_1318 : i32 to vector<16xi32>
        %add3A_1320 = arith.addi %select_n3A_345, %add3A_1319 : vector<16xi32>
        %gather3A_1321 = tpu.vector_load_idx %arg7[%add3A_552, %add3A_1320] : memref<200x128xf32, #tpu.memory_space<vmem>>[vector<16xi32>, vector<16xi32>], vector<16xf32>,
        %add3A_1322 = vector.broadcast %add3A_1239 : i32 to vector<16xi32>
        %add3A_1323 = arith.addi %add3A_451, %add3A_1322 : vector<16xi32>
        tpu.vector_store_idx %arg9[%add3A_1323], %gather3A_1321 : memref<25600xf32, #tpu.memory_space<vmem>>[vector<16xi32>], vector<16xf32>,
        %add3A_1324 = arith.constant 112 : i32
        %add3A_1325 = vector.broadcast %add3A_1324 : i32 to vector<16xi32>
        %add3A_1326 = arith.addi %select_n3A_370, %add3A_1325 : vector<16xi32>
        %gather3A_1327 = tpu.vector_load_idx %arg7[%add3A_552, %add3A_1326] : memref<200x128xf32, #tpu.memory_space<vmem>>[vector<16xi32>, vector<16xi32>], vector<16xf32>,
        %add3A_1328 = vector.broadcast %add3A_1239 : i32 to vector<16xi32>
        %add3A_1329 = arith.addi %add3A_455, %add3A_1328 : vector<16xi32>
        tpu.vector_store_idx %arg9[%add3A_1329], %gather3A_1327 : memref<25600xf32, #tpu.memory_space<vmem>>[vector<16xi32>], vector<16xf32>,
        %add3A_1330 = arith.constant 112 : i32
        %add3A_1331 = vector.broadcast %add3A_1330 : i32 to vector<16xi32>
        %add3A_1332 = arith.addi %select_n3A_395, %add3A_1331 : vector<16xi32>
        %gather3A_1333 = tpu.vector_load_idx %arg7[%add3A_552, %add3A_1332] : memref<200x128xf32, #tpu.memory_space<vmem>>[vector<16xi32>, vector<16xi32>], vector<16xf32>,
        %add3A_1334 = vector.broadcast %add3A_1239 : i32 to vector<16xi32>
        %add3A_1335 = arith.addi %add3A_459, %add3A_1334 : vector<16xi32>
        tpu.vector_store_idx %arg9[%add3A_1335], %gather3A_1333 : memref<25600xf32, #tpu.memory_space<vmem>>[vector<16xi32>], vector<16xf32>,
      }
      %scan3A_501 = arith.constant 13 : i32
      %dma_start3A_502 = arith.constant 0 : i32
      %dma_start3A_503 = tpu.memref_slice %arg4[%add3A_490, %dma_start3A_502] : memref<4096x25600xf32, #tpu.memory_space<hbm>> -> memref<1x25600xf32, #tpu.memory_space<hbm>>
      %dma_start3A_504 = tpu.memref_squeeze %dma_start3A_503 : memref<1x25600xf32, #tpu.memory_space<hbm>> -> memref<25600xf32, #tpu.memory_space<hbm>>
      %dma_start3A_505 = arith.constant 0 : i32
      %dma_start3A_506 = tpu.memref_slice %arg4[%add3A_490, %dma_start3A_505] : memref<4096x25600xf32, #tpu.memory_space<hbm>> -> memref<1x25600xf32, #tpu.memory_space<hbm>>
      %dma_start3A_507 = tpu.memref_squeeze %dma_start3A_506 : memref<1x25600xf32, #tpu.memory_space<hbm>> -> memref<25600xf32, #tpu.memory_space<hbm>>
      tpu.enqueue_dma source(%arg9 : memref<25600xf32, #tpu.memory_space<vmem>>) target(%dma_start3A_507 : memref<25600xf32, #tpu.memory_space<hbm>>) target_semaphore(%arg13 : memref<!tpu.dma_semaphore, #tpu.memory_space<semaphore_mem>>)
      %add3A_508 = arith.constant 2 : i32
      %add3A_509 = arith.addi %add3A_489, %add3A_508 : i32
      %lt3A_510 = arith.constant 128 : i32
      %lt3A_511 = arith.cmpi slt, %add3A_509, %lt3A_510 : i32
      %convert_element_type3A_512 = arith.extui %lt3A_511 : i1 to i32
      %cond3A_513 = arith.constant 0 : i32
      %cond3A_514 = arith.cmpi ne, %convert_element_type3A_512, %cond3A_513 : i32
      scf.if %cond3A_514 {
        %add3A_547 = arith.constant 2 : i32
        %add3A_548 = arith.addi %add3A_489, %add3A_547 : i32
        %add3A_549 = arith.addi %mul3A_2, %add3A_548 : i32
        "tpu.region"() ({
          %run_scoped3A = tpu.sem_alloc : memref<!tpu.dma_semaphore, #tpu.memory_space<semaphore_mem>>
          %dma_start3A_553 = arith.constant 0 : i32
          %dma_start3A_554 = tpu.memref_slice %arg2[%add3A_549, %dma_start3A_553] : memref<4096x200xi32, #tpu.memory_space<hbm>> -> memref<1x200xi32, #tpu.memory_space<hbm>>
          %dma_start3A_555 = tpu.memref_squeeze %dma_start3A_554 : memref<1x200xi32, #tpu.memory_space<hbm>> -> memref<200xi32, #tpu.memory_space<hbm>>
          %dma_start3A_556 = arith.constant 0 : i32
          %dma_start3A_557 = tpu.memref_slice %arg2[%add3A_549, %dma_start3A_556] : memref<4096x200xi32, #tpu.memory_space<hbm>> -> memref<1x200xi32, #tpu.memory_space<hbm>>
          %dma_start3A_558 = tpu.memref_squeeze %dma_start3A_557 : memref<1x200xi32, #tpu.memory_space<hbm>> -> memref<200xi32, #tpu.memory_space<hbm>>
          tpu.enqueue_dma source(%dma_start3A_558 : memref<200xi32, #tpu.memory_space<hbm>>) target(%arg5 : memref<200xi32, #tpu.memory_space<vmem>>) target_semaphore(%run_scoped3A : memref<!tpu.dma_semaphore, #tpu.memory_space<semaphore_mem>>)
          %dma_wait3A_559 = arith.constant 0 : i32
          %dma_wait3A_560 = tpu.memref_slice %arg2[%add3A_549, %dma_wait3A_559] : memref<4096x200xi32, #tpu.memory_space<hbm>> -> memref<1x200xi32, #tpu.memory_space<hbm>>
          %dma_wait3A_561 = tpu.memref_squeeze %dma_wait3A_560 : memref<1x200xi32, #tpu.memory_space<hbm>> -> memref<200xi32, #tpu.memory_space<hbm>>
          %dma_wait3A_562 = arith.constant 0 : i32
          %dma_wait3A_563 = tpu.memref_slice %arg2[%add3A_549, %dma_wait3A_562] : memref<4096x200xi32, #tpu.memory_space<hbm>> -> memref<1x200xi32, #tpu.memory_space<hbm>>
          %dma_wait3A_564 = tpu.memref_squeeze %dma_wait3A_563 : memref<1x200xi32, #tpu.memory_space<hbm>> -> memref<200xi32, #tpu.memory_space<hbm>>
          tpu.wait_dma2 semaphore(%run_scoped3A : memref<!tpu.dma_semaphore, #tpu.memory_space<semaphore_mem>>) src(%dma_wait3A_564 : memref<200xi32, #tpu.memory_space<hbm>>) dst(%arg5 : memref<200xi32, #tpu.memory_space<vmem>>)
          tpu.yield
        }) : () -> ()
        %dma_start3A_550 = arith.constant 0 : i32
        %dma_start3A_551 = arith.constant 0 : i32
        %dma_start3A_552 = tpu.memref_slice %arg3[%dma_start3A_550, %dma_start3A_551] : memref<100000x128xf32, #tpu.memory_space<hbm>> -> memref<100000x128xf32, #tpu.memory_space<hbm>>
        tpu.enqueue_indirect_dma source(%dma_start3A_552 : memref<100000x128xf32, #tpu.memory_space<hbm>>) target(%arg7 : memref<200x128xf32, #tpu.memory_space<vmem>>) offsets(%arg5 : memref<200xi32, #tpu.memory_space<vmem>>) semaphore(%arg11 : memref<!tpu.dma_semaphore, #tpu.memory_space<semaphore_mem>>)
      } else {
      }
      %mul3A_515 = arith.constant 2 : i32
      %mul3A_516 = arith.muli %mul3A_515, %scan3A_485 : i32
      %add3A_517 = arith.constant 1 : i32
      %add3A_518 = arith.addi %mul3A_516, %add3A_517 : i32
      %add3A_519 = arith.addi %mul3A_2, %add3A_518 : i32
      %dma_wait3A_520 = arith.constant 0 : i32
      %dma_wait3A_521 = arith.constant 0 : i32
      %dma_wait3A_522 = tpu.memref_slice %arg3[%dma_wait3A_520, %dma_wait3A_521] : memref<100000x128xf32, #tpu.memory_space<hbm>> -> memref<100000x128xf32, #tpu.memory_space<hbm>>
      tpu.wait_indirect_dma semaphore(%arg12 : memref<!tpu.dma_semaphore, #tpu.memory_space<semaphore_mem>>) src(%dma_wait3A_522 : memref<100000x128xf32, #tpu.memory_space<hbm>>) dst(%arg8 : memref<200x128xf32, #tpu.memory_space<vmem>>)
      %ge3A_523 = arith.constant 2 : i32
      %ge3A_524 = arith.cmpi sge, %add3A_518, %ge3A_523 : i32
      %convert_element_type3A_525 = arith.extui %ge3A_524 : i1 to i32
      %cond3A_526 = arith.constant 0 : i32
      %cond3A_527 = arith.cmpi ne, %convert_element_type3A_525, %cond3A_526 : i32
      scf.if %cond3A_527 {
        %dma_wait3A_547 = arith.constant 0 : i32
        %dma_wait3A_548 = tpu.memref_slice %arg4[%add3A_519, %dma_wait3A_547] : memref<4096x25600xf32, #tpu.memory_space<hbm>> -> memref<1x25600xf32, #tpu.memory_space<hbm>>
        %dma_wait3A_549 = tpu.memref_squeeze %dma_wait3A_548 : memref<1x25600xf32, #tpu.memory_space<hbm>> -> memref<25600xf32, #tpu.memory_space<hbm>>
        %dma_wait3A_550 = arith.constant 0 : i32
        %dma_wait3A_551 = tpu.memref_slice %arg4[%add3A_519, %dma_wait3A_550] : memref<4096x25600xf32, #tpu.memory_space<hbm>> -> memref<1x25600xf32, #tpu.memory_space<hbm>>
        %dma_wait3A_552 = tpu.memref_squeeze %dma_wait3A_551 : memref<1x25600xf32, #tpu.memory_space<hbm>> -> memref<25600xf32, #tpu.memory_space<hbm>>
        tpu.wait_dma2 semaphore(%arg14 : memref<!tpu.dma_semaphore, #tpu.memory_space<semaphore_mem>>) src(%arg10 : memref<25600xf32, #tpu.memory_space<vmem>>) dst(%dma_wait3A_552 : memref<25600xf32, #tpu.memory_space<hbm>>)
      } else {
      }
      %scan3A_528 = arith.constant 0 : i32
      %scan3A_529 = arith.constant 0 : i32
      %scan3A_530 = arith.constant 13 : i32
      %scan3A_531 = arith.addi %scan3A_529, %scan3A_530 : i32
      %scan3A_532 = arith.constant 1 : i32
      scf.for %scan3A_547 = %scan3A_529 to %scan3A_531 step %scan3A_532  : i32 {
        %mul3A_548 = arith.constant 16 : i32
        %mul3A_549 = arith.muli %scan3A_547, %mul3A_548 : i32
        %min3A = arith.constant 184 : i32
        %min3A_550 = arith.minsi %mul3A_549, %min3A : i32
        %add3A_551 = vector.broadcast %min3A_550 : i32 to vector<16xi32>
        %add3A_552 = arith.addi %iota3A, %add3A_551 : vector<16xi32>
        %add3A_553 = arith.constant 0 : i32
        %add3A_554 = arith.addi %add3A_553, %min3A_550 : i32
        %add3A_555 = arith.constant 0 : i32
        %add3A_556 = vector.broadcast %add3A_555 : i32 to vector<16xi32>
        %add3A_557 = arith.addi %select_n3A_20, %add3A_556 : vector<16xi32>
        %gather3A = tpu.vector_load_idx %arg8[%add3A_552, %add3A_557] : memref<200x128xf32, #tpu.memory_space<vmem>>[vector<16xi32>, vector<16xi32>], vector<16xf32>,
        %add3A_558 = vector.broadcast %add3A_554 : i32 to vector<16xi32>
        %add3A_559 = arith.addi %add3A_399, %add3A_558 : vector<16xi32>
        tpu.vector_store_idx %arg10[%add3A_559], %gather3A : memref<25600xf32, #tpu.memory_space<vmem>>[vector<16xi32>], vector<16xf32>,
        %add3A_560 = arith.constant 0 : i32
        %add3A_561 = vector.broadcast %add3A_560 : i32 to vector<16xi32>
        %add3A_562 = arith.addi %select_n3A_45, %add3A_561 : vector<16xi32>
        %gather3A_563 = tpu.vector_load_idx %arg8[%add3A_552, %add3A_562] : memref<200x128xf32, #tpu.memory_space<vmem>>[vector<16xi32>, vector<16xi32>], vector<16xf32>,
        %add3A_564 = vector.broadcast %add3A_554 : i32 to vector<16xi32>
        %add3A_565 = arith.addi %add3A_403, %add3A_564 : vector<16xi32>
        tpu.vector_store_idx %arg10[%add3A_565], %gather3A_563 : memref<25600xf32, #tpu.memory_space<vmem>>[vector<16xi32>], vector<16xf32>,
        %add3A_566 = arith.constant 0 : i32
        %add3A_567 = vector.broadcast %add3A_566 : i32 to vector<16xi32>
        %add3A_568 = arith.addi %select_n3A_70, %add3A_567 : vector<16xi32>
        %gather3A_569 = tpu.vector_load_idx %arg8[%add3A_552, %add3A_568] : memref<200x128xf32, #tpu.memory_space<vmem>>[vector<16xi32>, vector<16xi32>], vector<16xf32>,
        %add3A_570 = vector.broadcast %add3A_554 : i32 to vector<16xi32>
        %add3A_571 = arith.addi %add3A_407, %add3A_570 : vector<16xi32>
        tpu.vector_store_idx %arg10[%add3A_571], %gather3A_569 : memref<25600xf32, #tpu.memory_space<vmem>>[vector<16xi32>], vector<16xf32>,
        %add3A_572 = arith.constant 0 : i32
        %add3A_573 = vector.broadcast %add3A_572 : i32 to vector<16xi32>
        %add3A_574 = arith.addi %select_n3A_95, %add3A_573 : vector<16xi32>
        %gather3A_575 = tpu.vector_load_idx %arg8[%add3A_552, %add3A_574] : memref<200x128xf32, #tpu.memory_space<vmem>>[vector<16xi32>, vector<16xi32>], vector<16xf32>,
        %add3A_576 = vector.broadcast %add3A_554 : i32 to vector<16xi32>
        %add3A_577 = arith.addi %add3A_411, %add3A_576 : vector<16xi32>
        tpu.vector_store_idx %arg10[%add3A_577], %gather3A_575 : memref<25600xf32, #tpu.memory_space<vmem>>[vector<16xi32>], vector<16xf32>,
        %add3A_578 = arith.constant 0 : i32
        %add3A_579 = vector.broadcast %add3A_578 : i32 to vector<16xi32>
        %add3A_580 = arith.addi %select_n3A_120, %add3A_579 : vector<16xi32>
        %gather3A_581 = tpu.vector_load_idx %arg8[%add3A_552, %add3A_580] : memref<200x128xf32, #tpu.memory_space<vmem>>[vector<16xi32>, vector<16xi32>], vector<16xf32>,
        %add3A_582 = vector.broadcast %add3A_554 : i32 to vector<16xi32>
        %add3A_583 = arith.addi %add3A_415, %add3A_582 : vector<16xi32>
        tpu.vector_store_idx %arg10[%add3A_583], %gather3A_581 : memref<25600xf32, #tpu.memory_space<vmem>>[vector<16xi32>], vector<16xf32>,
        %add3A_584 = arith.constant 0 : i32
        %add3A_585 = vector.broadcast %add3A_584 : i32 to vector<16xi32>
        %add3A_586 = arith.addi %select_n3A_145, %add3A_585 : vector<16xi32>
        %gather3A_587 = tpu.vector_load_idx %arg8[%add3A_552, %add3A_586] : memref<200x128xf32, #tpu.memory_space<vmem>>[vector<16xi32>, vector<16xi32>], vector<16xf32>,
        %add3A_588 = vector.broadcast %add3A_554 : i32 to vector<16xi32>
        %add3A_589 = arith.addi %add3A_419, %add3A_588 : vector<16xi32>
        tpu.vector_store_idx %arg10[%add3A_589], %gather3A_587 : memref<25600xf32, #tpu.memory_space<vmem>>[vector<16xi32>], vector<16xf32>,
        %add3A_590 = arith.constant 0 : i32
        %add3A_591 = vector.broadcast %add3A_590 : i32 to vector<16xi32>
        %add3A_592 = arith.addi %select_n3A_170, %add3A_591 : vector<16xi32>
        %gather3A_593 = tpu.vector_load_idx %arg8[%add3A_552, %add3A_592] : memref<200x128xf32, #tpu.memory_space<vmem>>[vector<16xi32>, vector<16xi32>], vector<16xf32>,
        %add3A_594 = vector.broadcast %add3A_554 : i32 to vector<16xi32>
        %add3A_595 = arith.addi %add3A_423, %add3A_594 : vector<16xi32>
        tpu.vector_store_idx %arg10[%add3A_595], %gather3A_593 : memref<25600xf32, #tpu.memory_space<vmem>>[vector<16xi32>], vector<16xf32>,
        %add3A_596 = arith.constant 0 : i32
        %add3A_597 = vector.broadcast %add3A_596 : i32 to vector<16xi32>
        %add3A_598 = arith.addi %select_n3A_195, %add3A_597 : vector<16xi32>
        %gather3A_599 = tpu.vector_load_idx %arg8[%add3A_552, %add3A_598] : memref<200x128xf32, #tpu.memory_space<vmem>>[vector<16xi32>, vector<16xi32>], vector<16xf32>,
        %add3A_600 = vector.broadcast %add3A_554 : i32 to vector<16xi32>
        %add3A_601 = arith.addi %add3A_427, %add3A_600 : vector<16xi32>
        tpu.vector_store_idx %arg10[%add3A_601], %gather3A_599 : memref<25600xf32, #tpu.memory_space<vmem>>[vector<16xi32>], vector<16xf32>,
        %add3A_602 = arith.constant 0 : i32
        %add3A_603 = vector.broadcast %add3A_602 : i32 to vector<16xi32>
        %add3A_604 = arith.addi %select_n3A_220, %add3A_603 : vector<16xi32>
        %gather3A_605 = tpu.vector_load_idx %arg8[%add3A_552, %add3A_604] : memref<200x128xf32, #tpu.memory_space<vmem>>[vector<16xi32>, vector<16xi32>], vector<16xf32>,
        %add3A_606 = vector.broadcast %add3A_554 : i32 to vector<16xi32>
        %add3A_607 = arith.addi %add3A_431, %add3A_606 : vector<16xi32>
        tpu.vector_store_idx %arg10[%add3A_607], %gather3A_605 : memref<25600xf32, #tpu.memory_space<vmem>>[vector<16xi32>], vector<16xf32>,
        %add3A_608 = arith.constant 0 : i32
        %add3A_609 = vector.broadcast %add3A_608 : i32 to vector<16xi32>
        %add3A_610 = arith.addi %select_n3A_245, %add3A_609 : vector<16xi32>
        %gather3A_611 = tpu.vector_load_idx %arg8[%add3A_552, %add3A_610] : memref<200x128xf32, #tpu.memory_space<vmem>>[vector<16xi32>, vector<16xi32>], vector<16xf32>,
        %add3A_612 = vector.broadcast %add3A_554 : i32 to vector<16xi32>
        %add3A_613 = arith.addi %add3A_435, %add3A_612 : vector<16xi32>
        tpu.vector_store_idx %arg10[%add3A_613], %gather3A_611 : memref<25600xf32, #tpu.memory_space<vmem>>[vector<16xi32>], vector<16xf32>,
        %add3A_614 = arith.constant 0 : i32
        %add3A_615 = vector.broadcast %add3A_614 : i32 to vector<16xi32>
        %add3A_616 = arith.addi %select_n3A_270, %add3A_615 : vector<16xi32>
        %gather3A_617 = tpu.vector_load_idx %arg8[%add3A_552, %add3A_616] : memref<200x128xf32, #tpu.memory_space<vmem>>[vector<16xi32>, vector<16xi32>], vector<16xf32>,
        %add3A_618 = vector.broadcast %add3A_554 : i32 to vector<16xi32>
        %add3A_619 = arith.addi %add3A_439, %add3A_618 : vector<16xi32>
        tpu.vector_store_idx %arg10[%add3A_619], %gather3A_617 : memref<25600xf32, #tpu.memory_space<vmem>>[vector<16xi32>], vector<16xf32>,
        %add3A_620 = arith.constant 0 : i32
        %add3A_621 = vector.broadcast %add3A_620 : i32 to vector<16xi32>
        %add3A_622 = arith.addi %select_n3A_295, %add3A_621 : vector<16xi32>
        %gather3A_623 = tpu.vector_load_idx %arg8[%add3A_552, %add3A_622] : memref<200x128xf32, #tpu.memory_space<vmem>>[vector<16xi32>, vector<16xi32>], vector<16xf32>,
        %add3A_624 = vector.broadcast %add3A_554 : i32 to vector<16xi32>
        %add3A_625 = arith.addi %add3A_443, %add3A_624 : vector<16xi32>
        tpu.vector_store_idx %arg10[%add3A_625], %gather3A_623 : memref<25600xf32, #tpu.memory_space<vmem>>[vector<16xi32>], vector<16xf32>,
        %add3A_626 = arith.constant 0 : i32
        %add3A_627 = vector.broadcast %add3A_626 : i32 to vector<16xi32>
        %add3A_628 = arith.addi %select_n3A_320, %add3A_627 : vector<16xi32>
        %gather3A_629 = tpu.vector_load_idx %arg8[%add3A_552, %add3A_628] : memref<200x128xf32, #tpu.memory_space<vmem>>[vector<16xi32>, vector<16xi32>], vector<16xf32>,
        %add3A_630 = vector.broadcast %add3A_554 : i32 to vector<16xi32>
        %add3A_631 = arith.addi %add3A_447, %add3A_630 : vector<16xi32>
        tpu.vector_store_idx %arg10[%add3A_631], %gather3A_629 : memref<25600xf32, #tpu.memory_space<vmem>>[vector<16xi32>], vector<16xf32>,
        %add3A_632 = arith.constant 0 : i32
        %add3A_633 = vector.broadcast %add3A_632 : i32 to vector<16xi32>
        %add3A_634 = arith.addi %select_n3A_345, %add3A_633 : vector<16xi32>
        %gather3A_635 = tpu.vector_load_idx %arg8[%add3A_552, %add3A_634] : memref<200x128xf32, #tpu.memory_space<vmem>>[vector<16xi32>, vector<16xi32>], vector<16xf32>,
        %add3A_636 = vector.broadcast %add3A_554 : i32 to vector<16xi32>
        %add3A_637 = arith.addi %add3A_451, %add3A_636 : vector<16xi32>
        tpu.vector_store_idx %arg10[%add3A_637], %gather3A_635 : memref<25600xf32, #tpu.memory_space<vmem>>[vector<16xi32>], vector<16xf32>,
        %add3A_638 = arith.constant 0 : i32
        %add3A_639 = vector.broadcast %add3A_638 : i32 to vector<16xi32>
        %add3A_640 = arith.addi %select_n3A_370, %add3A_639 : vector<16xi32>
        %gather3A_641 = tpu.vector_load_idx %arg8[%add3A_552, %add3A_640] : memref<200x128xf32, #tpu.memory_space<vmem>>[vector<16xi32>, vector<16xi32>], vector<16xf32>,
        %add3A_642 = vector.broadcast %add3A_554 : i32 to vector<16xi32>
        %add3A_643 = arith.addi %add3A_455, %add3A_642 : vector<16xi32>
        tpu.vector_store_idx %arg10[%add3A_643], %gather3A_641 : memref<25600xf32, #tpu.memory_space<vmem>>[vector<16xi32>], vector<16xf32>,
        %add3A_644 = arith.constant 0 : i32
        %add3A_645 = vector.broadcast %add3A_644 : i32 to vector<16xi32>
        %add3A_646 = arith.addi %select_n3A_395, %add3A_645 : vector<16xi32>
        %gather3A_647 = tpu.vector_load_idx %arg8[%add3A_552, %add3A_646] : memref<200x128xf32, #tpu.memory_space<vmem>>[vector<16xi32>, vector<16xi32>], vector<16xf32>,
        %add3A_648 = vector.broadcast %add3A_554 : i32 to vector<16xi32>
        %add3A_649 = arith.addi %add3A_459, %add3A_648 : vector<16xi32>
        tpu.vector_store_idx %arg10[%add3A_649], %gather3A_647 : memref<25600xf32, #tpu.memory_space<vmem>>[vector<16xi32>], vector<16xf32>,
        %add3A_650 = arith.constant 3200 : i32
        %add3A_651 = arith.addi %add3A_650, %min3A_550 : i32
        %add3A_652 = arith.constant 16 : i32
        %add3A_653 = vector.broadcast %add3A_652 : i32 to vector<16xi32>
        %add3A_654 = arith.addi %select_n3A_20, %add3A_653 : vector<16xi32>
        %gather3A_655 = tpu.vector_load_idx %arg8[%add3A_552, %add3A_654] : memref<200x128xf32, #tpu.memory_space<vmem>>[vector<16xi32>, vector<16xi32>], vector<16xf32>,
        %add3A_656 = vector.broadcast %add3A_651 : i32 to vector<16xi32>
        %add3A_657 = arith.addi %add3A_399, %add3A_656 : vector<16xi32>
        tpu.vector_store_idx %arg10[%add3A_657], %gather3A_655 : memref<25600xf32, #tpu.memory_space<vmem>>[vector<16xi32>], vector<16xf32>,
        %add3A_658 = arith.constant 16 : i32
        %add3A_659 = vector.broadcast %add3A_658 : i32 to vector<16xi32>
        %add3A_660 = arith.addi %select_n3A_45, %add3A_659 : vector<16xi32>
        %gather3A_661 = tpu.vector_load_idx %arg8[%add3A_552, %add3A_660] : memref<200x128xf32, #tpu.memory_space<vmem>>[vector<16xi32>, vector<16xi32>], vector<16xf32>,
        %add3A_662 = vector.broadcast %add3A_651 : i32 to vector<16xi32>
        %add3A_663 = arith.addi %add3A_403, %add3A_662 : vector<16xi32>
        tpu.vector_store_idx %arg10[%add3A_663], %gather3A_661 : memref<25600xf32, #tpu.memory_space<vmem>>[vector<16xi32>], vector<16xf32>,
        %add3A_664 = arith.constant 16 : i32
        %add3A_665 = vector.broadcast %add3A_664 : i32 to vector<16xi32>
        %add3A_666 = arith.addi %select_n3A_70, %add3A_665 : vector<16xi32>
        %gather3A_667 = tpu.vector_load_idx %arg8[%add3A_552, %add3A_666] : memref<200x128xf32, #tpu.memory_space<vmem>>[vector<16xi32>, vector<16xi32>], vector<16xf32>,
        %add3A_668 = vector.broadcast %add3A_651 : i32 to vector<16xi32>
        %add3A_669 = arith.addi %add3A_407, %add3A_668 : vector<16xi32>
        tpu.vector_store_idx %arg10[%add3A_669], %gather3A_667 : memref<25600xf32, #tpu.memory_space<vmem>>[vector<16xi32>], vector<16xf32>,
        %add3A_670 = arith.constant 16 : i32
        %add3A_671 = vector.broadcast %add3A_670 : i32 to vector<16xi32>
        %add3A_672 = arith.addi %select_n3A_95, %add3A_671 : vector<16xi32>
        %gather3A_673 = tpu.vector_load_idx %arg8[%add3A_552, %add3A_672] : memref<200x128xf32, #tpu.memory_space<vmem>>[vector<16xi32>, vector<16xi32>], vector<16xf32>,
        %add3A_674 = vector.broadcast %add3A_651 : i32 to vector<16xi32>
        %add3A_675 = arith.addi %add3A_411, %add3A_674 : vector<16xi32>
        tpu.vector_store_idx %arg10[%add3A_675], %gather3A_673 : memref<25600xf32, #tpu.memory_space<vmem>>[vector<16xi32>], vector<16xf32>,
        %add3A_676 = arith.constant 16 : i32
        %add3A_677 = vector.broadcast %add3A_676 : i32 to vector<16xi32>
        %add3A_678 = arith.addi %select_n3A_120, %add3A_677 : vector<16xi32>
        %gather3A_679 = tpu.vector_load_idx %arg8[%add3A_552, %add3A_678] : memref<200x128xf32, #tpu.memory_space<vmem>>[vector<16xi32>, vector<16xi32>], vector<16xf32>,
        %add3A_680 = vector.broadcast %add3A_651 : i32 to vector<16xi32>
        %add3A_681 = arith.addi %add3A_415, %add3A_680 : vector<16xi32>
        tpu.vector_store_idx %arg10[%add3A_681], %gather3A_679 : memref<25600xf32, #tpu.memory_space<vmem>>[vector<16xi32>], vector<16xf32>,
        %add3A_682 = arith.constant 16 : i32
        %add3A_683 = vector.broadcast %add3A_682 : i32 to vector<16xi32>
        %add3A_684 = arith.addi %select_n3A_145, %add3A_683 : vector<16xi32>
        %gather3A_685 = tpu.vector_load_idx %arg8[%add3A_552, %add3A_684] : memref<200x128xf32, #tpu.memory_space<vmem>>[vector<16xi32>, vector<16xi32>], vector<16xf32>,
        %add3A_686 = vector.broadcast %add3A_651 : i32 to vector<16xi32>
        %add3A_687 = arith.addi %add3A_419, %add3A_686 : vector<16xi32>
        tpu.vector_store_idx %arg10[%add3A_687], %gather3A_685 : memref<25600xf32, #tpu.memory_space<vmem>>[vector<16xi32>], vector<16xf32>,
        %add3A_688 = arith.constant 16 : i32
        %add3A_689 = vector.broadcast %add3A_688 : i32 to vector<16xi32>
        %add3A_690 = arith.addi %select_n3A_170, %add3A_689 : vector<16xi32>
        %gather3A_691 = tpu.vector_load_idx %arg8[%add3A_552, %add3A_690] : memref<200x128xf32, #tpu.memory_space<vmem>>[vector<16xi32>, vector<16xi32>], vector<16xf32>,
        %add3A_692 = vector.broadcast %add3A_651 : i32 to vector<16xi32>
        %add3A_693 = arith.addi %add3A_423, %add3A_692 : vector<16xi32>
        tpu.vector_store_idx %arg10[%add3A_693], %gather3A_691 : memref<25600xf32, #tpu.memory_space<vmem>>[vector<16xi32>], vector<16xf32>,
        %add3A_694 = arith.constant 16 : i32
        %add3A_695 = vector.broadcast %add3A_694 : i32 to vector<16xi32>
        %add3A_696 = arith.addi %select_n3A_195, %add3A_695 : vector<16xi32>
        %gather3A_697 = tpu.vector_load_idx %arg8[%add3A_552, %add3A_696] : memref<200x128xf32, #tpu.memory_space<vmem>>[vector<16xi32>, vector<16xi32>], vector<16xf32>,
        %add3A_698 = vector.broadcast %add3A_651 : i32 to vector<16xi32>
        %add3A_699 = arith.addi %add3A_427, %add3A_698 : vector<16xi32>
        tpu.vector_store_idx %arg10[%add3A_699], %gather3A_697 : memref<25600xf32, #tpu.memory_space<vmem>>[vector<16xi32>], vector<16xf32>,
        %add3A_700 = arith.constant 16 : i32
        %add3A_701 = vector.broadcast %add3A_700 : i32 to vector<16xi32>
        %add3A_702 = arith.addi %select_n3A_220, %add3A_701 : vector<16xi32>
        %gather3A_703 = tpu.vector_load_idx %arg8[%add3A_552, %add3A_702] : memref<200x128xf32, #tpu.memory_space<vmem>>[vector<16xi32>, vector<16xi32>], vector<16xf32>,
        %add3A_704 = vector.broadcast %add3A_651 : i32 to vector<16xi32>
        %add3A_705 = arith.addi %add3A_431, %add3A_704 : vector<16xi32>
        tpu.vector_store_idx %arg10[%add3A_705], %gather3A_703 : memref<25600xf32, #tpu.memory_space<vmem>>[vector<16xi32>], vector<16xf32>,
        %add3A_706 = arith.constant 16 : i32
        %add3A_707 = vector.broadcast %add3A_706 : i32 to vector<16xi32>
        %add3A_708 = arith.addi %select_n3A_245, %add3A_707 : vector<16xi32>
        %gather3A_709 = tpu.vector_load_idx %arg8[%add3A_552, %add3A_708] : memref<200x128xf32, #tpu.memory_space<vmem>>[vector<16xi32>, vector<16xi32>], vector<16xf32>,
        %add3A_710 = vector.broadcast %add3A_651 : i32 to vector<16xi32>
        %add3A_711 = arith.addi %add3A_435, %add3A_710 : vector<16xi32>
        tpu.vector_store_idx %arg10[%add3A_711], %gather3A_709 : memref<25600xf32, #tpu.memory_space<vmem>>[vector<16xi32>], vector<16xf32>,
        %add3A_712 = arith.constant 16 : i32
        %add3A_713 = vector.broadcast %add3A_712 : i32 to vector<16xi32>
        %add3A_714 = arith.addi %select_n3A_270, %add3A_713 : vector<16xi32>
        %gather3A_715 = tpu.vector_load_idx %arg8[%add3A_552, %add3A_714] : memref<200x128xf32, #tpu.memory_space<vmem>>[vector<16xi32>, vector<16xi32>], vector<16xf32>,
        %add3A_716 = vector.broadcast %add3A_651 : i32 to vector<16xi32>
        %add3A_717 = arith.addi %add3A_439, %add3A_716 : vector<16xi32>
        tpu.vector_store_idx %arg10[%add3A_717], %gather3A_715 : memref<25600xf32, #tpu.memory_space<vmem>>[vector<16xi32>], vector<16xf32>,
        %add3A_718 = arith.constant 16 : i32
        %add3A_719 = vector.broadcast %add3A_718 : i32 to vector<16xi32>
        %add3A_720 = arith.addi %select_n3A_295, %add3A_719 : vector<16xi32>
        %gather3A_721 = tpu.vector_load_idx %arg8[%add3A_552, %add3A_720] : memref<200x128xf32, #tpu.memory_space<vmem>>[vector<16xi32>, vector<16xi32>], vector<16xf32>,
        %add3A_722 = vector.broadcast %add3A_651 : i32 to vector<16xi32>
        %add3A_723 = arith.addi %add3A_443, %add3A_722 : vector<16xi32>
        tpu.vector_store_idx %arg10[%add3A_723], %gather3A_721 : memref<25600xf32, #tpu.memory_space<vmem>>[vector<16xi32>], vector<16xf32>,
        %add3A_724 = arith.constant 16 : i32
        %add3A_725 = vector.broadcast %add3A_724 : i32 to vector<16xi32>
        %add3A_726 = arith.addi %select_n3A_320, %add3A_725 : vector<16xi32>
        %gather3A_727 = tpu.vector_load_idx %arg8[%add3A_552, %add3A_726] : memref<200x128xf32, #tpu.memory_space<vmem>>[vector<16xi32>, vector<16xi32>], vector<16xf32>,
        %add3A_728 = vector.broadcast %add3A_651 : i32 to vector<16xi32>
        %add3A_729 = arith.addi %add3A_447, %add3A_728 : vector<16xi32>
        tpu.vector_store_idx %arg10[%add3A_729], %gather3A_727 : memref<25600xf32, #tpu.memory_space<vmem>>[vector<16xi32>], vector<16xf32>,
        %add3A_730 = arith.constant 16 : i32
        %add3A_731 = vector.broadcast %add3A_730 : i32 to vector<16xi32>
        %add3A_732 = arith.addi %select_n3A_345, %add3A_731 : vector<16xi32>
        %gather3A_733 = tpu.vector_load_idx %arg8[%add3A_552, %add3A_732] : memref<200x128xf32, #tpu.memory_space<vmem>>[vector<16xi32>, vector<16xi32>], vector<16xf32>,
        %add3A_734 = vector.broadcast %add3A_651 : i32 to vector<16xi32>
        %add3A_735 = arith.addi %add3A_451, %add3A_734 : vector<16xi32>
        tpu.vector_store_idx %arg10[%add3A_735], %gather3A_733 : memref<25600xf32, #tpu.memory_space<vmem>>[vector<16xi32>], vector<16xf32>,
        %add3A_736 = arith.constant 16 : i32
        %add3A_737 = vector.broadcast %add3A_736 : i32 to vector<16xi32>
        %add3A_738 = arith.addi %select_n3A_370, %add3A_737 : vector<16xi32>
        %gather3A_739 = tpu.vector_load_idx %arg8[%add3A_552, %add3A_738] : memref<200x128xf32, #tpu.memory_space<vmem>>[vector<16xi32>, vector<16xi32>], vector<16xf32>,
        %add3A_740 = vector.broadcast %add3A_651 : i32 to vector<16xi32>
        %add3A_741 = arith.addi %add3A_455, %add3A_740 : vector<16xi32>
        tpu.vector_store_idx %arg10[%add3A_741], %gather3A_739 : memref<25600xf32, #tpu.memory_space<vmem>>[vector<16xi32>], vector<16xf32>,
        %add3A_742 = arith.constant 16 : i32
        %add3A_743 = vector.broadcast %add3A_742 : i32 to vector<16xi32>
        %add3A_744 = arith.addi %select_n3A_395, %add3A_743 : vector<16xi32>
        %gather3A_745 = tpu.vector_load_idx %arg8[%add3A_552, %add3A_744] : memref<200x128xf32, #tpu.memory_space<vmem>>[vector<16xi32>, vector<16xi32>], vector<16xf32>,
        %add3A_746 = vector.broadcast %add3A_651 : i32 to vector<16xi32>
        %add3A_747 = arith.addi %add3A_459, %add3A_746 : vector<16xi32>
        tpu.vector_store_idx %arg10[%add3A_747], %gather3A_745 : memref<25600xf32, #tpu.memory_space<vmem>>[vector<16xi32>], vector<16xf32>,
        %add3A_748 = arith.constant 6400 : i32
        %add3A_749 = arith.addi %add3A_748, %min3A_550 : i32
        %add3A_750 = arith.constant 32 : i32
        %add3A_751 = vector.broadcast %add3A_750 : i32 to vector<16xi32>
        %add3A_752 = arith.addi %select_n3A_20, %add3A_751 : vector<16xi32>
        %gather3A_753 = tpu.vector_load_idx %arg8[%add3A_552, %add3A_752] : memref<200x128xf32, #tpu.memory_space<vmem>>[vector<16xi32>, vector<16xi32>], vector<16xf32>,
        %add3A_754 = vector.broadcast %add3A_749 : i32 to vector<16xi32>
        %add3A_755 = arith.addi %add3A_399, %add3A_754 : vector<16xi32>
        tpu.vector_store_idx %arg10[%add3A_755], %gather3A_753 : memref<25600xf32, #tpu.memory_space<vmem>>[vector<16xi32>], vector<16xf32>,
        %add3A_756 = arith.constant 32 : i32
        %add3A_757 = vector.broadcast %add3A_756 : i32 to vector<16xi32>
        %add3A_758 = arith.addi %select_n3A_45, %add3A_757 : vector<16xi32>
        %gather3A_759 = tpu.vector_load_idx %arg8[%add3A_552, %add3A_758] : memref<200x128xf32, #tpu.memory_space<vmem>>[vector<16xi32>, vector<16xi32>], vector<16xf32>,
        %add3A_760 = vector.broadcast %add3A_749 : i32 to vector<16xi32>
        %add3A_761 = arith.addi %add3A_403, %add3A_760 : vector<16xi32>
        tpu.vector_store_idx %arg10[%add3A_761], %gather3A_759 : memref<25600xf32, #tpu.memory_space<vmem>>[vector<16xi32>], vector<16xf32>,
        %add3A_762 = arith.constant 32 : i32
        %add3A_763 = vector.broadcast %add3A_762 : i32 to vector<16xi32>
        %add3A_764 = arith.addi %select_n3A_70, %add3A_763 : vector<16xi32>
        %gather3A_765 = tpu.vector_load_idx %arg8[%add3A_552, %add3A_764] : memref<200x128xf32, #tpu.memory_space<vmem>>[vector<16xi32>, vector<16xi32>], vector<16xf32>,
        %add3A_766 = vector.broadcast %add3A_749 : i32 to vector<16xi32>
        %add3A_767 = arith.addi %add3A_407, %add3A_766 : vector<16xi32>
        tpu.vector_store_idx %arg10[%add3A_767], %gather3A_765 : memref<25600xf32, #tpu.memory_space<vmem>>[vector<16xi32>], vector<16xf32>,
        %add3A_768 = arith.constant 32 : i32
        %add3A_769 = vector.broadcast %add3A_768 : i32 to vector<16xi32>
        %add3A_770 = arith.addi %select_n3A_95, %add3A_769 : vector<16xi32>
        %gather3A_771 = tpu.vector_load_idx %arg8[%add3A_552, %add3A_770] : memref<200x128xf32, #tpu.memory_space<vmem>>[vector<16xi32>, vector<16xi32>], vector<16xf32>,
        %add3A_772 = vector.broadcast %add3A_749 : i32 to vector<16xi32>
        %add3A_773 = arith.addi %add3A_411, %add3A_772 : vector<16xi32>
        tpu.vector_store_idx %arg10[%add3A_773], %gather3A_771 : memref<25600xf32, #tpu.memory_space<vmem>>[vector<16xi32>], vector<16xf32>,
        %add3A_774 = arith.constant 32 : i32
        %add3A_775 = vector.broadcast %add3A_774 : i32 to vector<16xi32>
        %add3A_776 = arith.addi %select_n3A_120, %add3A_775 : vector<16xi32>
        %gather3A_777 = tpu.vector_load_idx %arg8[%add3A_552, %add3A_776] : memref<200x128xf32, #tpu.memory_space<vmem>>[vector<16xi32>, vector<16xi32>], vector<16xf32>,
        %add3A_778 = vector.broadcast %add3A_749 : i32 to vector<16xi32>
        %add3A_779 = arith.addi %add3A_415, %add3A_778 : vector<16xi32>
        tpu.vector_store_idx %arg10[%add3A_779], %gather3A_777 : memref<25600xf32, #tpu.memory_space<vmem>>[vector<16xi32>], vector<16xf32>,
        %add3A_780 = arith.constant 32 : i32
        %add3A_781 = vector.broadcast %add3A_780 : i32 to vector<16xi32>
        %add3A_782 = arith.addi %select_n3A_145, %add3A_781 : vector<16xi32>
        %gather3A_783 = tpu.vector_load_idx %arg8[%add3A_552, %add3A_782] : memref<200x128xf32, #tpu.memory_space<vmem>>[vector<16xi32>, vector<16xi32>], vector<16xf32>,
        %add3A_784 = vector.broadcast %add3A_749 : i32 to vector<16xi32>
        %add3A_785 = arith.addi %add3A_419, %add3A_784 : vector<16xi32>
        tpu.vector_store_idx %arg10[%add3A_785], %gather3A_783 : memref<25600xf32, #tpu.memory_space<vmem>>[vector<16xi32>], vector<16xf32>,
        %add3A_786 = arith.constant 32 : i32
        %add3A_787 = vector.broadcast %add3A_786 : i32 to vector<16xi32>
        %add3A_788 = arith.addi %select_n3A_170, %add3A_787 : vector<16xi32>
        %gather3A_789 = tpu.vector_load_idx %arg8[%add3A_552, %add3A_788] : memref<200x128xf32, #tpu.memory_space<vmem>>[vector<16xi32>, vector<16xi32>], vector<16xf32>,
        %add3A_790 = vector.broadcast %add3A_749 : i32 to vector<16xi32>
        %add3A_791 = arith.addi %add3A_423, %add3A_790 : vector<16xi32>
        tpu.vector_store_idx %arg10[%add3A_791], %gather3A_789 : memref<25600xf32, #tpu.memory_space<vmem>>[vector<16xi32>], vector<16xf32>,
        %add3A_792 = arith.constant 32 : i32
        %add3A_793 = vector.broadcast %add3A_792 : i32 to vector<16xi32>
        %add3A_794 = arith.addi %select_n3A_195, %add3A_793 : vector<16xi32>
        %gather3A_795 = tpu.vector_load_idx %arg8[%add3A_552, %add3A_794] : memref<200x128xf32, #tpu.memory_space<vmem>>[vector<16xi32>, vector<16xi32>], vector<16xf32>,
        %add3A_796 = vector.broadcast %add3A_749 : i32 to vector<16xi32>
        %add3A_797 = arith.addi %add3A_427, %add3A_796 : vector<16xi32>
        tpu.vector_store_idx %arg10[%add3A_797], %gather3A_795 : memref<25600xf32, #tpu.memory_space<vmem>>[vector<16xi32>], vector<16xf32>,
        %add3A_798 = arith.constant 32 : i32
        %add3A_799 = vector.broadcast %add3A_798 : i32 to vector<16xi32>
        %add3A_800 = arith.addi %select_n3A_220, %add3A_799 : vector<16xi32>
        %gather3A_801 = tpu.vector_load_idx %arg8[%add3A_552, %add3A_800] : memref<200x128xf32, #tpu.memory_space<vmem>>[vector<16xi32>, vector<16xi32>], vector<16xf32>,
        %add3A_802 = vector.broadcast %add3A_749 : i32 to vector<16xi32>
        %add3A_803 = arith.addi %add3A_431, %add3A_802 : vector<16xi32>
        tpu.vector_store_idx %arg10[%add3A_803], %gather3A_801 : memref<25600xf32, #tpu.memory_space<vmem>>[vector<16xi32>], vector<16xf32>,
        %add3A_804 = arith.constant 32 : i32
        %add3A_805 = vector.broadcast %add3A_804 : i32 to vector<16xi32>
        %add3A_806 = arith.addi %select_n3A_245, %add3A_805 : vector<16xi32>
        %gather3A_807 = tpu.vector_load_idx %arg8[%add3A_552, %add3A_806] : memref<200x128xf32, #tpu.memory_space<vmem>>[vector<16xi32>, vector<16xi32>], vector<16xf32>,
        %add3A_808 = vector.broadcast %add3A_749 : i32 to vector<16xi32>
        %add3A_809 = arith.addi %add3A_435, %add3A_808 : vector<16xi32>
        tpu.vector_store_idx %arg10[%add3A_809], %gather3A_807 : memref<25600xf32, #tpu.memory_space<vmem>>[vector<16xi32>], vector<16xf32>,
        %add3A_810 = arith.constant 32 : i32
        %add3A_811 = vector.broadcast %add3A_810 : i32 to vector<16xi32>
        %add3A_812 = arith.addi %select_n3A_270, %add3A_811 : vector<16xi32>
        %gather3A_813 = tpu.vector_load_idx %arg8[%add3A_552, %add3A_812] : memref<200x128xf32, #tpu.memory_space<vmem>>[vector<16xi32>, vector<16xi32>], vector<16xf32>,
        %add3A_814 = vector.broadcast %add3A_749 : i32 to vector<16xi32>
        %add3A_815 = arith.addi %add3A_439, %add3A_814 : vector<16xi32>
        tpu.vector_store_idx %arg10[%add3A_815], %gather3A_813 : memref<25600xf32, #tpu.memory_space<vmem>>[vector<16xi32>], vector<16xf32>,
        %add3A_816 = arith.constant 32 : i32
        %add3A_817 = vector.broadcast %add3A_816 : i32 to vector<16xi32>
        %add3A_818 = arith.addi %select_n3A_295, %add3A_817 : vector<16xi32>
        %gather3A_819 = tpu.vector_load_idx %arg8[%add3A_552, %add3A_818] : memref<200x128xf32, #tpu.memory_space<vmem>>[vector<16xi32>, vector<16xi32>], vector<16xf32>,
        %add3A_820 = vector.broadcast %add3A_749 : i32 to vector<16xi32>
        %add3A_821 = arith.addi %add3A_443, %add3A_820 : vector<16xi32>
        tpu.vector_store_idx %arg10[%add3A_821], %gather3A_819 : memref<25600xf32, #tpu.memory_space<vmem>>[vector<16xi32>], vector<16xf32>,
        %add3A_822 = arith.constant 32 : i32
        %add3A_823 = vector.broadcast %add3A_822 : i32 to vector<16xi32>
        %add3A_824 = arith.addi %select_n3A_320, %add3A_823 : vector<16xi32>
        %gather3A_825 = tpu.vector_load_idx %arg8[%add3A_552, %add3A_824] : memref<200x128xf32, #tpu.memory_space<vmem>>[vector<16xi32>, vector<16xi32>], vector<16xf32>,
        %add3A_826 = vector.broadcast %add3A_749 : i32 to vector<16xi32>
        %add3A_827 = arith.addi %add3A_447, %add3A_826 : vector<16xi32>
        tpu.vector_store_idx %arg10[%add3A_827], %gather3A_825 : memref<25600xf32, #tpu.memory_space<vmem>>[vector<16xi32>], vector<16xf32>,
        %add3A_828 = arith.constant 32 : i32
        %add3A_829 = vector.broadcast %add3A_828 : i32 to vector<16xi32>
        %add3A_830 = arith.addi %select_n3A_345, %add3A_829 : vector<16xi32>
        %gather3A_831 = tpu.vector_load_idx %arg8[%add3A_552, %add3A_830] : memref<200x128xf32, #tpu.memory_space<vmem>>[vector<16xi32>, vector<16xi32>], vector<16xf32>,
        %add3A_832 = vector.broadcast %add3A_749 : i32 to vector<16xi32>
        %add3A_833 = arith.addi %add3A_451, %add3A_832 : vector<16xi32>
        tpu.vector_store_idx %arg10[%add3A_833], %gather3A_831 : memref<25600xf32, #tpu.memory_space<vmem>>[vector<16xi32>], vector<16xf32>,
        %add3A_834 = arith.constant 32 : i32
        %add3A_835 = vector.broadcast %add3A_834 : i32 to vector<16xi32>
        %add3A_836 = arith.addi %select_n3A_370, %add3A_835 : vector<16xi32>
        %gather3A_837 = tpu.vector_load_idx %arg8[%add3A_552, %add3A_836] : memref<200x128xf32, #tpu.memory_space<vmem>>[vector<16xi32>, vector<16xi32>], vector<16xf32>,
        %add3A_838 = vector.broadcast %add3A_749 : i32 to vector<16xi32>
        %add3A_839 = arith.addi %add3A_455, %add3A_838 : vector<16xi32>
        tpu.vector_store_idx %arg10[%add3A_839], %gather3A_837 : memref<25600xf32, #tpu.memory_space<vmem>>[vector<16xi32>], vector<16xf32>,
        %add3A_840 = arith.constant 32 : i32
        %add3A_841 = vector.broadcast %add3A_840 : i32 to vector<16xi32>
        %add3A_842 = arith.addi %select_n3A_395, %add3A_841 : vector<16xi32>
        %gather3A_843 = tpu.vector_load_idx %arg8[%add3A_552, %add3A_842] : memref<200x128xf32, #tpu.memory_space<vmem>>[vector<16xi32>, vector<16xi32>], vector<16xf32>,
        %add3A_844 = vector.broadcast %add3A_749 : i32 to vector<16xi32>
        %add3A_845 = arith.addi %add3A_459, %add3A_844 : vector<16xi32>
        tpu.vector_store_idx %arg10[%add3A_845], %gather3A_843 : memref<25600xf32, #tpu.memory_space<vmem>>[vector<16xi32>], vector<16xf32>,
        %add3A_846 = arith.constant 9600 : i32
        %add3A_847 = arith.addi %add3A_846, %min3A_550 : i32
        %add3A_848 = arith.constant 48 : i32
        %add3A_849 = vector.broadcast %add3A_848 : i32 to vector<16xi32>
        %add3A_850 = arith.addi %select_n3A_20, %add3A_849 : vector<16xi32>
        %gather3A_851 = tpu.vector_load_idx %arg8[%add3A_552, %add3A_850] : memref<200x128xf32, #tpu.memory_space<vmem>>[vector<16xi32>, vector<16xi32>], vector<16xf32>,
        %add3A_852 = vector.broadcast %add3A_847 : i32 to vector<16xi32>
        %add3A_853 = arith.addi %add3A_399, %add3A_852 : vector<16xi32>
        tpu.vector_store_idx %arg10[%add3A_853], %gather3A_851 : memref<25600xf32, #tpu.memory_space<vmem>>[vector<16xi32>], vector<16xf32>,
        %add3A_854 = arith.constant 48 : i32
        %add3A_855 = vector.broadcast %add3A_854 : i32 to vector<16xi32>
        %add3A_856 = arith.addi %select_n3A_45, %add3A_855 : vector<16xi32>
        %gather3A_857 = tpu.vector_load_idx %arg8[%add3A_552, %add3A_856] : memref<200x128xf32, #tpu.memory_space<vmem>>[vector<16xi32>, vector<16xi32>], vector<16xf32>,
        %add3A_858 = vector.broadcast %add3A_847 : i32 to vector<16xi32>
        %add3A_859 = arith.addi %add3A_403, %add3A_858 : vector<16xi32>
        tpu.vector_store_idx %arg10[%add3A_859], %gather3A_857 : memref<25600xf32, #tpu.memory_space<vmem>>[vector<16xi32>], vector<16xf32>,
        %add3A_860 = arith.constant 48 : i32
        %add3A_861 = vector.broadcast %add3A_860 : i32 to vector<16xi32>
        %add3A_862 = arith.addi %select_n3A_70, %add3A_861 : vector<16xi32>
        %gather3A_863 = tpu.vector_load_idx %arg8[%add3A_552, %add3A_862] : memref<200x128xf32, #tpu.memory_space<vmem>>[vector<16xi32>, vector<16xi32>], vector<16xf32>,
        %add3A_864 = vector.broadcast %add3A_847 : i32 to vector<16xi32>
        %add3A_865 = arith.addi %add3A_407, %add3A_864 : vector<16xi32>
        tpu.vector_store_idx %arg10[%add3A_865], %gather3A_863 : memref<25600xf32, #tpu.memory_space<vmem>>[vector<16xi32>], vector<16xf32>,
        %add3A_866 = arith.constant 48 : i32
        %add3A_867 = vector.broadcast %add3A_866 : i32 to vector<16xi32>
        %add3A_868 = arith.addi %select_n3A_95, %add3A_867 : vector<16xi32>
        %gather3A_869 = tpu.vector_load_idx %arg8[%add3A_552, %add3A_868] : memref<200x128xf32, #tpu.memory_space<vmem>>[vector<16xi32>, vector<16xi32>], vector<16xf32>,
        %add3A_870 = vector.broadcast %add3A_847 : i32 to vector<16xi32>
        %add3A_871 = arith.addi %add3A_411, %add3A_870 : vector<16xi32>
        tpu.vector_store_idx %arg10[%add3A_871], %gather3A_869 : memref<25600xf32, #tpu.memory_space<vmem>>[vector<16xi32>], vector<16xf32>,
        %add3A_872 = arith.constant 48 : i32
        %add3A_873 = vector.broadcast %add3A_872 : i32 to vector<16xi32>
        %add3A_874 = arith.addi %select_n3A_120, %add3A_873 : vector<16xi32>
        %gather3A_875 = tpu.vector_load_idx %arg8[%add3A_552, %add3A_874] : memref<200x128xf32, #tpu.memory_space<vmem>>[vector<16xi32>, vector<16xi32>], vector<16xf32>,
        %add3A_876 = vector.broadcast %add3A_847 : i32 to vector<16xi32>
        %add3A_877 = arith.addi %add3A_415, %add3A_876 : vector<16xi32>
        tpu.vector_store_idx %arg10[%add3A_877], %gather3A_875 : memref<25600xf32, #tpu.memory_space<vmem>>[vector<16xi32>], vector<16xf32>,
        %add3A_878 = arith.constant 48 : i32
        %add3A_879 = vector.broadcast %add3A_878 : i32 to vector<16xi32>
        %add3A_880 = arith.addi %select_n3A_145, %add3A_879 : vector<16xi32>
        %gather3A_881 = tpu.vector_load_idx %arg8[%add3A_552, %add3A_880] : memref<200x128xf32, #tpu.memory_space<vmem>>[vector<16xi32>, vector<16xi32>], vector<16xf32>,
        %add3A_882 = vector.broadcast %add3A_847 : i32 to vector<16xi32>
        %add3A_883 = arith.addi %add3A_419, %add3A_882 : vector<16xi32>
        tpu.vector_store_idx %arg10[%add3A_883], %gather3A_881 : memref<25600xf32, #tpu.memory_space<vmem>>[vector<16xi32>], vector<16xf32>,
        %add3A_884 = arith.constant 48 : i32
        %add3A_885 = vector.broadcast %add3A_884 : i32 to vector<16xi32>
        %add3A_886 = arith.addi %select_n3A_170, %add3A_885 : vector<16xi32>
        %gather3A_887 = tpu.vector_load_idx %arg8[%add3A_552, %add3A_886] : memref<200x128xf32, #tpu.memory_space<vmem>>[vector<16xi32>, vector<16xi32>], vector<16xf32>,
        %add3A_888 = vector.broadcast %add3A_847 : i32 to vector<16xi32>
        %add3A_889 = arith.addi %add3A_423, %add3A_888 : vector<16xi32>
        tpu.vector_store_idx %arg10[%add3A_889], %gather3A_887 : memref<25600xf32, #tpu.memory_space<vmem>>[vector<16xi32>], vector<16xf32>,
        %add3A_890 = arith.constant 48 : i32
        %add3A_891 = vector.broadcast %add3A_890 : i32 to vector<16xi32>
        %add3A_892 = arith.addi %select_n3A_195, %add3A_891 : vector<16xi32>
        %gather3A_893 = tpu.vector_load_idx %arg8[%add3A_552, %add3A_892] : memref<200x128xf32, #tpu.memory_space<vmem>>[vector<16xi32>, vector<16xi32>], vector<16xf32>,
        %add3A_894 = vector.broadcast %add3A_847 : i32 to vector<16xi32>
        %add3A_895 = arith.addi %add3A_427, %add3A_894 : vector<16xi32>
        tpu.vector_store_idx %arg10[%add3A_895], %gather3A_893 : memref<25600xf32, #tpu.memory_space<vmem>>[vector<16xi32>], vector<16xf32>,
        %add3A_896 = arith.constant 48 : i32
        %add3A_897 = vector.broadcast %add3A_896 : i32 to vector<16xi32>
        %add3A_898 = arith.addi %select_n3A_220, %add3A_897 : vector<16xi32>
        %gather3A_899 = tpu.vector_load_idx %arg8[%add3A_552, %add3A_898] : memref<200x128xf32, #tpu.memory_space<vmem>>[vector<16xi32>, vector<16xi32>], vector<16xf32>,
        %add3A_900 = vector.broadcast %add3A_847 : i32 to vector<16xi32>
        %add3A_901 = arith.addi %add3A_431, %add3A_900 : vector<16xi32>
        tpu.vector_store_idx %arg10[%add3A_901], %gather3A_899 : memref<25600xf32, #tpu.memory_space<vmem>>[vector<16xi32>], vector<16xf32>,
        %add3A_902 = arith.constant 48 : i32
        %add3A_903 = vector.broadcast %add3A_902 : i32 to vector<16xi32>
        %add3A_904 = arith.addi %select_n3A_245, %add3A_903 : vector<16xi32>
        %gather3A_905 = tpu.vector_load_idx %arg8[%add3A_552, %add3A_904] : memref<200x128xf32, #tpu.memory_space<vmem>>[vector<16xi32>, vector<16xi32>], vector<16xf32>,
        %add3A_906 = vector.broadcast %add3A_847 : i32 to vector<16xi32>
        %add3A_907 = arith.addi %add3A_435, %add3A_906 : vector<16xi32>
        tpu.vector_store_idx %arg10[%add3A_907], %gather3A_905 : memref<25600xf32, #tpu.memory_space<vmem>>[vector<16xi32>], vector<16xf32>,
        %add3A_908 = arith.constant 48 : i32
        %add3A_909 = vector.broadcast %add3A_908 : i32 to vector<16xi32>
        %add3A_910 = arith.addi %select_n3A_270, %add3A_909 : vector<16xi32>
        %gather3A_911 = tpu.vector_load_idx %arg8[%add3A_552, %add3A_910] : memref<200x128xf32, #tpu.memory_space<vmem>>[vector<16xi32>, vector<16xi32>], vector<16xf32>,
        %add3A_912 = vector.broadcast %add3A_847 : i32 to vector<16xi32>
        %add3A_913 = arith.addi %add3A_439, %add3A_912 : vector<16xi32>
        tpu.vector_store_idx %arg10[%add3A_913], %gather3A_911 : memref<25600xf32, #tpu.memory_space<vmem>>[vector<16xi32>], vector<16xf32>,
        %add3A_914 = arith.constant 48 : i32
        %add3A_915 = vector.broadcast %add3A_914 : i32 to vector<16xi32>
        %add3A_916 = arith.addi %select_n3A_295, %add3A_915 : vector<16xi32>
        %gather3A_917 = tpu.vector_load_idx %arg8[%add3A_552, %add3A_916] : memref<200x128xf32, #tpu.memory_space<vmem>>[vector<16xi32>, vector<16xi32>], vector<16xf32>,
        %add3A_918 = vector.broadcast %add3A_847 : i32 to vector<16xi32>
        %add3A_919 = arith.addi %add3A_443, %add3A_918 : vector<16xi32>
        tpu.vector_store_idx %arg10[%add3A_919], %gather3A_917 : memref<25600xf32, #tpu.memory_space<vmem>>[vector<16xi32>], vector<16xf32>,
        %add3A_920 = arith.constant 48 : i32
        %add3A_921 = vector.broadcast %add3A_920 : i32 to vector<16xi32>
        %add3A_922 = arith.addi %select_n3A_320, %add3A_921 : vector<16xi32>
        %gather3A_923 = tpu.vector_load_idx %arg8[%add3A_552, %add3A_922] : memref<200x128xf32, #tpu.memory_space<vmem>>[vector<16xi32>, vector<16xi32>], vector<16xf32>,
        %add3A_924 = vector.broadcast %add3A_847 : i32 to vector<16xi32>
        %add3A_925 = arith.addi %add3A_447, %add3A_924 : vector<16xi32>
        tpu.vector_store_idx %arg10[%add3A_925], %gather3A_923 : memref<25600xf32, #tpu.memory_space<vmem>>[vector<16xi32>], vector<16xf32>,
        %add3A_926 = arith.constant 48 : i32
        %add3A_927 = vector.broadcast %add3A_926 : i32 to vector<16xi32>
        %add3A_928 = arith.addi %select_n3A_345, %add3A_927 : vector<16xi32>
        %gather3A_929 = tpu.vector_load_idx %arg8[%add3A_552, %add3A_928] : memref<200x128xf32, #tpu.memory_space<vmem>>[vector<16xi32>, vector<16xi32>], vector<16xf32>,
        %add3A_930 = vector.broadcast %add3A_847 : i32 to vector<16xi32>
        %add3A_931 = arith.addi %add3A_451, %add3A_930 : vector<16xi32>
        tpu.vector_store_idx %arg10[%add3A_931], %gather3A_929 : memref<25600xf32, #tpu.memory_space<vmem>>[vector<16xi32>], vector<16xf32>,
        %add3A_932 = arith.constant 48 : i32
        %add3A_933 = vector.broadcast %add3A_932 : i32 to vector<16xi32>
        %add3A_934 = arith.addi %select_n3A_370, %add3A_933 : vector<16xi32>
        %gather3A_935 = tpu.vector_load_idx %arg8[%add3A_552, %add3A_934] : memref<200x128xf32, #tpu.memory_space<vmem>>[vector<16xi32>, vector<16xi32>], vector<16xf32>,
        %add3A_936 = vector.broadcast %add3A_847 : i32 to vector<16xi32>
        %add3A_937 = arith.addi %add3A_455, %add3A_936 : vector<16xi32>
        tpu.vector_store_idx %arg10[%add3A_937], %gather3A_935 : memref<25600xf32, #tpu.memory_space<vmem>>[vector<16xi32>], vector<16xf32>,
        %add3A_938 = arith.constant 48 : i32
        %add3A_939 = vector.broadcast %add3A_938 : i32 to vector<16xi32>
        %add3A_940 = arith.addi %select_n3A_395, %add3A_939 : vector<16xi32>
        %gather3A_941 = tpu.vector_load_idx %arg8[%add3A_552, %add3A_940] : memref<200x128xf32, #tpu.memory_space<vmem>>[vector<16xi32>, vector<16xi32>], vector<16xf32>,
        %add3A_942 = vector.broadcast %add3A_847 : i32 to vector<16xi32>
        %add3A_943 = arith.addi %add3A_459, %add3A_942 : vector<16xi32>
        tpu.vector_store_idx %arg10[%add3A_943], %gather3A_941 : memref<25600xf32, #tpu.memory_space<vmem>>[vector<16xi32>], vector<16xf32>,
        %add3A_944 = arith.constant 12800 : i32
        %add3A_945 = arith.addi %add3A_944, %min3A_550 : i32
        %add3A_946 = arith.constant 64 : i32
        %add3A_947 = vector.broadcast %add3A_946 : i32 to vector<16xi32>
        %add3A_948 = arith.addi %select_n3A_20, %add3A_947 : vector<16xi32>
        %gather3A_949 = tpu.vector_load_idx %arg8[%add3A_552, %add3A_948] : memref<200x128xf32, #tpu.memory_space<vmem>>[vector<16xi32>, vector<16xi32>], vector<16xf32>,
        %add3A_950 = vector.broadcast %add3A_945 : i32 to vector<16xi32>
        %add3A_951 = arith.addi %add3A_399, %add3A_950 : vector<16xi32>
        tpu.vector_store_idx %arg10[%add3A_951], %gather3A_949 : memref<25600xf32, #tpu.memory_space<vmem>>[vector<16xi32>], vector<16xf32>,
        %add3A_952 = arith.constant 64 : i32
        %add3A_953 = vector.broadcast %add3A_952 : i32 to vector<16xi32>
        %add3A_954 = arith.addi %select_n3A_45, %add3A_953 : vector<16xi32>
        %gather3A_955 = tpu.vector_load_idx %arg8[%add3A_552, %add3A_954] : memref<200x128xf32, #tpu.memory_space<vmem>>[vector<16xi32>, vector<16xi32>], vector<16xf32>,
        %add3A_956 = vector.broadcast %add3A_945 : i32 to vector<16xi32>
        %add3A_957 = arith.addi %add3A_403, %add3A_956 : vector<16xi32>
        tpu.vector_store_idx %arg10[%add3A_957], %gather3A_955 : memref<25600xf32, #tpu.memory_space<vmem>>[vector<16xi32>], vector<16xf32>,
        %add3A_958 = arith.constant 64 : i32
        %add3A_959 = vector.broadcast %add3A_958 : i32 to vector<16xi32>
        %add3A_960 = arith.addi %select_n3A_70, %add3A_959 : vector<16xi32>
        %gather3A_961 = tpu.vector_load_idx %arg8[%add3A_552, %add3A_960] : memref<200x128xf32, #tpu.memory_space<vmem>>[vector<16xi32>, vector<16xi32>], vector<16xf32>,
        %add3A_962 = vector.broadcast %add3A_945 : i32 to vector<16xi32>
        %add3A_963 = arith.addi %add3A_407, %add3A_962 : vector<16xi32>
        tpu.vector_store_idx %arg10[%add3A_963], %gather3A_961 : memref<25600xf32, #tpu.memory_space<vmem>>[vector<16xi32>], vector<16xf32>,
        %add3A_964 = arith.constant 64 : i32
        %add3A_965 = vector.broadcast %add3A_964 : i32 to vector<16xi32>
        %add3A_966 = arith.addi %select_n3A_95, %add3A_965 : vector<16xi32>
        %gather3A_967 = tpu.vector_load_idx %arg8[%add3A_552, %add3A_966] : memref<200x128xf32, #tpu.memory_space<vmem>>[vector<16xi32>, vector<16xi32>], vector<16xf32>,
        %add3A_968 = vector.broadcast %add3A_945 : i32 to vector<16xi32>
        %add3A_969 = arith.addi %add3A_411, %add3A_968 : vector<16xi32>
        tpu.vector_store_idx %arg10[%add3A_969], %gather3A_967 : memref<25600xf32, #tpu.memory_space<vmem>>[vector<16xi32>], vector<16xf32>,
        %add3A_970 = arith.constant 64 : i32
        %add3A_971 = vector.broadcast %add3A_970 : i32 to vector<16xi32>
        %add3A_972 = arith.addi %select_n3A_120, %add3A_971 : vector<16xi32>
        %gather3A_973 = tpu.vector_load_idx %arg8[%add3A_552, %add3A_972] : memref<200x128xf32, #tpu.memory_space<vmem>>[vector<16xi32>, vector<16xi32>], vector<16xf32>,
        %add3A_974 = vector.broadcast %add3A_945 : i32 to vector<16xi32>
        %add3A_975 = arith.addi %add3A_415, %add3A_974 : vector<16xi32>
        tpu.vector_store_idx %arg10[%add3A_975], %gather3A_973 : memref<25600xf32, #tpu.memory_space<vmem>>[vector<16xi32>], vector<16xf32>,
        %add3A_976 = arith.constant 64 : i32
        %add3A_977 = vector.broadcast %add3A_976 : i32 to vector<16xi32>
        %add3A_978 = arith.addi %select_n3A_145, %add3A_977 : vector<16xi32>
        %gather3A_979 = tpu.vector_load_idx %arg8[%add3A_552, %add3A_978] : memref<200x128xf32, #tpu.memory_space<vmem>>[vector<16xi32>, vector<16xi32>], vector<16xf32>,
        %add3A_980 = vector.broadcast %add3A_945 : i32 to vector<16xi32>
        %add3A_981 = arith.addi %add3A_419, %add3A_980 : vector<16xi32>
        tpu.vector_store_idx %arg10[%add3A_981], %gather3A_979 : memref<25600xf32, #tpu.memory_space<vmem>>[vector<16xi32>], vector<16xf32>,
        %add3A_982 = arith.constant 64 : i32
        %add3A_983 = vector.broadcast %add3A_982 : i32 to vector<16xi32>
        %add3A_984 = arith.addi %select_n3A_170, %add3A_983 : vector<16xi32>
        %gather3A_985 = tpu.vector_load_idx %arg8[%add3A_552, %add3A_984] : memref<200x128xf32, #tpu.memory_space<vmem>>[vector<16xi32>, vector<16xi32>], vector<16xf32>,
        %add3A_986 = vector.broadcast %add3A_945 : i32 to vector<16xi32>
        %add3A_987 = arith.addi %add3A_423, %add3A_986 : vector<16xi32>
        tpu.vector_store_idx %arg10[%add3A_987], %gather3A_985 : memref<25600xf32, #tpu.memory_space<vmem>>[vector<16xi32>], vector<16xf32>,
        %add3A_988 = arith.constant 64 : i32
        %add3A_989 = vector.broadcast %add3A_988 : i32 to vector<16xi32>
        %add3A_990 = arith.addi %select_n3A_195, %add3A_989 : vector<16xi32>
        %gather3A_991 = tpu.vector_load_idx %arg8[%add3A_552, %add3A_990] : memref<200x128xf32, #tpu.memory_space<vmem>>[vector<16xi32>, vector<16xi32>], vector<16xf32>,
        %add3A_992 = vector.broadcast %add3A_945 : i32 to vector<16xi32>
        %add3A_993 = arith.addi %add3A_427, %add3A_992 : vector<16xi32>
        tpu.vector_store_idx %arg10[%add3A_993], %gather3A_991 : memref<25600xf32, #tpu.memory_space<vmem>>[vector<16xi32>], vector<16xf32>,
        %add3A_994 = arith.constant 64 : i32
        %add3A_995 = vector.broadcast %add3A_994 : i32 to vector<16xi32>
        %add3A_996 = arith.addi %select_n3A_220, %add3A_995 : vector<16xi32>
        %gather3A_997 = tpu.vector_load_idx %arg8[%add3A_552, %add3A_996] : memref<200x128xf32, #tpu.memory_space<vmem>>[vector<16xi32>, vector<16xi32>], vector<16xf32>,
        %add3A_998 = vector.broadcast %add3A_945 : i32 to vector<16xi32>
        %add3A_999 = arith.addi %add3A_431, %add3A_998 : vector<16xi32>
        tpu.vector_store_idx %arg10[%add3A_999], %gather3A_997 : memref<25600xf32, #tpu.memory_space<vmem>>[vector<16xi32>], vector<16xf32>,
        %add3A_1000 = arith.constant 64 : i32
        %add3A_1001 = vector.broadcast %add3A_1000 : i32 to vector<16xi32>
        %add3A_1002 = arith.addi %select_n3A_245, %add3A_1001 : vector<16xi32>
        %gather3A_1003 = tpu.vector_load_idx %arg8[%add3A_552, %add3A_1002] : memref<200x128xf32, #tpu.memory_space<vmem>>[vector<16xi32>, vector<16xi32>], vector<16xf32>,
        %add3A_1004 = vector.broadcast %add3A_945 : i32 to vector<16xi32>
        %add3A_1005 = arith.addi %add3A_435, %add3A_1004 : vector<16xi32>
        tpu.vector_store_idx %arg10[%add3A_1005], %gather3A_1003 : memref<25600xf32, #tpu.memory_space<vmem>>[vector<16xi32>], vector<16xf32>,
        %add3A_1006 = arith.constant 64 : i32
        %add3A_1007 = vector.broadcast %add3A_1006 : i32 to vector<16xi32>
        %add3A_1008 = arith.addi %select_n3A_270, %add3A_1007 : vector<16xi32>
        %gather3A_1009 = tpu.vector_load_idx %arg8[%add3A_552, %add3A_1008] : memref<200x128xf32, #tpu.memory_space<vmem>>[vector<16xi32>, vector<16xi32>], vector<16xf32>,
        %add3A_1010 = vector.broadcast %add3A_945 : i32 to vector<16xi32>
        %add3A_1011 = arith.addi %add3A_439, %add3A_1010 : vector<16xi32>
        tpu.vector_store_idx %arg10[%add3A_1011], %gather3A_1009 : memref<25600xf32, #tpu.memory_space<vmem>>[vector<16xi32>], vector<16xf32>,
        %add3A_1012 = arith.constant 64 : i32
        %add3A_1013 = vector.broadcast %add3A_1012 : i32 to vector<16xi32>
        %add3A_1014 = arith.addi %select_n3A_295, %add3A_1013 : vector<16xi32>
        %gather3A_1015 = tpu.vector_load_idx %arg8[%add3A_552, %add3A_1014] : memref<200x128xf32, #tpu.memory_space<vmem>>[vector<16xi32>, vector<16xi32>], vector<16xf32>,
        %add3A_1016 = vector.broadcast %add3A_945 : i32 to vector<16xi32>
        %add3A_1017 = arith.addi %add3A_443, %add3A_1016 : vector<16xi32>
        tpu.vector_store_idx %arg10[%add3A_1017], %gather3A_1015 : memref<25600xf32, #tpu.memory_space<vmem>>[vector<16xi32>], vector<16xf32>,
        %add3A_1018 = arith.constant 64 : i32
        %add3A_1019 = vector.broadcast %add3A_1018 : i32 to vector<16xi32>
        %add3A_1020 = arith.addi %select_n3A_320, %add3A_1019 : vector<16xi32>
        %gather3A_1021 = tpu.vector_load_idx %arg8[%add3A_552, %add3A_1020] : memref<200x128xf32, #tpu.memory_space<vmem>>[vector<16xi32>, vector<16xi32>], vector<16xf32>,
        %add3A_1022 = vector.broadcast %add3A_945 : i32 to vector<16xi32>
        %add3A_1023 = arith.addi %add3A_447, %add3A_1022 : vector<16xi32>
        tpu.vector_store_idx %arg10[%add3A_1023], %gather3A_1021 : memref<25600xf32, #tpu.memory_space<vmem>>[vector<16xi32>], vector<16xf32>,
        %add3A_1024 = arith.constant 64 : i32
        %add3A_1025 = vector.broadcast %add3A_1024 : i32 to vector<16xi32>
        %add3A_1026 = arith.addi %select_n3A_345, %add3A_1025 : vector<16xi32>
        %gather3A_1027 = tpu.vector_load_idx %arg8[%add3A_552, %add3A_1026] : memref<200x128xf32, #tpu.memory_space<vmem>>[vector<16xi32>, vector<16xi32>], vector<16xf32>,
        %add3A_1028 = vector.broadcast %add3A_945 : i32 to vector<16xi32>
        %add3A_1029 = arith.addi %add3A_451, %add3A_1028 : vector<16xi32>
        tpu.vector_store_idx %arg10[%add3A_1029], %gather3A_1027 : memref<25600xf32, #tpu.memory_space<vmem>>[vector<16xi32>], vector<16xf32>,
        %add3A_1030 = arith.constant 64 : i32
        %add3A_1031 = vector.broadcast %add3A_1030 : i32 to vector<16xi32>
        %add3A_1032 = arith.addi %select_n3A_370, %add3A_1031 : vector<16xi32>
        %gather3A_1033 = tpu.vector_load_idx %arg8[%add3A_552, %add3A_1032] : memref<200x128xf32, #tpu.memory_space<vmem>>[vector<16xi32>, vector<16xi32>], vector<16xf32>,
        %add3A_1034 = vector.broadcast %add3A_945 : i32 to vector<16xi32>
        %add3A_1035 = arith.addi %add3A_455, %add3A_1034 : vector<16xi32>
        tpu.vector_store_idx %arg10[%add3A_1035], %gather3A_1033 : memref<25600xf32, #tpu.memory_space<vmem>>[vector<16xi32>], vector<16xf32>,
        %add3A_1036 = arith.constant 64 : i32
        %add3A_1037 = vector.broadcast %add3A_1036 : i32 to vector<16xi32>
        %add3A_1038 = arith.addi %select_n3A_395, %add3A_1037 : vector<16xi32>
        %gather3A_1039 = tpu.vector_load_idx %arg8[%add3A_552, %add3A_1038] : memref<200x128xf32, #tpu.memory_space<vmem>>[vector<16xi32>, vector<16xi32>], vector<16xf32>,
        %add3A_1040 = vector.broadcast %add3A_945 : i32 to vector<16xi32>
        %add3A_1041 = arith.addi %add3A_459, %add3A_1040 : vector<16xi32>
        tpu.vector_store_idx %arg10[%add3A_1041], %gather3A_1039 : memref<25600xf32, #tpu.memory_space<vmem>>[vector<16xi32>], vector<16xf32>,
        %add3A_1042 = arith.constant 16000 : i32
        %add3A_1043 = arith.addi %add3A_1042, %min3A_550 : i32
        %add3A_1044 = arith.constant 80 : i32
        %add3A_1045 = vector.broadcast %add3A_1044 : i32 to vector<16xi32>
        %add3A_1046 = arith.addi %select_n3A_20, %add3A_1045 : vector<16xi32>
        %gather3A_1047 = tpu.vector_load_idx %arg8[%add3A_552, %add3A_1046] : memref<200x128xf32, #tpu.memory_space<vmem>>[vector<16xi32>, vector<16xi32>], vector<16xf32>,
        %add3A_1048 = vector.broadcast %add3A_1043 : i32 to vector<16xi32>
        %add3A_1049 = arith.addi %add3A_399, %add3A_1048 : vector<16xi32>
        tpu.vector_store_idx %arg10[%add3A_1049], %gather3A_1047 : memref<25600xf32, #tpu.memory_space<vmem>>[vector<16xi32>], vector<16xf32>,
        %add3A_1050 = arith.constant 80 : i32
        %add3A_1051 = vector.broadcast %add3A_1050 : i32 to vector<16xi32>
        %add3A_1052 = arith.addi %select_n3A_45, %add3A_1051 : vector<16xi32>
        %gather3A_1053 = tpu.vector_load_idx %arg8[%add3A_552, %add3A_1052] : memref<200x128xf32, #tpu.memory_space<vmem>>[vector<16xi32>, vector<16xi32>], vector<16xf32>,
        %add3A_1054 = vector.broadcast %add3A_1043 : i32 to vector<16xi32>
        %add3A_1055 = arith.addi %add3A_403, %add3A_1054 : vector<16xi32>
        tpu.vector_store_idx %arg10[%add3A_1055], %gather3A_1053 : memref<25600xf32, #tpu.memory_space<vmem>>[vector<16xi32>], vector<16xf32>,
        %add3A_1056 = arith.constant 80 : i32
        %add3A_1057 = vector.broadcast %add3A_1056 : i32 to vector<16xi32>
        %add3A_1058 = arith.addi %select_n3A_70, %add3A_1057 : vector<16xi32>
        %gather3A_1059 = tpu.vector_load_idx %arg8[%add3A_552, %add3A_1058] : memref<200x128xf32, #tpu.memory_space<vmem>>[vector<16xi32>, vector<16xi32>], vector<16xf32>,
        %add3A_1060 = vector.broadcast %add3A_1043 : i32 to vector<16xi32>
        %add3A_1061 = arith.addi %add3A_407, %add3A_1060 : vector<16xi32>
        tpu.vector_store_idx %arg10[%add3A_1061], %gather3A_1059 : memref<25600xf32, #tpu.memory_space<vmem>>[vector<16xi32>], vector<16xf32>,
        %add3A_1062 = arith.constant 80 : i32
        %add3A_1063 = vector.broadcast %add3A_1062 : i32 to vector<16xi32>
        %add3A_1064 = arith.addi %select_n3A_95, %add3A_1063 : vector<16xi32>
        %gather3A_1065 = tpu.vector_load_idx %arg8[%add3A_552, %add3A_1064] : memref<200x128xf32, #tpu.memory_space<vmem>>[vector<16xi32>, vector<16xi32>], vector<16xf32>,
        %add3A_1066 = vector.broadcast %add3A_1043 : i32 to vector<16xi32>
        %add3A_1067 = arith.addi %add3A_411, %add3A_1066 : vector<16xi32>
        tpu.vector_store_idx %arg10[%add3A_1067], %gather3A_1065 : memref<25600xf32, #tpu.memory_space<vmem>>[vector<16xi32>], vector<16xf32>,
        %add3A_1068 = arith.constant 80 : i32
        %add3A_1069 = vector.broadcast %add3A_1068 : i32 to vector<16xi32>
        %add3A_1070 = arith.addi %select_n3A_120, %add3A_1069 : vector<16xi32>
        %gather3A_1071 = tpu.vector_load_idx %arg8[%add3A_552, %add3A_1070] : memref<200x128xf32, #tpu.memory_space<vmem>>[vector<16xi32>, vector<16xi32>], vector<16xf32>,
        %add3A_1072 = vector.broadcast %add3A_1043 : i32 to vector<16xi32>
        %add3A_1073 = arith.addi %add3A_415, %add3A_1072 : vector<16xi32>
        tpu.vector_store_idx %arg10[%add3A_1073], %gather3A_1071 : memref<25600xf32, #tpu.memory_space<vmem>>[vector<16xi32>], vector<16xf32>,
        %add3A_1074 = arith.constant 80 : i32
        %add3A_1075 = vector.broadcast %add3A_1074 : i32 to vector<16xi32>
        %add3A_1076 = arith.addi %select_n3A_145, %add3A_1075 : vector<16xi32>
        %gather3A_1077 = tpu.vector_load_idx %arg8[%add3A_552, %add3A_1076] : memref<200x128xf32, #tpu.memory_space<vmem>>[vector<16xi32>, vector<16xi32>], vector<16xf32>,
        %add3A_1078 = vector.broadcast %add3A_1043 : i32 to vector<16xi32>
        %add3A_1079 = arith.addi %add3A_419, %add3A_1078 : vector<16xi32>
        tpu.vector_store_idx %arg10[%add3A_1079], %gather3A_1077 : memref<25600xf32, #tpu.memory_space<vmem>>[vector<16xi32>], vector<16xf32>,
        %add3A_1080 = arith.constant 80 : i32
        %add3A_1081 = vector.broadcast %add3A_1080 : i32 to vector<16xi32>
        %add3A_1082 = arith.addi %select_n3A_170, %add3A_1081 : vector<16xi32>
        %gather3A_1083 = tpu.vector_load_idx %arg8[%add3A_552, %add3A_1082] : memref<200x128xf32, #tpu.memory_space<vmem>>[vector<16xi32>, vector<16xi32>], vector<16xf32>,
        %add3A_1084 = vector.broadcast %add3A_1043 : i32 to vector<16xi32>
        %add3A_1085 = arith.addi %add3A_423, %add3A_1084 : vector<16xi32>
        tpu.vector_store_idx %arg10[%add3A_1085], %gather3A_1083 : memref<25600xf32, #tpu.memory_space<vmem>>[vector<16xi32>], vector<16xf32>,
        %add3A_1086 = arith.constant 80 : i32
        %add3A_1087 = vector.broadcast %add3A_1086 : i32 to vector<16xi32>
        %add3A_1088 = arith.addi %select_n3A_195, %add3A_1087 : vector<16xi32>
        %gather3A_1089 = tpu.vector_load_idx %arg8[%add3A_552, %add3A_1088] : memref<200x128xf32, #tpu.memory_space<vmem>>[vector<16xi32>, vector<16xi32>], vector<16xf32>,
        %add3A_1090 = vector.broadcast %add3A_1043 : i32 to vector<16xi32>
        %add3A_1091 = arith.addi %add3A_427, %add3A_1090 : vector<16xi32>
        tpu.vector_store_idx %arg10[%add3A_1091], %gather3A_1089 : memref<25600xf32, #tpu.memory_space<vmem>>[vector<16xi32>], vector<16xf32>,
        %add3A_1092 = arith.constant 80 : i32
        %add3A_1093 = vector.broadcast %add3A_1092 : i32 to vector<16xi32>
        %add3A_1094 = arith.addi %select_n3A_220, %add3A_1093 : vector<16xi32>
        %gather3A_1095 = tpu.vector_load_idx %arg8[%add3A_552, %add3A_1094] : memref<200x128xf32, #tpu.memory_space<vmem>>[vector<16xi32>, vector<16xi32>], vector<16xf32>,
        %add3A_1096 = vector.broadcast %add3A_1043 : i32 to vector<16xi32>
        %add3A_1097 = arith.addi %add3A_431, %add3A_1096 : vector<16xi32>
        tpu.vector_store_idx %arg10[%add3A_1097], %gather3A_1095 : memref<25600xf32, #tpu.memory_space<vmem>>[vector<16xi32>], vector<16xf32>,
        %add3A_1098 = arith.constant 80 : i32
        %add3A_1099 = vector.broadcast %add3A_1098 : i32 to vector<16xi32>
        %add3A_1100 = arith.addi %select_n3A_245, %add3A_1099 : vector<16xi32>
        %gather3A_1101 = tpu.vector_load_idx %arg8[%add3A_552, %add3A_1100] : memref<200x128xf32, #tpu.memory_space<vmem>>[vector<16xi32>, vector<16xi32>], vector<16xf32>,
        %add3A_1102 = vector.broadcast %add3A_1043 : i32 to vector<16xi32>
        %add3A_1103 = arith.addi %add3A_435, %add3A_1102 : vector<16xi32>
        tpu.vector_store_idx %arg10[%add3A_1103], %gather3A_1101 : memref<25600xf32, #tpu.memory_space<vmem>>[vector<16xi32>], vector<16xf32>,
        %add3A_1104 = arith.constant 80 : i32
        %add3A_1105 = vector.broadcast %add3A_1104 : i32 to vector<16xi32>
        %add3A_1106 = arith.addi %select_n3A_270, %add3A_1105 : vector<16xi32>
        %gather3A_1107 = tpu.vector_load_idx %arg8[%add3A_552, %add3A_1106] : memref<200x128xf32, #tpu.memory_space<vmem>>[vector<16xi32>, vector<16xi32>], vector<16xf32>,
        %add3A_1108 = vector.broadcast %add3A_1043 : i32 to vector<16xi32>
        %add3A_1109 = arith.addi %add3A_439, %add3A_1108 : vector<16xi32>
        tpu.vector_store_idx %arg10[%add3A_1109], %gather3A_1107 : memref<25600xf32, #tpu.memory_space<vmem>>[vector<16xi32>], vector<16xf32>,
        %add3A_1110 = arith.constant 80 : i32
        %add3A_1111 = vector.broadcast %add3A_1110 : i32 to vector<16xi32>
        %add3A_1112 = arith.addi %select_n3A_295, %add3A_1111 : vector<16xi32>
        %gather3A_1113 = tpu.vector_load_idx %arg8[%add3A_552, %add3A_1112] : memref<200x128xf32, #tpu.memory_space<vmem>>[vector<16xi32>, vector<16xi32>], vector<16xf32>,
        %add3A_1114 = vector.broadcast %add3A_1043 : i32 to vector<16xi32>
        %add3A_1115 = arith.addi %add3A_443, %add3A_1114 : vector<16xi32>
        tpu.vector_store_idx %arg10[%add3A_1115], %gather3A_1113 : memref<25600xf32, #tpu.memory_space<vmem>>[vector<16xi32>], vector<16xf32>,
        %add3A_1116 = arith.constant 80 : i32
        %add3A_1117 = vector.broadcast %add3A_1116 : i32 to vector<16xi32>
        %add3A_1118 = arith.addi %select_n3A_320, %add3A_1117 : vector<16xi32>
        %gather3A_1119 = tpu.vector_load_idx %arg8[%add3A_552, %add3A_1118] : memref<200x128xf32, #tpu.memory_space<vmem>>[vector<16xi32>, vector<16xi32>], vector<16xf32>,
        %add3A_1120 = vector.broadcast %add3A_1043 : i32 to vector<16xi32>
        %add3A_1121 = arith.addi %add3A_447, %add3A_1120 : vector<16xi32>
        tpu.vector_store_idx %arg10[%add3A_1121], %gather3A_1119 : memref<25600xf32, #tpu.memory_space<vmem>>[vector<16xi32>], vector<16xf32>,
        %add3A_1122 = arith.constant 80 : i32
        %add3A_1123 = vector.broadcast %add3A_1122 : i32 to vector<16xi32>
        %add3A_1124 = arith.addi %select_n3A_345, %add3A_1123 : vector<16xi32>
        %gather3A_1125 = tpu.vector_load_idx %arg8[%add3A_552, %add3A_1124] : memref<200x128xf32, #tpu.memory_space<vmem>>[vector<16xi32>, vector<16xi32>], vector<16xf32>,
        %add3A_1126 = vector.broadcast %add3A_1043 : i32 to vector<16xi32>
        %add3A_1127 = arith.addi %add3A_451, %add3A_1126 : vector<16xi32>
        tpu.vector_store_idx %arg10[%add3A_1127], %gather3A_1125 : memref<25600xf32, #tpu.memory_space<vmem>>[vector<16xi32>], vector<16xf32>,
        %add3A_1128 = arith.constant 80 : i32
        %add3A_1129 = vector.broadcast %add3A_1128 : i32 to vector<16xi32>
        %add3A_1130 = arith.addi %select_n3A_370, %add3A_1129 : vector<16xi32>
        %gather3A_1131 = tpu.vector_load_idx %arg8[%add3A_552, %add3A_1130] : memref<200x128xf32, #tpu.memory_space<vmem>>[vector<16xi32>, vector<16xi32>], vector<16xf32>,
        %add3A_1132 = vector.broadcast %add3A_1043 : i32 to vector<16xi32>
        %add3A_1133 = arith.addi %add3A_455, %add3A_1132 : vector<16xi32>
        tpu.vector_store_idx %arg10[%add3A_1133], %gather3A_1131 : memref<25600xf32, #tpu.memory_space<vmem>>[vector<16xi32>], vector<16xf32>,
        %add3A_1134 = arith.constant 80 : i32
        %add3A_1135 = vector.broadcast %add3A_1134 : i32 to vector<16xi32>
        %add3A_1136 = arith.addi %select_n3A_395, %add3A_1135 : vector<16xi32>
        %gather3A_1137 = tpu.vector_load_idx %arg8[%add3A_552, %add3A_1136] : memref<200x128xf32, #tpu.memory_space<vmem>>[vector<16xi32>, vector<16xi32>], vector<16xf32>,
        %add3A_1138 = vector.broadcast %add3A_1043 : i32 to vector<16xi32>
        %add3A_1139 = arith.addi %add3A_459, %add3A_1138 : vector<16xi32>
        tpu.vector_store_idx %arg10[%add3A_1139], %gather3A_1137 : memref<25600xf32, #tpu.memory_space<vmem>>[vector<16xi32>], vector<16xf32>,
        %add3A_1140 = arith.constant 19200 : i32
        %add3A_1141 = arith.addi %add3A_1140, %min3A_550 : i32
        %add3A_1142 = arith.constant 96 : i32
        %add3A_1143 = vector.broadcast %add3A_1142 : i32 to vector<16xi32>
        %add3A_1144 = arith.addi %select_n3A_20, %add3A_1143 : vector<16xi32>
        %gather3A_1145 = tpu.vector_load_idx %arg8[%add3A_552, %add3A_1144] : memref<200x128xf32, #tpu.memory_space<vmem>>[vector<16xi32>, vector<16xi32>], vector<16xf32>,
        %add3A_1146 = vector.broadcast %add3A_1141 : i32 to vector<16xi32>
        %add3A_1147 = arith.addi %add3A_399, %add3A_1146 : vector<16xi32>
        tpu.vector_store_idx %arg10[%add3A_1147], %gather3A_1145 : memref<25600xf32, #tpu.memory_space<vmem>>[vector<16xi32>], vector<16xf32>,
        %add3A_1148 = arith.constant 96 : i32
        %add3A_1149 = vector.broadcast %add3A_1148 : i32 to vector<16xi32>
        %add3A_1150 = arith.addi %select_n3A_45, %add3A_1149 : vector<16xi32>
        %gather3A_1151 = tpu.vector_load_idx %arg8[%add3A_552, %add3A_1150] : memref<200x128xf32, #tpu.memory_space<vmem>>[vector<16xi32>, vector<16xi32>], vector<16xf32>,
        %add3A_1152 = vector.broadcast %add3A_1141 : i32 to vector<16xi32>
        %add3A_1153 = arith.addi %add3A_403, %add3A_1152 : vector<16xi32>
        tpu.vector_store_idx %arg10[%add3A_1153], %gather3A_1151 : memref<25600xf32, #tpu.memory_space<vmem>>[vector<16xi32>], vector<16xf32>,
        %add3A_1154 = arith.constant 96 : i32
        %add3A_1155 = vector.broadcast %add3A_1154 : i32 to vector<16xi32>
        %add3A_1156 = arith.addi %select_n3A_70, %add3A_1155 : vector<16xi32>
        %gather3A_1157 = tpu.vector_load_idx %arg8[%add3A_552, %add3A_1156] : memref<200x128xf32, #tpu.memory_space<vmem>>[vector<16xi32>, vector<16xi32>], vector<16xf32>,
        %add3A_1158 = vector.broadcast %add3A_1141 : i32 to vector<16xi32>
        %add3A_1159 = arith.addi %add3A_407, %add3A_1158 : vector<16xi32>
        tpu.vector_store_idx %arg10[%add3A_1159], %gather3A_1157 : memref<25600xf32, #tpu.memory_space<vmem>>[vector<16xi32>], vector<16xf32>,
        %add3A_1160 = arith.constant 96 : i32
        %add3A_1161 = vector.broadcast %add3A_1160 : i32 to vector<16xi32>
        %add3A_1162 = arith.addi %select_n3A_95, %add3A_1161 : vector<16xi32>
        %gather3A_1163 = tpu.vector_load_idx %arg8[%add3A_552, %add3A_1162] : memref<200x128xf32, #tpu.memory_space<vmem>>[vector<16xi32>, vector<16xi32>], vector<16xf32>,
        %add3A_1164 = vector.broadcast %add3A_1141 : i32 to vector<16xi32>
        %add3A_1165 = arith.addi %add3A_411, %add3A_1164 : vector<16xi32>
        tpu.vector_store_idx %arg10[%add3A_1165], %gather3A_1163 : memref<25600xf32, #tpu.memory_space<vmem>>[vector<16xi32>], vector<16xf32>,
        %add3A_1166 = arith.constant 96 : i32
        %add3A_1167 = vector.broadcast %add3A_1166 : i32 to vector<16xi32>
        %add3A_1168 = arith.addi %select_n3A_120, %add3A_1167 : vector<16xi32>
        %gather3A_1169 = tpu.vector_load_idx %arg8[%add3A_552, %add3A_1168] : memref<200x128xf32, #tpu.memory_space<vmem>>[vector<16xi32>, vector<16xi32>], vector<16xf32>,
        %add3A_1170 = vector.broadcast %add3A_1141 : i32 to vector<16xi32>
        %add3A_1171 = arith.addi %add3A_415, %add3A_1170 : vector<16xi32>
        tpu.vector_store_idx %arg10[%add3A_1171], %gather3A_1169 : memref<25600xf32, #tpu.memory_space<vmem>>[vector<16xi32>], vector<16xf32>,
        %add3A_1172 = arith.constant 96 : i32
        %add3A_1173 = vector.broadcast %add3A_1172 : i32 to vector<16xi32>
        %add3A_1174 = arith.addi %select_n3A_145, %add3A_1173 : vector<16xi32>
        %gather3A_1175 = tpu.vector_load_idx %arg8[%add3A_552, %add3A_1174] : memref<200x128xf32, #tpu.memory_space<vmem>>[vector<16xi32>, vector<16xi32>], vector<16xf32>,
        %add3A_1176 = vector.broadcast %add3A_1141 : i32 to vector<16xi32>
        %add3A_1177 = arith.addi %add3A_419, %add3A_1176 : vector<16xi32>
        tpu.vector_store_idx %arg10[%add3A_1177], %gather3A_1175 : memref<25600xf32, #tpu.memory_space<vmem>>[vector<16xi32>], vector<16xf32>,
        %add3A_1178 = arith.constant 96 : i32
        %add3A_1179 = vector.broadcast %add3A_1178 : i32 to vector<16xi32>
        %add3A_1180 = arith.addi %select_n3A_170, %add3A_1179 : vector<16xi32>
        %gather3A_1181 = tpu.vector_load_idx %arg8[%add3A_552, %add3A_1180] : memref<200x128xf32, #tpu.memory_space<vmem>>[vector<16xi32>, vector<16xi32>], vector<16xf32>,
        %add3A_1182 = vector.broadcast %add3A_1141 : i32 to vector<16xi32>
        %add3A_1183 = arith.addi %add3A_423, %add3A_1182 : vector<16xi32>
        tpu.vector_store_idx %arg10[%add3A_1183], %gather3A_1181 : memref<25600xf32, #tpu.memory_space<vmem>>[vector<16xi32>], vector<16xf32>,
        %add3A_1184 = arith.constant 96 : i32
        %add3A_1185 = vector.broadcast %add3A_1184 : i32 to vector<16xi32>
        %add3A_1186 = arith.addi %select_n3A_195, %add3A_1185 : vector<16xi32>
        %gather3A_1187 = tpu.vector_load_idx %arg8[%add3A_552, %add3A_1186] : memref<200x128xf32, #tpu.memory_space<vmem>>[vector<16xi32>, vector<16xi32>], vector<16xf32>,
        %add3A_1188 = vector.broadcast %add3A_1141 : i32 to vector<16xi32>
        %add3A_1189 = arith.addi %add3A_427, %add3A_1188 : vector<16xi32>
        tpu.vector_store_idx %arg10[%add3A_1189], %gather3A_1187 : memref<25600xf32, #tpu.memory_space<vmem>>[vector<16xi32>], vector<16xf32>,
        %add3A_1190 = arith.constant 96 : i32
        %add3A_1191 = vector.broadcast %add3A_1190 : i32 to vector<16xi32>
        %add3A_1192 = arith.addi %select_n3A_220, %add3A_1191 : vector<16xi32>
        %gather3A_1193 = tpu.vector_load_idx %arg8[%add3A_552, %add3A_1192] : memref<200x128xf32, #tpu.memory_space<vmem>>[vector<16xi32>, vector<16xi32>], vector<16xf32>,
        %add3A_1194 = vector.broadcast %add3A_1141 : i32 to vector<16xi32>
        %add3A_1195 = arith.addi %add3A_431, %add3A_1194 : vector<16xi32>
        tpu.vector_store_idx %arg10[%add3A_1195], %gather3A_1193 : memref<25600xf32, #tpu.memory_space<vmem>>[vector<16xi32>], vector<16xf32>,
        %add3A_1196 = arith.constant 96 : i32
        %add3A_1197 = vector.broadcast %add3A_1196 : i32 to vector<16xi32>
        %add3A_1198 = arith.addi %select_n3A_245, %add3A_1197 : vector<16xi32>
        %gather3A_1199 = tpu.vector_load_idx %arg8[%add3A_552, %add3A_1198] : memref<200x128xf32, #tpu.memory_space<vmem>>[vector<16xi32>, vector<16xi32>], vector<16xf32>,
        %add3A_1200 = vector.broadcast %add3A_1141 : i32 to vector<16xi32>
        %add3A_1201 = arith.addi %add3A_435, %add3A_1200 : vector<16xi32>
        tpu.vector_store_idx %arg10[%add3A_1201], %gather3A_1199 : memref<25600xf32, #tpu.memory_space<vmem>>[vector<16xi32>], vector<16xf32>,
        %add3A_1202 = arith.constant 96 : i32
        %add3A_1203 = vector.broadcast %add3A_1202 : i32 to vector<16xi32>
        %add3A_1204 = arith.addi %select_n3A_270, %add3A_1203 : vector<16xi32>
        %gather3A_1205 = tpu.vector_load_idx %arg8[%add3A_552, %add3A_1204] : memref<200x128xf32, #tpu.memory_space<vmem>>[vector<16xi32>, vector<16xi32>], vector<16xf32>,
        %add3A_1206 = vector.broadcast %add3A_1141 : i32 to vector<16xi32>
        %add3A_1207 = arith.addi %add3A_439, %add3A_1206 : vector<16xi32>
        tpu.vector_store_idx %arg10[%add3A_1207], %gather3A_1205 : memref<25600xf32, #tpu.memory_space<vmem>>[vector<16xi32>], vector<16xf32>,
        %add3A_1208 = arith.constant 96 : i32
        %add3A_1209 = vector.broadcast %add3A_1208 : i32 to vector<16xi32>
        %add3A_1210 = arith.addi %select_n3A_295, %add3A_1209 : vector<16xi32>
        %gather3A_1211 = tpu.vector_load_idx %arg8[%add3A_552, %add3A_1210] : memref<200x128xf32, #tpu.memory_space<vmem>>[vector<16xi32>, vector<16xi32>], vector<16xf32>,
        %add3A_1212 = vector.broadcast %add3A_1141 : i32 to vector<16xi32>
        %add3A_1213 = arith.addi %add3A_443, %add3A_1212 : vector<16xi32>
        tpu.vector_store_idx %arg10[%add3A_1213], %gather3A_1211 : memref<25600xf32, #tpu.memory_space<vmem>>[vector<16xi32>], vector<16xf32>,
        %add3A_1214 = arith.constant 96 : i32
        %add3A_1215 = vector.broadcast %add3A_1214 : i32 to vector<16xi32>
        %add3A_1216 = arith.addi %select_n3A_320, %add3A_1215 : vector<16xi32>
        %gather3A_1217 = tpu.vector_load_idx %arg8[%add3A_552, %add3A_1216] : memref<200x128xf32, #tpu.memory_space<vmem>>[vector<16xi32>, vector<16xi32>], vector<16xf32>,
        %add3A_1218 = vector.broadcast %add3A_1141 : i32 to vector<16xi32>
        %add3A_1219 = arith.addi %add3A_447, %add3A_1218 : vector<16xi32>
        tpu.vector_store_idx %arg10[%add3A_1219], %gather3A_1217 : memref<25600xf32, #tpu.memory_space<vmem>>[vector<16xi32>], vector<16xf32>,
        %add3A_1220 = arith.constant 96 : i32
        %add3A_1221 = vector.broadcast %add3A_1220 : i32 to vector<16xi32>
        %add3A_1222 = arith.addi %select_n3A_345, %add3A_1221 : vector<16xi32>
        %gather3A_1223 = tpu.vector_load_idx %arg8[%add3A_552, %add3A_1222] : memref<200x128xf32, #tpu.memory_space<vmem>>[vector<16xi32>, vector<16xi32>], vector<16xf32>,
        %add3A_1224 = vector.broadcast %add3A_1141 : i32 to vector<16xi32>
        %add3A_1225 = arith.addi %add3A_451, %add3A_1224 : vector<16xi32>
        tpu.vector_store_idx %arg10[%add3A_1225], %gather3A_1223 : memref<25600xf32, #tpu.memory_space<vmem>>[vector<16xi32>], vector<16xf32>,
        %add3A_1226 = arith.constant 96 : i32
        %add3A_1227 = vector.broadcast %add3A_1226 : i32 to vector<16xi32>
        %add3A_1228 = arith.addi %select_n3A_370, %add3A_1227 : vector<16xi32>
        %gather3A_1229 = tpu.vector_load_idx %arg8[%add3A_552, %add3A_1228] : memref<200x128xf32, #tpu.memory_space<vmem>>[vector<16xi32>, vector<16xi32>], vector<16xf32>,
        %add3A_1230 = vector.broadcast %add3A_1141 : i32 to vector<16xi32>
        %add3A_1231 = arith.addi %add3A_455, %add3A_1230 : vector<16xi32>
        tpu.vector_store_idx %arg10[%add3A_1231], %gather3A_1229 : memref<25600xf32, #tpu.memory_space<vmem>>[vector<16xi32>], vector<16xf32>,
        %add3A_1232 = arith.constant 96 : i32
        %add3A_1233 = vector.broadcast %add3A_1232 : i32 to vector<16xi32>
        %add3A_1234 = arith.addi %select_n3A_395, %add3A_1233 : vector<16xi32>
        %gather3A_1235 = tpu.vector_load_idx %arg8[%add3A_552, %add3A_1234] : memref<200x128xf32, #tpu.memory_space<vmem>>[vector<16xi32>, vector<16xi32>], vector<16xf32>,
        %add3A_1236 = vector.broadcast %add3A_1141 : i32 to vector<16xi32>
        %add3A_1237 = arith.addi %add3A_459, %add3A_1236 : vector<16xi32>
        tpu.vector_store_idx %arg10[%add3A_1237], %gather3A_1235 : memref<25600xf32, #tpu.memory_space<vmem>>[vector<16xi32>], vector<16xf32>,
        %add3A_1238 = arith.constant 22400 : i32
        %add3A_1239 = arith.addi %add3A_1238, %min3A_550 : i32
        %add3A_1240 = arith.constant 112 : i32
        %add3A_1241 = vector.broadcast %add3A_1240 : i32 to vector<16xi32>
        %add3A_1242 = arith.addi %select_n3A_20, %add3A_1241 : vector<16xi32>
        %gather3A_1243 = tpu.vector_load_idx %arg8[%add3A_552, %add3A_1242] : memref<200x128xf32, #tpu.memory_space<vmem>>[vector<16xi32>, vector<16xi32>], vector<16xf32>,
        %add3A_1244 = vector.broadcast %add3A_1239 : i32 to vector<16xi32>
        %add3A_1245 = arith.addi %add3A_399, %add3A_1244 : vector<16xi32>
        tpu.vector_store_idx %arg10[%add3A_1245], %gather3A_1243 : memref<25600xf32, #tpu.memory_space<vmem>>[vector<16xi32>], vector<16xf32>,
        %add3A_1246 = arith.constant 112 : i32
        %add3A_1247 = vector.broadcast %add3A_1246 : i32 to vector<16xi32>
        %add3A_1248 = arith.addi %select_n3A_45, %add3A_1247 : vector<16xi32>
        %gather3A_1249 = tpu.vector_load_idx %arg8[%add3A_552, %add3A_1248] : memref<200x128xf32, #tpu.memory_space<vmem>>[vector<16xi32>, vector<16xi32>], vector<16xf32>,
        %add3A_1250 = vector.broadcast %add3A_1239 : i32 to vector<16xi32>
        %add3A_1251 = arith.addi %add3A_403, %add3A_1250 : vector<16xi32>
        tpu.vector_store_idx %arg10[%add3A_1251], %gather3A_1249 : memref<25600xf32, #tpu.memory_space<vmem>>[vector<16xi32>], vector<16xf32>,
        %add3A_1252 = arith.constant 112 : i32
        %add3A_1253 = vector.broadcast %add3A_1252 : i32 to vector<16xi32>
        %add3A_1254 = arith.addi %select_n3A_70, %add3A_1253 : vector<16xi32>
        %gather3A_1255 = tpu.vector_load_idx %arg8[%add3A_552, %add3A_1254] : memref<200x128xf32, #tpu.memory_space<vmem>>[vector<16xi32>, vector<16xi32>], vector<16xf32>,
        %add3A_1256 = vector.broadcast %add3A_1239 : i32 to vector<16xi32>
        %add3A_1257 = arith.addi %add3A_407, %add3A_1256 : vector<16xi32>
        tpu.vector_store_idx %arg10[%add3A_1257], %gather3A_1255 : memref<25600xf32, #tpu.memory_space<vmem>>[vector<16xi32>], vector<16xf32>,
        %add3A_1258 = arith.constant 112 : i32
        %add3A_1259 = vector.broadcast %add3A_1258 : i32 to vector<16xi32>
        %add3A_1260 = arith.addi %select_n3A_95, %add3A_1259 : vector<16xi32>
        %gather3A_1261 = tpu.vector_load_idx %arg8[%add3A_552, %add3A_1260] : memref<200x128xf32, #tpu.memory_space<vmem>>[vector<16xi32>, vector<16xi32>], vector<16xf32>,
        %add3A_1262 = vector.broadcast %add3A_1239 : i32 to vector<16xi32>
        %add3A_1263 = arith.addi %add3A_411, %add3A_1262 : vector<16xi32>
        tpu.vector_store_idx %arg10[%add3A_1263], %gather3A_1261 : memref<25600xf32, #tpu.memory_space<vmem>>[vector<16xi32>], vector<16xf32>,
        %add3A_1264 = arith.constant 112 : i32
        %add3A_1265 = vector.broadcast %add3A_1264 : i32 to vector<16xi32>
        %add3A_1266 = arith.addi %select_n3A_120, %add3A_1265 : vector<16xi32>
        %gather3A_1267 = tpu.vector_load_idx %arg8[%add3A_552, %add3A_1266] : memref<200x128xf32, #tpu.memory_space<vmem>>[vector<16xi32>, vector<16xi32>], vector<16xf32>,
        %add3A_1268 = vector.broadcast %add3A_1239 : i32 to vector<16xi32>
        %add3A_1269 = arith.addi %add3A_415, %add3A_1268 : vector<16xi32>
        tpu.vector_store_idx %arg10[%add3A_1269], %gather3A_1267 : memref<25600xf32, #tpu.memory_space<vmem>>[vector<16xi32>], vector<16xf32>,
        %add3A_1270 = arith.constant 112 : i32
        %add3A_1271 = vector.broadcast %add3A_1270 : i32 to vector<16xi32>
        %add3A_1272 = arith.addi %select_n3A_145, %add3A_1271 : vector<16xi32>
        %gather3A_1273 = tpu.vector_load_idx %arg8[%add3A_552, %add3A_1272] : memref<200x128xf32, #tpu.memory_space<vmem>>[vector<16xi32>, vector<16xi32>], vector<16xf32>,
        %add3A_1274 = vector.broadcast %add3A_1239 : i32 to vector<16xi32>
        %add3A_1275 = arith.addi %add3A_419, %add3A_1274 : vector<16xi32>
        tpu.vector_store_idx %arg10[%add3A_1275], %gather3A_1273 : memref<25600xf32, #tpu.memory_space<vmem>>[vector<16xi32>], vector<16xf32>,
        %add3A_1276 = arith.constant 112 : i32
        %add3A_1277 = vector.broadcast %add3A_1276 : i32 to vector<16xi32>
        %add3A_1278 = arith.addi %select_n3A_170, %add3A_1277 : vector<16xi32>
        %gather3A_1279 = tpu.vector_load_idx %arg8[%add3A_552, %add3A_1278] : memref<200x128xf32, #tpu.memory_space<vmem>>[vector<16xi32>, vector<16xi32>], vector<16xf32>,
        %add3A_1280 = vector.broadcast %add3A_1239 : i32 to vector<16xi32>
        %add3A_1281 = arith.addi %add3A_423, %add3A_1280 : vector<16xi32>
        tpu.vector_store_idx %arg10[%add3A_1281], %gather3A_1279 : memref<25600xf32, #tpu.memory_space<vmem>>[vector<16xi32>], vector<16xf32>,
        %add3A_1282 = arith.constant 112 : i32
        %add3A_1283 = vector.broadcast %add3A_1282 : i32 to vector<16xi32>
        %add3A_1284 = arith.addi %select_n3A_195, %add3A_1283 : vector<16xi32>
        %gather3A_1285 = tpu.vector_load_idx %arg8[%add3A_552, %add3A_1284] : memref<200x128xf32, #tpu.memory_space<vmem>>[vector<16xi32>, vector<16xi32>], vector<16xf32>,
        %add3A_1286 = vector.broadcast %add3A_1239 : i32 to vector<16xi32>
        %add3A_1287 = arith.addi %add3A_427, %add3A_1286 : vector<16xi32>
        tpu.vector_store_idx %arg10[%add3A_1287], %gather3A_1285 : memref<25600xf32, #tpu.memory_space<vmem>>[vector<16xi32>], vector<16xf32>,
        %add3A_1288 = arith.constant 112 : i32
        %add3A_1289 = vector.broadcast %add3A_1288 : i32 to vector<16xi32>
        %add3A_1290 = arith.addi %select_n3A_220, %add3A_1289 : vector<16xi32>
        %gather3A_1291 = tpu.vector_load_idx %arg8[%add3A_552, %add3A_1290] : memref<200x128xf32, #tpu.memory_space<vmem>>[vector<16xi32>, vector<16xi32>], vector<16xf32>,
        %add3A_1292 = vector.broadcast %add3A_1239 : i32 to vector<16xi32>
        %add3A_1293 = arith.addi %add3A_431, %add3A_1292 : vector<16xi32>
        tpu.vector_store_idx %arg10[%add3A_1293], %gather3A_1291 : memref<25600xf32, #tpu.memory_space<vmem>>[vector<16xi32>], vector<16xf32>,
        %add3A_1294 = arith.constant 112 : i32
        %add3A_1295 = vector.broadcast %add3A_1294 : i32 to vector<16xi32>
        %add3A_1296 = arith.addi %select_n3A_245, %add3A_1295 : vector<16xi32>
        %gather3A_1297 = tpu.vector_load_idx %arg8[%add3A_552, %add3A_1296] : memref<200x128xf32, #tpu.memory_space<vmem>>[vector<16xi32>, vector<16xi32>], vector<16xf32>,
        %add3A_1298 = vector.broadcast %add3A_1239 : i32 to vector<16xi32>
        %add3A_1299 = arith.addi %add3A_435, %add3A_1298 : vector<16xi32>
        tpu.vector_store_idx %arg10[%add3A_1299], %gather3A_1297 : memref<25600xf32, #tpu.memory_space<vmem>>[vector<16xi32>], vector<16xf32>,
        %add3A_1300 = arith.constant 112 : i32
        %add3A_1301 = vector.broadcast %add3A_1300 : i32 to vector<16xi32>
        %add3A_1302 = arith.addi %select_n3A_270, %add3A_1301 : vector<16xi32>
        %gather3A_1303 = tpu.vector_load_idx %arg8[%add3A_552, %add3A_1302] : memref<200x128xf32, #tpu.memory_space<vmem>>[vector<16xi32>, vector<16xi32>], vector<16xf32>,
        %add3A_1304 = vector.broadcast %add3A_1239 : i32 to vector<16xi32>
        %add3A_1305 = arith.addi %add3A_439, %add3A_1304 : vector<16xi32>
        tpu.vector_store_idx %arg10[%add3A_1305], %gather3A_1303 : memref<25600xf32, #tpu.memory_space<vmem>>[vector<16xi32>], vector<16xf32>,
        %add3A_1306 = arith.constant 112 : i32
        %add3A_1307 = vector.broadcast %add3A_1306 : i32 to vector<16xi32>
        %add3A_1308 = arith.addi %select_n3A_295, %add3A_1307 : vector<16xi32>
        %gather3A_1309 = tpu.vector_load_idx %arg8[%add3A_552, %add3A_1308] : memref<200x128xf32, #tpu.memory_space<vmem>>[vector<16xi32>, vector<16xi32>], vector<16xf32>,
        %add3A_1310 = vector.broadcast %add3A_1239 : i32 to vector<16xi32>
        %add3A_1311 = arith.addi %add3A_443, %add3A_1310 : vector<16xi32>
        tpu.vector_store_idx %arg10[%add3A_1311], %gather3A_1309 : memref<25600xf32, #tpu.memory_space<vmem>>[vector<16xi32>], vector<16xf32>,
        %add3A_1312 = arith.constant 112 : i32
        %add3A_1313 = vector.broadcast %add3A_1312 : i32 to vector<16xi32>
        %add3A_1314 = arith.addi %select_n3A_320, %add3A_1313 : vector<16xi32>
        %gather3A_1315 = tpu.vector_load_idx %arg8[%add3A_552, %add3A_1314] : memref<200x128xf32, #tpu.memory_space<vmem>>[vector<16xi32>, vector<16xi32>], vector<16xf32>,
        %add3A_1316 = vector.broadcast %add3A_1239 : i32 to vector<16xi32>
        %add3A_1317 = arith.addi %add3A_447, %add3A_1316 : vector<16xi32>
        tpu.vector_store_idx %arg10[%add3A_1317], %gather3A_1315 : memref<25600xf32, #tpu.memory_space<vmem>>[vector<16xi32>], vector<16xf32>,
        %add3A_1318 = arith.constant 112 : i32
        %add3A_1319 = vector.broadcast %add3A_1318 : i32 to vector<16xi32>
        %add3A_1320 = arith.addi %select_n3A_345, %add3A_1319 : vector<16xi32>
        %gather3A_1321 = tpu.vector_load_idx %arg8[%add3A_552, %add3A_1320] : memref<200x128xf32, #tpu.memory_space<vmem>>[vector<16xi32>, vector<16xi32>], vector<16xf32>,
        %add3A_1322 = vector.broadcast %add3A_1239 : i32 to vector<16xi32>
        %add3A_1323 = arith.addi %add3A_451, %add3A_1322 : vector<16xi32>
        tpu.vector_store_idx %arg10[%add3A_1323], %gather3A_1321 : memref<25600xf32, #tpu.memory_space<vmem>>[vector<16xi32>], vector<16xf32>,
        %add3A_1324 = arith.constant 112 : i32
        %add3A_1325 = vector.broadcast %add3A_1324 : i32 to vector<16xi32>
        %add3A_1326 = arith.addi %select_n3A_370, %add3A_1325 : vector<16xi32>
        %gather3A_1327 = tpu.vector_load_idx %arg8[%add3A_552, %add3A_1326] : memref<200x128xf32, #tpu.memory_space<vmem>>[vector<16xi32>, vector<16xi32>], vector<16xf32>,
        %add3A_1328 = vector.broadcast %add3A_1239 : i32 to vector<16xi32>
        %add3A_1329 = arith.addi %add3A_455, %add3A_1328 : vector<16xi32>
        tpu.vector_store_idx %arg10[%add3A_1329], %gather3A_1327 : memref<25600xf32, #tpu.memory_space<vmem>>[vector<16xi32>], vector<16xf32>,
        %add3A_1330 = arith.constant 112 : i32
        %add3A_1331 = vector.broadcast %add3A_1330 : i32 to vector<16xi32>
        %add3A_1332 = arith.addi %select_n3A_395, %add3A_1331 : vector<16xi32>
        %gather3A_1333 = tpu.vector_load_idx %arg8[%add3A_552, %add3A_1332] : memref<200x128xf32, #tpu.memory_space<vmem>>[vector<16xi32>, vector<16xi32>], vector<16xf32>,
        %add3A_1334 = vector.broadcast %add3A_1239 : i32 to vector<16xi32>
        %add3A_1335 = arith.addi %add3A_459, %add3A_1334 : vector<16xi32>
        tpu.vector_store_idx %arg10[%add3A_1335], %gather3A_1333 : memref<25600xf32, #tpu.memory_space<vmem>>[vector<16xi32>], vector<16xf32>,
      }
      %scan3A_533 = arith.constant 13 : i32
      %dma_start3A_534 = arith.constant 0 : i32
      %dma_start3A_535 = tpu.memref_slice %arg4[%add3A_519, %dma_start3A_534] : memref<4096x25600xf32, #tpu.memory_space<hbm>> -> memref<1x25600xf32, #tpu.memory_space<hbm>>
      %dma_start3A_536 = tpu.memref_squeeze %dma_start3A_535 : memref<1x25600xf32, #tpu.memory_space<hbm>> -> memref<25600xf32, #tpu.memory_space<hbm>>
      %dma_start3A_537 = arith.constant 0 : i32
      %dma_start3A_538 = tpu.memref_slice %arg4[%add3A_519, %dma_start3A_537] : memref<4096x25600xf32, #tpu.memory_space<hbm>> -> memref<1x25600xf32, #tpu.memory_space<hbm>>
      %dma_start3A_539 = tpu.memref_squeeze %dma_start3A_538 : memref<1x25600xf32, #tpu.memory_space<hbm>> -> memref<25600xf32, #tpu.memory_space<hbm>>
      tpu.enqueue_dma source(%arg10 : memref<25600xf32, #tpu.memory_space<vmem>>) target(%dma_start3A_539 : memref<25600xf32, #tpu.memory_space<hbm>>) target_semaphore(%arg14 : memref<!tpu.dma_semaphore, #tpu.memory_space<semaphore_mem>>)
      %add3A_540 = arith.constant 2 : i32
      %add3A_541 = arith.addi %add3A_518, %add3A_540 : i32
      %lt3A_542 = arith.constant 128 : i32
      %lt3A_543 = arith.cmpi slt, %add3A_541, %lt3A_542 : i32
      %convert_element_type3A_544 = arith.extui %lt3A_543 : i1 to i32
      %cond3A_545 = arith.constant 0 : i32
      %cond3A_546 = arith.cmpi ne, %convert_element_type3A_544, %cond3A_545 : i32
      scf.if %cond3A_546 {
        %add3A_547 = arith.constant 2 : i32
        %add3A_548 = arith.addi %add3A_518, %add3A_547 : i32
        %add3A_549 = arith.addi %mul3A_2, %add3A_548 : i32
        "tpu.region"() ({
          %run_scoped3A = tpu.sem_alloc : memref<!tpu.dma_semaphore, #tpu.memory_space<semaphore_mem>>
          %dma_start3A_553 = arith.constant 0 : i32
          %dma_start3A_554 = tpu.memref_slice %arg2[%add3A_549, %dma_start3A_553] : memref<4096x200xi32, #tpu.memory_space<hbm>> -> memref<1x200xi32, #tpu.memory_space<hbm>>
          %dma_start3A_555 = tpu.memref_squeeze %dma_start3A_554 : memref<1x200xi32, #tpu.memory_space<hbm>> -> memref<200xi32, #tpu.memory_space<hbm>>
          %dma_start3A_556 = arith.constant 0 : i32
          %dma_start3A_557 = tpu.memref_slice %arg2[%add3A_549, %dma_start3A_556] : memref<4096x200xi32, #tpu.memory_space<hbm>> -> memref<1x200xi32, #tpu.memory_space<hbm>>
          %dma_start3A_558 = tpu.memref_squeeze %dma_start3A_557 : memref<1x200xi32, #tpu.memory_space<hbm>> -> memref<200xi32, #tpu.memory_space<hbm>>
          tpu.enqueue_dma source(%dma_start3A_558 : memref<200xi32, #tpu.memory_space<hbm>>) target(%arg6 : memref<200xi32, #tpu.memory_space<vmem>>) target_semaphore(%run_scoped3A : memref<!tpu.dma_semaphore, #tpu.memory_space<semaphore_mem>>)
          %dma_wait3A_559 = arith.constant 0 : i32
          %dma_wait3A_560 = tpu.memref_slice %arg2[%add3A_549, %dma_wait3A_559] : memref<4096x200xi32, #tpu.memory_space<hbm>> -> memref<1x200xi32, #tpu.memory_space<hbm>>
          %dma_wait3A_561 = tpu.memref_squeeze %dma_wait3A_560 : memref<1x200xi32, #tpu.memory_space<hbm>> -> memref<200xi32, #tpu.memory_space<hbm>>
          %dma_wait3A_562 = arith.constant 0 : i32
          %dma_wait3A_563 = tpu.memref_slice %arg2[%add3A_549, %dma_wait3A_562] : memref<4096x200xi32, #tpu.memory_space<hbm>> -> memref<1x200xi32, #tpu.memory_space<hbm>>
          %dma_wait3A_564 = tpu.memref_squeeze %dma_wait3A_563 : memref<1x200xi32, #tpu.memory_space<hbm>> -> memref<200xi32, #tpu.memory_space<hbm>>
          tpu.wait_dma2 semaphore(%run_scoped3A : memref<!tpu.dma_semaphore, #tpu.memory_space<semaphore_mem>>) src(%dma_wait3A_564 : memref<200xi32, #tpu.memory_space<hbm>>) dst(%arg6 : memref<200xi32, #tpu.memory_space<vmem>>)
          tpu.yield
        }) : () -> ()
        %dma_start3A_550 = arith.constant 0 : i32
        %dma_start3A_551 = arith.constant 0 : i32
        %dma_start3A_552 = tpu.memref_slice %arg3[%dma_start3A_550, %dma_start3A_551] : memref<100000x128xf32, #tpu.memory_space<hbm>> -> memref<100000x128xf32, #tpu.memory_space<hbm>>
        tpu.enqueue_indirect_dma source(%dma_start3A_552 : memref<100000x128xf32, #tpu.memory_space<hbm>>) target(%arg8 : memref<200x128xf32, #tpu.memory_space<vmem>>) offsets(%arg6 : memref<200xi32, #tpu.memory_space<vmem>>) semaphore(%arg12 : memref<!tpu.dma_semaphore, #tpu.memory_space<semaphore_mem>>)
      } else {
      }
    }
    %scan3A_473 = arith.constant 64 : i32
    %dma_wait3A = arith.constant 0 : i32
    %dma_wait3A_474 = tpu.memref_slice %arg4[%mul3A_2, %dma_wait3A] : memref<4096x25600xf32, #tpu.memory_space<hbm>> -> memref<1x25600xf32, #tpu.memory_space<hbm>>
    %dma_wait3A_475 = tpu.memref_squeeze %dma_wait3A_474 : memref<1x25600xf32, #tpu.memory_space<hbm>> -> memref<25600xf32, #tpu.memory_space<hbm>>
    %dma_wait3A_476 = arith.constant 0 : i32
    %dma_wait3A_477 = tpu.memref_slice %arg4[%mul3A_2, %dma_wait3A_476] : memref<4096x25600xf32, #tpu.memory_space<hbm>> -> memref<1x25600xf32, #tpu.memory_space<hbm>>
    %dma_wait3A_478 = tpu.memref_squeeze %dma_wait3A_477 : memref<1x25600xf32, #tpu.memory_space<hbm>> -> memref<25600xf32, #tpu.memory_space<hbm>>
    tpu.wait_dma2 semaphore(%arg13 : memref<!tpu.dma_semaphore, #tpu.memory_space<semaphore_mem>>) src(%arg9 : memref<25600xf32, #tpu.memory_space<vmem>>) dst(%dma_wait3A_478 : memref<25600xf32, #tpu.memory_space<hbm>>)
    %dma_wait3A_479 = arith.constant 0 : i32
    %dma_wait3A_480 = tpu.memref_slice %arg4[%mul3A_2, %dma_wait3A_479] : memref<4096x25600xf32, #tpu.memory_space<hbm>> -> memref<1x25600xf32, #tpu.memory_space<hbm>>
    %dma_wait3A_481 = tpu.memref_squeeze %dma_wait3A_480 : memref<1x25600xf32, #tpu.memory_space<hbm>> -> memref<25600xf32, #tpu.memory_space<hbm>>
    %dma_wait3A_482 = arith.constant 0 : i32
    %dma_wait3A_483 = tpu.memref_slice %arg4[%mul3A_2, %dma_wait3A_482] : memref<4096x25600xf32, #tpu.memory_space<hbm>> -> memref<1x25600xf32, #tpu.memory_space<hbm>>
    %dma_wait3A_484 = tpu.memref_squeeze %dma_wait3A_483 : memref<1x25600xf32, #tpu.memory_space<hbm>> -> memref<25600xf32, #tpu.memory_space<hbm>>
    tpu.wait_dma2 semaphore(%arg14 : memref<!tpu.dma_semaphore, #tpu.memory_space<semaphore_mem>>) src(%arg10 : memref<25600xf32, #tpu.memory_space<vmem>>) dst(%dma_wait3A_484 : memref<25600xf32, #tpu.memory_space<hbm>>)
    return
  }
}

module attributes {stable_mosaic.version = 14 : i64} {
  func.func @_len_body(%arg0: i32, %arg1: memref<4096x1x200xi32, #tpu.memory_space<vmem>>, %arg2: memref<4096x1x1xi32, #tpu.memory_space<vmem>>) attributes {dimension_semantics = [#tpu.dimension_semantics<arbitrary>], iteration_bounds = array<i64: 1>, scalar_prefetch = 0 : i64, scratch_operands = 0 : i64, tpu.core_type = #tpu.core_type<tc>, window_params = [{pipeline_mode = #tpu.pipeline_mode<synchronous>, transform_indices = @transform_0, window_bounds = array<i64: 4096, 1, 200>}, {pipeline_mode = #tpu.pipeline_mode<synchronous>, transform_indices = @transform_1, window_bounds = array<i64: 4096, 1, 1>}]} {
    %get3A = arith.constant 0 : index
    %get3A_0 = arith.constant 0 : index
    %get3A_1 = arith.constant 0 : index
    %get3A_2 = vector.load %arg1[%get3A, %get3A_0, %get3A_1] : memref<4096x1x200xi32, #tpu.memory_space<vmem>>, vector<4096x1x200xi32>
    %ne3A = arith.constant 0 : i32
    %ne3A_3 = vector.broadcast %ne3A : i32 to vector<4096x1x200xi32>
    %ne3A_4 = arith.cmpi ne, %get3A_2, %ne3A_3 : vector<4096x1x200xi32>
    %convert_element_type3A = arith.extui %ne3A_4 : vector<4096x1x200xi1> to vector<4096x1x200xi32>
    %reduce_sum3A = arith.constant dense<0> : vector<4096x1xi32>
    %reduce_sum3A_5 = vector.multi_reduction <add>, %convert_element_type3A, %reduce_sum3A [2] : vector<4096x1x200xi32> to vector<4096x1xi32>
    %broadcast_in_dim3A = vector.shape_cast %reduce_sum3A_5 : vector<4096x1xi32> to vector<4096x1x1xi32>
    %swap3A = arith.constant 0 : index
    %swap3A_6 = arith.constant 0 : index
    %swap3A_7 = arith.constant 0 : index
    %swap3A_8 = vector.load %arg2[%swap3A, %swap3A_6, %swap3A_7] : memref<4096x1x1xi32, #tpu.memory_space<vmem>>, vector<4096x1x1xi32>
    tpu.vector_store %arg2[%swap3A, %swap3A_6, %swap3A_7], %broadcast_in_dim3A {strides = array<i32>} : memref<4096x1x1xi32, #tpu.memory_space<vmem>>, vector<4096x1x1xi32>,
    return
  }
  func.func @transform_0(%arg0: i32) -> (i32, i32, i32) {
    %c0_i32 = arith.constant 0 : i32
    %c0_i32_0 = arith.constant 0 : i32
    %c0_i32_1 = arith.constant 0 : i32
    %c0_i32_2 = arith.constant 0 : i32
    return %c0_i32, %c0_i32_0, %c0_i32_1 : i32, i32, i32
  }
  func.func @transform_1(%arg0: i32) -> (i32, i32, i32) {
    %c0_i32 = arith.constant 0 : i32
    %c0_i32_0 = arith.constant 0 : i32
    %c0_i32_1 = arith.constant 0 : i32
    %c0_i32_2 = arith.constant 0 : i32
    return %c0_i32, %c0_i32_0, %c0_i32_1 : i32, i32, i32
  }
}

</mosaic_0001>

<sc_bundles>
// kernel: kernel.4.cloned.1.call-start
scs
__scs_entry_jumppad:
0x0: {  	(pc) =	sbr.rel $0x88, $3  }
0x1: {  	(tag) =	ssettag $0x0;
	lr =	simm.s32 $0x1  }
0x2: {  	[smem:$0x3F9F] =	sst lr;
	_ =	strace $0xD0000000  }
0x3: {  	_ = 	snop  }
0x4: {  	_ = 	snop  }
0x5: {  	_ = 	snop  }
0x6: {  	_ = 	snop  }
0x7: {  	_ = 	snop  }
__scs_overlays_trampoline_lowered:
0x8: {  	[smem:$0x3FAE] =	sst s0  }
0x9: {  	[smem:$0x3FAF] =	sst s1  }
0xa: {  	[smem:$0x3FB0] =	sst s2  }
0xb: {  	[smem:$0x3FB1] =	sst s3  }
0xc: {  	[smem:$0x3FB2] =	sst s4  }
0xd: {  	[smem:$0x3FB3] =	sst s5  }
0xe: {  	[smem:$0x3FB4] =	sst s6  }
0xf: {  	[smem:$0x3FB5] =	sst s7  }
0x10: {  	[smem:$0x3FB6] =	sst s8  }
0x11: {  	[smem:$0x3FB7] =	sst s9;
	s0 =	simm.s32 @!p0 $0x0  }
0x12: {  	s1 =	sld [smem:$0x3F9D];
	s0 =	simm.s32 @p0 $0x1  }
0x13: {  	[smem:$0x3FB8] =	sst s0;
	s0 =	simm.s32 @!p1 $0x0  }
0x14: {  	s2 =	sld [smem:$0x3F9C];
	s0 =	simm.s32 @p1 $0x1  }
0x15: {  	[smem:$0x3FB9] =	sst s0;
	s0 =	simm.s32 @!p2 $0x0  }
0x16: {  	s3 =	sld [smem:$0x3FDB];
	s0 =	simm.s32 @p2 $0x1  }
0x17: {  	s4 =	simm.s32 $0x1BF5;
	[smem:$0x3FBB] =	sst s0  }
0x18: {  	s0 =	sld [smem:$0x3F9E];
	_ =	swait.ge [sflag:s4], $0x0  }
0x19: {  	s7 =	sld [smem:$0x3F9F]  }
0x1a: {  	s8 =	sadd.s32 $0xFFFFE003, lr  }
0x1b: {  	s9 =	sadd.s32 $0xFFFFFEF7, lr;
	s5 =	simm.s32 $0xFFFFFFFF;
	p2 =	slt.u32 s8, $0xFFFFF086  }
0x1c: {  	p1 =	slt.u32 s9, $0xF7A;
	s5 =	simm.s32 @!p2 $0x0  }
0x1d: {  	s5 =	simm.s32 @p1 $0x1;
	p0 =	seq.s32 s7, s2  }
0x1e: {  	s7 =	smul.u32 @!p0 $0xF7A, s2;
	p2 =	seq.s32 @!p0 s5, $0x0  }
0x1f: {  	s9 =	smul.u32 $0xF7A, s1;
	s8 =	simm.s32 @!p0 $0x1BF5;
	p2 =	por !p2, p0  }
0x20: {  	[sflag:s8] =	ssyncset.s32 @!p0 $0xFFFFF086;
	s6 =	sadd.s32 @!p0 s3, s7;
	s7 =	simm.s32 @!p0 $0x108  }
0x21: {  	s3 =	sadd.s32 s3, s9;
	s6 =	sadd.s32 @!p0 $0x88, s6;
	s7 =	simm.s32 @p2 $0x1082  }
0x22: {  	[simem:s7], [sflag:s8] =	dma.local @!p0 [hbm:s6], $0xF7A  }
0x23: {  	s9 =	sor.u32 $0xD0000000, s2;
	s6 =	simm.s32 $0x108;
	_ =	swait.ge @!p0 [sflag:s8], $0x0  }
0x24: {  	s3 =	sadd.s32 $0x88, s3;
	s6 =	simm.s32 @!p1 $0x1082;
	[sflag:s4] =	ssyncset.s32 $0xFFFFF086  }
0x25: {  	[simem:s6], [sflag:s4] =	dma.local [hbm:s3], $0xF7A  }
0x26: {  	[smem:$0x3F9F] =	sst s1;
	(tag) =	ssettag s2;
	_ =	strace s9  }
0x27: {  	s1 =	sld [smem:$0x3FAF]  }
0x28: {  	s2 =	sld [smem:$0x3FB0]  }
0x29: {  	s4 =	sld [smem:$0x3FB2]  }
0x2a: {  	p0 =	seq.s32 s5, $0x0;
	s5 =	sld [smem:$0x3FB3]  }
0x2b: {  	s6 =	sld [smem:$0x3FB4]  }
0x2c: {  	s7 =	sld [smem:$0x3FB5]  }
0x2d: {  	s3 =	simm.s32 $0x108;
	s8 =	sld [smem:$0x3FB6]  }
0x2e: {  	s3 =	simm.s32 @!p0 $0x1082;
	s9 =	sld [smem:$0x3FB7]  }
0x2f: {  	lr =	sadd.s32 s0, s3;
	s0 =	sld [smem:$0x3FAE]  }
0x30: {  	s3 =	sld [smem:$0x3FB1]  }
0x31: {  	[smem:$0x3FBA] =	sst s10  }
0x32: {  	s10 =	sld [smem:$0x3FB8];
	_ =	sdelay $0x3  }
0x33: {  	p0 =	seq.s32 s10, $0x1;
	s10 =	sld [smem:$0x3FBA];
	_ =	sdelay $0x3  }
0x34: {  	[smem:$0x3FBA] =	sst s10  }
0x35: {  	s10 =	sld [smem:$0x3FB9];
	_ =	sdelay $0x3  }
0x36: {  	p1 =	seq.s32 s10, $0x1;
	s10 =	sld [smem:$0x3FBA];
	_ =	sdelay $0x3  }
0x37: {  	[smem:$0x3FBA] =	sst s10  }
0x38: {  	s10 =	sld [smem:$0x3FBB]  }
0x39: {  	_ = 	snop;
	(pc) =	sbr.ind lr, $3  }
0x3a: {  	_ = 	snop  }
0x3b: {  	_ = 	snop  }
0x3c: {  	p2 =	seq.s32 s10, $0x1;
	s10 =	sld [smem:$0x3FBA]  }
0x3d: {  	_ =	shalt  }
0x3e: {  	_ =	shalt  }
0x3f: {  	_ =	shalt  }
0x40: {  	_ =	shalt  }
0x41: {  	_ =	shalt  }
0x42: {  	_ =	shalt  }
0x43: {  	_ =	shalt  }
0x44: {  	_ =	shalt  }
0x45: {  	_ =	shalt  }
0x46: {  	_ =	shalt  }
0x47: {  	_ =	shalt  }
0x48: {  	_ =	shalt  }
0x49: {  	_ =	shalt  }
0x4a: {  	_ =	shalt  }
0x4b: {  	_ =	shalt  }
0x4c: {  	_ =	shalt  }
0x4d: {  	_ =	shalt  }
0x4e: {  	_ =	shalt  }
0x4f: {  	_ =	shalt  }
0x50: {  	_ =	shalt  }
0x51: {  	_ =	shalt  }
0x52: {  	_ =	shalt  }
0x53: {  	_ =	shalt  }
0x54: {  	_ =	shalt  }
0x55: {  	_ =	shalt  }
0x56: {  	_ =	shalt  }
0x57: {  	_ =	shalt  }
0x58: {  	_ =	shalt  }
0x59: {  	_ =	shalt  }
0x5a: {  	_ =	shalt  }
0x5b: {  	_ =	shalt  }
0x5c: {  	_ =	shalt  }
0x5d: {  	_ =	shalt  }
0x5e: {  	_ =	shalt  }
0x5f: {  	_ =	shalt  }
0x60: {  	_ =	shalt  }
0x61: {  	_ =	shalt  }
0x62: {  	_ =	shalt  }
0x63: {  	_ =	shalt  }
0x64: {  	_ =	shalt  }
0x65: {  	_ =	shalt  }
0x66: {  	_ =	shalt  }
0x67: {  	_ =	shalt  }
0x68: {  	_ =	shalt  }
0x69: {  	_ =	shalt  }
0x6a: {  	_ =	shalt  }
0x6b: {  	_ =	shalt  }
0x6c: {  	_ =	shalt  }
0x6d: {  	_ =	shalt  }
0x6e: {  	_ =	shalt  }
0x6f: {  	_ =	shalt  }
0x70: {  	_ =	shalt  }
0x71: {  	_ =	shalt  }
0x72: {  	_ =	shalt  }
0x73: {  	_ =	shalt  }
0x74: {  	_ =	shalt  }
0x75: {  	_ =	shalt  }
0x76: {  	_ =	shalt  }
0x77: {  	_ =	shalt  }
0x78: {  	_ =	shalt  }
0x79: {  	_ =	shalt  }
0x7a: {  	_ =	shalt  }
0x7b: {  	_ =	shalt  }
0x7c: {  	_ =	shalt  }
0x7d: {  	_ =	shalt  }
0x7e: {  	_ =	shalt  }
0x7f: {  	_ =	shalt  }
0x80: {  	_ =	shalt  }
0x81: {  	_ =	shalt  }
0x82: {  	_ =	shalt  }
0x83: {  	_ =	shalt  }
0x84: {  	_ =	shalt  }
0x85: {  	_ =	shalt  }
0x86: {  	_ =	shalt  }
0x87: {  	_ =	shalt  }
.Lfunc_end0:
.L_simem_size_0:
called_computation.1_lowered:
.L_overlay_start_0:
0x88: {  	s2 =	sld [smem:$0x3FD9]  }
0x89: {  	s3 =	sld [smem:$0x3FFE];
	_ =	sdelay $0x1  }
0x8a: {  	s1 =	srdreg.scid  }
0x8b: {  	s0 =	sand.u32 $0x1, s1  }
0x8c: {  	s14 =	sshll.u32 s0, $0xA;
	s2 =	sadd.s32 s3, s2  }
0x8d: {  	s2 =	sadd.s32 s2, s14  }
0x8e: {  	[smem:$0x3FC6] =	sst s2  }
0x8f: {  	_ = 	snop  }
0x90: {  	s2 =	sld [smem:$0x3FD0];
	_ =	sdelay $0x2  }
0x91: {  	s4 =	simm.s32 $0xA;
	s5 =	simm.s32 $0x10;
	s15 =	sld [smem:$0x3FC8]  }
0x92: {  	[smem:s5], [sflag:s4] =	dma.local [hbm:s2], $0x1  }
0x93: {  	_ =	swait.eq [sflag:s4], $0x1  }
0x94: {  	[sflag:s4] =	ssyncset.done $0x0  }
0x95: {  	[sflag:s4] =	ssyncadd.s32 $0xFFFFFFFF  }
0x96: {  	s16 =	sld [smem:$0x10];
	(tm) =	ssettm $0x1  }
0x97: {  	s17 =	sld [smem:$0x3FFB];
	_ =	sdelay $0x3  }
0x98: {  	_ =	strace s17  }
0x99: {  	s4 =	sld [smem:$0x3FFC];
	_ =	sdelay $0x3  }
0x9a: {  	_ =	strace s4  }
0x9b: {  	s4 =	sld [smem:$0x3FFD];
	_ =	sdelay $0x3  }
0x9c: {  	_ =	strace s4  }
0x9d: {  	_ =	strace $0x8FFFFFFF  }
0x9e: {  	s18 =	sld [smem:$0x3FDB];
	_ =	sdelay $0x1  }
0x9f: {  	s19 =	simm.s32 $_scs_section_size  }
0xa0: {  	s6 =	simm.s32 $_size__tile_overlayer_lowered;
	s7 =	simm.s32 $_tile_overlayer_lowered  }
0xa1: {  	s22 =	simm.s32 $0x1BFF;
	s21 =	sshll.u32 s7, $0x1;
	s4 =	sadd.s32 s19, s18  }
0xa2: {  	s8 =	simm.s32 $0x0;
	s20 =	sshll.u32 s6, $0x1;
	s6 =	sadd.s32 s21, s4  }
0xa3: {  	[timem:s8], [sflag:s22] =	dma.local [hbm:s6], s20  }
0xa4: {  	_ =	swait.ge [sflag:s22], s20  }
0xa5: {  	s5 =	ssub.s32 $0x0, s20;
	[sflag:s22] =	ssyncset.done $0x0  }
0xa6: {  	[sflag:s22] =	ssyncadd.s32 s5;
	_ =	sdelay $0x1  }
0xa7: {  	s23 =	simm.s32 $0x1B8B  }
0xa8: {  	_ =	swait.ge [sflag:s23], $0x1  }
0xa9: {  	[sflag:s23] =	ssyncset.done $0x0  }
0xaa: {  	s25 =	simm.s32 $0x1B8E;
	s24 =	sld [smem:$0x3FFE];
	[sflag:s23] =	ssyncadd.s32 $0xFFFFFFFF  }
0xab: {  	s26 =	simm.s32 $execute0_lowered;
	[smem:$0x3FD2] =	sst s25  }
0xac: {  	s6 =	sshll.u32 s26, $0x1;
	_ =	strace $0x80000046;
	[dreg:$0x1] =	wrdreg $0xFFFFFFFF  }
0xad: {  	s28 =	simm.s32 $_size_execute0_lowered;
	s4 =	sadd.s32 s4, s6;
	[dreg:$0x0] =	wrdreg $0x0  }
0xae: {  	s6 =	sshll.u32 s28, $0x1;
	[dreg:$0x2] =	wrdreg s4  }
0xaf: {  	[dreg:$0x3] =	wrdreg s6  }
0xb0: {  	[dreg:$0x4] =	wrdreg $0xC0  }
0xb1: {  	_ =	task [dreg:s8], $0x5FFFF  }
0xb2: {  	[dreg:$0x1] =	wrdreg $0xFFFFFFFF  }
0xb3: {  	[dreg:$0x0] =	wrdreg $0x60  }
0xb4: {  	[dreg:$0x2] =	wrdreg s24  }
0xb5: {  	[dreg:$0x3] =	wrdreg s15  }
0xb6: {  	[dreg:$0x4] =	wrdreg s16  }
0xb7: {  	[dreg:$0x5] =	wrdreg $0x9  }
0xb8: {  	_ =	task.clear_ibuf [dreg:s8], $0x6FFFF;
	_ =	strace $0x90000046  }
0xb9: {  	s29 =	simm.s32 $0x9;
	_ =	strace $0x80000048  }
0xba: {  	_ =	swait.ge [sflag:s29], $0x1  }
0xbb: {  	[sflag:s29] =	ssyncadd.s32 $0xFFFFFFFF  }
0xbc: {  	_ =	strace $0x90000048  }
0xbd: {  	_ =	sfence  }
0xbe: {  	s30 =	sld [smem:$0x0];
	_ =	sdelay $0x2  }
0xbf: {  	s31 =	sshll.u32 s1, $0xD;
	s1 =	sshrl.u32 s1, $0x2  }
0xc0: {  	s3 =	sand.u32 $0x4000, s31;
	s1 =	sadd.s32 s1, s30  }
0xc1: {  	s0 =	sor.u32 s3, s0;
	s1 =	sshll.u32 s1, $0x11  }
0xc2: {  	s0 =	sor.u32 s1, s0  }
0xc3: {  	s0 =	sadd.s32 $0x8F2B, s0  }
0xc4: {  	[sflag:s0] =	ssyncadd.remote.s32 $0x1  }
0xc5: {  	_ =	sfence.sel $0xFFFF  }
0xc6: {  	[dreg:$0x0] =	wrdreg $0xFFFFFFFF;
	(pc) =	sbr.abs _section_cstart, $3  }
0xc7: {  	[dreg:$0x1] =	wrdreg $0xFFFFFFFF  }
0xc8: {  	_ =	task.clear_ibuf [dreg:s8], $0x2FFFF;
	_ =	strace $0x9FFFFFFF  }
0xc9: {  	(tm) =	ssettm $0x7FFFFFFF  }
tec
execute0_lowered:
.L_overlay_start_1:
0x0: {  	(tag) =	ssettag $0x1  }
0x1: {  	v0 =	vimm.s32 $0xFEDCBA9  }
0x2: {  	v1 =	vimm.s32 $0x87654321;
	vm10 =	vcmask $0x300;
	v2 =	vimm.s32 $0xF  }
0x3: {  	vm13 =	vcmask $0x704;
	vm14 =	vcmask $0xB08;
	vm11 =	vcmask $0xF0C  }
0x4: {  	vm12 =	vcmask $0x1310;
	vm7 =	vcmask $0x1714;
	vm8 =	vcmask $0x1B18  }
0x5: {  	vm0 =	vcmask $0x1F1C;
	vm1 =	vcmask $0x2320;
	vm2 =	vcmask $0x2724  }
0x6: {  	vm3 =	vcmask $0x2B28;
	vm4 =	vcmask $0x2F2C;
	vm5 =	vcmask $0x3330  }
0x7: {  	vm6 =	vcmask $0x3734;
	vm9 =	vcmask $0x3B38;
	v4 =	vimm.s32 $0x10FEDCBA  }
0x8: {  	v5 =	vimm.s32 $0x98765432;
	v6 =	vimm.s32 $0x19F;
	v58 =	vimm.s32 $0x210FEDCB  }
0x9: {  	v9 =	vimm.s32 $0xBA987654;
	v13 =	vimm.s32 $0xCBA98765;
	v61 =	vimm.s32 $0x543210FE  }
0xa: {  	v14 =	vimm.s32 $0xDCBA9876;
	v15 =	vimm.s32 $0x4BF;
	v20 =	vimm.s32 $0xEDCBA987  }
0xb: {  	v27 =	vimm.s32 $0x64F;
	v38 =	vimm.s32 $0x717;
	v39 =	vimm.s32 $0x7DF  }
0xc: {  	v42 =	vimm.s32 $0x8A7;
	v49 =	vimm.s32 $0x96F;
	v51 =	vimm.s32 $0xAFF  }
0xd: {  	v0 =	vunpack.c.l.s4.s8 v0;
	v1 =	vunpack.c.l.s4.s8 v1;
	v3 =	vsel vm10, $0xC8, v2  }
0xe: {  	v4 =	vunpack.c.l.s4.s8 v4;
	v5 =	vunpack.c.l.s4.s8 v5;
	v57 =	vsel vm10, $0x258, v6  }
0xf: {  	v6 =	vimm.s32 $0xA9876543;
	v9 =	vunpack.c.l.s4.s8 v9;
	v13 =	vunpack.c.l.s4.s8 v13  }
0x10: {  	v17 =	vunpack.c.l.s4.s8 v14;
	v15 =	vsel vm10, $0x578, v15;
	v6 =	vunpack.c.l.s4.s8 v6  }
0x11: {  	v63 =	vsel vm13, $0x641, v15;
	v0 =	vunpack.c.0.s8.s32 v0;
	v2 =	vunpack.c.0.s8.s32 v1  }
0x12: {  	v1 =	vsel vm13, $0x191, v3;
	v12 =	vunpack.c.0.s8.s32 v4;
	v16 =	vunpack.c.0.s8.s32 v5  }
0x13: {  	v4 =	vsel vm13, $0x321, v57;
	v5 =	vunpack.c.l.s4.s8 v58;
	v26 =	vunpack.c.0.s8.s32 v9  }
0x14: {  	v24 =	vunpack.c.0.s8.s32 v13;
	v18 =	vunpack.c.0.s8.s32 v17;
	v17 =	vunpack.c.l.s4.s8 v20  }
0x15: {  	v1 =	vsel vm14, $0x25A, v1;
	v4 =	vsel vm14, $0x3EA, v4;
	v6 =	vunpack.c.0.s8.s32 v6  }
0x16: {  	v3 =	vcombine.low v2, v0;
	v1 =	vsel vm11, $0x323, v1;
	v4 =	vsel vm11, $0x4B3, v4  }
0x17: {  	v7 =	vcombine.low v16, v12;
	v59 =	vunpack.c.0.s8.s32 v5;
	v22 =	vunpack.c.0.s8.s32 v17  }
0x18: {  	v17 =	vsel vm10, $0x708, v27;
	v0 =	vcombine.low v0, v2;
	v12 =	vcombine.low v12, v16  }
0x19: {  	v1 =	vsel vm12, $0x3EC, v1;
	v8 =	vsel vm12, $0x57C, v4;
	v17 =	vsel vm13, $0x7D1, v17  }
0x1a: {  	v30 =	vand.u32 $0xF, v3;
	v1 =	vsel vm7, $0x4B5, v1;
	v3 =	vimm.s32 $0xD7  }
0x1b: {  	v60 =	vsel vm7, $0x645, v8;
	v31 =	vand.u32 $0xF, v7;
	v7 =	vcombine.low v6, v59  }
0x1c: {  	v8 =	vimm.s32 $0x267;
	v17 =	vsel vm14, $0x89A, v17;
	v0 =	vand.u32 $0xF, v0  }
0x1d: {  	v41 =	vand.u32 $0xF, v12;
	v12 =	vsel vm10, $0x960, v42;
	v4 =	vcombine.low v59, v6  }
0x1e: {  	v1 =	vsel vm8, $0x57E, v1;
	v3 =	vsel vm10, $0x190, v3;
	v5 =	vsel vm8, $0x70E, v60  }
0x1f: {  	v8 =	vsel vm10, $0x320, v8;
	v17 =	vsel vm11, $0x963, v17;
	v12 =	vsel vm13, $0xA29, v12  }
0x20: {  	v1 =	vsel vm0, $0x647, v1;
	v3 =	vsel vm13, $0x259, v3;
	v5 =	vsel vm0, $0x7D7, v5  }
0x21: {  	v32 =	vand.u32 $0xF, v7;
	v7 =	vsel vm13, $0x3E9, v8;
	v8 =	vimm.s32 $0x3210FEDC  }
0x22: {  	v17 =	vsel vm12, $0xA2C, v17;
	v12 =	vsel vm14, $0xAF2, v12;
	v4 =	vand.u32 $0xF, v4  }
0x23: {  	v1 =	vsel vm1, $0x710, v1;
	v3 =	vsel vm14, $0x322, v3;
	v5 =	vsel vm1, $0x8A0, v5  }
0x24: {  	v7 =	vsel vm14, $0x4B2, v7;
	v8 =	vunpack.c.l.s4.s8 v8;
	v17 =	vsel vm7, $0xAF5, v17  }
0x25: {  	v12 =	vsel vm11, $0xBBB, v12;
	[tilespmem:$0x1F6F0] =	vst v4;
	v4 =	vsel vm10, $0xA28, v49;
	v1 =	vsel vm2, $0x7D9, v1  }
0x26: {  	v3 =	vsel vm11, $0x3EB, v3;
	v5 =	vsel vm2, $0x969, v5;
	v7 =	vsel vm11, $0x57B, v7  }
0x27: {  	v17 =	vsel vm8, $0xBBE, v17;
	v12 =	vsel vm12, $0x4, v12;
	v1 =	vsel vm3, $0x8A2, v1  }
0x28: {  	v3 =	vsel vm12, $0x4B4, v3;
	v5 =	vsel vm3, $0xA32, v5;
	v7 =	vsel vm12, $0x644, v7  }
0x29: {  	v8 =	vunpack.c.0.s8.s32 v8;
	v17 =	vsel vm0, $0x7, v17;
	v12 =	vsel vm7, $0xCD, v12  }
0x2a: {  	v1 =	vsel vm4, $0x96B, v1;
	v3 =	vsel vm7, $0x57D, v3;
	v5 =	vsel vm4, $0xAFB, v5  }
0x2b: {  	v7 =	vsel vm7, $0x70D, v7;
	v17 =	vsel vm1, $0xD0, v17;
	v12 =	vsel vm8, $0x196, v12  }
0x2c: {  	v1 =	vsel vm5, $0xA34, v1;
	v3 =	vsel vm8, $0x646, v3;
	v5 =	vsel vm5, $0xBC4, v5  }
0x2d: {  	v7 =	vsel vm8, $0x7D6, v7;
	v11 =	vcombine.low v26, v8;
	v17 =	vsel vm2, $0x199, v17  }
0x2e: {  	v12 =	vsel vm0, $0x25F, v12;
	v1 =	vsel vm6, $0xAFD, v1;
	v3 =	vsel vm0, $0x70F, v3  }
0x2f: {  	v5 =	vsel vm6, $0xD, v5;
	v7 =	vsel vm0, $0x89F, v7;
	v17 =	vsel vm3, $0x262, v17  }
0x30: {  	v12 =	vsel vm1, $0x328, v12;
	v1 =	vsel vm9, $0xBC6, v1;
	v3 =	vsel vm1, $0x7D8, v3  }
0x31: {  	v7 =	vsel vm1, $0x968, v7;
	v33 =	vand.u32 $0xF, v11;
	v11 =	vimm.s32 $0x43210FED  }
0x32: {  	v2 =	vsel vm4, $0x32B, v17;
	v6 =	vsel vm2, $0x3F1, v12;
	v3 =	vsel vm2, $0x8A1, v3  }
0x33: {  	v7 =	vsel vm2, $0xA31, v7;
	v11 =	vunpack.c.l.s4.s8 v11;
	v2 =	vsel vm5, $0x3F4, v2  }
0x34: {  	[tilespmem:$0x1F6E0] =	vst v0;
	v3 =	vsel vm3, $0x96A, v3;
	v7 =	vsel vm3, $0xAFA, v7;
	v0 =	vsel vm6, $0x4BD, v2  }
0x35: {  	v2 =	vsel vm10, $0x7D0, v38;
	v3 =	vsel vm4, $0xA33, v3;
	v7 =	vsel vm4, $0xBC3, v7  }
0x36: {  	v23 =	vunpack.c.0.s8.s32 v11;
	v11 =	vimm.s32 $0x3F7;
	v2 =	vsel vm13, $0x899, v2  }
0x37: {  	v40 =	vsel vm9, $0x586, v0;
	v3 =	vsel vm5, $0xAFC, v3;
	v7 =	vsel vm5, $0xC, v7  }
0x38: {  	v11 =	vsel vm10, $0x4B0, v11;
	v0 =	vsel vm14, $0x962, v2;
	v2 =	vsel vm10, $0x898, v39  }
0x39: {  	v3 =	vsel vm6, $0xBC5, v3;
	v7 =	vsel vm6, $0xD5, v7;
	v11 =	vsel vm13, $0x579, v11  }
0x3a: {  	v13 =	vcombine.low v24, v23;
	v0 =	vsel vm11, $0xA2B, v0;
	v2 =	vsel vm13, $0x961, v2  }
0x3b: {  	[tilespmem:$0x1F690] =	vst v1;
	v1 =	vsel vm9, $0xE, v3;
	v11 =	vsel vm14, $0x642, v11;
	v0 =	vsel vm12, $0xAF4, v0  }
0x3c: {  	v2 =	vsel vm14, $0xA2A, v2;
	[tilespmem:$0x1F6A0] =	vst v1;
	v1 =	vsel vm9, $0xD6, v5;
	v11 =	vsel vm11, $0x70B, v11  }
0x3d: {  	v34 =	vand.u32 $0xF, v13;
	v13 =	vunpack.c.l.s4.s8 v61;
	v5 =	vimm.s32 $0x6543210F  }
0x3e: {  	v0 =	vsel vm7, $0xBBD, v0;
	v2 =	vsel vm11, $0xAF3, v2;
	[tilespmem:$0x1F6B0] =	vst v1;
	v1 =	vsel vm9, $0x19E, v7  }
0x3f: {  	v11 =	vsel vm12, $0x7D4, v11;
	v15 =	vunpack.c.l.s4.s8 v5;
	v2 =	vsel vm12, $0xBBC, v2  }
0x40: {  	v0 =	vsel vm8, $0x6, v0;
	[tilespmem:$0x1F6C0] =	vst v1;
	v1 =	vsel vm7, $0x89D, v11;
	v2 =	vsel vm7, $0x5, v2  }
0x41: {  	v62 =	vunpack.c.0.s8.s32 v13;
	v0 =	vsel vm0, $0xCF, v0;
	v2 =	vsel vm8, $0xCE, v2  }
0x42: {  	v1 =	vsel vm8, $0x966, v1;
	v0 =	vsel vm1, $0x198, v0;
	v2 =	vsel vm0, $0x197, v2  }
0x43: {  	v20 =	vunpack.c.0.s8.s32 v15;
	v0 =	vsel vm2, $0x261, v0;
	v2 =	vsel vm1, $0x260, v2  }
0x44: {  	v1 =	vsel vm0, $0xA2F, v1;
	v0 =	vsel vm3, $0x32A, v0;
	v2 =	vsel vm2, $0x329, v2  }
0x45: {  	v1 =	vsel vm1, $0xAF8, v1;
	v0 =	vsel vm4, $0x3F3, v0;
	v2 =	vsel vm3, $0x3F2, v2  }
0x46: {  	v1 =	vsel vm2, $0xBC1, v1;
	v0 =	vsel vm5, $0x4BC, v0;
	v2 =	vsel vm4, $0x4BB, v2  }
0x47: {  	v1 =	vsel vm3, $0xA, v1;
	v0 =	vsel vm6, $0x585, v0;
	v2 =	vsel vm5, $0x584, v2  }
0x48: {  	v43 =	vsel vm9, $0x64E, v0;
	v0 =	vsel vm6, $0x64D, v2;
	v2 =	vsel vm3, $0x4BA, v6  }
0x49: {  	v48 =	vsel vm9, $0x716, v0;
	v0 =	vsel vm4, $0x583, v2;
	v2 =	vcombine.low v8, v26  }
0x4a: {  	v1 =	vsel vm4, $0xD3, v1;
	v6 =	vcombine.low v23, v24;
	v0 =	vsel vm5, $0x64C, v0  }
0x4b: {  	v1 =	vsel vm5, $0x19C, v1;
	v0 =	vsel vm6, $0x715, v0;
	v2 =	vand.u32 $0xF, v2  }
0x4c: {  	[tilespmem:$0x1F700] =	vst v2;
	v50 =	vsel vm9, $0x7DE, v0;
	v0 =	vsel vm13, $0xAF1, v4;
	v2 =	vand.u32 $0xF, v6  }
0x4d: {  	v1 =	vsel vm6, $0x265, v1;
	[tilespmem:$0x1F710] =	vst v2;
	v0 =	vsel vm14, $0xBBA, v0;
	v2 =	vimm.s32 $0xA37  }
0x4e: {  	v35 =	vsel vm9, $0x32E, v1;
	v0 =	vsel vm11, $0x3, v0;
	v2 =	vsel vm10, $0xAF0, v2  }
0x4f: {  	v4 =	vsel vm10, $0xBB8, v51;
	v0 =	vsel vm12, $0xCC, v0;
	v2 =	vsel vm13, $0xBB9, v2  }
0x50: {  	v4 =	vsel vm13, $0x1, v4;
	v0 =	vsel vm7, $0x195, v0;
	v2 =	vsel vm14, $0x2, v2  }
0x51: {  	v4 =	vsel vm14, $0xCA, v4;
	v0 =	vsel vm8, $0x25E, v0;
	v2 =	vsel vm11, $0xCB, v2  }
0x52: {  	v4 =	vsel vm11, $0x193, v4;
	v0 =	vsel vm0, $0x327, v0;
	v2 =	vsel vm12, $0x194, v2  }
0x53: {  	v4 =	vsel vm12, $0x25C, v4;
	v0 =	vsel vm1, $0x3F0, v0;
	v2 =	vsel vm7, $0x25D, v2  }
0x54: {  	v4 =	vsel vm7, $0x325, v4;
	v0 =	vsel vm2, $0x4B9, v0;
	v2 =	vsel vm8, $0x326, v2  }
0x55: {  	v4 =	vsel vm8, $0x3EE, v4;
	v0 =	vsel vm3, $0x582, v0;
	v2 =	vsel vm0, $0x3EF, v2  }
0x56: {  	v4 =	vsel vm0, $0x4B7, v4;
	v0 =	vsel vm4, $0x64B, v0;
	v2 =	vsel vm1, $0x4B8, v2  }
0x57: {  	v4 =	vsel vm1, $0x580, v4;
	v0 =	vsel vm5, $0x714, v0;
	v2 =	vsel vm2, $0x581, v2  }
0x58: {  	v4 =	vsel vm2, $0x649, v4;
	v0 =	vsel vm6, $0x7DD, v0;
	v2 =	vsel vm3, $0x64A, v2  }
0x59: {  	v1 =	vsel vm9, $0x8A6, v0;
	v0 =	vsel vm4, $0x713, v2;
	v2 =	vsel vm3, $0x712, v4  }
0x5a: {  	v19 =	vcombine.low v18, v62;
	v0 =	vsel vm5, $0x7DC, v0;
	v2 =	vsel vm4, $0x7DB, v2  }
0x5b: {  	v6 =	vcombine.low v20, v22;
	v0 =	vsel vm6, $0x8A5, v0;
	v2 =	vsel vm5, $0x8A4, v2  }
0x5c: {  	v3 =	vand.u32 $0xF, v19;
	v27 =	vsel vm9, $0x96E, v0;
	v0 =	vsel vm6, $0x96D, v2  }
0x5d: {  	v2 =	vand.u32 $0xF, v6;
	v29 =	vsel vm9, $0xA36, v0;
	v0 =	vimm.s32 $0x1C1B1A19  }
0x5e: {  	[tilespmem:$0x1F730] =	vst v2;
	v2 =	vimm.s32 $0x14131211;
	v53 =	vunpack.c.0.s8.s32 v0;
	v0 =	vimm.s32 $0x101F1E1D  }
0x5f: {  	[tilespmem:$0x1F6D0] =	vst v3;
	v54 =	vunpack.c.0.s8.s32 v2;
	v3 =	vunpack.c.0.s8.s32 v0;
	v0 =	vimm.s32 $0x18171615  }
0x60: {  	v2 =	vimm.s32 $0x11101F1E;
	v55 =	vunpack.c.0.s8.s32 v0;
	v0 =	vimm.s32 $0x1D1C1B1A  }
0x61: {  	v57 =	vunpack.c.0.s8.s32 v2;
	v56 =	vunpack.c.0.s8.s32 v0;
	v0 =	vimm.s32 $0x15141312  }
0x62: {  	v2 =	vimm.s32 $0x1E1D1C1B;
	v58 =	vunpack.c.0.s8.s32 v0;
	v0 =	vimm.s32 $0x19181716  }
0x63: {  	v59 =	vunpack.c.0.s8.s32 v0;
	v0 =	vunpack.c.0.s8.s32 v2;
	_ =	sdelay $0x1  }
0x64: {  	[tilespmem:$0x1F740] =	vst v0;
	v0 =	vimm.s32 $0x1211101F  }
0x65: {  	v0 =	vunpack.c.0.s8.s32 v0;
	_ =	sdelay $0x1  }
0x66: {  	[tilespmem:$0x1F750] =	vst v0;
	v0 =	vimm.s32 $0x16151413  }
0x67: {  	v0 =	vunpack.c.0.s8.s32 v0  }
0x68: {  	v2 =	vimm.s32 $0x1A191817  }
0x69: {  	[tilespmem:$0x1F760] =	vst v0;
	v0 =	vunpack.c.0.s8.s32 v2;
	_ =	sdelay $0x1  }
0x6a: {  	[tilespmem:$0x1F770] =	vst v0;
	v0 =	vimm.s32 $0x1F1E1D1C  }
0x6b: {  	v0 =	vunpack.c.0.s8.s32 v0;
	_ =	sdelay $0x1  }
0x6c: {  	[tilespmem:$0x1F780] =	vst v0;
	v0 =	vimm.s32 $0x13121110  }
0x6d: {  	v0 =	vunpack.c.0.s8.s32 v0  }
0x6e: {  	v2 =	vimm.s32 $0x17161514  }
0x6f: {  	[tilespmem:$0x1F790] =	vst v0;
	v0 =	vunpack.c.0.s8.s32 v2;
	_ =	sdelay $0x1  }
0x70: {  	[tilespmem:$0x1F7A0] =	vst v0;
	v0 =	vimm.s32 $0x1B1A1918  }
0x71: {  	v0 =	vunpack.c.0.s8.s32 v0;
	_ =	sdelay $0x1  }
0x72: {  	[tilespmem:$0x1F7B0] =	vst v0;
	v0 =	vimm.s32 $0x2C2B2A29  }
0x73: {  	v0 =	vunpack.c.0.s8.s32 v0  }
0x74: {  	v2 =	vimm.s32 $0x202F2E2D  }
0x75: {  	[tilespmem:$0x1F7C0] =	vst v0;
	v0 =	vunpack.c.0.s8.s32 v2;
	_ =	sdelay $0x1  }
0x76: {  	[tilespmem:$0x1F7D0] =	vst v0;
	v0 =	vimm.s32 $0x24232221  }
0x77: {  	v0 =	vunpack.c.0.s8.s32 v0;
	_ =	sdelay $0x1  }
0x78: {  	[tilespmem:$0x1F7E0] =	vst v0;
	v0 =	vimm.s32 $0x28272625  }
0x79: {  	v0 =	vunpack.c.0.s8.s32 v0  }
0x7a: {  	v2 =	vimm.s32 $0x2D2C2B2A  }
0x7b: {  	[tilespmem:$0x1F7F0] =	vst v0;
	v0 =	vunpack.c.0.s8.s32 v2;
	_ =	sdelay $0x1  }
0x7c: {  	[tilespmem:$0x1F800] =	vst v0;
	v0 =	vimm.s32 $0x21202F2E  }
0x7d: {  	v0 =	vunpack.c.0.s8.s32 v0;
	_ =	sdelay $0x1  }
0x7e: {  	[tilespmem:$0x1F810] =	vst v0;
	v0 =	vimm.s32 $0x25242322  }
0x7f: {  	v0 =	vunpack.c.0.s8.s32 v0  }
0x80: {  	v2 =	vimm.s32 $0x29282726  }
0x81: {  	[tilespmem:$0x1F820] =	vst v0;
	v0 =	vunpack.c.0.s8.s32 v2;
	_ =	sdelay $0x1  }
0x82: {  	[tilespmem:$0x1F830] =	vst v0;
	v0 =	vimm.s32 $0x2E2D2C2B  }
0x83: {  	v0 =	vunpack.c.0.s8.s32 v0;
	_ =	sdelay $0x1  }
0x84: {  	[tilespmem:$0x1F840] =	vst v0;
	v0 =	vimm.s32 $0x2221202F  }
0x85: {  	v0 =	vunpack.c.0.s8.s32 v0  }
0x86: {  	v2 =	vimm.s32 $0x26252423  }
0x87: {  	[tilespmem:$0x1F850] =	vst v0;
	v0 =	vunpack.c.0.s8.s32 v2;
	_ =	sdelay $0x1  }
0x88: {  	[tilespmem:$0x1F860] =	vst v0;
	v0 =	vimm.s32 $0x2A292827  }
0x89: {  	v0 =	vunpack.c.0.s8.s32 v0;
	_ =	sdelay $0x1  }
0x8a: {  	[tilespmem:$0x1F870] =	vst v0;
	v0 =	vimm.s32 $0x2F2E2D2C  }
0x8b: {  	v0 =	vunpack.c.0.s8.s32 v0  }
0x8c: {  	v2 =	vimm.s32 $0x23222120  }
0x8d: {  	[tilespmem:$0x1F880] =	vst v0;
	v0 =	vunpack.c.0.s8.s32 v2;
	_ =	sdelay $0x1  }
0x8e: {  	[tilespmem:$0x1F890] =	vst v0;
	v0 =	vimm.s32 $0x27262524  }
0x8f: {  	v0 =	vunpack.c.0.s8.s32 v0;
	_ =	sdelay $0x1  }
0x90: {  	[tilespmem:$0x1F8A0] =	vst v0;
	v0 =	vimm.s32 $0x2B2A2928  }
0x91: {  	v0 =	vunpack.c.0.s8.s32 v0  }
0x92: {  	v2 =	vimm.s32 $0x3C3B3A39  }
0x93: {  	[tilespmem:$0x1F8B0] =	vst v0;
	v0 =	vunpack.c.0.s8.s32 v2;
	_ =	sdelay $0x1  }
0x94: {  	[tilespmem:$0x1F8C0] =	vst v0;
	v0 =	vimm.s32 $0x303F3E3D  }
0x95: {  	v0 =	vunpack.c.0.s8.s32 v0;
	_ =	sdelay $0x1  }
0x96: {  	[tilespmem:$0x1F8D0] =	vst v0;
	v0 =	vimm.s32 $0x34333231  }
0x97: {  	v0 =	vunpack.c.0.s8.s32 v0  }
0x98: {  	v2 =	vimm.s32 $0x38373635  }
0x99: {  	[tilespmem:$0x1F8E0] =	vst v0;
	v0 =	vunpack.c.0.s8.s32 v2;
	_ =	sdelay $0x1  }
0x9a: {  	[tilespmem:$0x1F8F0] =	vst v0;
	v0 =	vimm.s32 $0x3D3C3B3A  }
0x9b: {  	v0 =	vunpack.c.0.s8.s32 v0;
	_ =	sdelay $0x1  }
0x9c: {  	[tilespmem:$0x1F900] =	vst v0;
	v0 =	vimm.s32 $0x31303F3E  }
0x9d: {  	v0 =	vunpack.c.0.s8.s32 v0  }
0x9e: {  	v2 =	vimm.s32 $0x35343332  }
0x9f: {  	[tilespmem:$0x1F910] =	vst v0;
	v0 =	vunpack.c.0.s8.s32 v2;
	_ =	sdelay $0x1  }
0xa0: {  	[tilespmem:$0x1F920] =	vst v0;
	v0 =	vimm.s32 $0x39383736  }
0xa1: {  	v0 =	vunpack.c.0.s8.s32 v0;
	_ =	sdelay $0x1  }
0xa2: {  	[tilespmem:$0x1F930] =	vst v0;
	v0 =	vimm.s32 $0x3E3D3C3B  }
0xa3: {  	v0 =	vunpack.c.0.s8.s32 v0  }
0xa4: {  	v2 =	vimm.s32 $0x3231303F  }
0xa5: {  	[tilespmem:$0x1F940] =	vst v0;
	v0 =	vunpack.c.0.s8.s32 v2;
	_ =	sdelay $0x1  }
0xa6: {  	[tilespmem:$0x1F950] =	vst v0;
	v0 =	vimm.s32 $0x36353433  }
0xa7: {  	v0 =	vunpack.c.0.s8.s32 v0;
	_ =	sdelay $0x1  }
0xa8: {  	[tilespmem:$0x1F960] =	vst v0;
	v0 =	vimm.s32 $0x3A393837  }
0xa9: {  	v0 =	vunpack.c.0.s8.s32 v0  }
0xaa: {  	v2 =	vimm.s32 $0x3F3E3D3C  }
0xab: {  	[tilespmem:$0x1F970] =	vst v0;
	v0 =	vunpack.c.0.s8.s32 v2;
	_ =	sdelay $0x1  }
0xac: {  	[tilespmem:$0x1F980] =	vst v0;
	v0 =	vimm.s32 $0x33323130  }
0xad: {  	v0 =	vunpack.c.0.s8.s32 v0;
	_ =	sdelay $0x1  }
0xae: {  	[tilespmem:$0x1F990] =	vst v0;
	v0 =	vimm.s32 $0x37363534  }
0xaf: {  	v0 =	vunpack.c.0.s8.s32 v0  }
0xb0: {  	v2 =	vimm.s32 $0x3B3A3938  }
0xb1: {  	[tilespmem:$0x1F9A0] =	vst v0;
	v0 =	vunpack.c.0.s8.s32 v2;
	_ =	sdelay $0x1  }
0xb2: {  	[tilespmem:$0x1F9B0] =	vst v0;
	v0 =	vimm.s32 $0x4C4B4A49  }
0xb3: {  	v0 =	vunpack.c.0.s8.s32 v0;
	_ =	sdelay $0x1  }
0xb4: {  	[tilespmem:$0x1F9C0] =	vst v0;
	v0 =	vimm.s32 $0x404F4E4D  }
0xb5: {  	v0 =	vunpack.c.0.s8.s32 v0  }
0xb6: {  	v2 =	vimm.s32 $0x44434241  }
0xb7: {  	[tilespmem:$0x1F9D0] =	vst v0;
	v0 =	vunpack.c.0.s8.s32 v2;
	_ =	sdelay $0x1  }
0xb8: {  	[tilespmem:$0x1F9E0] =	vst v0;
	v0 =	vimm.s32 $0x48474645  }
0xb9: {  	v0 =	vunpack.c.0.s8.s32 v0;
	_ =	sdelay $0x1  }
0xba: {  	[tilespmem:$0x1F9F0] =	vst v0;
	v0 =	vimm.s32 $0x4D4C4B4A  }
0xbb: {  	v0 =	vunpack.c.0.s8.s32 v0  }
0xbc: {  	v2 =	vimm.s32 $0x41404F4E  }
0xbd: {  	[tilespmem:$0x1FA00] =	vst v0;
	v0 =	vunpack.c.0.s8.s32 v2;
	_ =	sdelay $0x1  }
0xbe: {  	[tilespmem:$0x1FA10] =	vst v0;
	v0 =	vimm.s32 $0x45444342  }
0xbf: {  	v0 =	vunpack.c.0.s8.s32 v0;
	_ =	sdelay $0x1  }
0xc0: {  	[tilespmem:$0x1FA20] =	vst v0;
	v0 =	vimm.s32 $0x49484746  }
0xc1: {  	v0 =	vunpack.c.0.s8.s32 v0  }
0xc2: {  	v2 =	vimm.s32 $0x4E4D4C4B  }
0xc3: {  	[tilespmem:$0x1FA30] =	vst v0;
	v0 =	vunpack.c.0.s8.s32 v2;
	_ =	sdelay $0x1  }
0xc4: {  	[tilespmem:$0x1FA40] =	vst v0;
	v0 =	vimm.s32 $0x4241404F  }
0xc5: {  	v0 =	vunpack.c.0.s8.s32 v0;
	_ =	sdelay $0x1  }
0xc6: {  	[tilespmem:$0x1FA50] =	vst v0;
	v0 =	vimm.s32 $0x46454443  }
0xc7: {  	v0 =	vunpack.c.0.s8.s32 v0  }
0xc8: {  	v2 =	vimm.s32 $0x4A494847  }
0xc9: {  	[tilespmem:$0x1FA60] =	vst v0;
	v0 =	vunpack.c.0.s8.s32 v2;
	_ =	sdelay $0x1  }
0xca: {  	[tilespmem:$0x1FA70] =	vst v0;
	v0 =	vimm.s32 $0x4F4E4D4C  }
0xcb: {  	v0 =	vunpack.c.0.s8.s32 v0;
	_ =	sdelay $0x1  }
0xcc: {  	[tilespmem:$0x1FA80] =	vst v0;
	v0 =	vimm.s32 $0x43424140  }
0xcd: {  	v0 =	vunpack.c.0.s8.s32 v0  }
0xce: {  	v2 =	vimm.s32 $0x47464544  }
0xcf: {  	[tilespmem:$0x1FA90] =	vst v0;
	v0 =	vunpack.c.0.s8.s32 v2;
	_ =	sdelay $0x1  }
0xd0: {  	[tilespmem:$0x1FAA0] =	vst v0;
	v0 =	vimm.s32 $0x4B4A4948  }
0xd1: {  	v0 =	vunpack.c.0.s8.s32 v0;
	_ =	sdelay $0x1  }
0xd2: {  	[tilespmem:$0x1FAB0] =	vst v0;
	v0 =	vimm.s32 $0x5C5B5A59  }
0xd3: {  	v0 =	vunpack.c.0.s8.s32 v0  }
0xd4: {  	v2 =	vimm.s32 $0x505F5E5D  }
0xd5: {  	[tilespmem:$0x1FAC0] =	vst v0;
	v0 =	vunpack.c.0.s8.s32 v2;
	_ =	sdelay $0x1  }
0xd6: {  	[tilespmem:$0x1FAD0] =	vst v0;
	v0 =	vimm.s32 $0x54535251  }
0xd7: {  	v0 =	vunpack.c.0.s8.s32 v0;
	_ =	sdelay $0x1  }
0xd8: {  	[tilespmem:$0x1FAE0] =	vst v0;
	v0 =	vimm.s32 $0x58575655  }
0xd9: {  	v0 =	vunpack.c.0.s8.s32 v0  }
0xda: {  	v2 =	vimm.s32 $0x5D5C5B5A  }
0xdb: {  	[tilespmem:$0x1FAF0] =	vst v0;
	v0 =	vunpack.c.0.s8.s32 v2;
	_ =	sdelay $0x1  }
0xdc: {  	[tilespmem:$0x1FB00] =	vst v0;
	v0 =	vimm.s32 $0x51505F5E  }
0xdd: {  	v0 =	vunpack.c.0.s8.s32 v0;
	_ =	sdelay $0x1  }
0xde: {  	[tilespmem:$0x1FB10] =	vst v0;
	v0 =	vimm.s32 $0x55545352  }
0xdf: {  	v0 =	vunpack.c.0.s8.s32 v0  }
0xe0: {  	v2 =	vimm.s32 $0x59585756  }
0xe1: {  	[tilespmem:$0x1FB20] =	vst v0;
	v0 =	vunpack.c.0.s8.s32 v2;
	_ =	sdelay $0x1  }
0xe2: {  	[tilespmem:$0x1FB30] =	vst v0;
	v0 =	vimm.s32 $0x5E5D5C5B  }
0xe3: {  	v0 =	vunpack.c.0.s8.s32 v0;
	_ =	sdelay $0x1  }
0xe4: {  	[tilespmem:$0x1FB40] =	vst v0;
	v0 =	vimm.s32 $0x5251505F  }
0xe5: {  	v0 =	vunpack.c.0.s8.s32 v0  }
0xe6: {  	v2 =	vimm.s32 $0x56555453  }
0xe7: {  	[tilespmem:$0x1FB50] =	vst v0;
	v0 =	vunpack.c.0.s8.s32 v2;
	_ =	sdelay $0x1  }
0xe8: {  	[tilespmem:$0x1FB60] =	vst v0;
	v0 =	vimm.s32 $0x5A595857  }
0xe9: {  	v0 =	vunpack.c.0.s8.s32 v0;
	_ =	sdelay $0x1  }
0xea: {  	[tilespmem:$0x1FB70] =	vst v0;
	v0 =	vimm.s32 $0x5F5E5D5C  }
0xeb: {  	v0 =	vunpack.c.0.s8.s32 v0  }
0xec: {  	v2 =	vimm.s32 $0x53525150  }
0xed: {  	[tilespmem:$0x1FB80] =	vst v0;
	v0 =	vunpack.c.0.s8.s32 v2;
	_ =	sdelay $0x1  }
0xee: {  	[tilespmem:$0x1FB90] =	vst v0;
	v0 =	vimm.s32 $0x57565554  }
0xef: {  	v0 =	vunpack.c.0.s8.s32 v0;
	_ =	sdelay $0x1  }
0xf0: {  	[tilespmem:$0x1FBA0] =	vst v0;
	v0 =	vimm.s32 $0x5B5A5958  }
0xf1: {  	v0 =	vunpack.c.0.s8.s32 v0  }
0xf2: {  	v2 =	vimm.s32 $0x6C6B6A69  }
0xf3: {  	[tilespmem:$0x1FBB0] =	vst v0;
	v0 =	vunpack.c.0.s8.s32 v2;
	_ =	sdelay $0x1  }
0xf4: {  	[tilespmem:$0x1FBC0] =	vst v0;
	v0 =	vimm.s32 $0x606F6E6D  }
0xf5: {  	v0 =	vunpack.c.0.s8.s32 v0;
	_ =	sdelay $0x1  }
0xf6: {  	[tilespmem:$0x1FBD0] =	vst v0;
	v0 =	vimm.s32 $0x64636261  }
0xf7: {  	v0 =	vunpack.c.0.s8.s32 v0  }
0xf8: {  	v2 =	vimm.s32 $0x68676665  }
0xf9: {  	[tilespmem:$0x1FBE0] =	vst v0;
	v0 =	vunpack.c.0.s8.s32 v2;
	_ =	sdelay $0x1  }
0xfa: {  	[tilespmem:$0x1FBF0] =	vst v0;
	v0 =	vimm.s32 $0x6D6C6B6A  }
0xfb: {  	v0 =	vunpack.c.0.s8.s32 v0;
	_ =	sdelay $0x1  }
0xfc: {  	[tilespmem:$0x1FC00] =	vst v0;
	v0 =	vimm.s32 $0x61606F6E  }
0xfd: {  	v0 =	vunpack.c.0.s8.s32 v0  }
0xfe: {  	v2 =	vimm.s32 $0x65646362  }
0xff: {  	[tilespmem:$0x1FC10] =	vst v0;
	v0 =	vunpack.c.0.s8.s32 v2;
	_ =	sdelay $0x1  }
0x100: {  	[tilespmem:$0x1FC20] =	vst v0;
	v0 =	vimm.s32 $0x69686766  }
0x101: {  	v0 =	vunpack.c.0.s8.s32 v0;
	_ =	sdelay $0x1  }
0x102: {  	[tilespmem:$0x1FC30] =	vst v0;
	v0 =	vimm.s32 $0x6E6D6C6B  }
0x103: {  	v0 =	vunpack.c.0.s8.s32 v0  }
0x104: {  	v2 =	vimm.s32 $0x6261606F  }
0x105: {  	[tilespmem:$0x1FC40] =	vst v0;
	v0 =	vunpack.c.0.s8.s32 v2;
	_ =	sdelay $0x1  }
0x106: {  	[tilespmem:$0x1FC50] =	vst v0;
	v0 =	vimm.s32 $0x66656463  }
0x107: {  	v0 =	vunpack.c.0.s8.s32 v0;
	_ =	sdelay $0x1  }
0x108: {  	[tilespmem:$0x1FC60] =	vst v0;
	v0 =	vimm.s32 $0x6A696867  }
0x109: {  	v0 =	vunpack.c.0.s8.s32 v0  }
0x10a: {  	v2 =	vimm.s32 $0x6F6E6D6C  }
0x10b: {  	[tilespmem:$0x1FC70] =	vst v0;
	v0 =	vunpack.c.0.s8.s32 v2;
	_ =	sdelay $0x1  }
0x10c: {  	[tilespmem:$0x1FC80] =	vst v0;
	v0 =	vimm.s32 $0x63626160  }
0x10d: {  	v0 =	vunpack.c.0.s8.s32 v0;
	_ =	sdelay $0x1  }
0x10e: {  	[tilespmem:$0x1FC90] =	vst v0;
	v0 =	vimm.s32 $0x67666564  }
0x10f: {  	v0 =	vunpack.c.0.s8.s32 v0  }
0x110: {  	v2 =	vimm.s32 $0x6B6A6968  }
0x111: {  	[tilespmem:$0x1FCA0] =	vst v0;
	v0 =	vunpack.c.0.s8.s32 v2;
	_ =	sdelay $0x1  }
0x112: {  	[tilespmem:$0x1FCB0] =	vst v0;
	v0 =	vimm.s32 $0x7C7B7A79  }
0x113: {  	v0 =	vunpack.c.0.s8.s32 v0;
	_ =	sdelay $0x1  }
0x114: {  	[tilespmem:$0x1FCC0] =	vst v0;
	v0 =	vimm.s32 $0x707F7E7D  }
0x115: {  	v0 =	vunpack.c.0.s8.s32 v0  }
0x116: {  	v2 =	vimm.s32 $0x74737271  }
0x117: {  	[tilespmem:$0x1FCD0] =	vst v0;
	v0 =	vunpack.c.0.s8.s32 v2;
	_ =	sdelay $0x1  }
0x118: {  	[tilespmem:$0x1FCE0] =	vst v0;
	v0 =	vimm.s32 $0x78777675  }
0x119: {  	v0 =	vunpack.c.0.s8.s32 v0;
	_ =	sdelay $0x1  }
0x11a: {  	[tilespmem:$0x1FCF0] =	vst v0;
	v0 =	vimm.s32 $0x7D7C7B7A  }
0x11b: {  	v0 =	vunpack.c.0.s8.s32 v0  }
0x11c: {  	v2 =	vimm.s32 $0x71707F7E  }
0x11d: {  	[tilespmem:$0x1FD00] =	vst v0;
	v0 =	vunpack.c.0.s8.s32 v2;
	_ =	sdelay $0x1  }
0x11e: {  	[tilespmem:$0x1FD10] =	vst v0;
	v0 =	vimm.s32 $0x75747372  }
0x11f: {  	v0 =	vunpack.c.0.s8.s32 v0;
	_ =	sdelay $0x1  }
0x120: {  	[tilespmem:$0x1FD20] =	vst v0;
	v0 =	vimm.s32 $0x79787776  }
0x121: {  	v0 =	vunpack.c.0.s8.s32 v0  }
0x122: {  	v2 =	vimm.s32 $0x7E7D7C7B  }
0x123: {  	[tilespmem:$0x1FD30] =	vst v0;
	v0 =	vunpack.c.0.s8.s32 v2;
	_ =	sdelay $0x1  }
0x124: {  	[tilespmem:$0x1FD40] =	vst v0;
	v0 =	vimm.s32 $0x7271707F  }
0x125: {  	v0 =	vunpack.c.0.s8.s32 v0;
	_ =	sdelay $0x1  }
0x126: {  	[tilespmem:$0x1FD50] =	vst v0;
	v0 =	vimm.s32 $0x76757473  }
0x127: {  	v52 =	vcombine.low v62, v18;
	v0 =	vunpack.c.0.s8.s32 v0  }
0x128: {  	s6 =	rddreg [dreg:$0x0];
	v2 =	vimm.s32 $0x7A797877  }
0x129: {  	s1 =	rddreg [dreg:$0x1];
	v9 =	vimm.s32 $0x32F;
	v4 =	vand.u32 $0xF, v52;
	[tilespmem:$0x1FD60] =	vst v0;
	v0 =	vunpack.c.0.s8.s32 v2  }
0x12a: {  	v21 =	vimm.s32 $0x587;
	s3 =	rddreg [dreg:$0x2];
	s4 =	simm.s32 $0x0;
	v9 =	vsel vm10, $0x3E8, v9;
	v15 =	vcombine.low v22, v20;
	[tilespmem:$0x1F720] =	vst v4  }
0x12b: {  	s2 =	srdreg.scid;
	v25 =	vsel vm10, $0x640, v21;
	[smem:$0x7FF] =	sst s4;
	v9 =	vsel vm13, $0x4B1, v9;
	[tilespmem:$0x1FD70] =	vst v0  }
0x12c: {  	s7 =	sand.u32 $0x1, s2;
	s2 =	rddreg [dreg:$0x3];
	v9 =	vsel vm14, $0x57A, v9;
	v37 =	vand.u32 $0xF, v15;
	v15 =	vsel vm13, $0x709, v25;
	_ =	strace $0x80000047;
	[tilespmem:$0x1FDC0] =	vst v53  }
0x12d: {  	v9 =	vsel vm11, $0x643, v9;
	v13 =	vsel vm14, $0x70A, v63;
	v15 =	vsel vm14, $0x7D2, v15;
	[tilespmem:$0x1FDD0] =	vst v3  }
0x12e: {  	v9 =	vsel vm12, $0x70C, v9;
	v13 =	vsel vm11, $0x7D3, v13;
	v15 =	vsel vm11, $0x89B, v15;
	[tilespmem:$0x1FDE0] =	vst v54  }
0x12f: {  	v9 =	vsel vm7, $0x7D5, v9;
	v13 =	vsel vm12, $0x89C, v13;
	v15 =	vsel vm12, $0x964, v15;
	[tilespmem:$0x1FDF0] =	vst v55  }
0x130: {  	v9 =	vsel vm8, $0x89E, v9;
	v13 =	vsel vm7, $0x965, v13;
	v15 =	vsel vm7, $0xA2D, v15;
	[tilespmem:$0x1FE00] =	vst v56  }
0x131: {  	v9 =	vsel vm0, $0x967, v9;
	v13 =	vsel vm8, $0xA2E, v13;
	v15 =	vsel vm8, $0xAF6, v15;
	[tilespmem:$0x1FE10] =	vst v57  }
0x132: {  	v13 =	vsel vm0, $0xAF7, v13;
	v15 =	vsel vm0, $0xBBF, v15;
	vm0 =	vcmask $0x1F10;
	[tilespmem:$0x1FE20] =	vst v58  }
0x133: {  	v21 =	vimm.s32 $0xFEDCBA98;
	v61 =	vsel vm0, v55, v54;
	[tilespmem:$0x1FE30] =	vst v59  }
0x134: {  	v36 =	vimm.s32 $0x76543210;
	v21 =	vunpack.c.l.s4.s8 v21;
	v62 =	vsel vm0, v59, v58;
	[tilespmem:$0x1FE60] =	vst v61  }
0x135: {  	v9 =	vsel vm1, $0xA30, v9;
	v19 =	vunpack.c.l.s4.s8 v36;
	[tilespmem:$0x1FE90] =	vst v62  }
0x136: {  	v21 =	vunpack.c.0.s8.s32 v21;
	v9 =	vsel vm2, $0xAF9, v9;
	[tilespmem:$0x1FEB0] =	vst v30  }
0x137: {  	v9 =	vsel vm3, $0xBC2, v9;
	v19 =	vunpack.c.0.s8.s32 v19;
	[tilespmem:$0x1FEC0] =	vst v31  }
0x138: {  	v21 =	vand.u32 $0xF, v21;
	v9 =	vsel vm4, $0xB, v9;
	v13 =	vsel vm1, $0xBC0, v13;
	[tilespmem:$0x1FED0] =	vst v32  }
0x139: {  	v13 =	vsel vm2, $0x9, v13;
	v10 =	vcombine.low v21, v19;
	v15 =	vsel vm1, $0x8, v15;
	[tilespmem:$0x1FEE0] =	vst v33  }
0x13a: {  	v9 =	vsel vm5, $0xD4, v9;
	v13 =	vsel vm3, $0xD2, v13;
	v15 =	vsel vm2, $0xD1, v15;
	[tilespmem:$0x1FEF0] =	vst v34  }
0x13b: {  	v9 =	vsel vm6, $0x19D, v9;
	v13 =	vsel vm4, $0x19B, v13;
	v8 =	vmovc v41;
	v15 =	vsel vm3, $0x19A, v15;
	[tilespmem:$0x1FF00] =	vst v10  }
0x13c: {  	v11 =	vsel vm9, $0x266, v9;
	v13 =	vsel vm5, $0x264, v13;
	v15 =	vsel vm4, $0x263, v15;
	[tilespmem:$0x1FF10] =	vst v8  }
0x13d: {  	v13 =	vsel vm6, $0x32D, v13;
	v15 =	vsel vm5, $0x32C, v15;
	[tilespmem:$0x1FF30] =	vst v11  }
0x13e: {  	v13 =	vsel vm9, $0x3F6, v13;
	v15 =	vsel vm6, $0x3F5, v15;
	[tilespmem:$0x1FF40] =	vst v35  }
0x13f: {  	v25 =	vsel vm9, $0x4BE, v15;
	[tilespmem:$0x1FF50] =	vst v13  }
0x140: {  	[tilespmem:$0x1FF60] =	vst v25  }
0x141: {  	[tilespmem:$0x1FF70] =	vst v40  }
0x142: {  	[tilespmem:$0x1FF80] =	vst v43  }
0x143: {  	v0 =	vimm.s32 $0x7F7E7D7C;
	[tilespmem:$0x1FF90] =	vst v48  }
0x144: {  	v0 =	vunpack.c.0.s8.s32 v0;
	[tilespmem:$0x1FFA0] =	vst v50  }
0x145: {  	[tilespmem:$0x1FFB0] =	vst v1  }
0x146: {  	[tilespmem:$0x1FD80] =	vst v0;
	v0 =	vimm.s32 $0x73727170  }
0x147: {  	[tilespmem:$0x1FFC0] =	vst v27;
	v0 =	vunpack.c.0.s8.s32 v0  }
0x148: {  	v2 =	vimm.s32 $0x77767574;
	[tilespmem:$0x1FFD0] =	vst v29  }
0x149: {  	[tilespmem:$0x1FD90] =	vst v0;
	v0 =	vunpack.c.0.s8.s32 v2  }
0x14a: {  	[tilespmem:$0x1FFF0] =	vst v37;
	v2 =	vlaneseq.u32  }
0x14b: {  	s0 =	stileid.u32;
	s10 =	simm.s32 $0x80;
	s11 =	simm.s32 $0x400;
	v60 =	vmul.u32 $0x80, v2;
	v63 =	vor.u32 $0x10, v2;
	[tilespmem:$0x1FDA0] =	vst v0;
	v0 =	vimm.s32 $0x7B7A7978  }
0x14c: {  	s12 =	simm.s32 $0x5;
	s13 =	simm.s32 $0xC8;
	s14 =	simm.s32 $0x200;
	[tilespmem:$0x1FE40] =	vst v63;
	v0 =	vunpack.c.0.s8.s32 v0  }
0x14d: {  	s15 =	simm.s32 $0x100;
	s16 =	simm.s32 $0x6600;
	s17 =	simm.s32 $0x1;
	[tilespmem:$0x1FF20] =	vst v60  }
0x14e: {  	s18 =	simm.s32 $0xCA00;
	s19 =	simm.s32 $0x2;
	s20 =	simm.s32 $0x4;
	v46 =	vmul.u32 $0xC9, v2;
	[tilespmem:$0x1FDB0] =	vst v0;
	v0 =	vsel vm0, v3, v53  }
.Ltmp0:
0x14f: {  	s5 =	sshll.u32 s0, $0x8;
	s8 =	sshll.u32 s7, $0x7;
	[tilespmem:$0x1FE50] =	vst v0;
	v0 =	vcombine.low v61, v0;
	(pc) =	sbr.rel .LBB2_1-.Ltmp0, $4  }
0x150: {  	s21 =	simm.s32 $0x12E00;
	s30 =	ssub.s32 $0x2, s7;
	s5 =	sor.u32 s8, s5;
	[tilespmem:$0x1FFE0] =	vst v46;
	v3 =	vsel vm0, v57, v56  }
0x151: {  	s6 =	sadd.s32 $0x600, s6;
	s9 =	sshrl.u32 s30, $0x1;
	s31 =	sshll.u32 s5, $0x5;
	[tilespmem:$0x1FE70] =	vst v0;
	v0 =	vcombine.low v62, v3  }
0x152: {  	s22 =	simm.s32 $0x3;
	s9 =	ssub.s32 s30, s9;
	s7 =	sadd.s32 s6, s31;
	[tilespmem:$0x1FE80] =	vst v3  }
0x153: {  	s23 =	simm.s32 $0x0;
	s9 =	smax.u32 s9, $0x1;
	s8 =	sadd.s32 $0x10, s7;
	[tilespmem:$0x1FEA0] =	vst v0  }
.LBB2_12:
0x154: {  	s23 =	sadd.s32 $0x1, s23  }
0x155: {  	_ =	swait.ge [sflag:s22], $0x6400;
	p0 =	sne.s32 s23, s9  }
.Ltmp1:
0x156: {  	[sflag:s22] =	ssyncset.done $0x0;
	(pc) =	sbr.rel @!p0 .LBB2_13-.Ltmp1, $4  }
0x157: {  	[sflag:s22] =	ssyncadd.s32 $0xFFFF9C00  }
0x158: {  	_ =	swait.ge [sflag:s20], $0x6400  }
0x159: {  	[sflag:s20] =	ssyncset.done $0x0  }
0x15a: {  	[sflag:s20] =	ssyncadd.s32 $0xFFFF9C00  }
.LBB2_1:
0x15b: {  	[tilespmem:s4], [sflag:$0x5] =	stream.strided.gather [hbm4b:s7+s10], $0x100, s11, s10, $0x38;
	[tilespmem:$0x19200] =	vst v63  }
0x15c: {  	_ =	swait.ge [sflag:s12], $0x100  }
0x15d: {  	[sflag:s12] =	ssyncset.done $0x0  }
0x15e: {  	[sflag:s12] =	ssyncadd.s32 $0xFFFFFF00  }
0x15f: {  	[tilespmem:s14], [sflag:$0x1] =	stream.indirect.gather [hbm4b:s1+s13], $0x80, s4, s13, $0xb8;
	[tilespmem:$0x19200] =	vst v63  }
0x160: {  	_ = 	snop  }
0x161: {  	[tilespmem:s15], [sflag:$0x5] =	stream.strided.gather [hbm4b:s8+s10], $0x100, s11, s10, $0x38;
	[tilespmem:$0x19200] =	vst v63  }
0x162: {  	_ =	swait.ge [sflag:s12], $0x100  }
0x163: {  	[sflag:s12] =	ssyncset.done $0x0  }
0x164: {  	s24 =	simm.s32 $0x0;
	[sflag:s12] =	ssyncadd.s32 $0xFFFFFF00  }
0x165: {  	[tilespmem:s16], [sflag:$0x2] =	stream.indirect.gather [hbm4b:s1+s13], $0x80, s15, s13, $0xb8;
	[tilespmem:$0x19200] =	vst v63  }
.LBB2_2:
0x166: {  	_ =	swait.ge [sflag:s17], $0x6400  }
0x167: {  	p0 =	seq.s32 s24, $0x0;
	[sflag:s17] =	ssyncset.done $0x0  }
0x168: {  	s28 =	simm.s32 @!p0 $0x3;
	[sflag:s17] =	ssyncadd.s32 $0xFFFF9C00  }
0x169: {  	_ =	swait.ge @!p0 [sflag:s28], $0x6400  }
0x16a: {  	s25 =	sshll.u32 s24, $0x1;
	[sflag:s28] =	ssyncset.done @!p0 $0x0  }
0x16b: {  	s26 =	sor.u32 s5, s25;
	[sflag:s28] =	ssyncadd.s32 @!p0 $0xFFFF9C00;
	s28 =	simm.s32 $0x0  }
.LBB2_3:
0x16c: {  	v4 =	vld [tilespmem:$0x1FF20];
	_ =	sdelay $0x1  }
0x16d: {  	s29 =	smin.u32 s28, $0xB8  }
0x16e: {  	v0 =	vmov s29  }
0x16f: {  	v0 =	vshll.u32 v0, $0x7  }
0x170: {  	v26 =	vadd.s32 v4, v0  }
0x171: {  	v36 =	vld [tilespmem:$0x1FFE0];
	v0 =	vor.u32 v2, v26;
	_ =	sdelay $0x4  }
0x172: {  	v2 =	vadd.s32 s29, v36;
	v0 =	vld.idx.msk [tilespmem:v0+s14+$0x0], $0xffff  }
0x173: {  	v62 =	vld [tilespmem:$0x1F690];
	v4 =	vor.u32 v30, v26;
	_ =	sdelay $0x3  }
0x174: {  	[tilespmem:v2+s18+$0x0] =	vst.idx.msk $0xffff, v0  }
0x175: {  	v2 =	vadd.s32 s29, v62;
	v0 =	vld.idx.msk [tilespmem:v4+s14+$0x0], $0xffff  }
0x176: {  	v63 =	vld [tilespmem:$0x1F6A0];
	v4 =	vor.u32 v31, v26;
	_ =	sdelay $0x3  }
0x177: {  	[tilespmem:v2+s18+$0x0] =	vst.idx.msk $0xffff, v0  }
0x178: {  	v2 =	vadd.s32 s29, v63;
	v0 =	vld.idx.msk [tilespmem:v4+s14+$0x0], $0xffff  }
0x179: {  	v48 =	vld [tilespmem:$0x1F6B0];
	v4 =	vor.u32 v32, v26;
	_ =	sdelay $0x3  }
0x17a: {  	[tilespmem:v2+s18+$0x0] =	vst.idx.msk $0xffff, v0  }
0x17b: {  	v2 =	vadd.s32 s29, v48;
	v0 =	vld.idx.msk [tilespmem:v4+s14+$0x0], $0xffff  }
0x17c: {  	v47 =	vld [tilespmem:$0x1F6C0];
	v4 =	vor.u32 v33, v26;
	_ =	sdelay $0x3  }
0x17d: {  	[tilespmem:v2+s18+$0x0] =	vst.idx.msk $0xffff, v0  }
0x17e: {  	v2 =	vadd.s32 s29, v47;
	v0 =	vld.idx.msk [tilespmem:v4+s14+$0x0], $0xffff  }
0x17f: {  	v4 =	vor.u32 v34, v26;
	_ =	sdelay $0x3  }
0x180: {  	v46 =	vld [tilespmem:$0x1FF30];
	[tilespmem:v2+s18+$0x0] =	vst.idx.msk $0xffff, v0  }
0x181: {  	v0 =	vld.idx.msk [tilespmem:v4+s14+$0x0], $0xffff  }
0x182: {  	v4 =	vld [tilespmem:$0x1F6D0];
	_ =	sdelay $0x3  }
0x183: {  	v2 =	vadd.s32 s29, v46  }
0x184: {  	v45 =	vld [tilespmem:$0x1FF40];
	v4 =	vor.u32 v4, v26;
	_ =	sdelay $0x3  }
0x185: {  	[tilespmem:v2+s18+$0x0] =	vst.idx.msk $0xffff, v0  }
0x186: {  	v2 =	vadd.s32 s29, v45;
	v0 =	vld.idx.msk [tilespmem:v4+s14+$0x0], $0xffff  }
0x187: {  	v44 =	vld [tilespmem:$0x1FF50];
	v4 =	vor.u32 v37, v26;
	_ =	sdelay $0x3  }
0x188: {  	[tilespmem:v2+s18+$0x0] =	vst.idx.msk $0xffff, v0  }
0x189: {  	v2 =	vadd.s32 s29, v44;
	v0 =	vld.idx.msk [tilespmem:v4+s14+$0x0], $0xffff  }
0x18a: {  	v43 =	vld [tilespmem:$0x1FF60];
	v4 =	vor.u32 v10, v26  }
0x18b: {  	v1 =	vld [tilespmem:$0x1F6E0];
	_ =	sdelay $0x2  }
0x18c: {  	[tilespmem:v2+s18+$0x0] =	vst.idx.msk $0xffff, v0  }
0x18d: {  	v2 =	vadd.s32 s29, v43;
	v0 =	vld.idx.msk [tilespmem:v4+s14+$0x0], $0xffff  }
0x18e: {  	v39 =	vld [tilespmem:$0x1FF70];
	v4 =	vor.u32 v1, v26;
	_ =	sdelay $0x3  }
0x18f: {  	[tilespmem:v2+s18+$0x0] =	vst.idx.msk $0xffff, v0  }
0x190: {  	v2 =	vadd.s32 s29, v39;
	v0 =	vld.idx.msk [tilespmem:v4+s14+$0x0], $0xffff  }
0x191: {  	v38 =	vld [tilespmem:$0x1FF80];
	v4 =	vor.u32 v8, v26  }
0x192: {  	v1 =	vld [tilespmem:$0x1F6F0];
	_ =	sdelay $0x2  }
0x193: {  	[tilespmem:v2+s18+$0x0] =	vst.idx.msk $0xffff, v0  }
0x194: {  	v2 =	vadd.s32 s29, v38;
	v0 =	vld.idx.msk [tilespmem:v4+s14+$0x0], $0xffff  }
0x195: {  	v37 =	vld [tilespmem:$0x1FF90];
	v4 =	vor.u32 v1, v26  }
0x196: {  	v1 =	vld [tilespmem:$0x1F700];
	_ =	sdelay $0x2  }
0x197: {  	[tilespmem:v2+s18+$0x0] =	vst.idx.msk $0xffff, v0  }
0x198: {  	v2 =	vadd.s32 s29, v37;
	v0 =	vld.idx.msk [tilespmem:v4+s14+$0x0], $0xffff  }
0x199: {  	v35 =	vld [tilespmem:$0x1FFA0];
	v4 =	vor.u32 v1, v26  }
0x19a: {  	v1 =	vld [tilespmem:$0x1F710];
	_ =	sdelay $0x2  }
0x19b: {  	[tilespmem:v2+s18+$0x0] =	vst.idx.msk $0xffff, v0  }
0x19c: {  	v2 =	vadd.s32 s29, v35;
	v0 =	vld.idx.msk [tilespmem:v4+s14+$0x0], $0xffff  }
0x19d: {  	v42 =	vld [tilespmem:$0x1FFB0];
	v4 =	vor.u32 v1, v26  }
0x19e: {  	v1 =	vld [tilespmem:$0x1F720];
	_ =	sdelay $0x2  }
0x19f: {  	[tilespmem:v2+s18+$0x0] =	vst.idx.msk $0xffff, v0  }
0x1a0: {  	v2 =	vadd.s32 s29, v42;
	v0 =	vld.idx.msk [tilespmem:v4+s14+$0x0], $0xffff  }
0x1a1: {  	v41 =	vld [tilespmem:$0x1FFC0];
	v4 =	vor.u32 v1, v26  }
0x1a2: {  	v1 =	vld [tilespmem:$0x1F730];
	_ =	sdelay $0x2  }
0x1a3: {  	[tilespmem:v2+s18+$0x0] =	vst.idx.msk $0xffff, v0  }
0x1a4: {  	v2 =	vadd.s32 s29, v41;
	v0 =	vld.idx.msk [tilespmem:v4+s14+$0x0], $0xffff  }
0x1a5: {  	v40 =	vld [tilespmem:$0x1FFD0];
	v4 =	vor.u32 v1, v26  }
0x1a6: {  	v1 =	vld [tilespmem:$0x1FE40];
	_ =	sdelay $0x2  }
0x1a7: {  	[tilespmem:v2+s18+$0x0] =	vst.idx.msk $0xffff, v0  }
0x1a8: {  	v2 =	vadd.s32 s29, v40;
	v0 =	vld.idx.msk [tilespmem:v4+s14+$0x0], $0xffff  }
0x1a9: {  	v4 =	vor.u32 v1, v26  }
0x1aa: {  	v1 =	vld [tilespmem:$0x1FE70];
	_ =	sdelay $0x2  }
0x1ab: {  	s30 =	sadd.s32 $0xC80, s29;
	[tilespmem:v2+s18+$0x0] =	vst.idx.msk $0xffff, v0  }
0x1ac: {  	v2 =	vadd.s32 s30, v36;
	v0 =	vld.idx.msk [tilespmem:v4+s14+$0x0], $0xffff  }
0x1ad: {  	v5 =	vld [tilespmem:$0x1F740];
	v4 =	vor.u32 v1, v26  }
0x1ae: {  	v1 =	vld [tilespmem:$0x1FEA0]  }
0x1af: {  	v7 =	vld [tilespmem:$0x1F750]  }
0x1b0: {  	v9 =	vld [tilespmem:$0x1F760]  }
0x1b1: {  	v11 =	vld [tilespmem:$0x1F770];
	[tilespmem:v2+s18+$0x0] =	vst.idx.msk $0xffff, v0  }
0x1b2: {  	v2 =	vadd.s32 s30, v62;
	v0 =	vld.idx.msk [tilespmem:v4+s14+$0x0], $0xffff  }
0x1b3: {  	v4 =	vor.u32 v1, v26  }
0x1b4: {  	v13 =	vld [tilespmem:$0x1F780]  }
0x1b5: {  	v15 =	vld [tilespmem:$0x1F790]  }
0x1b6: {  	v17 =	vld [tilespmem:$0x1F7A0];
	v6 =	vsel vm0, v7, v5;
	v8 =	vsel vm0, v11, v9  }
0x1b7: {  	v19 =	vld [tilespmem:$0x1F7B0];
	v1 =	vcombine.low v8, v6;
	[tilespmem:v2+s18+$0x0] =	vst.idx.msk $0xffff, v0  }
0x1b8: {  	v2 =	vadd.s32 s30, v63;
	v0 =	vld.idx.msk [tilespmem:v4+s14+$0x0], $0xffff  }
0x1b9: {  	v4 =	vor.u32 v1, v26;
	_ =	sdelay $0x2  }
0x1ba: {  	v12 =	vsel vm0, v19, v17;
	v10 =	vsel vm0, v15, v13;
	[tilespmem:$0x1F200] =	vst v1  }
0x1bb: {  	v3 =	vld [tilespmem:$0x1FDE0];
	v1 =	vcombine.low v12, v10;
	[tilespmem:v2+s18+$0x0] =	vst.idx.msk $0xffff, v0  }
0x1bc: {  	v0 =	vld.idx.msk [tilespmem:v4+s14+$0x0], $0xffff  }
0x1bd: {  	[tilespmem:$0x1F210] =	vst v1;
	v4 =	vor.u32 v1, v26;
	v1 =	vld [tilespmem:$0x1FDD0];
	_ =	sdelay $0x4  }
0x1be: {  	v14 =	vsel vm0, v3, v1;
	v1 =	vld [tilespmem:$0x1FDC0]  }
0x1bf: {  	v2 =	vadd.s32 s30, v48;
	v3 =	vld [tilespmem:$0x1FDF0];
	_ =	sdelay $0x4  }
0x1c0: {  	[tilespmem:v2+s18+$0x0] =	vst.idx.msk $0xffff, v0;
	v16 =	vsel vm0, v1, v3  }
0x1c1: {  	v0 =	vld.idx.msk [tilespmem:v4+s14+$0x0], $0xffff;
	v1 =	vcombine.low v16, v14  }
0x1c2: {  	v3 =	vld [tilespmem:$0x1FE20]  }
0x1c3: {  	[tilespmem:$0x1F220] =	vst v1;
	v4 =	vor.u32 v1, v26;
	v1 =	vld [tilespmem:$0x1FE10];
	_ =	sdelay $0x4  }
0x1c4: {  	v18 =	vsel vm0, v3, v1;
	v1 =	vld [tilespmem:$0x1FE00]  }
0x1c5: {  	v2 =	vadd.s32 s30, v47;
	v3 =	vld [tilespmem:$0x1FE30];
	_ =	sdelay $0x4  }
0x1c6: {  	[tilespmem:v2+s18+$0x0] =	vst.idx.msk $0xffff, v0;
	v20 =	vsel vm0, v1, v3  }
0x1c7: {  	v2 =	vadd.s32 s30, v46;
	v0 =	vld.idx.msk [tilespmem:v4+s14+$0x0], $0xffff;
	v1 =	vcombine.low v20, v18;
	_ =	sdelay $0x1  }
0x1c8: {  	v4 =	vor.u32 v1, v26;
	_ =	sdelay $0x2  }
0x1c9: {  	v22 =	vsel vm0, v9, v7;
	v24 =	vsel vm0, v5, v11;
	[tilespmem:v2+s18+$0x0] =	vst.idx.msk $0xffff, v0  }
0x1ca: {  	[tilespmem:$0x1F230] =	vst v1;
	v1 =	vcombine.low v24, v22  }
0x1cb: {  	v2 =	vadd.s32 s30, v45;
	v0 =	vld.idx.msk [tilespmem:v4+s14+$0x0], $0xffff  }
0x1cc: {  	v4 =	vor.u32 v1, v26;
	_ =	sdelay $0x3  }
0x1cd: {  	[tilespmem:v2+s18+$0x0] =	vst.idx.msk $0xffff, v0  }
0x1ce: {  	v2 =	vadd.s32 s30, v44;
	v0 =	vld.idx.msk [tilespmem:v4+s14+$0x0], $0xffff  }
0x1cf: {  	v28 =	vsel vm0, v17, v15;
	v30 =	vsel vm0, v13, v19  }
0x1d0: {  	[tilespmem:$0x1F240] =	vst v1;
	v1 =	vcombine.low v30, v28;
	_ =	sdelay $0x1  }
0x1d1: {  	[tilespmem:$0x1F250] =	vst v1;
	v4 =	vor.u32 v1, v26;
	v1 =	vld [tilespmem:$0x1FE60]  }
0x1d2: {  	[tilespmem:v2+s18+$0x0] =	vst.idx.msk $0xffff, v0;
	v0 =	vld [tilespmem:$0x1FE50];
	_ =	sdelay $0x4  }
0x1d3: {  	v2 =	vadd.s32 s30, v43;
	v1 =	vcombine.low v0, v1;
	v0 =	vld.idx.msk [tilespmem:v4+s14+$0x0], $0xffff;
	_ =	sdelay $0x3  }
0x1d4: {  	[tilespmem:$0x1F260] =	vst v1;
	v4 =	vor.u32 v1, v26;
	v1 =	vld [tilespmem:$0x1FE90]  }
0x1d5: {  	[tilespmem:v2+s18+$0x0] =	vst.idx.msk $0xffff, v0;
	v0 =	vld [tilespmem:$0x1FE80];
	_ =	sdelay $0x4  }
0x1d6: {  	v1 =	vcombine.low v0, v1  }
0x1d7: {  	v2 =	vadd.s32 s30, v39;
	v0 =	vld.idx.msk [tilespmem:v4+s14+$0x0], $0xffff  }
0x1d8: {  	v4 =	vor.u32 v1, v26;
	_ =	sdelay $0x2  }
0x1d9: {  	[tilespmem:$0x1F270] =	vst v1  }
0x1da: {  	v1 =	vcombine.low v6, v8;
	[tilespmem:v2+s18+$0x0] =	vst.idx.msk $0xffff, v0  }
0x1db: {  	v2 =	vadd.s32 s30, v38;
	v0 =	vld.idx.msk [tilespmem:v4+s14+$0x0], $0xffff  }
0x1dc: {  	v4 =	vor.u32 v1, v26;
	_ =	sdelay $0x2  }
0x1dd: {  	[tilespmem:$0x1F280] =	vst v1  }
0x1de: {  	v1 =	vcombine.low v10, v12;
	[tilespmem:v2+s18+$0x0] =	vst.idx.msk $0xffff, v0  }
0x1df: {  	v2 =	vadd.s32 s30, v37;
	v0 =	vld.idx.msk [tilespmem:v4+s14+$0x0], $0xffff  }
0x1e0: {  	v4 =	vor.u32 v1, v26;
	_ =	sdelay $0x2  }
0x1e1: {  	[tilespmem:$0x1F290] =	vst v1  }
0x1e2: {  	v1 =	vcombine.low v14, v16;
	[tilespmem:v2+s18+$0x0] =	vst.idx.msk $0xffff, v0  }
0x1e3: {  	v2 =	vadd.s32 s30, v35;
	v0 =	vld.idx.msk [tilespmem:v4+s14+$0x0], $0xffff  }
0x1e4: {  	v4 =	vor.u32 v1, v26;
	_ =	sdelay $0x2  }
0x1e5: {  	[tilespmem:$0x1F2A0] =	vst v1  }
0x1e6: {  	v1 =	vcombine.low v18, v20;
	[tilespmem:v2+s18+$0x0] =	vst.idx.msk $0xffff, v0  }
0x1e7: {  	v2 =	vadd.s32 s30, v42;
	v0 =	vld.idx.msk [tilespmem:v4+s14+$0x0], $0xffff  }
0x1e8: {  	v4 =	vor.u32 v1, v26;
	_ =	sdelay $0x2  }
0x1e9: {  	[tilespmem:$0x1F2B0] =	vst v1  }
0x1ea: {  	v1 =	vcombine.low v22, v24;
	[tilespmem:v2+s18+$0x0] =	vst.idx.msk $0xffff, v0  }
0x1eb: {  	v2 =	vadd.s32 s30, v41;
	v0 =	vld.idx.msk [tilespmem:v4+s14+$0x0], $0xffff  }
0x1ec: {  	v4 =	vor.u32 v1, v26;
	_ =	sdelay $0x1  }
0x1ed: {  	v5 =	vld [tilespmem:$0x1F7E0]  }
0x1ee: {  	v7 =	vld [tilespmem:$0x1F7F0]  }
0x1ef: {  	v59 =	vlaneseq.u32;
	v3 =	vld [tilespmem:$0x1F7D0];
	[tilespmem:v2+s18+$0x0] =	vst.idx.msk $0xffff, v0  }
0x1f0: {  	[tilespmem:$0x1F2C0] =	vst v1;
	v1 =	vor.u32 $0x20, v59;
	v0 =	vld.idx.msk [tilespmem:v4+s14+$0x0], $0xffff  }
0x1f1: {  	[tilespmem:$0x1F2D0] =	vst v1;
	v4 =	vor.u32 v1, v26;
	v1 =	vld [tilespmem:$0x1F7C0]  }
0x1f2: {  	v2 =	vadd.s32 s30, v40;
	_ =	sdelay $0x2  }
0x1f3: {  	v60 =	vld [tilespmem:$0x1F820]  }
0x1f4: {  	v15 =	vld [tilespmem:$0x1F830];
	v8 =	vsel vm0, v7, v5;
	v6 =	vsel vm0, v3, v1  }
0x1f5: {  	v11 =	vld [tilespmem:$0x1F810];
	[tilespmem:v2+s18+$0x0] =	vst.idx.msk $0xffff, v0;
	v9 =	vcombine.low v8, v6  }
0x1f6: {  	v0 =	vld.idx.msk [tilespmem:v4+s14+$0x0], $0xffff  }
0x1f7: {  	s31 =	sor.u32 $0x1900, s29;
	[tilespmem:$0x1F2E0] =	vst v9;
	v4 =	vor.u32 v9, v26;
	v9 =	vld [tilespmem:$0x1F800]  }
0x1f8: {  	v2 =	vadd.s32 s31, v36;
	_ =	sdelay $0x1  }
0x1f9: {  	v21 =	vld [tilespmem:$0x1F860]  }
0x1fa: {  	v23 =	vld [tilespmem:$0x1F870]  }
0x1fb: {  	v17 =	vld [tilespmem:$0x1F840];
	v61 =	vsel vm0, v15, v60;
	v10 =	vsel vm0, v11, v9  }
0x1fc: {  	v19 =	vld [tilespmem:$0x1F850];
	[tilespmem:v2+s18+$0x0] =	vst.idx.msk $0xffff, v0;
	v34 =	vcombine.low v61, v10  }
0x1fd: {  	v2 =	vadd.s32 s31, v62;
	v0 =	vld.idx.msk [tilespmem:v4+s14+$0x0], $0xffff  }
0x1fe: {  	v4 =	vor.u32 v34, v26  }
0x1ff: {  	v25 =	vld [tilespmem:$0x1F880]  }
0x200: {  	v27 =	vld [tilespmem:$0x1F890]  }
0x201: {  	v29 =	vld [tilespmem:$0x1F8A0];
	v49 =	vsel vm0, v19, v17;
	v16 =	vsel vm0, v23, v21  }
0x202: {  	v50 =	vld [tilespmem:$0x1F8B0];
	v18 =	vcombine.low v16, v49;
	[tilespmem:v2+s18+$0x0] =	vst.idx.msk $0xffff, v0  }
0x203: {  	v2 =	vadd.s32 s31, v63;
	v0 =	vld.idx.msk [tilespmem:v4+s14+$0x0], $0xffff  }
0x204: {  	v4 =	vor.u32 v18, v26;
	_ =	sdelay $0x2  }
0x205: {  	v20 =	vsel vm0, v50, v29;
	[tilespmem:$0x1F300] =	vst v18;
	v18 =	vsel vm0, v27, v25  }
0x206: {  	v22 =	vcombine.low v20, v18;
	[tilespmem:v2+s18+$0x0] =	vst.idx.msk $0xffff, v0  }
0x207: {  	v2 =	vadd.s32 s31, v48;
	v0 =	vld.idx.msk [tilespmem:v4+s14+$0x0], $0xffff  }
0x208: {  	v4 =	vor.u32 v22, v26;
	_ =	sdelay $0x2  }
0x209: {  	v24 =	vsel vm0, v1, v7;
	[tilespmem:$0x1F310] =	vst v22;
	v22 =	vsel vm0, v5, v3  }
0x20a: {  	v1 =	vcombine.low v24, v22;
	[tilespmem:v2+s18+$0x0] =	vst.idx.msk $0xffff, v0  }
0x20b: {  	v2 =	vadd.s32 s31, v47;
	v0 =	vld.idx.msk [tilespmem:v4+s14+$0x0], $0xffff  }
0x20c: {  	v4 =	vor.u32 v1, v26;
	_ =	sdelay $0x2  }
0x20d: {  	v28 =	vsel vm0, v60, v11;
	v30 =	vsel vm0, v9, v15;
	[tilespmem:$0x1F320] =	vst v1  }
0x20e: {  	v1 =	vcombine.low v30, v28;
	[tilespmem:v2+s18+$0x0] =	vst.idx.msk $0xffff, v0  }
0x20f: {  	v2 =	vadd.s32 s31, v46;
	v0 =	vld.idx.msk [tilespmem:v4+s14+$0x0], $0xffff  }
0x210: {  	v4 =	vor.u32 v1, v26;
	_ =	sdelay $0x2  }
0x211: {  	v51 =	vsel vm0, v17, v23;
	v31 =	vsel vm0, v21, v19;
	[tilespmem:$0x1F330] =	vst v1  }
0x212: {  	v1 =	vcombine.low v51, v31;
	[tilespmem:v2+s18+$0x0] =	vst.idx.msk $0xffff, v0  }
0x213: {  	v2 =	vadd.s32 s31, v45;
	v0 =	vld.idx.msk [tilespmem:v4+s14+$0x0], $0xffff  }
0x214: {  	v4 =	vor.u32 v1, v26;
	_ =	sdelay $0x1  }
0x215: {  	[tilespmem:$0x1F2F0] =	vst v34  }
0x216: {  	v52 =	vsel vm0, v29, v27;
	v34 =	vsel vm0, v25, v50;
	[tilespmem:$0x1F340] =	vst v1  }
0x217: {  	v1 =	vcombine.low v34, v52;
	[tilespmem:v2+s18+$0x0] =	vst.idx.msk $0xffff, v0  }
0x218: {  	v2 =	vadd.s32 s31, v44;
	v0 =	vld.idx.msk [tilespmem:v4+s14+$0x0], $0xffff  }
0x219: {  	v4 =	vor.u32 v1, v26;
	_ =	sdelay $0x2  }
0x21a: {  	[tilespmem:$0x1F350] =	vst v1  }
0x21b: {  	v1 =	vcombine.low v6, v8;
	[tilespmem:v2+s18+$0x0] =	vst.idx.msk $0xffff, v0  }
0x21c: {  	v2 =	vadd.s32 s31, v43;
	v0 =	vld.idx.msk [tilespmem:v4+s14+$0x0], $0xffff  }
0x21d: {  	v4 =	vor.u32 v1, v26;
	_ =	sdelay $0x2  }
0x21e: {  	[tilespmem:$0x1F360] =	vst v1  }
0x21f: {  	v1 =	vcombine.low v10, v61;
	[tilespmem:v2+s18+$0x0] =	vst.idx.msk $0xffff, v0  }
0x220: {  	v2 =	vadd.s32 s31, v39;
	v0 =	vld.idx.msk [tilespmem:v4+s14+$0x0], $0xffff  }
0x221: {  	v4 =	vor.u32 v1, v26;
	_ =	sdelay $0x2  }
0x222: {  	[tilespmem:$0x1F370] =	vst v1  }
0x223: {  	v1 =	vcombine.low v49, v16;
	[tilespmem:v2+s18+$0x0] =	vst.idx.msk $0xffff, v0  }
0x224: {  	v2 =	vadd.s32 s31, v38;
	v0 =	vld.idx.msk [tilespmem:v4+s14+$0x0], $0xffff  }
0x225: {  	v4 =	vor.u32 v1, v26;
	_ =	sdelay $0x2  }
0x226: {  	[tilespmem:$0x1F380] =	vst v1  }
0x227: {  	v1 =	vcombine.low v18, v20;
	[tilespmem:v2+s18+$0x0] =	vst.idx.msk $0xffff, v0  }
0x228: {  	v2 =	vadd.s32 s31, v37;
	v0 =	vld.idx.msk [tilespmem:v4+s14+$0x0], $0xffff  }
0x229: {  	v4 =	vor.u32 v1, v26;
	_ =	sdelay $0x2  }
0x22a: {  	[tilespmem:$0x1F390] =	vst v1  }
0x22b: {  	v1 =	vcombine.low v22, v24;
	[tilespmem:v2+s18+$0x0] =	vst.idx.msk $0xffff, v0  }
0x22c: {  	v2 =	vadd.s32 s31, v35;
	v0 =	vld.idx.msk [tilespmem:v4+s14+$0x0], $0xffff  }
0x22d: {  	v4 =	vor.u32 v1, v26;
	_ =	sdelay $0x2  }
0x22e: {  	[tilespmem:$0x1F3A0] =	vst v1  }
0x22f: {  	v1 =	vcombine.low v28, v30;
	[tilespmem:v2+s18+$0x0] =	vst.idx.msk $0xffff, v0  }
0x230: {  	v2 =	vadd.s32 s31, v42;
	v0 =	vld.idx.msk [tilespmem:v4+s14+$0x0], $0xffff  }
0x231: {  	v4 =	vor.u32 v1, v26;
	_ =	sdelay $0x2  }
0x232: {  	[tilespmem:$0x1F3B0] =	vst v1  }
0x233: {  	v1 =	vcombine.low v31, v51;
	[tilespmem:v2+s18+$0x0] =	vst.idx.msk $0xffff, v0  }
0x234: {  	v2 =	vadd.s32 s31, v41;
	v0 =	vld.idx.msk [tilespmem:v4+s14+$0x0], $0xffff  }
0x235: {  	v4 =	vor.u32 v1, v26;
	_ =	sdelay $0x1  }
0x236: {  	v7 =	vld [tilespmem:$0x1F8F0]  }
0x237: {  	v3 =	vld [tilespmem:$0x1F8D0]  }
0x238: {  	v5 =	vld [tilespmem:$0x1F8E0];
	[tilespmem:v2+s18+$0x0] =	vst.idx.msk $0xffff, v0  }
0x239: {  	[tilespmem:$0x1F3C0] =	vst v1;
	v1 =	vor.u32 $0x30, v59;
	v0 =	vld.idx.msk [tilespmem:v4+s14+$0x0], $0xffff  }
0x23a: {  	[tilespmem:$0x1F3D0] =	vst v1;
	v4 =	vor.u32 v1, v26;
	v1 =	vld [tilespmem:$0x1F8C0]  }
0x23b: {  	v2 =	vadd.s32 s31, v40;
	_ =	sdelay $0x2  }
0x23c: {  	v53 =	vld [tilespmem:$0x1F920]  }
0x23d: {  	v11 =	vld [tilespmem:$0x1F910];
	v8 =	vsel vm0, v7, v5;
	v6 =	vsel vm0, v3, v1  }
0x23e: {  	v15 =	vld [tilespmem:$0x1F930];
	[tilespmem:v2+s18+$0x0] =	vst.idx.msk $0xffff, v0;
	v9 =	vcombine.low v8, v6  }
0x23f: {  	v0 =	vld.idx.msk [tilespmem:v4+s14+$0x0], $0xffff  }
0x240: {  	s31 =	sadd.s32 $0x2580, s29;
	[tilespmem:$0x1F3E0] =	vst v9;
	v4 =	vor.u32 v9, v26;
	v9 =	vld [tilespmem:$0x1F900]  }
0x241: {  	v2 =	vadd.s32 s31, v36;
	_ =	sdelay $0x1  }
0x242: {  	v17 =	vld [tilespmem:$0x1F940]  }
0x243: {  	v19 =	vld [tilespmem:$0x1F950]  }
0x244: {  	v21 =	vld [tilespmem:$0x1F960];
	v54 =	vsel vm0, v15, v53;
	v10 =	vsel vm0, v11, v9  }
0x245: {  	v23 =	vld [tilespmem:$0x1F970];
	[tilespmem:v2+s18+$0x0] =	vst.idx.msk $0xffff, v0;
	v55 =	vcombine.low v54, v10  }
0x246: {  	v2 =	vadd.s32 s31, v62;
	v0 =	vld.idx.msk [tilespmem:v4+s14+$0x0], $0xffff  }
0x247: {  	v4 =	vor.u32 v55, v26  }
0x248: {  	v57 =	vld [tilespmem:$0x1F9B0]  }
0x249: {  	v29 =	vld [tilespmem:$0x1F9A0]  }
0x24a: {  	v56 =	vsel vm0, v19, v17;
	v25 =	vld [tilespmem:$0x1F980];
	v16 =	vsel vm0, v23, v21  }
0x24b: {  	v27 =	vld [tilespmem:$0x1F990];
	v18 =	vcombine.low v16, v56;
	[tilespmem:v2+s18+$0x0] =	vst.idx.msk $0xffff, v0  }
0x24c: {  	v2 =	vadd.s32 s31, v63;
	v0 =	vld.idx.msk [tilespmem:v4+s14+$0x0], $0xffff  }
0x24d: {  	v4 =	vor.u32 v18, v26;
	_ =	sdelay $0x2  }
0x24e: {  	v20 =	vsel vm0, v57, v29;
	[tilespmem:$0x1F400] =	vst v18;
	v18 =	vsel vm0, v27, v25  }
0x24f: {  	v22 =	vcombine.low v20, v18;
	[tilespmem:v2+s18+$0x0] =	vst.idx.msk $0xffff, v0  }
0x250: {  	v2 =	vadd.s32 s31, v48;
	v0 =	vld.idx.msk [tilespmem:v4+s14+$0x0], $0xffff  }
0x251: {  	v4 =	vor.u32 v22, v26;
	_ =	sdelay $0x2  }
0x252: {  	v24 =	vsel vm0, v1, v7;
	[tilespmem:$0x1F410] =	vst v22;
	v22 =	vsel vm0, v5, v3  }
0x253: {  	v1 =	vcombine.low v24, v22;
	[tilespmem:v2+s18+$0x0] =	vst.idx.msk $0xffff, v0  }
0x254: {  	v2 =	vadd.s32 s31, v47;
	v0 =	vld.idx.msk [tilespmem:v4+s14+$0x0], $0xffff  }
0x255: {  	v4 =	vor.u32 v1, v26;
	_ =	sdelay $0x2  }
0x256: {  	v28 =	vsel vm0, v53, v11;
	v30 =	vsel vm0, v9, v15;
	[tilespmem:$0x1F420] =	vst v1  }
0x257: {  	v1 =	vcombine.low v30, v28;
	[tilespmem:v2+s18+$0x0] =	vst.idx.msk $0xffff, v0  }
0x258: {  	v2 =	vadd.s32 s31, v46;
	v0 =	vld.idx.msk [tilespmem:v4+s14+$0x0], $0xffff  }
0x259: {  	v4 =	vor.u32 v1, v26;
	_ =	sdelay $0x2  }
0x25a: {  	v58 =	vsel vm0, v17, v23;
	v31 =	vsel vm0, v21, v19;
	[tilespmem:$0x1F430] =	vst v1  }
0x25b: {  	v1 =	vcombine.low v58, v31;
	[tilespmem:v2+s18+$0x0] =	vst.idx.msk $0xffff, v0  }
0x25c: {  	v2 =	vadd.s32 s31, v45;
	v0 =	vld.idx.msk [tilespmem:v4+s14+$0x0], $0xffff  }
0x25d: {  	v4 =	vor.u32 v1, v26;
	_ =	sdelay $0x2  }
0x25e: {  	v60 =	vsel vm0, v29, v27;
	v34 =	vsel vm0, v25, v57;
	[tilespmem:$0x1F440] =	vst v1  }
0x25f: {  	v1 =	vcombine.low v34, v60;
	[tilespmem:v2+s18+$0x0] =	vst.idx.msk $0xffff, v0  }
0x260: {  	v2 =	vadd.s32 s31, v44;
	v0 =	vld.idx.msk [tilespmem:v4+s14+$0x0], $0xffff  }
0x261: {  	v4 =	vor.u32 v1, v26;
	_ =	sdelay $0x2  }
0x262: {  	[tilespmem:$0x1F450] =	vst v1  }
0x263: {  	v1 =	vcombine.low v6, v8;
	[tilespmem:v2+s18+$0x0] =	vst.idx.msk $0xffff, v0  }
0x264: {  	v2 =	vadd.s32 s31, v43;
	v0 =	vld.idx.msk [tilespmem:v4+s14+$0x0], $0xffff  }
0x265: {  	v4 =	vor.u32 v1, v26;
	_ =	sdelay $0x2  }
0x266: {  	[tilespmem:$0x1F460] =	vst v1  }
0x267: {  	v1 =	vcombine.low v10, v54;
	[tilespmem:v2+s18+$0x0] =	vst.idx.msk $0xffff, v0  }
0x268: {  	v2 =	vadd.s32 s31, v39;
	v0 =	vld.idx.msk [tilespmem:v4+s14+$0x0], $0xffff  }
0x269: {  	v4 =	vor.u32 v1, v26;
	_ =	sdelay $0x2  }
0x26a: {  	[tilespmem:$0x1F470] =	vst v1  }
0x26b: {  	v1 =	vcombine.low v56, v16;
	[tilespmem:v2+s18+$0x0] =	vst.idx.msk $0xffff, v0  }
0x26c: {  	v2 =	vadd.s32 s31, v38;
	v0 =	vld.idx.msk [tilespmem:v4+s14+$0x0], $0xffff  }
0x26d: {  	v4 =	vor.u32 v1, v26;
	_ =	sdelay $0x2  }
0x26e: {  	[tilespmem:$0x1F480] =	vst v1  }
0x26f: {  	v1 =	vcombine.low v18, v20;
	[tilespmem:v2+s18+$0x0] =	vst.idx.msk $0xffff, v0  }
0x270: {  	v2 =	vadd.s32 s31, v37;
	v0 =	vld.idx.msk [tilespmem:v4+s14+$0x0], $0xffff  }
0x271: {  	v4 =	vor.u32 v1, v26;
	_ =	sdelay $0x2  }
0x272: {  	[tilespmem:$0x1F490] =	vst v1  }
0x273: {  	v1 =	vcombine.low v22, v24;
	[tilespmem:v2+s18+$0x0] =	vst.idx.msk $0xffff, v0  }
0x274: {  	v2 =	vadd.s32 s31, v35;
	v0 =	vld.idx.msk [tilespmem:v4+s14+$0x0], $0xffff  }
0x275: {  	v4 =	vor.u32 v1, v26;
	_ =	sdelay $0x2  }
0x276: {  	[tilespmem:$0x1F4A0] =	vst v1  }
0x277: {  	v1 =	vcombine.low v28, v30;
	[tilespmem:v2+s18+$0x0] =	vst.idx.msk $0xffff, v0  }
0x278: {  	v2 =	vadd.s32 s31, v42;
	v0 =	vld.idx.msk [tilespmem:v4+s14+$0x0], $0xffff  }
0x279: {  	v4 =	vor.u32 v1, v26;
	_ =	sdelay $0x2  }
0x27a: {  	[tilespmem:$0x1F4B0] =	vst v1  }
0x27b: {  	v1 =	vcombine.low v31, v58;
	[tilespmem:v2+s18+$0x0] =	vst.idx.msk $0xffff, v0  }
0x27c: {  	v2 =	vadd.s32 s31, v41;
	v0 =	vld.idx.msk [tilespmem:v4+s14+$0x0], $0xffff  }
0x27d: {  	v4 =	vor.u32 v1, v26;
	_ =	sdelay $0x1  }
0x27e: {  	v7 =	vld [tilespmem:$0x1F9F0]  }
0x27f: {  	v3 =	vld [tilespmem:$0x1F9D0]  }
0x280: {  	v5 =	vld [tilespmem:$0x1F9E0];
	[tilespmem:v2+s18+$0x0] =	vst.idx.msk $0xffff, v0  }
0x281: {  	[tilespmem:$0x1F4C0] =	vst v1;
	v1 =	vor.u32 $0x40, v59;
	v0 =	vld.idx.msk [tilespmem:v4+s14+$0x0], $0xffff  }
0x282: {  	[tilespmem:$0x1F4D0] =	vst v1;
	v4 =	vor.u32 v1, v26;
	v1 =	vld [tilespmem:$0x1F9C0]  }
0x283: {  	v2 =	vadd.s32 s31, v40;
	_ =	sdelay $0x2  }
0x284: {  	v61 =	vld [tilespmem:$0x1FA20]  }
0x285: {  	v11 =	vld [tilespmem:$0x1FA10];
	v8 =	vsel vm0, v7, v5;
	v6 =	vsel vm0, v3, v1  }
0x286: {  	v15 =	vld [tilespmem:$0x1FA30];
	[tilespmem:v2+s18+$0x0] =	vst.idx.msk $0xffff, v0;
	v9 =	vcombine.low v8, v6  }
0x287: {  	v0 =	vld.idx.msk [tilespmem:v4+s14+$0x0], $0xffff  }
0x288: {  	s31 =	sor.u32 $0x3200, s29;
	[tilespmem:$0x1F4E0] =	vst v9;
	v4 =	vor.u32 v9, v26;
	v9 =	vld [tilespmem:$0x1FA00]  }
0x289: {  	v2 =	vadd.s32 s31, v36;
	_ =	sdelay $0x1  }
0x28a: {  	v17 =	vld [tilespmem:$0x1FA40]  }
0x28b: {  	v23 =	vld [tilespmem:$0x1FA70]  }
0x28c: {  	v19 =	vld [tilespmem:$0x1FA50];
	v49 =	vsel vm0, v15, v61;
	v10 =	vsel vm0, v11, v9  }
0x28d: {  	v21 =	vld [tilespmem:$0x1FA60];
	[tilespmem:v2+s18+$0x0] =	vst.idx.msk $0xffff, v0;
	v50 =	vcombine.low v49, v10  }
0x28e: {  	v2 =	vadd.s32 s31, v62;
	v0 =	vld.idx.msk [tilespmem:v4+s14+$0x0], $0xffff  }
0x28f: {  	v4 =	vor.u32 v50, v26  }
0x290: {  	v52 =	vld [tilespmem:$0x1FAB0]  }
0x291: {  	v29 =	vld [tilespmem:$0x1FAA0]  }
0x292: {  	v51 =	vsel vm0, v19, v17;
	v25 =	vld [tilespmem:$0x1FA80];
	v16 =	vsel vm0, v23, v21  }
0x293: {  	v27 =	vld [tilespmem:$0x1FA90];
	v18 =	vcombine.low v16, v51;
	[tilespmem:v2+s18+$0x0] =	vst.idx.msk $0xffff, v0  }
0x294: {  	v2 =	vadd.s32 s31, v63;
	v0 =	vld.idx.msk [tilespmem:v4+s14+$0x0], $0xffff  }
0x295: {  	v4 =	vor.u32 v18, v26;
	_ =	sdelay $0x2  }
0x296: {  	v20 =	vsel vm0, v52, v29;
	[tilespmem:$0x1F500] =	vst v18;
	v18 =	vsel vm0, v27, v25  }
0x297: {  	v22 =	vcombine.low v20, v18;
	[tilespmem:v2+s18+$0x0] =	vst.idx.msk $0xffff, v0  }
0x298: {  	v2 =	vadd.s32 s31, v48;
	v0 =	vld.idx.msk [tilespmem:v4+s14+$0x0], $0xffff  }
0x299: {  	v4 =	vor.u32 v22, v26;
	_ =	sdelay $0x2  }
0x29a: {  	v24 =	vsel vm0, v1, v7;
	[tilespmem:$0x1F510] =	vst v22;
	v22 =	vsel vm0, v5, v3  }
0x29b: {  	v1 =	vcombine.low v24, v22;
	[tilespmem:v2+s18+$0x0] =	vst.idx.msk $0xffff, v0  }
0x29c: {  	v2 =	vadd.s32 s31, v47;
	v0 =	vld.idx.msk [tilespmem:v4+s14+$0x0], $0xffff  }
0x29d: {  	v4 =	vor.u32 v1, v26;
	_ =	sdelay $0x2  }
0x29e: {  	v28 =	vsel vm0, v61, v11;
	v30 =	vsel vm0, v9, v15;
	[tilespmem:$0x1F520] =	vst v1  }
0x29f: {  	v1 =	vcombine.low v30, v28;
	[tilespmem:v2+s18+$0x0] =	vst.idx.msk $0xffff, v0  }
0x2a0: {  	v2 =	vadd.s32 s31, v46;
	v0 =	vld.idx.msk [tilespmem:v4+s14+$0x0], $0xffff  }
0x2a1: {  	v4 =	vor.u32 v1, v26;
	_ =	sdelay $0x2  }
0x2a2: {  	v53 =	vsel vm0, v17, v23;
	v31 =	vsel vm0, v21, v19;
	[tilespmem:$0x1F530] =	vst v1  }
0x2a3: {  	v1 =	vcombine.low v53, v31;
	[tilespmem:v2+s18+$0x0] =	vst.idx.msk $0xffff, v0  }
0x2a4: {  	v2 =	vadd.s32 s31, v45;
	v0 =	vld.idx.msk [tilespmem:v4+s14+$0x0], $0xffff  }
0x2a5: {  	v4 =	vor.u32 v1, v26;
	_ =	sdelay $0x2  }
0x2a6: {  	v34 =	vsel vm0, v25, v52;
	v54 =	vsel vm0, v29, v27;
	[tilespmem:$0x1F540] =	vst v1  }
0x2a7: {  	v1 =	vcombine.low v34, v54;
	[tilespmem:v2+s18+$0x0] =	vst.idx.msk $0xffff, v0  }
0x2a8: {  	v2 =	vadd.s32 s31, v44;
	v0 =	vld.idx.msk [tilespmem:v4+s14+$0x0], $0xffff  }
0x2a9: {  	v4 =	vor.u32 v1, v26;
	_ =	sdelay $0x2  }
0x2aa: {  	[tilespmem:$0x1F550] =	vst v1  }
0x2ab: {  	v1 =	vcombine.low v6, v8;
	[tilespmem:v2+s18+$0x0] =	vst.idx.msk $0xffff, v0  }
0x2ac: {  	v2 =	vadd.s32 s31, v43;
	v0 =	vld.idx.msk [tilespmem:v4+s14+$0x0], $0xffff  }
0x2ad: {  	v4 =	vor.u32 v1, v26;
	_ =	sdelay $0x2  }
0x2ae: {  	[tilespmem:$0x1F560] =	vst v1  }
0x2af: {  	v1 =	vcombine.low v10, v49;
	[tilespmem:v2+s18+$0x0] =	vst.idx.msk $0xffff, v0  }
0x2b0: {  	v2 =	vadd.s32 s31, v39;
	v0 =	vld.idx.msk [tilespmem:v4+s14+$0x0], $0xffff  }
0x2b1: {  	v4 =	vor.u32 v1, v26;
	_ =	sdelay $0x2  }
0x2b2: {  	[tilespmem:$0x1F570] =	vst v1  }
0x2b3: {  	v1 =	vcombine.low v51, v16;
	[tilespmem:v2+s18+$0x0] =	vst.idx.msk $0xffff, v0  }
0x2b4: {  	v2 =	vadd.s32 s31, v38;
	v0 =	vld.idx.msk [tilespmem:v4+s14+$0x0], $0xffff  }
0x2b5: {  	v4 =	vor.u32 v1, v26;
	_ =	sdelay $0x2  }
0x2b6: {  	[tilespmem:$0x1F580] =	vst v1  }
0x2b7: {  	v1 =	vcombine.low v18, v20;
	[tilespmem:v2+s18+$0x0] =	vst.idx.msk $0xffff, v0  }
0x2b8: {  	v2 =	vadd.s32 s31, v37;
	v0 =	vld.idx.msk [tilespmem:v4+s14+$0x0], $0xffff  }
0x2b9: {  	v4 =	vor.u32 v1, v26;
	_ =	sdelay $0x2  }
0x2ba: {  	[tilespmem:$0x1F590] =	vst v1  }
0x2bb: {  	v1 =	vcombine.low v22, v24;
	[tilespmem:v2+s18+$0x0] =	vst.idx.msk $0xffff, v0  }
0x2bc: {  	v2 =	vadd.s32 s31, v35;
	v0 =	vld.idx.msk [tilespmem:v4+s14+$0x0], $0xffff  }
0x2bd: {  	v4 =	vor.u32 v1, v26;
	_ =	sdelay $0x2  }
0x2be: {  	[tilespmem:$0x1F5A0] =	vst v1  }
0x2bf: {  	v1 =	vcombine.low v28, v30;
	[tilespmem:v2+s18+$0x0] =	vst.idx.msk $0xffff, v0  }
0x2c0: {  	v2 =	vadd.s32 s31, v42;
	v0 =	vld.idx.msk [tilespmem:v4+s14+$0x0], $0xffff  }
0x2c1: {  	v4 =	vor.u32 v1, v26;
	_ =	sdelay $0x2  }
0x2c2: {  	[tilespmem:$0x1F5B0] =	vst v1  }
0x2c3: {  	v1 =	vcombine.low v31, v53;
	[tilespmem:v2+s18+$0x0] =	vst.idx.msk $0xffff, v0  }
0x2c4: {  	v2 =	vadd.s32 s31, v41;
	v0 =	vld.idx.msk [tilespmem:v4+s14+$0x0], $0xffff  }
0x2c5: {  	v4 =	vor.u32 v1, v26;
	_ =	sdelay $0x1  }
0x2c6: {  	v7 =	vld [tilespmem:$0x1FAF0]  }
0x2c7: {  	v3 =	vld [tilespmem:$0x1FAD0]  }
0x2c8: {  	v5 =	vld [tilespmem:$0x1FAE0];
	[tilespmem:v2+s18+$0x0] =	vst.idx.msk $0xffff, v0  }
0x2c9: {  	[tilespmem:$0x1F5C0] =	vst v1;
	v1 =	vor.u32 $0x50, v59;
	v0 =	vld.idx.msk [tilespmem:v4+s14+$0x0], $0xffff  }
0x2ca: {  	[tilespmem:$0x1F5D0] =	vst v1;
	v4 =	vor.u32 v1, v26;
	v1 =	vld [tilespmem:$0x1FAC0]  }
0x2cb: {  	v2 =	vadd.s32 s31, v40;
	_ =	sdelay $0x2  }
0x2cc: {  	v29 =	vld [tilespmem:$0x1FB20]  }
0x2cd: {  	v8 =	vsel vm0, v7, v5;
	v28 =	vld [tilespmem:$0x1FB10];
	v6 =	vsel vm0, v3, v1  }
0x2ce: {  	v30 =	vld [tilespmem:$0x1FB30];
	[tilespmem:v2+s18+$0x0] =	vst.idx.msk $0xffff, v0;
	v9 =	vcombine.low v8, v6  }
0x2cf: {  	v0 =	vld.idx.msk [tilespmem:v4+s14+$0x0], $0xffff  }
0x2d0: {  	s31 =	sadd.s32 $0x3E80, s29;
	[tilespmem:$0x1F5E0] =	vst v9;
	v4 =	vor.u32 v9, v26;
	v9 =	vld [tilespmem:$0x1FB00]  }
0x2d1: {  	v2 =	vadd.s32 s31, v36;
	_ =	sdelay $0x1  }
0x2d2: {  	v57 =	vld [tilespmem:$0x1FB60]  }
0x2d3: {  	v56 =	vld [tilespmem:$0x1FB50]  }
0x2d4: {  	[tilespmem:$0x1F3F0] =	vst v55;
	v58 =	vld [tilespmem:$0x1FB70];
	v12 =	vsel vm0, v30, v29;
	v10 =	vsel vm0, v28, v9  }
0x2d5: {  	v31 =	vld [tilespmem:$0x1FB40];
	[tilespmem:v2+s18+$0x0] =	vst.idx.msk $0xffff, v0;
	v55 =	vcombine.low v12, v10  }
0x2d6: {  	v2 =	vadd.s32 s31, v62;
	v0 =	vld.idx.msk [tilespmem:v4+s14+$0x0], $0xffff  }
0x2d7: {  	v4 =	vor.u32 v55, v26  }
0x2d8: {  	v60 =	vld [tilespmem:$0x1FBB0]  }
0x2d9: {  	v11 =	vmov v37;
	v37 =	vld [tilespmem:$0x1FB90]  }
0x2da: {  	v25 =	vmov v35;
	v16 =	vsel vm0, v58, v57;
	v35 =	vld [tilespmem:$0x1FB80];
	v14 =	vsel vm0, v56, v31  }
0x2db: {  	v19 =	vmov v41;
	v41 =	vld [tilespmem:$0x1FBA0];
	v18 =	vcombine.low v16, v14;
	[tilespmem:v2+s18+$0x0] =	vst.idx.msk $0xffff, v0  }
0x2dc: {  	v2 =	vadd.s32 s31, v63;
	v0 =	vld.idx.msk [tilespmem:v4+s14+$0x0], $0xffff  }
0x2dd: {  	v4 =	vor.u32 v18, v26;
	_ =	sdelay $0x2  }
0x2de: {  	[tilespmem:$0x1F600] =	vst v18;
	v20 =	vsel vm0, v60, v41;
	v18 =	vsel vm0, v37, v35  }
0x2df: {  	v22 =	vcombine.low v20, v18;
	[tilespmem:v2+s18+$0x0] =	vst.idx.msk $0xffff, v0  }
0x2e0: {  	v2 =	vadd.s32 s31, v48;
	v0 =	vld.idx.msk [tilespmem:v4+s14+$0x0], $0xffff  }
0x2e1: {  	v4 =	vor.u32 v22, v26;
	_ =	sdelay $0x2  }
0x2e2: {  	v24 =	vsel vm0, v1, v7;
	[tilespmem:$0x1F610] =	vst v22;
	v22 =	vsel vm0, v5, v3  }
0x2e3: {  	v1 =	vcombine.low v24, v22;
	[tilespmem:v2+s18+$0x0] =	vst.idx.msk $0xffff, v0  }
0x2e4: {  	v2 =	vadd.s32 s31, v47;
	v0 =	vld.idx.msk [tilespmem:v4+s14+$0x0], $0xffff  }
0x2e5: {  	v4 =	vor.u32 v1, v26;
	_ =	sdelay $0x2  }
0x2e6: {  	v28 =	vsel vm0, v29, v28;
	v61 =	vsel vm0, v9, v30;
	[tilespmem:$0x1F620] =	vst v1  }
0x2e7: {  	v1 =	vcombine.low v61, v28;
	[tilespmem:v2+s18+$0x0] =	vst.idx.msk $0xffff, v0  }
0x2e8: {  	v2 =	vadd.s32 s31, v46;
	v0 =	vld.idx.msk [tilespmem:v4+s14+$0x0], $0xffff  }
0x2e9: {  	v4 =	vor.u32 v1, v26;
	_ =	sdelay $0x2  }
0x2ea: {  	v33 =	vsel vm0, v57, v56;
	v34 =	vsel vm0, v31, v58;
	[tilespmem:$0x1F630] =	vst v1  }
0x2eb: {  	v1 =	vcombine.low v34, v33;
	[tilespmem:v2+s18+$0x0] =	vst.idx.msk $0xffff, v0  }
0x2ec: {  	v2 =	vadd.s32 s31, v45;
	v0 =	vld.idx.msk [tilespmem:v4+s14+$0x0], $0xffff  }
0x2ed: {  	v4 =	vor.u32 v1, v26;
	_ =	sdelay $0x2  }
0x2ee: {  	v53 =	vmov v46;
	v37 =	vsel vm0, v41, v37;
	v46 =	vsel vm0, v35, v60;
	[tilespmem:$0x1F640] =	vst v1  }
0x2ef: {  	v1 =	vcombine.low v46, v37;
	[tilespmem:v2+s18+$0x0] =	vst.idx.msk $0xffff, v0  }
0x2f0: {  	v2 =	vadd.s32 s31, v44;
	v0 =	vld.idx.msk [tilespmem:v4+s14+$0x0], $0xffff  }
0x2f1: {  	v4 =	vor.u32 v1, v26;
	_ =	sdelay $0x3  }
0x2f2: {  	[tilespmem:v2+s18+$0x0] =	vst.idx.msk $0xffff, v0;
	v0 =	vcombine.low v6, v8  }
0x2f3: {  	v2 =	vld.idx.msk [tilespmem:v4+s14+$0x0], $0xffff;
	v4 =	vadd.s32 s31, v43  }
0x2f4: {  	v6 =	vor.u32 v0, v26;
	_ =	sdelay $0x2  }
0x2f5: {  	[tilespmem:$0x1F660] =	vst v0  }
0x2f6: {  	v15 =	vmov v39;
	v0 =	vcombine.low v10, v12;
	[tilespmem:v4+s18+$0x0] =	vst.idx.msk $0xffff, v2  }
0x2f7: {  	v4 =	vld.idx.msk [tilespmem:v6+s14+$0x0], $0xffff;
	v6 =	vadd.s32 s31, v15  }
0x2f8: {  	v8 =	vor.u32 v0, v26;
	_ =	sdelay $0x3  }
0x2f9: {  	v13 =	vmov v38;
	v7 =	vcombine.low v14, v16;
	[tilespmem:v6+s18+$0x0] =	vst.idx.msk $0xffff, v4  }
0x2fa: {  	v6 =	vld.idx.msk [tilespmem:v8+s14+$0x0], $0xffff;
	v8 =	vadd.s32 s31, v13  }
0x2fb: {  	v10 =	vor.u32 v7, v26;
	_ =	sdelay $0x3  }
0x2fc: {  	[tilespmem:v8+s18+$0x0] =	vst.idx.msk $0xffff, v6;
	v6 =	vcombine.low v18, v20  }
0x2fd: {  	v8 =	vld.idx.msk [tilespmem:v10+s14+$0x0], $0xffff;
	v10 =	vadd.s32 s31, v11  }
0x2fe: {  	v51 =	vmov v47;
	v47 =	vor.u32 v6, v26;
	_ =	sdelay $0x3  }
0x2ff: {  	v9 =	vcombine.low v22, v24;
	[tilespmem:v10+s18+$0x0] =	vst.idx.msk $0xffff, v8  }
0x300: {  	v49 =	vmov v48;
	v48 =	vadd.s32 s31, v25;
	v10 =	vld.idx.msk [tilespmem:v47+s14+$0x0], $0xffff  }
0x301: {  	[tilespmem:$0x1F4F0] =	vst v50;
	v50 =	vor.u32 v9, v26;
	_ =	sdelay $0x3  }
0x302: {  	v21 =	vmov v42;
	v27 =	vcombine.low v28, v61;
	[tilespmem:v48+s18+$0x0] =	vst.idx.msk $0xffff, v10  }
0x303: {  	v52 =	vadd.s32 s31, v21;
	v12 =	vld.idx.msk [tilespmem:v50+s14+$0x0], $0xffff  }
0x304: {  	v16 =	vor.u32 v27, v26;
	_ =	sdelay $0x3  }
0x305: {  	v29 =	vcombine.low v33, v34;
	[tilespmem:v52+s18+$0x0] =	vst.idx.msk $0xffff, v12  }
0x306: {  	v14 =	vld.idx.msk [tilespmem:v16+s14+$0x0], $0xffff;
	v16 =	vadd.s32 s31, v19  }
0x307: {  	v18 =	vor.u32 v29, v26  }
0x308: {  	[tilespmem:$0x1F670] =	vst v0;
	v0 =	vld [tilespmem:$0x1FBC0]  }
0x309: {  	v2 =	vld [tilespmem:$0x1FBD0]  }
0x30a: {  	v4 =	vld [tilespmem:$0x1FBE0]  }
0x30b: {  	v17 =	vmov v40;
	v8 =	vld [tilespmem:$0x1FBF0];
	[tilespmem:v16+s18+$0x0] =	vst.idx.msk $0xffff, v14  }
0x30c: {  	v3 =	vor.u32 $0x60, v59;
	v16 =	vld.idx.msk [tilespmem:v18+s14+$0x0], $0xffff;
	v18 =	vadd.s32 s31, v17  }
0x30d: {  	v20 =	vor.u32 v3, v26  }
0x30e: {  	v32 =	vld [tilespmem:$0x1FC20]  }
0x30f: {  	v31 =	vld [tilespmem:$0x1FC10]  }
0x310: {  	v30 =	vld [tilespmem:$0x1FC00];
	v40 =	vsel vm0, v2, v0;
	v41 =	vsel vm0, v8, v4  }
0x311: {  	v33 =	vld [tilespmem:$0x1FC30];
	v10 =	vmov v17;
	s31 =	sor.u32 $0x4B00, s29;
	v17 =	vcombine.low v41, v40;
	[tilespmem:v18+s18+$0x0] =	vst.idx.msk $0xffff, v16  }
0x312: {  	v18 =	vld.idx.msk [tilespmem:v20+s14+$0x0], $0xffff;
	v20 =	vadd.s32 s31, v36  }
0x313: {  	v22 =	vor.u32 v17, v26  }
0x314: {  	[tilespmem:$0x1F5F0] =	vst v55;
	v55 =	vld [tilespmem:$0x1FC70]  }
0x315: {  	v35 =	vld [tilespmem:$0x1FC50]  }
0x316: {  	v42 =	vsel vm0, v31, v30;
	v34 =	vld [tilespmem:$0x1FC40];
	v46 =	vmov v43;
	v43 =	vsel vm0, v33, v32  }
0x317: {  	v37 =	vld [tilespmem:$0x1FC60];
	v12 =	vmov v19;
	v19 =	vcombine.low v43, v42;
	[tilespmem:v20+s18+$0x0] =	vst.idx.msk $0xffff, v18  }
0x318: {  	v20 =	vld.idx.msk [tilespmem:v22+s14+$0x0], $0xffff;
	v22 =	vadd.s32 s31, v62  }
0x319: {  	v24 =	vor.u32 v19, v26  }
0x31a: {  	v57 =	vld [tilespmem:$0x1FC90]  }
0x31b: {  	v58 =	vld [tilespmem:$0x1FC80]  }
0x31c: {  	v56 =	vmovc v45;
	v5 =	vmov v44;
	v61 =	vld [tilespmem:$0x1FCB0];
	[tilespmem:$0x1F650] =	vst v1;
	v44 =	vsel vm0, v35, v34;
	v45 =	vsel vm0, v55, v37  }
0x31d: {  	v60 =	vld [tilespmem:$0x1FCA0];
	v1 =	vmov v21;
	v21 =	vcombine.low v45, v44;
	[tilespmem:v22+s18+$0x0] =	vst.idx.msk $0xffff, v20  }
0x31e: {  	v22 =	vld.idx.msk [tilespmem:v24+s14+$0x0], $0xffff;
	v24 =	vadd.s32 s31, v63  }
0x31f: {  	v28 =	vor.u32 v21, v26;
	_ =	sdelay $0x2  }
0x320: {  	v47 =	vsel vm0, v57, v58;
	v48 =	vsel vm0, v61, v60  }
0x321: {  	v23 =	vcombine.low v48, v47;
	[tilespmem:v24+s18+$0x0] =	vst.idx.msk $0xffff, v22  }
0x322: {  	v24 =	vld.idx.msk [tilespmem:v28+s14+$0x0], $0xffff;
	v28 =	vadd.s32 s31, v49  }
0x323: {  	v54 =	vor.u32 v23, v26;
	_ =	sdelay $0x2  }
0x324: {  	v50 =	vsel vm0, v0, v8;
	v49 =	vsel vm0, v4, v2  }
0x325: {  	v0 =	vcombine.low v50, v49;
	[tilespmem:v28+s18+$0x0] =	vst.idx.msk $0xffff, v24  }
0x326: {  	v38 =	vadd.s32 s31, v51;
	v28 =	vld.idx.msk [tilespmem:v54+s14+$0x0], $0xffff  }
0x327: {  	v14 =	vor.u32 v0, v26;
	_ =	sdelay $0x2  }
0x328: {  	v52 =	vsel vm0, v30, v33;
	v51 =	vsel vm0, v32, v31  }
0x329: {  	[tilespmem:v38+s18+$0x0] =	vst.idx.msk $0xffff, v28;
	v28 =	vcombine.low v52, v51  }
0x32a: {  	v33 =	vadd.s32 s31, v53;
	v38 =	vld.idx.msk [tilespmem:v14+s14+$0x0], $0xffff  }
0x32b: {  	v14 =	vor.u32 v28, v26;
	_ =	sdelay $0x2  }
0x32c: {  	v55 =	vsel vm0, v34, v55;
	v54 =	vsel vm0, v37, v35  }
0x32d: {  	[tilespmem:v33+s18+$0x0] =	vst.idx.msk $0xffff, v38;
	v38 =	vcombine.low v55, v54  }
0x32e: {  	v32 =	vadd.s32 s31, v56;
	v39 =	vld.idx.msk [tilespmem:v14+s14+$0x0], $0xffff  }
0x32f: {  	v33 =	vor.u32 v38, v26;
	_ =	sdelay $0x2  }
0x330: {  	v57 =	vsel vm0, v60, v57;
	v58 =	vsel vm0, v58, v61  }
0x331: {  	[tilespmem:v32+s18+$0x0] =	vst.idx.msk $0xffff, v39;
	v39 =	vcombine.low v58, v57  }
0x332: {  	v34 =	vadd.s32 s31, v5;
	v53 =	vld.idx.msk [tilespmem:v33+s14+$0x0], $0xffff  }
0x333: {  	v57 =	vor.u32 v39, v26;
	_ =	sdelay $0x3  }
0x334: {  	v40 =	vcombine.low v40, v41;
	[tilespmem:v34+s18+$0x0] =	vst.idx.msk $0xffff, v53  }
0x335: {  	v37 =	vadd.s32 s31, v46;
	v35 =	vld.idx.msk [tilespmem:v57+s14+$0x0], $0xffff  }
0x336: {  	v60 =	vor.u32 v40, v26;
	_ =	sdelay $0x3  }
0x337: {  	v41 =	vcombine.low v42, v43;
	[tilespmem:v37+s18+$0x0] =	vst.idx.msk $0xffff, v35  }
0x338: {  	v14 =	vadd.s32 s31, v15;
	v61 =	vld.idx.msk [tilespmem:v60+s14+$0x0], $0xffff  }
0x339: {  	v32 =	vor.u32 v41, v26;
	_ =	sdelay $0x3  }
0x33a: {  	v42 =	vcombine.low v44, v45;
	[tilespmem:v14+s18+$0x0] =	vst.idx.msk $0xffff, v61  }
0x33b: {  	v33 =	vadd.s32 s31, v13;
	v43 =	vld.idx.msk [tilespmem:v32+s14+$0x0], $0xffff  }
0x33c: {  	v45 =	vor.u32 v42, v26;
	_ =	sdelay $0x3  }
0x33d: {  	[tilespmem:v33+s18+$0x0] =	vst.idx.msk $0xffff, v43;
	v43 =	vcombine.low v47, v48  }
0x33e: {  	v34 =	vadd.s32 s31, v11;
	v44 =	vld.idx.msk [tilespmem:v45+s14+$0x0], $0xffff  }
0x33f: {  	v47 =	vor.u32 v43, v26;
	_ =	sdelay $0x3  }
0x340: {  	v45 =	vcombine.low v49, v50;
	[tilespmem:v34+s18+$0x0] =	vst.idx.msk $0xffff, v44  }
0x341: {  	v35 =	vadd.s32 s31, v25;
	v44 =	vld.idx.msk [tilespmem:v47+s14+$0x0], $0xffff  }
0x342: {  	v37 =	vor.u32 v45, v26;
	_ =	sdelay $0x3  }
0x343: {  	v47 =	vcombine.low v51, v52;
	[tilespmem:v35+s18+$0x0] =	vst.idx.msk $0xffff, v44  }
0x344: {  	v53 =	vadd.s32 s31, v1;
	v44 =	vld.idx.msk [tilespmem:v37+s14+$0x0], $0xffff  }
0x345: {  	v56 =	vor.u32 v47, v26;
	_ =	sdelay $0x3  }
0x346: {  	v48 =	vcombine.low v54, v55;
	[tilespmem:v53+s18+$0x0] =	vst.idx.msk $0xffff, v44  }
0x347: {  	v57 =	vadd.s32 s31, v12;
	v44 =	vld.idx.msk [tilespmem:v56+s14+$0x0], $0xffff  }
0x348: {  	v58 =	vor.u32 v48, v26  }
0x349: {  	v8 =	vld [tilespmem:$0x1FCF0]  }
0x34a: {  	v2 =	vld [tilespmem:$0x1FCD0]  }
0x34b: {  	v4 =	vld [tilespmem:$0x1FCE0];
	[tilespmem:$0x1F680] =	vst v0  }
0x34c: {  	v0 =	vld [tilespmem:$0x1FCC0];
	[tilespmem:v57+s18+$0x0] =	vst.idx.msk $0xffff, v44  }
0x34d: {  	v60 =	vadd.s32 s31, v10;
	v49 =	vor.u32 $0x70, v59;
	v44 =	vld.idx.msk [tilespmem:v58+s14+$0x0], $0xffff  }
0x34e: {  	v61 =	vor.u32 v49, v26;
	_ =	sdelay $0x1  }
0x34f: {  	v33 =	vld [tilespmem:$0x1FD10]  }
0x350: {  	v34 =	vld [tilespmem:$0x1FD00];
	v57 =	vsel vm0, v2, v0;
	v58 =	vsel vm0, v8, v4  }
0x351: {  	s29 =	sadd.s32 $0x5780, s29;
	v35 =	vld [tilespmem:$0x1FD20];
	[tilespmem:v60+s18+$0x0] =	vst.idx.msk $0xffff, v44;
	v44 =	vcombine.low v58, v57  }
0x352: {  	v12 =	vadd.s32 s29, v36;
	v50 =	vld.idx.msk [tilespmem:v61+s14+$0x0], $0xffff  }
0x353: {  	v37 =	vld [tilespmem:$0x1FD30];
	v14 =	vor.u32 v44, v26;
	_ =	sdelay $0x1  }
0x354: {  	v36 =	vld [tilespmem:$0x1FD50]  }
0x355: {  	v24 =	vmov v10;
	v10 =	vld [tilespmem:$0x1FD40]  }
0x356: {  	[tilespmem:v12+s18+$0x0] =	vst.idx.msk $0xffff, v50;
	v12 =	vld [tilespmem:$0x1FD60]  }
0x357: {  	v59 =	vsel vm0, v33, v34;
	v60 =	vsel vm0, v37, v35;
	v51 =	vld.idx.msk [tilespmem:v14+s14+$0x0], $0xffff  }
0x358: {  	v50 =	vcombine.low v60, v59;
	v14 =	vld [tilespmem:$0x1FD70]  }
0x359: {  	v32 =	vadd.s32 s29, v62  }
0x35a: {  	v56 =	vor.u32 v50, v26  }
0x35b: {  	v16 =	vld [tilespmem:$0x1FD80]  }
0x35c: {  	v18 =	vld [tilespmem:$0x1FD90]  }
0x35d: {  	v20 =	vld [tilespmem:$0x1FDA0];
	v61 =	vsel vm0, v36, v10;
	v62 =	vsel vm0, v14, v12  }
0x35e: {  	v22 =	vld [tilespmem:$0x1FDB0];
	[tilespmem:v32+s18+$0x0] =	vst.idx.msk $0xffff, v51;
	v51 =	vcombine.low v62, v61  }
0x35f: {  	v53 =	vadd.s32 s29, v63;
	v52 =	vld.idx.msk [tilespmem:v56+s14+$0x0], $0xffff  }
0x360: {  	v31 =	vld [tilespmem:$0x1F6B0];
	v54 =	vor.u32 v51, v26;
	_ =	sdelay $0x2  }
0x361: {  	v30 =	vsel vm0, v22, v20;
	v63 =	vsel vm0, v18, v16  }
0x362: {  	[tilespmem:v53+s18+$0x0] =	vst.idx.msk $0xffff, v52;
	v52 =	vcombine.low v30, v63  }
0x363: {  	v53 =	vld.idx.msk [tilespmem:v54+s14+$0x0], $0xffff;
	v54 =	vadd.s32 s29, v31  }
0x364: {  	v32 =	vsel vm0, v0, v8;
	v0 =	vld [tilespmem:$0x1F6C0];
	v55 =	vor.u32 v52, v26;
	_ =	sdelay $0x2  }
0x365: {  	v31 =	vsel vm0, v4, v2  }
0x366: {  	[tilespmem:v54+s18+$0x0] =	vst.idx.msk $0xffff, v53;
	v53 =	vcombine.low v32, v31  }
0x367: {  	v54 =	vld.idx.msk [tilespmem:v55+s14+$0x0], $0xffff;
	v55 =	vadd.s32 s29, v0  }
0x368: {  	v0 =	vld [tilespmem:$0x1FF30];
	v56 =	vor.u32 v53, v26;
	_ =	sdelay $0x2  }
0x369: {  	v33 =	vsel vm0, v35, v33;
	v34 =	vsel vm0, v34, v37  }
0x36a: {  	[tilespmem:v55+s18+$0x0] =	vst.idx.msk $0xffff, v54;
	v54 =	vcombine.low v34, v33  }
0x36b: {  	v55 =	vld.idx.msk [tilespmem:v56+s14+$0x0], $0xffff;
	v56 =	vadd.s32 s29, v0  }
0x36c: {  	v0 =	vld [tilespmem:$0x1FF40];
	v35 =	vor.u32 v54, v26;
	_ =	sdelay $0x2  }
0x36d: {  	v36 =	vsel vm0, v12, v36;
	v12 =	vsel vm0, v10, v14  }
0x36e: {  	[tilespmem:v56+s18+$0x0] =	vst.idx.msk $0xffff, v55;
	v55 =	vcombine.low v12, v36  }
0x36f: {  	v14 =	vadd.s32 s29, v0;
	v35 =	vld.idx.msk [tilespmem:v35+s14+$0x0], $0xffff  }
0x370: {  	v0 =	vor.u32 v55, v26;
	_ =	sdelay $0x2  }
0x371: {  	v2 =	vsel vm0, v20, v18;
	v4 =	vsel vm0, v16, v22  }
0x372: {  	v56 =	vcombine.low v4, v2;
	[tilespmem:v14+s18+$0x0] =	vst.idx.msk $0xffff, v35  }
0x373: {  	v2 =	vadd.s32 s29, v5;
	v0 =	vld.idx.msk [tilespmem:v0+s14+$0x0], $0xffff  }
0x374: {  	v4 =	vor.u32 v56, v26;
	_ =	sdelay $0x3  }
0x375: {  	v57 =	vcombine.low v57, v58;
	[tilespmem:v2+s18+$0x0] =	vst.idx.msk $0xffff, v0  }
0x376: {  	v2 =	vadd.s32 s29, v46;
	v0 =	vld.idx.msk [tilespmem:v4+s14+$0x0], $0xffff  }
0x377: {  	v4 =	vor.u32 v57, v26;
	_ =	sdelay $0x3  }
0x378: {  	v58 =	vcombine.low v59, v60;
	[tilespmem:v2+s18+$0x0] =	vst.idx.msk $0xffff, v0  }
0x379: {  	v2 =	vadd.s32 s29, v15;
	v0 =	vld.idx.msk [tilespmem:v4+s14+$0x0], $0xffff  }
0x37a: {  	v4 =	vor.u32 v58, v26;
	_ =	sdelay $0x3  }
0x37b: {  	v59 =	vcombine.low v61, v62;
	[tilespmem:v2+s18+$0x0] =	vst.idx.msk $0xffff, v0  }
0x37c: {  	v2 =	vadd.s32 s29, v13;
	v0 =	vld.idx.msk [tilespmem:v4+s14+$0x0], $0xffff  }
0x37d: {  	v4 =	vor.u32 v59, v26;
	_ =	sdelay $0x3  }
0x37e: {  	v60 =	vcombine.low v63, v30;
	[tilespmem:v2+s18+$0x0] =	vst.idx.msk $0xffff, v0  }
0x37f: {  	v2 =	vadd.s32 s29, v11;
	v0 =	vld.idx.msk [tilespmem:v4+s14+$0x0], $0xffff  }
0x380: {  	v4 =	vor.u32 v60, v26;
	_ =	sdelay $0x3  }
0x381: {  	v61 =	vcombine.low v31, v32;
	[tilespmem:v2+s18+$0x0] =	vst.idx.msk $0xffff, v0  }
0x382: {  	v2 =	vadd.s32 s29, v25;
	v0 =	vld.idx.msk [tilespmem:v4+s14+$0x0], $0xffff  }
0x383: {  	v4 =	vor.u32 v61, v26;
	_ =	sdelay $0x3  }
0x384: {  	v62 =	vcombine.low v33, v34;
	[tilespmem:v2+s18+$0x0] =	vst.idx.msk $0xffff, v0  }
0x385: {  	v2 =	vadd.s32 s29, v1;
	v0 =	vld.idx.msk [tilespmem:v4+s14+$0x0], $0xffff  }
0x386: {  	v1 =	vld [tilespmem:$0x1FFC0];
	v4 =	vor.u32 v62, v26;
	_ =	sdelay $0x3  }
0x387: {  	v63 =	vcombine.low v36, v12;
	[tilespmem:v2+s18+$0x0] =	vst.idx.msk $0xffff, v0  }
0x388: {  	v2 =	vadd.s32 s29, v1;
	v0 =	vld.idx.msk [tilespmem:v4+s14+$0x0], $0xffff  }
0x389: {  	v4 =	vor.u32 v63, v26;
	_ =	sdelay $0x1  }
0x38a: {  	v37 =	vld [tilespmem:$0x1FFF0]  }
0x38b: {  	v10 =	vld [tilespmem:$0x1FF00]  }
0x38c: {  	v8 =	vld [tilespmem:$0x1FF10];
	[tilespmem:v2+s18+$0x0] =	vst.idx.msk $0xffff, v0  }
0x38d: {  	p1 =	sne.s32 s28, $0xC0;
	v2 =	vadd.s32 s29, v24;
	v0 =	vld.idx.msk [tilespmem:v4+s14+$0x0], $0xffff  }
.Ltmp2:
0x38e: {  	v30 =	vld [tilespmem:$0x1FEB0];
	(pc) =	sbr.rel @p1 .LBB2_3-.Ltmp2, $4  }
0x38f: {  	v32 =	vld [tilespmem:$0x1FED0]  }
0x390: {  	v31 =	vld [tilespmem:$0x1FEC0]  }
0x391: {  	v34 =	vld [tilespmem:$0x1FEF0]  }
0x392: {  	s28 =	sadd.s32 $0x10, s28;
	v33 =	vld [tilespmem:$0x1FEE0];
	[tilespmem:v2+s18+$0x0] =	vst.idx.msk $0xffff, v0;
	v2 =	vlaneseq.u32  }
0x393: {  	s26 =	sshrl.u32 s26, $0x3  }
0x394: {  	s28 =	sshll.u32 s24, $0x8;
	p1 =	sne.s32 s24, $0x3F;
	s26 =	smul.u32 $0x32000, s26  }
.Ltmp3:
0x395: {  	s28 =	sand.u32 $0x300, s28;
	(pc) =	sbr.rel @p1 .LBB2_6-.Ltmp3, $4  }
0x396: {  	s26 =	sor.u32 s28, s26  }
0x397: {  	[tilespmem:$0x1F1E0] =	vst v9;
	s26 =	sshrl.u32 s26, $0x3  }
0x398: {  	v22 =	vmov v23;
	v20 =	vmov v21;
	[tilespmem:$0x1F1F0] =	vst v7;
	s31 =	sadd.s32 s3, s26  }
0x399: {  	v24 =	vld [tilespmem:$0x1F680];
	v18 =	vmovc v19;
	v16 =	vmovc v17;
	v14 =	vmov v3;
	v12 =	vmov v29;
	v36 =	vmov v27;
	[hbm4b:s31+s10] =	stream.strided.scatter [tilespmem:s18], [sflag:$0x3], $0x6400, s11, s10, $0x38  }
0x39a: {  	_ =	swait.ge [sflag:s19], $0x6400  }
0x39b: {  	v13 =	vld [tilespmem:$0x1FF50]  }
0x39c: {  	v17 =	vld [tilespmem:$0x1FF70]  }
.Ltmp4:
0x39d: {  	v19 =	vld [tilespmem:$0x1FF80];
	(pc) =	sbr.rel .LBB2_7-.Ltmp4, $4  }
0x39e: {  	v21 =	vld [tilespmem:$0x1FF90]  }
0x39f: {  	v23 =	vld [tilespmem:$0x1FFA0]  }
0x3a0: {  	[sflag:s19] =	ssyncset.done $0x0;
	v27 =	vld [tilespmem:$0x1FFC0]  }
0x3a1: {  	v29 =	vld [tilespmem:$0x1FFD0];
	[sflag:s19] =	ssyncadd.s32 $0xFFFF9C00  }
.LBB2_6:
0x3a2: {  	s28 =	sadd.s32 $0x2, s25  }
0x3a3: {  	s29 =	sadd.s32 s5, s28;
	s28 =	sshll.u32 s28, $0x4  }
0x3a4: {  	s29 =	sshll.u32 s29, $0x5;
	s28 =	sand.u32 $0x60, s28  }
0x3a5: {  	s29 =	sand.u32 $0x3FF00, s29;
	s28 =	sadd.s32 s6, s28  }
0x3a6: {  	s28 =	sadd.s32 s29, s28  }
0x3a7: {  	[tilespmem:s4], [sflag:$0x5] =	stream.strided.gather [hbm4b:s28+s10], $0x100, s11, s10, $0x38;
	[tilespmem:$0x19200] =	vst v63  }
0x3a8: {  	_ =	swait.ge [sflag:s12], $0x100  }
0x3a9: {  	[sflag:s12] =	ssyncset.done $0x0  }
0x3aa: {  	[sflag:s12] =	ssyncadd.s32 $0xFFFFFF00  }
0x3ab: {  	[tilespmem:s14], [sflag:$0x1] =	stream.indirect.gather [hbm4b:s1+s13], $0x80, s4, s13, $0xb8;
	[tilespmem:$0x19200] =	vst v63  }
0x3ac: {  	_ =	swait.ge [sflag:s19], $0x6400  }
0x3ad: {  	v13 =	vld [tilespmem:$0x1FF50]  }
0x3ae: {  	v17 =	vld [tilespmem:$0x1FF70]  }
.Ltmp5:
0x3af: {  	v19 =	vld [tilespmem:$0x1FF80];
	(pc) =	sbr.rel @p0 .LBB2_8-.Ltmp5, $4  }
0x3b0: {  	v21 =	vld [tilespmem:$0x1FF90]  }
0x3b1: {  	v23 =	vld [tilespmem:$0x1FFA0]  }
0x3b2: {  	[sflag:s19] =	ssyncset.done $0x0;
	v27 =	vld [tilespmem:$0x1FFC0]  }
0x3b3: {  	v29 =	vld [tilespmem:$0x1FFD0];
	[sflag:s19] =	ssyncadd.s32 $0xFFFF9C00  }
.LBB2_7:
0x3b4: {  	_ =	swait.ge [sflag:s20], $0x6400  }
0x3b5: {  	[sflag:s20] =	ssyncset.done $0x0  }
0x3b6: {  	[sflag:s20] =	ssyncadd.s32 $0xFFFF9C00  }
.LBB2_8:
0x3b7: {  	v3 =	vld [tilespmem:$0x1F690]  }
0x3b8: {  	v5 =	vld [tilespmem:$0x1F6A0]  }
0x3b9: {  	v7 =	vld [tilespmem:$0x1F6B0]  }
0x3ba: {  	v9 =	vld [tilespmem:$0x1F6C0]  }
0x3bb: {  	v11 =	vld [tilespmem:$0x1FF30]  }
0x3bc: {  	v35 =	vld [tilespmem:$0x1FF40]  }
0x3bd: {  	v25 =	vld [tilespmem:$0x1FF60]  }
0x3be: {  	v1 =	vld [tilespmem:$0x1FFB0]  }
0x3bf: {  	v46 =	vld [tilespmem:$0x1FFE0]  }
0x3c0: {  	s28 =	simm.s32 $0x0;
	v15 =	vmov v6;
	v6 =	vld [tilespmem:$0x1F1E0]  }
.LBB2_9:
0x3c1: {  	v4 =	vld [tilespmem:$0x1FF20];
	_ =	sdelay $0x1  }
0x3c2: {  	s29 =	smin.u32 s28, $0xB8  }
0x3c3: {  	v0 =	vmov s29  }
0x3c4: {  	v0 =	vshll.u32 v0, $0x7  }
0x3c5: {  	v26 =	vadd.s32 v4, v0  }
0x3c6: {  	v0 =	vor.u32 v2, v26;
	_ =	sdelay $0x4  }
0x3c7: {  	v2 =	vadd.s32 s29, v46;
	v0 =	vld.idx.msk [tilespmem:v0+s16+$0x0], $0xffff  }
0x3c8: {  	v4 =	vor.u32 v30, v26;
	_ =	sdelay $0x3  }
0x3c9: {  	[tilespmem:v2+s21+$0x0] =	vst.idx.msk $0xffff, v0  }
0x3ca: {  	v2 =	vadd.s32 s29, v3;
	v0 =	vld.idx.msk [tilespmem:v4+s16+$0x0], $0xffff  }
0x3cb: {  	v4 =	vor.u32 v31, v26;
	_ =	sdelay $0x3  }
0x3cc: {  	[tilespmem:v2+s21+$0x0] =	vst.idx.msk $0xffff, v0  }
0x3cd: {  	v2 =	vadd.s32 s29, v5;
	v0 =	vld.idx.msk [tilespmem:v4+s16+$0x0], $0xffff  }
0x3ce: {  	v4 =	vor.u32 v32, v26;
	_ =	sdelay $0x3  }
0x3cf: {  	[tilespmem:v2+s21+$0x0] =	vst.idx.msk $0xffff, v0  }
0x3d0: {  	v2 =	vadd.s32 s29, v7;
	v0 =	vld.idx.msk [tilespmem:v4+s16+$0x0], $0xffff  }
0x3d1: {  	v4 =	vor.u32 v33, v26;
	_ =	sdelay $0x3  }
0x3d2: {  	[tilespmem:v2+s21+$0x0] =	vst.idx.msk $0xffff, v0  }
0x3d3: {  	v2 =	vadd.s32 s29, v9;
	v0 =	vld.idx.msk [tilespmem:v4+s16+$0x0], $0xffff  }
0x3d4: {  	v4 =	vor.u32 v34, v26;
	_ =	sdelay $0x3  }
0x3d5: {  	[tilespmem:v2+s21+$0x0] =	vst.idx.msk $0xffff, v0  }
0x3d6: {  	v0 =	vld.idx.msk [tilespmem:v4+s16+$0x0], $0xffff  }
0x3d7: {  	v4 =	vld [tilespmem:$0x1F6D0];
	_ =	sdelay $0x3  }
0x3d8: {  	v2 =	vadd.s32 s29, v11  }
0x3d9: {  	v4 =	vor.u32 v4, v26;
	_ =	sdelay $0x3  }
0x3da: {  	[tilespmem:v2+s21+$0x0] =	vst.idx.msk $0xffff, v0  }
0x3db: {  	v2 =	vadd.s32 s29, v35;
	v0 =	vld.idx.msk [tilespmem:v4+s16+$0x0], $0xffff  }
0x3dc: {  	v4 =	vor.u32 v37, v26;
	_ =	sdelay $0x3  }
0x3dd: {  	[tilespmem:v2+s21+$0x0] =	vst.idx.msk $0xffff, v0  }
0x3de: {  	v2 =	vadd.s32 s29, v13;
	v0 =	vld.idx.msk [tilespmem:v4+s16+$0x0], $0xffff  }
0x3df: {  	v4 =	vor.u32 v10, v26;
	_ =	sdelay $0x3  }
0x3e0: {  	[tilespmem:v2+s21+$0x0] =	vst.idx.msk $0xffff, v0  }
0x3e1: {  	v0 =	vld.idx.msk [tilespmem:v4+s16+$0x0], $0xffff  }
0x3e2: {  	v4 =	vld [tilespmem:$0x1F6E0];
	_ =	sdelay $0x3  }
0x3e3: {  	v2 =	vadd.s32 s29, v25  }
0x3e4: {  	v4 =	vor.u32 v4, v26;
	_ =	sdelay $0x3  }
0x3e5: {  	[tilespmem:v2+s21+$0x0] =	vst.idx.msk $0xffff, v0  }
0x3e6: {  	v2 =	vadd.s32 s29, v17;
	v0 =	vld.idx.msk [tilespmem:v4+s16+$0x0], $0xffff  }
0x3e7: {  	v4 =	vor.u32 v8, v26;
	_ =	sdelay $0x3  }
0x3e8: {  	[tilespmem:v2+s21+$0x0] =	vst.idx.msk $0xffff, v0  }
0x3e9: {  	v0 =	vld.idx.msk [tilespmem:v4+s16+$0x0], $0xffff  }
0x3ea: {  	v4 =	vld [tilespmem:$0x1F6F0];
	_ =	sdelay $0x3  }
0x3eb: {  	v2 =	vadd.s32 s29, v19  }
0x3ec: {  	v4 =	vor.u32 v4, v26;
	_ =	sdelay $0x3  }
0x3ed: {  	[tilespmem:v2+s21+$0x0] =	vst.idx.msk $0xffff, v0  }
0x3ee: {  	v0 =	vld.idx.msk [tilespmem:v4+s16+$0x0], $0xffff  }
0x3ef: {  	v4 =	vld [tilespmem:$0x1F700];
	_ =	sdelay $0x3  }
0x3f0: {  	v2 =	vadd.s32 s29, v21  }
0x3f1: {  	v4 =	vor.u32 v4, v26;
	_ =	sdelay $0x3  }
0x3f2: {  	[tilespmem:v2+s21+$0x0] =	vst.idx.msk $0xffff, v0  }
0x3f3: {  	v0 =	vld.idx.msk [tilespmem:v4+s16+$0x0], $0xffff  }
0x3f4: {  	v4 =	vld [tilespmem:$0x1F710];
	_ =	sdelay $0x3  }
0x3f5: {  	v2 =	vadd.s32 s29, v23  }
0x3f6: {  	v4 =	vor.u32 v4, v26;
	_ =	sdelay $0x3  }
0x3f7: {  	[tilespmem:v2+s21+$0x0] =	vst.idx.msk $0xffff, v0  }
0x3f8: {  	v0 =	vld.idx.msk [tilespmem:v4+s16+$0x0], $0xffff  }
0x3f9: {  	v4 =	vld [tilespmem:$0x1F720];
	_ =	sdelay $0x3  }
0x3fa: {  	v2 =	vadd.s32 s29, v1  }
0x3fb: {  	v4 =	vor.u32 v4, v26;
	_ =	sdelay $0x3  }
0x3fc: {  	[tilespmem:v2+s21+$0x0] =	vst.idx.msk $0xffff, v0  }
0x3fd: {  	v0 =	vld.idx.msk [tilespmem:v4+s16+$0x0], $0xffff  }
0x3fe: {  	v4 =	vld [tilespmem:$0x1F730];
	_ =	sdelay $0x3  }
0x3ff: {  	v2 =	vadd.s32 s29, v27  }
0x400: {  	v4 =	vor.u32 v4, v26;
	_ =	sdelay $0x3  }
0x401: {  	[tilespmem:v2+s21+$0x0] =	vst.idx.msk $0xffff, v0  }
0x402: {  	v0 =	vld.idx.msk [tilespmem:v4+s16+$0x0], $0xffff  }
0x403: {  	v4 =	vld [tilespmem:$0x1FE40];
	_ =	sdelay $0x3  }
0x404: {  	v2 =	vadd.s32 s29, v29  }
0x405: {  	v4 =	vor.u32 v4, v26;
	_ =	sdelay $0x3  }
0x406: {  	[tilespmem:v2+s21+$0x0] =	vst.idx.msk $0xffff, v0  }
0x407: {  	v0 =	vld.idx.msk [tilespmem:v4+s16+$0x0], $0xffff  }
0x408: {  	v4 =	vld [tilespmem:$0x1FE70];
	_ =	sdelay $0x2  }
0x409: {  	s30 =	sadd.s32 $0xC80, s29  }
0x40a: {  	v2 =	vadd.s32 s30, v46  }
0x40b: {  	v4 =	vor.u32 v4, v26;
	_ =	sdelay $0x3  }
0x40c: {  	[tilespmem:v2+s21+$0x0] =	vst.idx.msk $0xffff, v0  }
0x40d: {  	v0 =	vld.idx.msk [tilespmem:v4+s16+$0x0], $0xffff  }
0x40e: {  	v4 =	vld [tilespmem:$0x1FEA0];
	_ =	sdelay $0x3  }
0x40f: {  	v2 =	vadd.s32 s30, v3  }
0x410: {  	v4 =	vor.u32 v4, v26;
	_ =	sdelay $0x3  }
0x411: {  	[tilespmem:v2+s21+$0x0] =	vst.idx.msk $0xffff, v0  }
0x412: {  	v0 =	vld.idx.msk [tilespmem:v4+s16+$0x0], $0xffff  }
0x413: {  	v4 =	vld [tilespmem:$0x1F200];
	_ =	sdelay $0x3  }
0x414: {  	v2 =	vadd.s32 s30, v5  }
0x415: {  	v4 =	vor.u32 v4, v26;
	_ =	sdelay $0x3  }
0x416: {  	[tilespmem:v2+s21+$0x0] =	vst.idx.msk $0xffff, v0  }
0x417: {  	v0 =	vld.idx.msk [tilespmem:v4+s16+$0x0], $0xffff  }
0x418: {  	v4 =	vld [tilespmem:$0x1F210];
	_ =	sdelay $0x3  }
0x419: {  	v2 =	vadd.s32 s30, v7  }
0x41a: {  	v4 =	vor.u32 v4, v26;
	_ =	sdelay $0x3  }
0x41b: {  	[tilespmem:v2+s21+$0x0] =	vst.idx.msk $0xffff, v0  }
0x41c: {  	v0 =	vld.idx.msk [tilespmem:v4+s16+$0x0], $0xffff  }
0x41d: {  	v4 =	vld [tilespmem:$0x1F220];
	_ =	sdelay $0x3  }
0x41e: {  	v2 =	vadd.s32 s30, v9  }
0x41f: {  	v4 =	vor.u32 v4, v26;
	_ =	sdelay $0x3  }
0x420: {  	[tilespmem:v2+s21+$0x0] =	vst.idx.msk $0xffff, v0  }
0x421: {  	v0 =	vld.idx.msk [tilespmem:v4+s16+$0x0], $0xffff  }
0x422: {  	v4 =	vld [tilespmem:$0x1F230];
	_ =	sdelay $0x3  }
0x423: {  	v2 =	vadd.s32 s30, v11  }
0x424: {  	v4 =	vor.u32 v4, v26;
	_ =	sdelay $0x3  }
0x425: {  	[tilespmem:v2+s21+$0x0] =	vst.idx.msk $0xffff, v0  }
0x426: {  	v0 =	vld.idx.msk [tilespmem:v4+s16+$0x0], $0xffff  }
0x427: {  	v4 =	vld [tilespmem:$0x1F240];
	_ =	sdelay $0x3  }
0x428: {  	v2 =	vadd.s32 s30, v35  }
0x429: {  	v4 =	vor.u32 v4, v26;
	_ =	sdelay $0x3  }
0x42a: {  	[tilespmem:v2+s21+$0x0] =	vst.idx.msk $0xffff, v0  }
0x42b: {  	v0 =	vld.idx.msk [tilespmem:v4+s16+$0x0], $0xffff  }
0x42c: {  	v4 =	vld [tilespmem:$0x1F250];
	_ =	sdelay $0x3  }
0x42d: {  	v2 =	vadd.s32 s30, v13  }
0x42e: {  	v4 =	vor.u32 v4, v26;
	_ =	sdelay $0x3  }
0x42f: {  	[tilespmem:v2+s21+$0x0] =	vst.idx.msk $0xffff, v0  }
0x430: {  	v0 =	vld.idx.msk [tilespmem:v4+s16+$0x0], $0xffff  }
0x431: {  	v4 =	vld [tilespmem:$0x1F260];
	_ =	sdelay $0x3  }
0x432: {  	v2 =	vadd.s32 s30, v25  }
0x433: {  	v4 =	vor.u32 v4, v26;
	_ =	sdelay $0x3  }
0x434: {  	[tilespmem:v2+s21+$0x0] =	vst.idx.msk $0xffff, v0  }
0x435: {  	v0 =	vld.idx.msk [tilespmem:v4+s16+$0x0], $0xffff  }
0x436: {  	v4 =	vld [tilespmem:$0x1F270];
	_ =	sdelay $0x3  }
0x437: {  	v2 =	vadd.s32 s30, v17  }
0x438: {  	v4 =	vor.u32 v4, v26;
	_ =	sdelay $0x3  }
0x439: {  	[tilespmem:v2+s21+$0x0] =	vst.idx.msk $0xffff, v0  }
0x43a: {  	v0 =	vld.idx.msk [tilespmem:v4+s16+$0x0], $0xffff  }
0x43b: {  	v4 =	vld [tilespmem:$0x1F280];
	_ =	sdelay $0x3  }
0x43c: {  	v2 =	vadd.s32 s30, v19  }
0x43d: {  	v4 =	vor.u32 v4, v26;
	_ =	sdelay $0x3  }
0x43e: {  	[tilespmem:v2+s21+$0x0] =	vst.idx.msk $0xffff, v0  }
0x43f: {  	v0 =	vld.idx.msk [tilespmem:v4+s16+$0x0], $0xffff  }
0x440: {  	v4 =	vld [tilespmem:$0x1F290];
	_ =	sdelay $0x3  }
0x441: {  	v2 =	vadd.s32 s30, v21  }
0x442: {  	v4 =	vor.u32 v4, v26;
	_ =	sdelay $0x3  }
0x443: {  	[tilespmem:v2+s21+$0x0] =	vst.idx.msk $0xffff, v0  }
0x444: {  	v0 =	vld.idx.msk [tilespmem:v4+s16+$0x0], $0xffff  }
0x445: {  	v4 =	vld [tilespmem:$0x1F2A0];
	_ =	sdelay $0x3  }
0x446: {  	v2 =	vadd.s32 s30, v23  }
0x447: {  	v4 =	vor.u32 v4, v26;
	_ =	sdelay $0x3  }
0x448: {  	[tilespmem:v2+s21+$0x0] =	vst.idx.msk $0xffff, v0  }
0x449: {  	v0 =	vld.idx.msk [tilespmem:v4+s16+$0x0], $0xffff  }
0x44a: {  	v4 =	vld [tilespmem:$0x1F2B0];
	_ =	sdelay $0x3  }
0x44b: {  	v2 =	vadd.s32 s30, v1  }
0x44c: {  	v4 =	vor.u32 v4, v26;
	_ =	sdelay $0x3  }
0x44d: {  	[tilespmem:v2+s21+$0x0] =	vst.idx.msk $0xffff, v0  }
0x44e: {  	v0 =	vld.idx.msk [tilespmem:v4+s16+$0x0], $0xffff  }
0x44f: {  	v4 =	vld [tilespmem:$0x1F2C0];
	_ =	sdelay $0x3  }
0x450: {  	v2 =	vadd.s32 s30, v27  }
0x451: {  	v4 =	vor.u32 v4, v26;
	_ =	sdelay $0x3  }
0x452: {  	[tilespmem:v2+s21+$0x0] =	vst.idx.msk $0xffff, v0  }
0x453: {  	v0 =	vld.idx.msk [tilespmem:v4+s16+$0x0], $0xffff  }
0x454: {  	v4 =	vld [tilespmem:$0x1F2D0];
	_ =	sdelay $0x3  }
0x455: {  	v2 =	vadd.s32 s30, v29  }
0x456: {  	v4 =	vor.u32 v4, v26;
	_ =	sdelay $0x3  }
0x457: {  	[tilespmem:v2+s21+$0x0] =	vst.idx.msk $0xffff, v0  }
0x458: {  	v0 =	vld.idx.msk [tilespmem:v4+s16+$0x0], $0xffff  }
0x459: {  	v4 =	vld [tilespmem:$0x1F2E0];
	_ =	sdelay $0x2  }
0x45a: {  	s31 =	sor.u32 $0x1900, s29  }
0x45b: {  	v2 =	vadd.s32 s31, v46  }
0x45c: {  	v4 =	vor.u32 v4, v26;
	_ =	sdelay $0x3  }
0x45d: {  	[tilespmem:v2+s21+$0x0] =	vst.idx.msk $0xffff, v0  }
0x45e: {  	v0 =	vld.idx.msk [tilespmem:v4+s16+$0x0], $0xffff  }
0x45f: {  	v4 =	vld [tilespmem:$0x1F2F0];
	_ =	sdelay $0x3  }
0x460: {  	v2 =	vadd.s32 s31, v3  }
0x461: {  	v4 =	vor.u32 v4, v26;
	_ =	sdelay $0x3  }
0x462: {  	[tilespmem:v2+s21+$0x0] =	vst.idx.msk $0xffff, v0  }
0x463: {  	v0 =	vld.idx.msk [tilespmem:v4+s16+$0x0], $0xffff  }
0x464: {  	v4 =	vld [tilespmem:$0x1F300];
	_ =	sdelay $0x3  }
0x465: {  	v2 =	vadd.s32 s31, v5  }
0x466: {  	v4 =	vor.u32 v4, v26;
	_ =	sdelay $0x3  }
0x467: {  	[tilespmem:v2+s21+$0x0] =	vst.idx.msk $0xffff, v0  }
0x468: {  	v0 =	vld.idx.msk [tilespmem:v4+s16+$0x0], $0xffff  }
0x469: {  	v4 =	vld [tilespmem:$0x1F310];
	_ =	sdelay $0x3  }
0x46a: {  	v2 =	vadd.s32 s31, v7  }
0x46b: {  	v4 =	vor.u32 v4, v26;
	_ =	sdelay $0x3  }
0x46c: {  	[tilespmem:v2+s21+$0x0] =	vst.idx.msk $0xffff, v0  }
0x46d: {  	v0 =	vld.idx.msk [tilespmem:v4+s16+$0x0], $0xffff  }
0x46e: {  	v4 =	vld [tilespmem:$0x1F320];
	_ =	sdelay $0x3  }
0x46f: {  	v2 =	vadd.s32 s31, v9  }
0x470: {  	v4 =	vor.u32 v4, v26;
	_ =	sdelay $0x3  }
0x471: {  	[tilespmem:v2+s21+$0x0] =	vst.idx.msk $0xffff, v0  }
0x472: {  	v0 =	vld.idx.msk [tilespmem:v4+s16+$0x0], $0xffff  }
0x473: {  	v4 =	vld [tilespmem:$0x1F330];
	_ =	sdelay $0x3  }
0x474: {  	v2 =	vadd.s32 s31, v11  }
0x475: {  	v4 =	vor.u32 v4, v26;
	_ =	sdelay $0x3  }
0x476: {  	[tilespmem:v2+s21+$0x0] =	vst.idx.msk $0xffff, v0  }
0x477: {  	v0 =	vld.idx.msk [tilespmem:v4+s16+$0x0], $0xffff  }
0x478: {  	v4 =	vld [tilespmem:$0x1F340];
	_ =	sdelay $0x3  }
0x479: {  	v2 =	vadd.s32 s31, v35  }
0x47a: {  	v4 =	vor.u32 v4, v26;
	_ =	sdelay $0x3  }
0x47b: {  	[tilespmem:v2+s21+$0x0] =	vst.idx.msk $0xffff, v0  }
0x47c: {  	v0 =	vld.idx.msk [tilespmem:v4+s16+$0x0], $0xffff  }
0x47d: {  	v4 =	vld [tilespmem:$0x1F350];
	_ =	sdelay $0x3  }
0x47e: {  	v2 =	vadd.s32 s31, v13  }
0x47f: {  	v4 =	vor.u32 v4, v26;
	_ =	sdelay $0x3  }
0x480: {  	[tilespmem:v2+s21+$0x0] =	vst.idx.msk $0xffff, v0  }
0x481: {  	v0 =	vld.idx.msk [tilespmem:v4+s16+$0x0], $0xffff  }
0x482: {  	v4 =	vld [tilespmem:$0x1F360];
	_ =	sdelay $0x3  }
0x483: {  	v2 =	vadd.s32 s31, v25  }
0x484: {  	v4 =	vor.u32 v4, v26;
	_ =	sdelay $0x3  }
0x485: {  	[tilespmem:v2+s21+$0x0] =	vst.idx.msk $0xffff, v0  }
0x486: {  	v0 =	vld.idx.msk [tilespmem:v4+s16+$0x0], $0xffff  }
0x487: {  	v4 =	vld [tilespmem:$0x1F370];
	_ =	sdelay $0x3  }
0x488: {  	v2 =	vadd.s32 s31, v17  }
0x489: {  	v4 =	vor.u32 v4, v26;
	_ =	sdelay $0x3  }
0x48a: {  	[tilespmem:v2+s21+$0x0] =	vst.idx.msk $0xffff, v0  }
0x48b: {  	v0 =	vld.idx.msk [tilespmem:v4+s16+$0x0], $0xffff  }
0x48c: {  	v4 =	vld [tilespmem:$0x1F380];
	_ =	sdelay $0x3  }
0x48d: {  	v2 =	vadd.s32 s31, v19  }
0x48e: {  	v4 =	vor.u32 v4, v26;
	_ =	sdelay $0x3  }
0x48f: {  	[tilespmem:v2+s21+$0x0] =	vst.idx.msk $0xffff, v0  }
0x490: {  	v0 =	vld.idx.msk [tilespmem:v4+s16+$0x0], $0xffff  }
0x491: {  	v4 =	vld [tilespmem:$0x1F390];
	_ =	sdelay $0x3  }
0x492: {  	v2 =	vadd.s32 s31, v21  }
0x493: {  	v4 =	vor.u32 v4, v26;
	_ =	sdelay $0x3  }
0x494: {  	[tilespmem:v2+s21+$0x0] =	vst.idx.msk $0xffff, v0  }
0x495: {  	v0 =	vld.idx.msk [tilespmem:v4+s16+$0x0], $0xffff  }
0x496: {  	v4 =	vld [tilespmem:$0x1F3A0];
	_ =	sdelay $0x3  }
0x497: {  	v2 =	vadd.s32 s31, v23  }
0x498: {  	v4 =	vor.u32 v4, v26;
	_ =	sdelay $0x3  }
0x499: {  	[tilespmem:v2+s21+$0x0] =	vst.idx.msk $0xffff, v0  }
0x49a: {  	v0 =	vld.idx.msk [tilespmem:v4+s16+$0x0], $0xffff  }
0x49b: {  	v4 =	vld [tilespmem:$0x1F3B0];
	_ =	sdelay $0x3  }
0x49c: {  	v2 =	vadd.s32 s31, v1  }
0x49d: {  	v4 =	vor.u32 v4, v26;
	_ =	sdelay $0x3  }
0x49e: {  	[tilespmem:v2+s21+$0x0] =	vst.idx.msk $0xffff, v0  }
0x49f: {  	v0 =	vld.idx.msk [tilespmem:v4+s16+$0x0], $0xffff  }
0x4a0: {  	v4 =	vld [tilespmem:$0x1F3C0];
	_ =	sdelay $0x3  }
0x4a1: {  	v2 =	vadd.s32 s31, v27  }
0x4a2: {  	v4 =	vor.u32 v4, v26;
	_ =	sdelay $0x3  }
0x4a3: {  	[tilespmem:v2+s21+$0x0] =	vst.idx.msk $0xffff, v0  }
0x4a4: {  	v0 =	vld.idx.msk [tilespmem:v4+s16+$0x0], $0xffff  }
0x4a5: {  	v4 =	vld [tilespmem:$0x1F3D0];
	_ =	sdelay $0x3  }
0x4a6: {  	v2 =	vadd.s32 s31, v29  }
0x4a7: {  	v4 =	vor.u32 v4, v26;
	_ =	sdelay $0x3  }
0x4a8: {  	[tilespmem:v2+s21+$0x0] =	vst.idx.msk $0xffff, v0  }
0x4a9: {  	v0 =	vld.idx.msk [tilespmem:v4+s16+$0x0], $0xffff  }
0x4aa: {  	v4 =	vld [tilespmem:$0x1F3E0];
	_ =	sdelay $0x2  }
0x4ab: {  	s31 =	sadd.s32 $0x2580, s29  }
0x4ac: {  	v2 =	vadd.s32 s31, v46  }
0x4ad: {  	v4 =	vor.u32 v4, v26;
	_ =	sdelay $0x3  }
0x4ae: {  	[tilespmem:v2+s21+$0x0] =	vst.idx.msk $0xffff, v0  }
0x4af: {  	v0 =	vld.idx.msk [tilespmem:v4+s16+$0x0], $0xffff  }
0x4b0: {  	v4 =	vld [tilespmem:$0x1F3F0];
	_ =	sdelay $0x3  }
0x4b1: {  	v2 =	vadd.s32 s31, v3  }
0x4b2: {  	v4 =	vor.u32 v4, v26;
	_ =	sdelay $0x3  }
0x4b3: {  	[tilespmem:v2+s21+$0x0] =	vst.idx.msk $0xffff, v0  }
0x4b4: {  	v0 =	vld.idx.msk [tilespmem:v4+s16+$0x0], $0xffff  }
0x4b5: {  	v4 =	vld [tilespmem:$0x1F400];
	_ =	sdelay $0x3  }
0x4b6: {  	v2 =	vadd.s32 s31, v5  }
0x4b7: {  	v4 =	vor.u32 v4, v26;
	_ =	sdelay $0x3  }
0x4b8: {  	[tilespmem:v2+s21+$0x0] =	vst.idx.msk $0xffff, v0  }
0x4b9: {  	v0 =	vld.idx.msk [tilespmem:v4+s16+$0x0], $0xffff  }
0x4ba: {  	v4 =	vld [tilespmem:$0x1F410];
	_ =	sdelay $0x3  }
0x4bb: {  	v2 =	vadd.s32 s31, v7  }
0x4bc: {  	v4 =	vor.u32 v4, v26;
	_ =	sdelay $0x3  }
0x4bd: {  	[tilespmem:v2+s21+$0x0] =	vst.idx.msk $0xffff, v0  }
0x4be: {  	v0 =	vld.idx.msk [tilespmem:v4+s16+$0x0], $0xffff  }
0x4bf: {  	v4 =	vld [tilespmem:$0x1F420];
	_ =	sdelay $0x3  }
0x4c0: {  	v2 =	vadd.s32 s31, v9  }
0x4c1: {  	v4 =	vor.u32 v4, v26;
	_ =	sdelay $0x3  }
0x4c2: {  	[tilespmem:v2+s21+$0x0] =	vst.idx.msk $0xffff, v0  }
0x4c3: {  	v0 =	vld.idx.msk [tilespmem:v4+s16+$0x0], $0xffff  }
0x4c4: {  	v4 =	vld [tilespmem:$0x1F430];
	_ =	sdelay $0x3  }
0x4c5: {  	v2 =	vadd.s32 s31, v11  }
0x4c6: {  	v4 =	vor.u32 v4, v26;
	_ =	sdelay $0x3  }
0x4c7: {  	[tilespmem:v2+s21+$0x0] =	vst.idx.msk $0xffff, v0  }
0x4c8: {  	v0 =	vld.idx.msk [tilespmem:v4+s16+$0x0], $0xffff  }
0x4c9: {  	v4 =	vld [tilespmem:$0x1F440];
	_ =	sdelay $0x3  }
0x4ca: {  	v2 =	vadd.s32 s31, v35  }
0x4cb: {  	v4 =	vor.u32 v4, v26;
	_ =	sdelay $0x3  }
0x4cc: {  	[tilespmem:v2+s21+$0x0] =	vst.idx.msk $0xffff, v0  }
0x4cd: {  	v0 =	vld.idx.msk [tilespmem:v4+s16+$0x0], $0xffff  }
0x4ce: {  	v4 =	vld [tilespmem:$0x1F450];
	_ =	sdelay $0x3  }
0x4cf: {  	v2 =	vadd.s32 s31, v13  }
0x4d0: {  	v4 =	vor.u32 v4, v26;
	_ =	sdelay $0x3  }
0x4d1: {  	[tilespmem:v2+s21+$0x0] =	vst.idx.msk $0xffff, v0  }
0x4d2: {  	v0 =	vld.idx.msk [tilespmem:v4+s16+$0x0], $0xffff  }
0x4d3: {  	v4 =	vld [tilespmem:$0x1F460];
	_ =	sdelay $0x3  }
0x4d4: {  	v2 =	vadd.s32 s31, v25  }
0x4d5: {  	v4 =	vor.u32 v4, v26;
	_ =	sdelay $0x3  }
0x4d6: {  	[tilespmem:v2+s21+$0x0] =	vst.idx.msk $0xffff, v0  }
0x4d7: {  	v0 =	vld.idx.msk [tilespmem:v4+s16+$0x0], $0xffff  }
0x4d8: {  	v4 =	vld [tilespmem:$0x1F470];
	_ =	sdelay $0x3  }
0x4d9: {  	v2 =	vadd.s32 s31, v17  }
0x4da: {  	v4 =	vor.u32 v4, v26;
	_ =	sdelay $0x3  }
0x4db: {  	[tilespmem:v2+s21+$0x0] =	vst.idx.msk $0xffff, v0  }
0x4dc: {  	v0 =	vld.idx.msk [tilespmem:v4+s16+$0x0], $0xffff  }
0x4dd: {  	v4 =	vld [tilespmem:$0x1F480];
	_ =	sdelay $0x3  }
0x4de: {  	v2 =	vadd.s32 s31, v19  }
0x4df: {  	v4 =	vor.u32 v4, v26;
	_ =	sdelay $0x3  }
0x4e0: {  	[tilespmem:v2+s21+$0x0] =	vst.idx.msk $0xffff, v0  }
0x4e1: {  	v0 =	vld.idx.msk [tilespmem:v4+s16+$0x0], $0xffff  }
0x4e2: {  	v4 =	vld [tilespmem:$0x1F490];
	_ =	sdelay $0x3  }
0x4e3: {  	v2 =	vadd.s32 s31, v21  }
0x4e4: {  	v4 =	vor.u32 v4, v26;
	_ =	sdelay $0x3  }
0x4e5: {  	[tilespmem:v2+s21+$0x0] =	vst.idx.msk $0xffff, v0  }
0x4e6: {  	v0 =	vld.idx.msk [tilespmem:v4+s16+$0x0], $0xffff  }
0x4e7: {  	v4 =	vld [tilespmem:$0x1F4A0];
	_ =	sdelay $0x3  }
0x4e8: {  	v2 =	vadd.s32 s31, v23  }
0x4e9: {  	v4 =	vor.u32 v4, v26;
	_ =	sdelay $0x3  }
0x4ea: {  	[tilespmem:v2+s21+$0x0] =	vst.idx.msk $0xffff, v0  }
0x4eb: {  	v0 =	vld.idx.msk [tilespmem:v4+s16+$0x0], $0xffff  }
0x4ec: {  	v4 =	vld [tilespmem:$0x1F4B0];
	_ =	sdelay $0x3  }
0x4ed: {  	v2 =	vadd.s32 s31, v1  }
0x4ee: {  	v4 =	vor.u32 v4, v26;
	_ =	sdelay $0x3  }
0x4ef: {  	[tilespmem:v2+s21+$0x0] =	vst.idx.msk $0xffff, v0  }
0x4f0: {  	v0 =	vld.idx.msk [tilespmem:v4+s16+$0x0], $0xffff  }
0x4f1: {  	v4 =	vld [tilespmem:$0x1F4C0];
	_ =	sdelay $0x3  }
0x4f2: {  	v2 =	vadd.s32 s31, v27  }
0x4f3: {  	v4 =	vor.u32 v4, v26;
	_ =	sdelay $0x3  }
0x4f4: {  	[tilespmem:v2+s21+$0x0] =	vst.idx.msk $0xffff, v0  }
0x4f5: {  	v0 =	vld.idx.msk [tilespmem:v4+s16+$0x0], $0xffff  }
0x4f6: {  	v4 =	vld [tilespmem:$0x1F4D0];
	_ =	sdelay $0x3  }
0x4f7: {  	v2 =	vadd.s32 s31, v29  }
0x4f8: {  	v4 =	vor.u32 v4, v26;
	_ =	sdelay $0x3  }
0x4f9: {  	[tilespmem:v2+s21+$0x0] =	vst.idx.msk $0xffff, v0  }
0x4fa: {  	v0 =	vld.idx.msk [tilespmem:v4+s16+$0x0], $0xffff  }
0x4fb: {  	v4 =	vld [tilespmem:$0x1F4E0];
	_ =	sdelay $0x2  }
0x4fc: {  	s31 =	sor.u32 $0x3200, s29  }
0x4fd: {  	v2 =	vadd.s32 s31, v46  }
0x4fe: {  	v4 =	vor.u32 v4, v26;
	_ =	sdelay $0x3  }
0x4ff: {  	[tilespmem:v2+s21+$0x0] =	vst.idx.msk $0xffff, v0  }
0x500: {  	v0 =	vld.idx.msk [tilespmem:v4+s16+$0x0], $0xffff  }
0x501: {  	v4 =	vld [tilespmem:$0x1F4F0];
	_ =	sdelay $0x3  }
0x502: {  	v2 =	vadd.s32 s31, v3  }
0x503: {  	v4 =	vor.u32 v4, v26;
	_ =	sdelay $0x3  }
0x504: {  	[tilespmem:v2+s21+$0x0] =	vst.idx.msk $0xffff, v0  }
0x505: {  	v0 =	vld.idx.msk [tilespmem:v4+s16+$0x0], $0xffff  }
0x506: {  	v4 =	vld [tilespmem:$0x1F500];
	_ =	sdelay $0x3  }
0x507: {  	v2 =	vadd.s32 s31, v5  }
0x508: {  	v4 =	vor.u32 v4, v26;
	_ =	sdelay $0x3  }
0x509: {  	[tilespmem:v2+s21+$0x0] =	vst.idx.msk $0xffff, v0  }
0x50a: {  	v0 =	vld.idx.msk [tilespmem:v4+s16+$0x0], $0xffff  }
0x50b: {  	v4 =	vld [tilespmem:$0x1F510];
	_ =	sdelay $0x3  }
0x50c: {  	v2 =	vadd.s32 s31, v7  }
0x50d: {  	v4 =	vor.u32 v4, v26;
	_ =	sdelay $0x3  }
0x50e: {  	[tilespmem:v2+s21+$0x0] =	vst.idx.msk $0xffff, v0  }
0x50f: {  	v0 =	vld.idx.msk [tilespmem:v4+s16+$0x0], $0xffff  }
0x510: {  	v4 =	vld [tilespmem:$0x1F520];
	_ =	sdelay $0x3  }
0x511: {  	v2 =	vadd.s32 s31, v9  }
0x512: {  	v4 =	vor.u32 v4, v26;
	_ =	sdelay $0x3  }
0x513: {  	[tilespmem:v2+s21+$0x0] =	vst.idx.msk $0xffff, v0  }
0x514: {  	v0 =	vld.idx.msk [tilespmem:v4+s16+$0x0], $0xffff  }
0x515: {  	v4 =	vld [tilespmem:$0x1F530];
	_ =	sdelay $0x3  }
0x516: {  	v2 =	vadd.s32 s31, v11  }
0x517: {  	v4 =	vor.u32 v4, v26;
	_ =	sdelay $0x3  }
0x518: {  	[tilespmem:v2+s21+$0x0] =	vst.idx.msk $0xffff, v0  }
0x519: {  	v0 =	vld.idx.msk [tilespmem:v4+s16+$0x0], $0xffff  }
0x51a: {  	v4 =	vld [tilespmem:$0x1F540];
	_ =	sdelay $0x3  }
0x51b: {  	v2 =	vadd.s32 s31, v35  }
0x51c: {  	v4 =	vor.u32 v4, v26;
	_ =	sdelay $0x3  }
0x51d: {  	[tilespmem:v2+s21+$0x0] =	vst.idx.msk $0xffff, v0  }
0x51e: {  	v0 =	vld.idx.msk [tilespmem:v4+s16+$0x0], $0xffff  }
0x51f: {  	v4 =	vld [tilespmem:$0x1F550];
	_ =	sdelay $0x3  }
0x520: {  	v2 =	vadd.s32 s31, v13  }
0x521: {  	v4 =	vor.u32 v4, v26;
	_ =	sdelay $0x3  }
0x522: {  	[tilespmem:v2+s21+$0x0] =	vst.idx.msk $0xffff, v0  }
0x523: {  	v0 =	vld.idx.msk [tilespmem:v4+s16+$0x0], $0xffff  }
0x524: {  	v4 =	vld [tilespmem:$0x1F560];
	_ =	sdelay $0x3  }
0x525: {  	v2 =	vadd.s32 s31, v25  }
0x526: {  	v4 =	vor.u32 v4, v26;
	_ =	sdelay $0x3  }
0x527: {  	[tilespmem:v2+s21+$0x0] =	vst.idx.msk $0xffff, v0  }
0x528: {  	v0 =	vld.idx.msk [tilespmem:v4+s16+$0x0], $0xffff  }
0x529: {  	v4 =	vld [tilespmem:$0x1F570];
	_ =	sdelay $0x3  }
0x52a: {  	v2 =	vadd.s32 s31, v17  }
0x52b: {  	v4 =	vor.u32 v4, v26;
	_ =	sdelay $0x3  }
0x52c: {  	[tilespmem:v2+s21+$0x0] =	vst.idx.msk $0xffff, v0  }
0x52d: {  	v0 =	vld.idx.msk [tilespmem:v4+s16+$0x0], $0xffff  }
0x52e: {  	v4 =	vld [tilespmem:$0x1F580];
	_ =	sdelay $0x3  }
0x52f: {  	v2 =	vadd.s32 s31, v19  }
0x530: {  	v4 =	vor.u32 v4, v26;
	_ =	sdelay $0x3  }
0x531: {  	[tilespmem:v2+s21+$0x0] =	vst.idx.msk $0xffff, v0  }
0x532: {  	v0 =	vld.idx.msk [tilespmem:v4+s16+$0x0], $0xffff  }
0x533: {  	v4 =	vld [tilespmem:$0x1F590];
	_ =	sdelay $0x3  }
0x534: {  	v2 =	vadd.s32 s31, v21  }
0x535: {  	v4 =	vor.u32 v4, v26;
	_ =	sdelay $0x3  }
0x536: {  	[tilespmem:v2+s21+$0x0] =	vst.idx.msk $0xffff, v0  }
0x537: {  	v0 =	vld.idx.msk [tilespmem:v4+s16+$0x0], $0xffff  }
0x538: {  	v4 =	vld [tilespmem:$0x1F5A0];
	_ =	sdelay $0x3  }
0x539: {  	v2 =	vadd.s32 s31, v23  }
0x53a: {  	v4 =	vor.u32 v4, v26;
	_ =	sdelay $0x3  }
0x53b: {  	[tilespmem:v2+s21+$0x0] =	vst.idx.msk $0xffff, v0  }
0x53c: {  	v0 =	vld.idx.msk [tilespmem:v4+s16+$0x0], $0xffff  }
0x53d: {  	v4 =	vld [tilespmem:$0x1F5B0];
	_ =	sdelay $0x3  }
0x53e: {  	v2 =	vadd.s32 s31, v1  }
0x53f: {  	v4 =	vor.u32 v4, v26;
	_ =	sdelay $0x3  }
0x540: {  	[tilespmem:v2+s21+$0x0] =	vst.idx.msk $0xffff, v0  }
0x541: {  	v0 =	vld.idx.msk [tilespmem:v4+s16+$0x0], $0xffff  }
0x542: {  	v4 =	vld [tilespmem:$0x1F5C0];
	_ =	sdelay $0x3  }
0x543: {  	v2 =	vadd.s32 s31, v27  }
0x544: {  	v4 =	vor.u32 v4, v26;
	_ =	sdelay $0x3  }
0x545: {  	[tilespmem:v2+s21+$0x0] =	vst.idx.msk $0xffff, v0  }
0x546: {  	v0 =	vld.idx.msk [tilespmem:v4+s16+$0x0], $0xffff  }
0x547: {  	v4 =	vld [tilespmem:$0x1F5D0];
	_ =	sdelay $0x3  }
0x548: {  	v2 =	vadd.s32 s31, v29  }
0x549: {  	v4 =	vor.u32 v4, v26;
	_ =	sdelay $0x3  }
0x54a: {  	[tilespmem:v2+s21+$0x0] =	vst.idx.msk $0xffff, v0  }
0x54b: {  	v0 =	vld.idx.msk [tilespmem:v4+s16+$0x0], $0xffff  }
0x54c: {  	v4 =	vld [tilespmem:$0x1F5E0];
	_ =	sdelay $0x2  }
0x54d: {  	s31 =	sadd.s32 $0x3E80, s29  }
0x54e: {  	v2 =	vadd.s32 s31, v46  }
0x54f: {  	v4 =	vor.u32 v4, v26;
	_ =	sdelay $0x3  }
0x550: {  	[tilespmem:v2+s21+$0x0] =	vst.idx.msk $0xffff, v0  }
0x551: {  	v0 =	vld.idx.msk [tilespmem:v4+s16+$0x0], $0xffff  }
0x552: {  	v4 =	vld [tilespmem:$0x1F5F0];
	_ =	sdelay $0x3  }
0x553: {  	v2 =	vadd.s32 s31, v3  }
0x554: {  	v4 =	vor.u32 v4, v26;
	_ =	sdelay $0x3  }
0x555: {  	[tilespmem:v2+s21+$0x0] =	vst.idx.msk $0xffff, v0  }
0x556: {  	v0 =	vld.idx.msk [tilespmem:v4+s16+$0x0], $0xffff  }
0x557: {  	v4 =	vld [tilespmem:$0x1F600];
	_ =	sdelay $0x3  }
0x558: {  	v2 =	vadd.s32 s31, v5  }
0x559: {  	v4 =	vor.u32 v4, v26;
	_ =	sdelay $0x3  }
0x55a: {  	[tilespmem:v2+s21+$0x0] =	vst.idx.msk $0xffff, v0  }
0x55b: {  	v0 =	vld.idx.msk [tilespmem:v4+s16+$0x0], $0xffff  }
0x55c: {  	v4 =	vld [tilespmem:$0x1F610];
	_ =	sdelay $0x3  }
0x55d: {  	v2 =	vadd.s32 s31, v7  }
0x55e: {  	v4 =	vor.u32 v4, v26;
	_ =	sdelay $0x3  }
0x55f: {  	[tilespmem:v2+s21+$0x0] =	vst.idx.msk $0xffff, v0  }
0x560: {  	v0 =	vld.idx.msk [tilespmem:v4+s16+$0x0], $0xffff  }
0x561: {  	v4 =	vld [tilespmem:$0x1F620];
	_ =	sdelay $0x3  }
0x562: {  	v2 =	vadd.s32 s31, v9  }
0x563: {  	v4 =	vor.u32 v4, v26;
	_ =	sdelay $0x3  }
0x564: {  	[tilespmem:v2+s21+$0x0] =	vst.idx.msk $0xffff, v0  }
0x565: {  	v0 =	vld.idx.msk [tilespmem:v4+s16+$0x0], $0xffff  }
0x566: {  	v4 =	vld [tilespmem:$0x1F630];
	_ =	sdelay $0x3  }
0x567: {  	v2 =	vadd.s32 s31, v11  }
0x568: {  	v4 =	vor.u32 v4, v26;
	_ =	sdelay $0x3  }
0x569: {  	[tilespmem:v2+s21+$0x0] =	vst.idx.msk $0xffff, v0  }
0x56a: {  	v0 =	vld.idx.msk [tilespmem:v4+s16+$0x0], $0xffff  }
0x56b: {  	v4 =	vld [tilespmem:$0x1F640];
	_ =	sdelay $0x3  }
0x56c: {  	v2 =	vadd.s32 s31, v35  }
0x56d: {  	v4 =	vor.u32 v4, v26;
	_ =	sdelay $0x3  }
0x56e: {  	[tilespmem:v2+s21+$0x0] =	vst.idx.msk $0xffff, v0  }
0x56f: {  	v0 =	vld.idx.msk [tilespmem:v4+s16+$0x0], $0xffff  }
0x570: {  	v4 =	vld [tilespmem:$0x1F650];
	_ =	sdelay $0x3  }
0x571: {  	v2 =	vadd.s32 s31, v13  }
0x572: {  	v4 =	vor.u32 v4, v26;
	_ =	sdelay $0x3  }
0x573: {  	[tilespmem:v2+s21+$0x0] =	vst.idx.msk $0xffff, v0  }
0x574: {  	v0 =	vld.idx.msk [tilespmem:v4+s16+$0x0], $0xffff  }
0x575: {  	v4 =	vld [tilespmem:$0x1F660];
	_ =	sdelay $0x3  }
0x576: {  	v2 =	vadd.s32 s31, v25  }
0x577: {  	v4 =	vor.u32 v4, v26;
	_ =	sdelay $0x3  }
0x578: {  	[tilespmem:v2+s21+$0x0] =	vst.idx.msk $0xffff, v0  }
0x579: {  	v0 =	vld.idx.msk [tilespmem:v4+s16+$0x0], $0xffff  }
0x57a: {  	v4 =	vld [tilespmem:$0x1F670];
	_ =	sdelay $0x3  }
0x57b: {  	v2 =	vadd.s32 s31, v17  }
0x57c: {  	v4 =	vor.u32 v4, v26;
	_ =	sdelay $0x3  }
0x57d: {  	[tilespmem:v2+s21+$0x0] =	vst.idx.msk $0xffff, v0  }
0x57e: {  	v0 =	vld.idx.msk [tilespmem:v4+s16+$0x0], $0xffff  }
0x57f: {  	v4 =	vld [tilespmem:$0x1F1F0];
	_ =	sdelay $0x3  }
0x580: {  	v2 =	vadd.s32 s31, v19  }
0x581: {  	v4 =	vor.u32 v4, v26;
	_ =	sdelay $0x3  }
0x582: {  	[tilespmem:v2+s21+$0x0] =	vst.idx.msk $0xffff, v0  }
0x583: {  	v2 =	vadd.s32 s31, v21;
	v0 =	vld.idx.msk [tilespmem:v4+s16+$0x0], $0xffff  }
0x584: {  	v4 =	vor.u32 v15, v26;
	_ =	sdelay $0x3  }
0x585: {  	[tilespmem:v2+s21+$0x0] =	vst.idx.msk $0xffff, v0  }
0x586: {  	v2 =	vadd.s32 s31, v23;
	v0 =	vld.idx.msk [tilespmem:v4+s16+$0x0], $0xffff  }
0x587: {  	v4 =	vor.u32 v6, v26;
	_ =	sdelay $0x3  }
0x588: {  	[tilespmem:v2+s21+$0x0] =	vst.idx.msk $0xffff, v0  }
0x589: {  	v2 =	vadd.s32 s31, v1;
	v0 =	vld.idx.msk [tilespmem:v4+s16+$0x0], $0xffff  }
0x58a: {  	v4 =	vor.u32 v36, v26;
	_ =	sdelay $0x3  }
0x58b: {  	[tilespmem:v2+s21+$0x0] =	vst.idx.msk $0xffff, v0  }
0x58c: {  	v2 =	vadd.s32 s31, v27;
	v0 =	vld.idx.msk [tilespmem:v4+s16+$0x0], $0xffff  }
0x58d: {  	v4 =	vor.u32 v12, v26;
	_ =	sdelay $0x3  }
0x58e: {  	[tilespmem:v2+s21+$0x0] =	vst.idx.msk $0xffff, v0  }
0x58f: {  	v2 =	vadd.s32 s31, v29;
	v0 =	vld.idx.msk [tilespmem:v4+s16+$0x0], $0xffff  }
0x590: {  	v4 =	vor.u32 v14, v26;
	_ =	sdelay $0x3  }
0x591: {  	s31 =	sor.u32 $0x4B00, s29;
	[tilespmem:v2+s21+$0x0] =	vst.idx.msk $0xffff, v0  }
0x592: {  	v2 =	vadd.s32 s31, v46;
	v0 =	vld.idx.msk [tilespmem:v4+s16+$0x0], $0xffff  }
0x593: {  	v4 =	vor.u32 v16, v26;
	_ =	sdelay $0x3  }
0x594: {  	[tilespmem:v2+s21+$0x0] =	vst.idx.msk $0xffff, v0  }
0x595: {  	v2 =	vadd.s32 s31, v3;
	v0 =	vld.idx.msk [tilespmem:v4+s16+$0x0], $0xffff  }
0x596: {  	v4 =	vor.u32 v18, v26;
	_ =	sdelay $0x3  }
0x597: {  	[tilespmem:v2+s21+$0x0] =	vst.idx.msk $0xffff, v0  }
0x598: {  	v2 =	vadd.s32 s31, v5;
	v0 =	vld.idx.msk [tilespmem:v4+s16+$0x0], $0xffff  }
0x599: {  	v4 =	vor.u32 v20, v26;
	_ =	sdelay $0x3  }
0x59a: {  	[tilespmem:v2+s21+$0x0] =	vst.idx.msk $0xffff, v0  }
0x59b: {  	v2 =	vadd.s32 s31, v7;
	v0 =	vld.idx.msk [tilespmem:v4+s16+$0x0], $0xffff  }
0x59c: {  	v4 =	vor.u32 v22, v26;
	_ =	sdelay $0x3  }
0x59d: {  	[tilespmem:v2+s21+$0x0] =	vst.idx.msk $0xffff, v0  }
0x59e: {  	v2 =	vadd.s32 s31, v9;
	v0 =	vld.idx.msk [tilespmem:v4+s16+$0x0], $0xffff  }
0x59f: {  	v4 =	vor.u32 v24, v26;
	_ =	sdelay $0x3  }
0x5a0: {  	[tilespmem:v2+s21+$0x0] =	vst.idx.msk $0xffff, v0  }
0x5a1: {  	v2 =	vadd.s32 s31, v11;
	v0 =	vld.idx.msk [tilespmem:v4+s16+$0x0], $0xffff  }
0x5a2: {  	v4 =	vor.u32 v28, v26;
	_ =	sdelay $0x3  }
0x5a3: {  	[tilespmem:v2+s21+$0x0] =	vst.idx.msk $0xffff, v0  }
0x5a4: {  	v2 =	vadd.s32 s31, v35;
	v0 =	vld.idx.msk [tilespmem:v4+s16+$0x0], $0xffff  }
0x5a5: {  	v4 =	vor.u32 v38, v26;
	_ =	sdelay $0x3  }
0x5a6: {  	[tilespmem:v2+s21+$0x0] =	vst.idx.msk $0xffff, v0  }
0x5a7: {  	v2 =	vadd.s32 s31, v13;
	v0 =	vld.idx.msk [tilespmem:v4+s16+$0x0], $0xffff  }
0x5a8: {  	v4 =	vor.u32 v39, v26;
	_ =	sdelay $0x3  }
0x5a9: {  	[tilespmem:v2+s21+$0x0] =	vst.idx.msk $0xffff, v0  }
0x5aa: {  	v2 =	vadd.s32 s31, v25;
	v0 =	vld.idx.msk [tilespmem:v4+s16+$0x0], $0xffff  }
0x5ab: {  	v4 =	vor.u32 v40, v26;
	_ =	sdelay $0x3  }
0x5ac: {  	[tilespmem:v2+s21+$0x0] =	vst.idx.msk $0xffff, v0  }
0x5ad: {  	v2 =	vadd.s32 s31, v17;
	v0 =	vld.idx.msk [tilespmem:v4+s16+$0x0], $0xffff  }
0x5ae: {  	v4 =	vor.u32 v41, v26;
	_ =	sdelay $0x3  }
0x5af: {  	[tilespmem:v2+s21+$0x0] =	vst.idx.msk $0xffff, v0  }
0x5b0: {  	v2 =	vadd.s32 s31, v19;
	v0 =	vld.idx.msk [tilespmem:v4+s16+$0x0], $0xffff  }
0x5b1: {  	v4 =	vor.u32 v42, v26;
	_ =	sdelay $0x3  }
0x5b2: {  	[tilespmem:v2+s21+$0x0] =	vst.idx.msk $0xffff, v0  }
0x5b3: {  	v2 =	vadd.s32 s31, v21;
	v0 =	vld.idx.msk [tilespmem:v4+s16+$0x0], $0xffff  }
0x5b4: {  	v4 =	vor.u32 v43, v26;
	_ =	sdelay $0x3  }
0x5b5: {  	[tilespmem:v2+s21+$0x0] =	vst.idx.msk $0xffff, v0  }
0x5b6: {  	v2 =	vadd.s32 s31, v23;
	v0 =	vld.idx.msk [tilespmem:v4+s16+$0x0], $0xffff  }
0x5b7: {  	v4 =	vor.u32 v45, v26;
	_ =	sdelay $0x3  }
0x5b8: {  	[tilespmem:v2+s21+$0x0] =	vst.idx.msk $0xffff, v0  }
0x5b9: {  	v2 =	vadd.s32 s31, v1;
	v0 =	vld.idx.msk [tilespmem:v4+s16+$0x0], $0xffff  }
0x5ba: {  	v4 =	vor.u32 v47, v26;
	_ =	sdelay $0x3  }
0x5bb: {  	[tilespmem:v2+s21+$0x0] =	vst.idx.msk $0xffff, v0  }
0x5bc: {  	v2 =	vadd.s32 s31, v27;
	v0 =	vld.idx.msk [tilespmem:v4+s16+$0x0], $0xffff  }
0x5bd: {  	v4 =	vor.u32 v48, v26;
	_ =	sdelay $0x3  }
0x5be: {  	[tilespmem:v2+s21+$0x0] =	vst.idx.msk $0xffff, v0  }
0x5bf: {  	v2 =	vadd.s32 s31, v29;
	v0 =	vld.idx.msk [tilespmem:v4+s16+$0x0], $0xffff  }
0x5c0: {  	v4 =	vor.u32 v49, v26;
	_ =	sdelay $0x3  }
0x5c1: {  	s29 =	sadd.s32 $0x5780, s29;
	[tilespmem:v2+s21+$0x0] =	vst.idx.msk $0xffff, v0  }
0x5c2: {  	v2 =	vadd.s32 s29, v46;
	v0 =	vld.idx.msk [tilespmem:v4+s16+$0x0], $0xffff  }
0x5c3: {  	v4 =	vor.u32 v44, v26;
	_ =	sdelay $0x3  }
0x5c4: {  	[tilespmem:v2+s21+$0x0] =	vst.idx.msk $0xffff, v0  }
0x5c5: {  	v2 =	vadd.s32 s29, v3;
	v0 =	vld.idx.msk [tilespmem:v4+s16+$0x0], $0xffff  }
0x5c6: {  	v4 =	vor.u32 v50, v26;
	_ =	sdelay $0x3  }
0x5c7: {  	[tilespmem:v2+s21+$0x0] =	vst.idx.msk $0xffff, v0  }
0x5c8: {  	v2 =	vadd.s32 s29, v5;
	v0 =	vld.idx.msk [tilespmem:v4+s16+$0x0], $0xffff  }
0x5c9: {  	v4 =	vor.u32 v51, v26;
	_ =	sdelay $0x3  }
0x5ca: {  	[tilespmem:v2+s21+$0x0] =	vst.idx.msk $0xffff, v0  }
0x5cb: {  	v2 =	vadd.s32 s29, v7;
	v0 =	vld.idx.msk [tilespmem:v4+s16+$0x0], $0xffff  }
0x5cc: {  	v4 =	vor.u32 v52, v26;
	_ =	sdelay $0x3  }
0x5cd: {  	[tilespmem:v2+s21+$0x0] =	vst.idx.msk $0xffff, v0  }
0x5ce: {  	v2 =	vadd.s32 s29, v9;
	v0 =	vld.idx.msk [tilespmem:v4+s16+$0x0], $0xffff  }
0x5cf: {  	v4 =	vor.u32 v53, v26;
	_ =	sdelay $0x3  }
0x5d0: {  	[tilespmem:v2+s21+$0x0] =	vst.idx.msk $0xffff, v0  }
0x5d1: {  	v2 =	vadd.s32 s29, v11;
	v0 =	vld.idx.msk [tilespmem:v4+s16+$0x0], $0xffff  }
0x5d2: {  	v4 =	vor.u32 v54, v26;
	_ =	sdelay $0x3  }
0x5d3: {  	[tilespmem:v2+s21+$0x0] =	vst.idx.msk $0xffff, v0  }
0x5d4: {  	v2 =	vadd.s32 s29, v35;
	v0 =	vld.idx.msk [tilespmem:v4+s16+$0x0], $0xffff  }
0x5d5: {  	v4 =	vor.u32 v55, v26;
	_ =	sdelay $0x3  }
0x5d6: {  	[tilespmem:v2+s21+$0x0] =	vst.idx.msk $0xffff, v0  }
0x5d7: {  	v2 =	vadd.s32 s29, v13;
	v0 =	vld.idx.msk [tilespmem:v4+s16+$0x0], $0xffff  }
0x5d8: {  	v4 =	vor.u32 v56, v26;
	_ =	sdelay $0x3  }
0x5d9: {  	[tilespmem:v2+s21+$0x0] =	vst.idx.msk $0xffff, v0  }
0x5da: {  	v2 =	vadd.s32 s29, v25;
	v0 =	vld.idx.msk [tilespmem:v4+s16+$0x0], $0xffff  }
0x5db: {  	v4 =	vor.u32 v57, v26;
	_ =	sdelay $0x3  }
0x5dc: {  	[tilespmem:v2+s21+$0x0] =	vst.idx.msk $0xffff, v0  }
0x5dd: {  	v2 =	vadd.s32 s29, v17;
	v0 =	vld.idx.msk [tilespmem:v4+s16+$0x0], $0xffff  }
0x5de: {  	v4 =	vor.u32 v58, v26;
	_ =	sdelay $0x3  }
0x5df: {  	[tilespmem:v2+s21+$0x0] =	vst.idx.msk $0xffff, v0  }
0x5e0: {  	v2 =	vadd.s32 s29, v19;
	v0 =	vld.idx.msk [tilespmem:v4+s16+$0x0], $0xffff  }
0x5e1: {  	v4 =	vor.u32 v59, v26;
	_ =	sdelay $0x3  }
0x5e2: {  	[tilespmem:v2+s21+$0x0] =	vst.idx.msk $0xffff, v0  }
0x5e3: {  	v2 =	vadd.s32 s29, v21;
	v0 =	vld.idx.msk [tilespmem:v4+s16+$0x0], $0xffff  }
0x5e4: {  	v4 =	vor.u32 v60, v26;
	_ =	sdelay $0x3  }
0x5e5: {  	[tilespmem:v2+s21+$0x0] =	vst.idx.msk $0xffff, v0  }
0x5e6: {  	v2 =	vadd.s32 s29, v23;
	v0 =	vld.idx.msk [tilespmem:v4+s16+$0x0], $0xffff  }
0x5e7: {  	v4 =	vor.u32 v61, v26;
	_ =	sdelay $0x3  }
0x5e8: {  	[tilespmem:v2+s21+$0x0] =	vst.idx.msk $0xffff, v0  }
0x5e9: {  	v2 =	vadd.s32 s29, v1;
	v0 =	vld.idx.msk [tilespmem:v4+s16+$0x0], $0xffff  }
0x5ea: {  	v4 =	vor.u32 v62, v26;
	_ =	sdelay $0x3  }
0x5eb: {  	[tilespmem:v2+s21+$0x0] =	vst.idx.msk $0xffff, v0  }
0x5ec: {  	v2 =	vadd.s32 s29, v27;
	v0 =	vld.idx.msk [tilespmem:v4+s16+$0x0], $0xffff  }
0x5ed: {  	v4 =	vor.u32 v63, v26;
	_ =	sdelay $0x3  }
0x5ee: {  	[tilespmem:v2+s21+$0x0] =	vst.idx.msk $0xffff, v0  }
0x5ef: {  	p0 =	sne.s32 s28, $0xC0;
	v2 =	vadd.s32 s29, v29;
	v0 =	vld.idx.msk [tilespmem:v4+s16+$0x0], $0xffff  }
.Ltmp6:
0x5f0: {  	_ = 	snop;
	(pc) =	sbr.rel @p0 .LBB2_9-.Ltmp6, $2  }
0x5f1: {  	_ =	sdelay $0x2  }
0x5f2: {  	s28 =	sadd.s32 $0x10, s28;
	[tilespmem:v2+s21+$0x0] =	vst.idx.msk $0xffff, v0;
	v2 =	vlaneseq.u32  }
0x5f3: {  	p0 =	seq.s32 s24, $0x3F  }
.Ltmp7:
0x5f4: {  	_ = 	snop;
	(pc) =	sbr.rel @p0 .LBB2_12-.Ltmp7, $4  }
0x5f5: {  	_ = 	snop  }
0x5f6: {  	s26 =	sadd.s32 s26, s3  }
0x5f7: {  	s26 =	sadd.s32 $0x10, s26  }
0x5f8: {  	[hbm4b:s26+s10] =	stream.strided.scatter [tilespmem:s21], [sflag:$0x4], $0x6400, s11, s10, $0x38;
	[tilespmem:$0x19200] =	vst v63  }
0x5f9: {  	s25 =	sadd.s32 $0x3, s25  }
0x5fa: {  	s26 =	sadd.s32 s5, s25;
	s25 =	sshll.u32 s25, $0x4  }
0x5fb: {  	s26 =	sshll.u32 s26, $0x5;
	s25 =	sand.u32 $0x70, s25  }
0x5fc: {  	s26 =	sand.u32 $0x3FF00, s26;
	s25 =	sadd.s32 s6, s25  }
0x5fd: {  	s25 =	sadd.s32 s26, s25  }
0x5fe: {  	[tilespmem:s15], [sflag:$0x5] =	stream.strided.gather [hbm4b:s25+s10], $0x100, s11, s10, $0x38;
	[tilespmem:$0x19200] =	vst v63  }
.Ltmp8:
0x5ff: {  	_ = 	snop;
	(pc) =	sbr.rel .LBB2_2-.Ltmp8, $4  }
0x600: {  	_ =	swait.ge [sflag:s12], $0x100  }
0x601: {  	[sflag:s12] =	ssyncset.done $0x0  }
0x602: {  	s24 =	sadd.s32 $0x1, s24;
	[sflag:s12] =	ssyncadd.s32 $0xFFFFFF00  }
0x603: {  	[tilespmem:s16], [sflag:$0x2] =	stream.indirect.gather [hbm4b:s1+s13], $0x80, s15, s13, $0xb8;
	[tilespmem:$0x19200] =	vst v63  }
.LBB2_13:
0x604: {  	_ =	sfence.sel $0x180000  }
0x605: {  	[bflag:$0x0] =	sbarrier.arrive $0xFFFF  }
0x606: {  	p0 =	sne.s32 s0, $0x0;
	_ =	strace $0x90000047  }
0x607: {  	s0 =	sadd.s32 @!p0 $0x100000, s2;
	[bflag:$0x2] =	sbarrier.arrive $0xFFFF  }
0x608: {  	[sflag:s0] =	ssyncadd.tile.s32 @!p0 $0x1;
	_ =	shalt  }
.Lfunc_end2:
_tile_overlayer_lowered:
.L_overlay_start_2:
0x609: {  	(tag) =	ssettag $0x2  }
0x60a: {  	s0 =	rddreg [dreg:$0x0];
	s2 =	stileid.u32  }
0x60b: {  	s1 =	rddreg [dreg:$0x1];
	p0 =	sne.s32 s2, $0x0  }
0x60c: {  	s3 =	rddreg [dreg:$0x2];
	[bflag:$0x3] =	sbarrier.arrive $0xFFFF;
	s2 =	simm.s32 @!p0 $0x1C05  }
0x60d: {  	[timem:s3], [sflag:s2] =	dma.local @!p0 [hbm:s0], s1  }
0x60e: {  	s0 =	simm.s32 @!p0 $0x5  }
0x60f: {  	_ =	swait.ge @!p0 [sflag:s0], s1  }
0x610: {  	s1 =	ssub.s32 @!p0 $0x0, s1;
	[sflag:s0] =	ssyncset.done @!p0 $0x0  }
0x611: {  	[sflag:s0] =	ssyncadd.s32 @!p0 s1  }
0x612: {  	[bflag:$0x3] =	sbarrier.arrive $0xFFFF  }
0x613: {  	_ =	shalt  }

// kernel: sparse-core-data-format-call.cloned.1.call-start
scs
called_computation_lowered:
.L_overlay_start_0:
0x0: {  	s2 =	sld [smem:$0x3FD9]  }
0x1: {  	s3 =	sld [smem:$0x3FFE];
	_ =	sdelay $0x1  }
0x2: {  	s1 =	srdreg.scid  }
0x3: {  	s0 =	sand.u32 $0x1, s1  }
0x4: {  	s15 =	sshll.u32 s0, $0xA;
	s2 =	sadd.s32 s3, s2  }
0x5: {  	s2 =	sadd.s32 s2, s15  }
0x6: {  	[smem:$0x3FC6] =	sst s2  }
0x7: {  	_ = 	snop  }
0x8: {  	s2 =	sld [smem:$0x3FD0];
	_ =	sdelay $0x2  }
0x9: {  	s16 =	simm.s32 $0xA;
	s4 =	simm.s32 $0x10  }
0xa: {  	[smem:s4], [sflag:s16] =	dma.local [hbm:s2], $0x1  }
0xb: {  	_ =	swait.eq [sflag:s16], $0x1  }
0xc: {  	[sflag:s16] =	ssyncset.done $0x0  }
0xd: {  	[sflag:s16] =	ssyncadd.s32 $0xFFFFFFFF  }
0xe: {  	s17 =	sld [smem:$0x10];
	(tm) =	ssettm $0x1  }
0xf: {  	s18 =	sld [smem:$0x3FFB];
	_ =	sdelay $0x3  }
0x10: {  	_ =	strace s18  }
0x11: {  	s3 =	sld [smem:$0x3FFC];
	_ =	sdelay $0x3  }
0x12: {  	_ =	strace s3  }
0x13: {  	s3 =	sld [smem:$0x3FFD];
	_ =	sdelay $0x3  }
0x14: {  	_ =	strace s3  }
0x15: {  	_ =	strace $0x8FFFFFFF  }
0x16: {  	s19 =	sld [smem:$0x3FDB];
	_ =	sdelay $0x1  }
0x17: {  	s20 =	simm.s32 $_scs_section_size  }
0x18: {  	s5 =	simm.s32 $_size__tile_overlayer_lowered;
	s6 =	simm.s32 $_tile_overlayer_lowered  }
0x19: {  	s23 =	simm.s32 $0x1BFF;
	s22 =	sshll.u32 s6, $0x1;
	s3 =	sadd.s32 s20, s19  }
0x1a: {  	s7 =	simm.s32 $0x0;
	s21 =	sshll.u32 s5, $0x1;
	s5 =	sadd.s32 s22, s3  }
0x1b: {  	[timem:s7], [sflag:s23] =	dma.local [hbm:s5], s21  }
0x1c: {  	_ =	swait.ge [sflag:s23], s21  }
0x1d: {  	s4 =	ssub.s32 $0x0, s21;
	[sflag:s23] =	ssyncset.done $0x0  }
0x1e: {  	[sflag:s23] =	ssyncadd.s32 s4;
	_ =	sdelay $0x1  }
0x1f: {  	s24 =	simm.s32 $0x1B8B  }
0x20: {  	_ =	swait.ge [sflag:s24], $0x1  }
0x21: {  	[sflag:s24] =	ssyncset.done $0x0  }
0x22: {  	s26 =	simm.s32 $0x1B8E;
	s25 =	sld [smem:$0x3FFE];
	[sflag:s24] =	ssyncadd.s32 $0xFFFFFFFF  }
0x23: {  	s27 =	simm.s32 $execute0_lowered;
	[smem:$0x3FD2] =	sst s26  }
0x24: {  	s5 =	sshll.u32 s27, $0x1;
	_ =	strace $0x80000049;
	[dreg:$0x1] =	wrdreg $0xFFFFFFFF  }
0x25: {  	s28 =	simm.s32 $_size_execute0_lowered;
	s3 =	sadd.s32 s3, s5;
	[dreg:$0x0] =	wrdreg $0x0  }
0x26: {  	s5 =	sshll.u32 s28, $0x1;
	[dreg:$0x2] =	wrdreg s3  }
0x27: {  	[dreg:$0x3] =	wrdreg s5  }
0x28: {  	[dreg:$0x4] =	wrdreg $0xC0  }
0x29: {  	_ =	task [dreg:s7], $0x5FFFF  }
0x2a: {  	[dreg:$0x1] =	wrdreg $0xFFFFFFFF  }
0x2b: {  	[dreg:$0x0] =	wrdreg $0x60  }
0x2c: {  	[dreg:$0x2] =	wrdreg s25  }
0x2d: {  	[dreg:$0x3] =	wrdreg s17  }
0x2e: {  	[dreg:$0x4] =	wrdreg $0x9  }
0x2f: {  	_ =	task.clear_ibuf [dreg:s7], $0x5FFFF;
	_ =	strace $0x90000049  }
0x30: {  	s29 =	simm.s32 $0x9;
	_ =	strace $0x8000004B  }
0x31: {  	_ =	swait.ge [sflag:s29], $0x1  }
0x32: {  	[sflag:s29] =	ssyncadd.s32 $0xFFFFFFFF  }
0x33: {  	_ =	strace $0x9000004B  }
0x34: {  	_ =	sfence  }
0x35: {  	s30 =	sld [smem:$0x0];
	_ =	sdelay $0x2  }
0x36: {  	s31 =	sshll.u32 s1, $0xD;
	s1 =	sshrl.u32 s1, $0x2  }
0x37: {  	s3 =	sand.u32 $0x4000, s31;
	s1 =	sadd.s32 s1, s30  }
0x38: {  	s0 =	sor.u32 s3, s0;
	s1 =	sshll.u32 s1, $0x11  }
0x39: {  	s0 =	sor.u32 s1, s0  }
0x3a: {  	s0 =	sadd.s32 $0x8F2B, s0  }
0x3b: {  	[sflag:s0] =	ssyncadd.remote.s32 $0x1  }
0x3c: {  	_ =	sfence.sel $0xFFFF  }
0x3d: {  	[dreg:$0x0] =	wrdreg $0xFFFFFFFF;
	(pc) =	sbr.abs _section_cstart, $3  }
0x3e: {  	[dreg:$0x1] =	wrdreg $0xFFFFFFFF  }
0x3f: {  	_ =	task.clear_ibuf [dreg:s7], $0x2FFFF;
	_ =	strace $0x9FFFFFFF  }
0x40: {  	(tm) =	ssettm $0x7FFFFFFF  }
0x41: {  	_ =	shalt  }
tec
execute0_lowered:
.L_overlay_start_1:
0x0: {  	(tag) =	ssettag $0x1  }
0x1: {  	s0 =	srdreg.scid  }
0x2: {  	s1 =	sshll.u32 s0, $0x4  }
0x3: {  	s7 =	rddreg [dreg:$0x0];
	s0 =	stileid.u32;
	s1 =	sand.u32 $0x10, s1  }
0x4: {  	s3 =	rddreg [dreg:$0x1];
	s8 =	simm.s32 $0x1;
	s6 =	sor.u32 s0, s1  }
0x5: {  	s31 =	simm.s32 $0x2;
	s15 =	simm.s32 $0x0;
	s2 =	sshll.u32 s6, $0x7  }
0x6: {  	s10 =	simm.s32 $0x6400;
	s16 =	simm.s32 $0x0;
	s5 =	ssub.s32 $0x1000, s2  }
0x7: {  	s14 =	simm.s32 $0x0;
	s11 =	simm.s32 $0x0;
	s4 =	sand.u32 $0xF80, s5  }
0x8: {  	s12 =	simm.s32 $0x0;
	s13 =	simm.s32 $0x0;
	p0 =	sne.s32 s4, $0x0  }
.Ltmp0:
0x9: {  	s5 =	sshrl.u32 s5, $0xC;
	s8 =	simm.s32 @!p0 $0x0;
	(pc) =	sbr.rel .LBB1_1-.Ltmp0, $4  }
0xa: {  	s7 =	sadd.s32 $0x600, s7;
	s1 =	rddreg [dreg:$0x2];
	s5 =	sadd.s32 s8, s5  }
0xb: {  	_ =	strace $0x8000004A;
	s4 =	simm.s32 $0x1;
	s5 =	smul.u32 $0xC8, s5  }
0xc: {  	s6 =	sshll.u32 s6, $0xA;
	[sflag:s4] =	ssyncpa.u1 $0x0;
	p0 =	por $0x0, $0x0  }
0xd: {  	[sflag:s31] =	ssyncpa.u1 $0x0;
	s8 =	sand.u32 $0xC00, s6;
	s9 =	sor.u32 $0x1, s5  }
.LBB1_4:
0xe: {  	v5 =	vld [tilespmem:s20+$0xFFFFFFD0];
	[tilespmem:s19+$0x2040 ss:$0x81] =	vst.msk $0xffff, v4;
	s16 =	sshll.u32 s16, $0x7;
	s22 =	sshll.u32 s14, $0x3  }
0xf: {  	v58 =	vld [tilespmem:s20+$0xFFFFFFE0];
	[tilespmem:s19+$0x2850 ss:$0x81] =	vst.msk $0xffff, v3;
	s23 =	sand.u32 $0xFFFFFC00, s16;
	s22 =	sand.u32 $0xFFFFFC00, s22  }
0x10: {  	s21 =	sshra.s32 s21, $0x2;
	v59 =	vld [tilespmem:s20+$0xFFFFFFF0];
	[tilespmem:s19+$0x3060 ss:$0x81] =	vst.msk $0xffff, v2;
	s16 =	sand.u32 $0x380, s16;
	s22 =	sadd.s32 s22, s23  }
0x11: {  	v60 =	vld [tilespmem:s20+$0x0];
	[tilespmem:s19+$0x0 ss:$0x81] =	vst.msk $0xffff, v0;
	s18 =	sadd.s32 s21, s18;
	s16 =	sor.u32 s16, s22  }
0x12: {  	v61 =	vld [tilespmem:s20+$0x10];
	[tilespmem:s18+$0x3870 ss:$0x81] =	vst.msk $0xffff, v1;
	s16 =	sshrl.u32 s16, $0x7  }
0x13: {  	v62 =	vld [tilespmem:s20+$0x20];
	[tilespmem:s18+$0x810 ss:$0x81] =	vst.msk $0xffff, v5;
	s28 =	smulhi.u32 $0x147AE15, s16  }
0x14: {  	v63 =	vld [tilespmem:s20+$0xFFFFFFC0];
	[tilespmem:s18+$0x1020 ss:$0x81] =	vst.msk $0xffff, v58  }
0x15: {  	s29 =	sshrl.u32 s14, $0x3;
	[tilespmem:s18+$0x1830 ss:$0x81] =	vst.msk $0xffff, v59;
	s19 =	smul.u32 $0xC8, s28  }
0x16: {  	s15 =	smul.u32 $0xC80, s15;
	s20 =	sand.u32 $0xF, s29;
	[tilespmem:s18+$0x2040 ss:$0x81] =	vst.msk $0xffff, v60  }
0x17: {  	s31 =	sand.u32 $0x7, s14;
	s30 =	sadd.s32 s3, s20;
	[tilespmem:s18+$0x2850 ss:$0x81] =	vst.msk $0xffff, v61;
	s16 =	ssub.s32 s16, s19  }
0x18: {  	s14 =	sshll.u32 s31, $0x12;
	s15 =	sadd.s32 s15, s30;
	[tilespmem:s18+$0x3060 ss:$0x81] =	vst.msk $0xffff, v62;
	s16 =	sshll.u32 s16, $0x4  }
0x19: {  	s14 =	sor.u32 $0x80, s14;
	[tilespmem:s18+$0x0 ss:$0x81] =	vst.msk $0xffff, v63;
	s15 =	sadd.s32 s16, s15  }
0x1a: {  	[hbm4b:s15+s14] =	stream.strided.scatter [tilespmem:s17], [sflag:$0x2], $0x4000, s10, s14, $0x20;
	[tilespmem:$0x10100] =	vst v63  }
.LBB1_5:
0x1b: {  	s17 =	sadd.s32 $0x1, s11  }
0x1c: {  	s14 =	sadd.s32 $0x80, s12;
	s18 =	smov.u32 s12;
	p2 =	sgt.s32 s17, $0xC7  }
0x1d: {  	s18 =	smov.u32 @p2 s14  }
0x1e: {  	s17 =	simm.s32 @p2 $0x0;
	p2 =	sgt.s32 s18, $0x7F  }
0x1f: {  	s18 =	simm.s32 @p2 $0x0;
	p2 =	sne.s32 s13, s9  }
.Ltmp1:
0x20: {  	p1 =	slt.u32 s13, $0x2;
	(pc) =	sbr.rel @!p2 .LBB1_6-.Ltmp1, $4  }
0x21: {  	s16 =	smov.u32 s11;
	s15 =	simm.s32 @!p1 $0x2  }
0x22: {  	p0 =	por !p0, !p0;
	_ =	swait.ge @!p1 [sflag:s15], $0x4000;
	s14 =	smov.u32 s12  }
0x23: {  	[sflag:s15] =	ssyncset.done @!p1 $0x0;
	s11 =	smov.u32 s17;
	s13 =	sadd.s32 $0x1, s13  }
0x24: {  	[sflag:s15] =	ssyncadd.s32 @!p1 $0xFFFFC000;
	s15 =	smov.u32 s2;
	s12 =	smov.u32 s18  }
.LBB1_1:
0x25: {  	p1 =	sge.u32 s13, s5  }
0x26: {  	s17 =	sshll.u32 @!p1 s11, $0xC  }
0x27: {  	s17 =	sand.u32 @!p1 $0xFFFF8000, s17  }
0x28: {  	s17 =	sor.u32 @!p1 s6, s17  }
0x29: {  	s17 =	sshrl.u32 @!p1 s17, $0xC  }
0x2a: {  	s19 =	sshll.u32 @!p1 s11, $0x7;
	s18 =	smulhi.u32 @!p1 $0x147AE15, s17  }
0x2b: {  	s20 =	smul.u32 @!p1 $0x19000, s12;
	s19 =	sand.u32 @!p1 $0x380, s19  }
0x2c: {  	s19 =	sor.u32 @!p1 s8, s19;
	s18 =	smul.u32 @!p1 $0xC8, s18  }
0x2d: {  	s31 =	sadd.s32 $0xFFFFFFFF, s13;
	s20 =	sadd.s32 @!p1 s7, s20;
	s19 =	sshrl.u32 @!p1 s19, $0x3  }
0x2e: {  	s19 =	sadd.s32 @!p1 s19, s20;
	s17 =	ssub.s32 @!p1 s17, s18;
	s18 =	sxor.u32 @!p1 $0xFFFFFFFF, s13  }
0x2f: {  	s20 =	simm.s32 @!p1 $0xC8000;
	s18 =	sshll.u32 @!p1 s18, $0xE;
	s17 =	sshll.u32 @!p1 s17, $0x9  }
0x30: {  	s18 =	sand.u32 @!p1 $0x4000, s18;
	s17 =	sadd.s32 @!p1 s17, s19;
	s19 =	simm.s32 @!p1 $0x80  }
0x31: {  	[tilespmem:s18], [sflag:$0x1] =	stream.strided.gather @!p1 [hbm4b:s17+s19], $0x4000, s20, s19, $0x38;
	[tilespmem:$0x10100] =	vst v63  }
0x32: {  	p1 =	sge.u32 s31, s5  }
.Ltmp2:
0x33: {  	_ = 	snop;
	(pc) =	sbr.rel @p1 .LBB1_5-.Ltmp2, $1  }
0x34: {  	_ =	sdelay $0x3  }
0x35: {  	s17 =	simm.s32 $0x1  }
0x36: {  	_ =	swait.ge [sflag:s4], $0x4000;
	s17 =	simm.s32 @!p0 $0x0  }
0x37: {  	[sflag:s4] =	ssyncset.done $0x0;
	s18 =	sshll.u32 s17, $0xE  }
0x38: {  	[sflag:s4] =	ssyncadd.s32 $0xFFFFC000;
	s20 =	sor.u32 $0x40, s18  }
0x39: {  	s17 =	smul.u32 $0x10200, s17;
	v0 =	vld [tilespmem:s20+$0x30]  }
0x3a: {  	v1 =	vld [tilespmem:s20+$0xFFFFFFD0]  }
0x3b: {  	s17 =	sshrl.u32 s17, $0x2;
	v5 =	vld [tilespmem:s20+$0xFFFFFFE0]  }
0x3c: {  	v6 =	vld [tilespmem:s20+$0xFFFFFFF0];
	s18 =	sor.u32 $0x8000, s17  }
0x3d: {  	s31 =	sand.u32 $0x1, s13;
	v4 =	vld [tilespmem:s20+$0x0];
	s19 =	sadd.s32 $0x0, s18  }
0x3e: {  	v3 =	vld [tilespmem:s20+$0x10];
	s17 =	smul.u32 $0x10200, s31;
	[tilespmem:s19+$0x3870 ss:$0x81] =	vst.msk $0xffff, v0  }
0x3f: {  	v2 =	vld [tilespmem:s20+$0x20];
	[tilespmem:s19+$0x810 ss:$0x81] =	vst.msk $0xffff, v1  }
0x40: {  	s17 =	sshrl.u32 s17, $0x2;
	v0 =	vld [tilespmem:s20+$0xFFFFFFC0];
	[tilespmem:s19+$0x1020 ss:$0x81] =	vst.msk $0xffff, v5;
	s20 =	sadd.s32 $0x80, s20  }
0x41: {  	s21 =	simm.s32 $0x4;
	s22 =	simm.s32 $0x8;
	s17 =	sor.u32 $0x8000, s17;
	[tilespmem:s19+$0x1830 ss:$0x81] =	vst.msk $0xffff, v6;
	v1 =	vld [tilespmem:s20+$0x30]  }
.LBB1_3:
0x42: {  	p1 =	sne.s32 s22, $0x1FC;
	v5 =	vld [tilespmem:s20+$0xFFFFFFD0];
	[tilespmem:s19+$0x2040 ss:$0x81] =	vst.msk $0xffff, v4  }
0x43: {  	v6 =	vld [tilespmem:s20+$0xFFFFFFE0];
	[tilespmem:s19+$0x2850 ss:$0x81] =	vst.msk $0xffff, v3  }
0x44: {  	s23 =	sshra.s32 s21, $0x2;
	s21 =	smov.u32 s22;
	v7 =	vld [tilespmem:s20+$0xFFFFFFF0];
	[tilespmem:s19+$0x3060 ss:$0x81] =	vst.msk $0xffff, v2  }
.Ltmp3:
0x45: {  	v4 =	vld [tilespmem:s20+$0x0];
	[tilespmem:s19+$0x0 ss:$0x81] =	vst.msk $0xffff, v0;
	s19 =	sadd.s32 s23, s18;
	(pc) =	sbr.rel @p1 .LBB1_3-.Ltmp3, $4  }
0x46: {  	v3 =	vld [tilespmem:s20+$0x10];
	[tilespmem:s19+$0x3870 ss:$0x81] =	vst.msk $0xffff, v1  }
0x47: {  	[tilespmem:s19+$0x810 ss:$0x81] =	vst.msk $0xffff, v5;
	v2 =	vld [tilespmem:s20+$0x20]  }
0x48: {  	v0 =	vld [tilespmem:s20+$0xFFFFFFC0];
	[tilespmem:s19+$0x1020 ss:$0x81] =	vst.msk $0xffff, v6;
	s20 =	sadd.s32 $0x80, s20  }
0x49: {  	s22 =	sadd.s32 $0x4, s22;
	v1 =	vld [tilespmem:s20+$0x30];
	[tilespmem:s19+$0x1830 ss:$0x81] =	vst.msk $0xffff, v7  }
.Ltmp4:
0x4a: {  	_ = 	snop;
	(pc) =	sbr.rel .LBB1_4-.Ltmp4, $1  }
0x4b: {  	_ =	sdelay $0x3  }
.LBB1_6:
0x4c: {  	_ =	sfence.sel $0x180000  }
0x4d: {  	s2 =	simm.s32 $0x1;
	[bflag:$0x0] =	sbarrier.arrive $0xFFFF  }
0x4e: {  	s31 =	simm.s32 $0x2;
	[sflag:s2] =	ssyncpa.u1 $0x1  }
0x4f: {  	[sflag:s31] =	ssyncpa.u1 $0x1  }
0x50: {  	p0 =	sne.s32 s0, $0x0;
	_ =	strace $0x9000004A  }
0x51: {  	s0 =	sadd.s32 @!p0 $0x100000, s1;
	[bflag:$0x2] =	sbarrier.arrive $0xFFFF  }
0x52: {  	[sflag:s0] =	ssyncadd.tile.s32 @!p0 $0x1;
	_ =	shalt  }
.Lfunc_end1:
_tile_overlayer_lowered:
.L_overlay_start_2:
0x53: {  	(tag) =	ssettag $0x2  }
0x54: {  	s0 =	rddreg [dreg:$0x0];
	s2 =	stileid.u32  }
0x55: {  	s1 =	rddreg [dreg:$0x1];
	p0 =	sne.s32 s2, $0x0  }
0x56: {  	s3 =	rddreg [dreg:$0x2];
	[bflag:$0x3] =	sbarrier.arrive $0xFFFF;
	s2 =	simm.s32 @!p0 $0x1C01  }
0x57: {  	[timem:s3], [sflag:s2] =	dma.local @!p0 [hbm:s0], s1  }
0x58: {  	s0 =	simm.s32 @!p0 $0x1  }
0x59: {  	_ =	swait.ge @!p0 [sflag:s0], s1  }
0x5a: {  	s1 =	ssub.s32 @!p0 $0x0, s1;
	[sflag:s0] =	ssyncset.done @!p0 $0x0  }
0x5b: {  	[sflag:s0] =	ssyncadd.s32 @!p0 s1  }
0x5c: {  	[bflag:$0x3] =	sbarrier.arrive $0xFFFF  }
0x5d: {  	_ =	shalt  }

</sc_bundles>
